<compile_context>
chip_gen: v7x
topology: tpu7x:2x2x1
jax: 0.10.2.dev20260603
libtpu: 0.0.44.dev20260713+nightly
codegen_flags: <defaults>
</compile_context>

<pallas_src>
import jax
import jax.numpy as jnp
from jax import lax
from jax.experimental import pallas as pl
from jax.experimental.pallas import tpu as pltpu
from jax.experimental.pallas import tpu_sc as plsc

L = 16
NT = 16
CHUNK = 6272
NPAD = NT * CHUNK
NV = CHUNK // L
N_IN = 100000
TAIL = N_IN - (NT - 1) * CHUNK
PR = 128

TOTAL_NORM = 60000

NB = 256
NB4 = 128
NSLOT = 4

_mesh = plsc.VectorSubcoreMesh(
    core_axis_name="c", subcore_axis_name="s", num_cores=1)


def _select_bin(hist_ref, nbins, k, total):
  m = total - k

  lane = lax.iota(jnp.int32, L)

  def body(c, carry):
    run, bsel, psel, hsel = carry
    h = hist_ref[pl.ds(c * L, L)]
    p_incl = plsc.cumsum(h) + run
    p_excl = p_incl - h
    m_vec = jnp.full((L,), m, jnp.int32)
    cond = (p_excl <= m_vec) & (m_vec < p_incl)
    zero = jnp.zeros((L,), jnp.int32)
    bsel = bsel + jnp.sum(jnp.where(cond, lane + c * L, zero))
    psel = psel + jnp.sum(jnp.where(cond, p_incl, zero))
    hsel = hsel + jnp.sum(jnp.where(cond, h, zero))
    run = run + jnp.sum(h)
    return run, bsel, psel, hsel

  _, bsel, psel, hsel = lax.fori_loop(
      0, nbins // L, body,
      (jnp.int32(0), jnp.int32(0), jnp.int32(0), jnp.int32(0)))
  k_rem = psel - m
  return bsel, k_rem, hsel


def _zero_hist(hist_ref, nwords):
  zero = jnp.zeros((L,), jnp.int32)

  def body(c, _):
    hist_ref[pl.ds(c * L, L)] = zero
    return 0

  lax.fori_loop(0, nwords // L, body, 0)


def _fold_slots(hist_ref, nbins):

  def body(c, _):
    acc = hist_ref[pl.ds(c * L, L)]
    for u in range(1, NSLOT):
      acc = acc + hist_ref[pl.ds(u * NB + c * L, L)]
    hist_ref[pl.ds(c * L, L)] = acc
    return 0

  lax.fori_loop(0, nbins // L, body, 0)


def _merge_staged(sh_hist, merge_v, hist_v, nbins):
  pltpu.sync_copy(sh_hist, merge_v)

  def body(c, _):
    acc = jnp.zeros((L,), jnp.int32)
    for t in range(NT):
      acc = acc + merge_v[pl.ds(t * NB + c * L, L)]
    hist_v[pl.ds(c * L, L)] = acc
    return 0

  lax.fori_loop(0, nbins // L, body, 0)


def _bcast_write(bc_v, sh_bcast, vec):
  bc_v[pl.ds(0, L)] = vec
  pltpu.sync_copy(bc_v, sh_bcast)


def _sc_body(xt_hbm, tgt_hbm, out_hbm,
             l0_v, l1_v, tgt_v, key_v, ck1_v, ck2_v, hist_v, merge_v,
             part_v, stage_v, bc_v, tmp_f, smem_i, smem_f, sem,
             sh_hist, sh_part, sh_fsum, sh_bcast):
  wid = lax.axis_index("s")
  base = wid * CHUNK

  @pl.when(wid < NT - 1)
  def _():
    c0 = pltpu.make_async_copy(xt_hbm.at[pl.ds(base, CHUNK)], l0_v, sem)
    c1 = pltpu.make_async_copy(xt_hbm.at[pl.ds(N_IN + base, CHUNK)], l1_v, sem)
    c2 = pltpu.make_async_copy(tgt_hbm.at[pl.ds(base, CHUNK)], tgt_v, sem)
    c0.start()
    c1.start()
    c2.start()
    c0.wait()
    c1.wait()
    c2.wait()

  @pl.when(wid == NT - 1)
  def _():
    c0 = pltpu.make_async_copy(
        xt_hbm.at[pl.ds(base, TAIL)], l0_v.at[pl.ds(0, TAIL)], sem)
    c1 = pltpu.make_async_copy(
        xt_hbm.at[pl.ds(N_IN + base, TAIL)], l1_v.at[pl.ds(0, TAIL)], sem)
    c2 = pltpu.make_async_copy(
        tgt_hbm.at[pl.ds(base, TAIL)], tgt_v.at[pl.ds(0, TAIL)], sem)
    c0.start()
    c1.start()
    c2.start()
    c0.wait()
    c1.wait()
    c2.wait()
    pad_t = jnp.full((L,), 2, jnp.int32)

    def fill(c, _):
      tgt_v[pl.ds(TAIL + c * L, L)] = pad_t
      return 0

    lax.fori_loop(0, (CHUNK - TAIL) // L, fill, 0)

  _zero_hist(hist_v, NSLOT * NB)

  ones_i = jnp.ones((L,), jnp.int32)
  zeros_f = jnp.zeros((L,), jnp.float32)
  zeros_i = jnp.zeros((L,), jnp.int32)
  lane = lax.iota(jnp.int32, L)

  @plsc.parallel_loop(0, NV, unroll=NSLOT,
                      carry=(zeros_f, zeros_i, zeros_i))
  def phase_a(i, carry):
    pos_acc, npos_acc, nneg_acc = carry
    sl = pl.ds(i * L, L)
    a0 = l0_v[sl]
    a1 = l1_v[sl]
    t = tgt_v[sl]
    d = a0 - a1
    ad = jnp.abs(d)
    e = jnp.exp(-ad)
    s = e / (2.0 + e)
    s2 = s * s
    p = 1.0 + s2 * (0.33333334 + s2 * (0.2 + s2 * (0.14285715 + s2 * 0.11111111)))
    l1p = 2.0 * s * p
    ce_pos = jnp.maximum(d, 0.0) + l1p
    ce_neg = jnp.maximum(-d, 0.0) + l1p
    is_pos = t == 1
    is_neg = t == 0
    pos_acc = pos_acc + jnp.where(is_pos, ce_pos, zeros_f)
    npos_acc = npos_acc + jnp.where(is_pos, ones_i, zeros_i)
    nneg_acc = nneg_acc + jnp.where(is_neg, ones_i, zeros_i)
    key = jnp.where(is_neg, lax.bitcast_convert_type(ce_neg, jnp.int32), -1)
    key_v[sl] = key
    bins = lax.shift_right_arithmetic(key, 23) + ((i & (NSLOT - 1)) << 8)
    counts, last = plsc.scan_count(bins, mask=is_neg)
    plsc.addupdate_scatter(hist_v, [bins], counts, mask=last)
    return pos_acc, npos_acc, nneg_acc

  pos_acc, npos_acc, nneg_acc = phase_a
  _fold_slots(hist_v, NB)

  part_v[pl.ds(0, L)] = lax.bitcast_convert_type(pos_acc, jnp.int32)
  part_v[pl.ds(L, L)] = npos_acc
  part_v[pl.ds(2 * L, L)] = nneg_acc
  pltpu.sync_copy(part_v, sh_part.at[pl.ds(wid * PR, PR)])
  pltpu.sync_copy(hist_v.at[pl.ds(0, NB)], sh_hist.at[pl.ds(wid * NB, NB)])
  plsc.subcore_barrier()

  @pl.when(wid == 0)
  def _():
    pltpu.sync_copy(sh_part, stage_v)
    pos_vec = jnp.zeros((L,), jnp.float32)
    npos_vec = jnp.zeros((L,), jnp.int32)
    nneg_vec = jnp.zeros((L,), jnp.int32)
    for t in range(NT):
      pos_vec = pos_vec + lax.bitcast_convert_type(
          stage_v[pl.ds(t * PR, L)], jnp.float32)
      npos_vec = npos_vec + stage_v[pl.ds(t * PR + L, L)]
      nneg_vec = nneg_vec + stage_v[pl.ds(t * PR + 2 * L, L)]
    num_pos = jnp.sum(npos_vec)
    num_neg = jnp.sum(nneg_vec)
    pos_sum = jnp.sum(pos_vec)
    k = jnp.minimum(num_neg, TOTAL_NORM - num_pos)
    k_eff = jnp.maximum(k, 0)

    _merge_staged(sh_hist, merge_v, hist_v, NB)
    b1, k2, h1 = _select_bin(hist_v, NB, k_eff, num_neg)

    smem_i[0] = k2
    smem_i[1] = b1
    smem_i[2] = k_eff
    smem_i[5] = h1
    smem_f[0] = pos_sum
    _bcast_write(bc_v, sh_bcast, jnp.full((L,), b1, jnp.int32))

  plsc.subcore_barrier()

  pltpu.sync_copy(sh_bcast, part_v)
  pref1 = part_v[pl.ds(0, L)]
  _zero_hist(hist_v, NSLOT * NB)

  @plsc.parallel_loop(0, NV, unroll=NSLOT, carry=jnp.int32(0))
  def n1(i, off):
    key = key_v[pl.ds(i * L, L)]
    match = lax.shift_right_arithmetic(key, 23) == pref1
    bins = (lax.shift_right_arithmetic(key, 15) & 0xFF) + (
        (i & (NSLOT - 1)) << 8)
    counts, last = plsc.scan_count(bins, mask=match)
    plsc.addupdate_scatter(hist_v, [bins], counts, mask=last)
    plsc.store_compressed(ck1_v.at[pl.ds(off, L)], key, mask=match)
    return off + jnp.sum(jnp.where(match, ones_i, zeros_i))

  _fold_slots(hist_v, NB)
  pltpu.sync_copy(hist_v.at[pl.ds(0, NB)], sh_hist.at[pl.ds(wid * NB, NB)])
  plsc.subcore_barrier()

  @pl.when(wid == 0)
  def _():
    k2 = smem_i[0]
    b1 = smem_i[1]
    _merge_staged(sh_hist, merge_v, hist_v, NB)
    b2, k3, h2 = _select_bin(hist_v, NB, k2, smem_i[5])
    pref2 = (b1 << 8) | b2
    smem_i[0] = k3
    smem_i[1] = pref2
    smem_i[5] = h2
    _bcast_write(bc_v, sh_bcast, jnp.full((L,), pref2, jnp.int32))

  plsc.subcore_barrier()

  pltpu.sync_copy(sh_bcast, part_v)
  pref2 = part_v[pl.ds(0, L)]
  _zero_hist(hist_v, NSLOT * NB)
  n1_vec = jnp.full((L,), n1, jnp.int32)
  trip1 = (n1 + L - 1) // L

  @plsc.parallel_loop(0, trip1, unroll=NSLOT, carry=jnp.int32(0))
  def n2(c, off):
    key = ck1_v[pl.ds(c * L, L)]
    valid = (c * L + lane) < n1_vec
    match = valid & (lax.shift_right_arithmetic(key, 15) == pref2)
    bins = (lax.shift_right_arithmetic(key, 7) & 0xFF) + (
        (c & (NSLOT - 1)) << 8)
    counts, last = plsc.scan_count(bins, mask=match)
    plsc.addupdate_scatter(hist_v, [bins], counts, mask=last)
    plsc.store_compressed(ck2_v.at[pl.ds(off, L)], key, mask=match)
    return off + jnp.sum(jnp.where(match, ones_i, zeros_i))

  _fold_slots(hist_v, NB)
  pltpu.sync_copy(hist_v.at[pl.ds(0, NB)], sh_hist.at[pl.ds(wid * NB, NB)])
  plsc.subcore_barrier()

  @pl.when(wid == 0)
  def _():
    k3 = smem_i[0]
    pref2_s = smem_i[1]
    _merge_staged(sh_hist, merge_v, hist_v, NB)
    b3, k4, h3 = _select_bin(hist_v, NB, k3, smem_i[5])
    pref3 = (pref2_s << 8) | b3
    smem_i[0] = k4
    smem_i[1] = pref3
    smem_i[5] = h3
    _bcast_write(bc_v, sh_bcast, jnp.full((L,), pref3, jnp.int32))

  plsc.subcore_barrier()

  pltpu.sync_copy(sh_bcast, part_v)
  pref3 = part_v[pl.ds(0, L)]
  _zero_hist(hist_v, NSLOT * NB)
  n2_vec = jnp.full((L,), n2, jnp.int32)
  trip2 = (n2 + L - 1) // L

  @plsc.parallel_loop(0, trip2, unroll=NSLOT)
  def _(c):
    key = ck2_v[pl.ds(c * L, L)]
    valid = (c * L + lane) < n2_vec
    match = valid & (lax.shift_right_arithmetic(key, 7) == pref3)
    bins = (key & 0x7F) + ((c & (NSLOT - 1)) << 8)
    counts, last = plsc.scan_count(bins, mask=match)
    plsc.addupdate_scatter(hist_v, [bins], counts, mask=last)

  _fold_slots(hist_v, NB4)
  pltpu.sync_copy(hist_v.at[pl.ds(0, NB4)],
                  sh_hist.at[pl.ds(wid * NB, NB4)])
  plsc.subcore_barrier()

  @pl.when(wid == 0)
  def _():
    k4 = smem_i[0]
    pref3_s = smem_i[1]
    _merge_staged(sh_hist, merge_v, hist_v, NB4)
    b4, k_rem, _ = _select_bin(hist_v, NB4, k4, smem_i[5])
    thresh = (pref3_s << 7) | b4
    smem_i[3] = thresh
    smem_i[4] = k_rem
    _bcast_write(bc_v, sh_bcast, jnp.full((L,), thresh, jnp.int32))

  plsc.subcore_barrier()

  pltpu.sync_copy(sh_bcast, part_v)
  t_vec = part_v[pl.ds(0, L)]

  @plsc.parallel_loop(0, NV, unroll=NSLOT, carry=zeros_f)
  def facc(i, acc):
    key = key_v[pl.ds(i * L, L)]
    v = lax.bitcast_convert_type(key, jnp.float32)
    return acc + jnp.where(key > t_vec, v, zeros_f)

  part_v[pl.ds(0, L)] = lax.bitcast_convert_type(facc, jnp.int32)
  pltpu.sync_copy(part_v, sh_fsum.at[pl.ds(wid * PR, PR)])
  plsc.subcore_barrier()

  @pl.when(wid == 0)
  def _():
    pltpu.sync_copy(sh_fsum, stage_v)
    above_vec = jnp.zeros((L,), jnp.float32)
    for t in range(NT):
      above_vec = above_vec + lax.bitcast_convert_type(
          stage_v[pl.ds(t * PR, L)], jnp.float32)
    sum_above = jnp.sum(above_vec)

    pos_sum = smem_f[0]
    k_eff = smem_i[2]
    thresh = smem_i[3]
    k_rem = smem_i[4]

    tie_vec = lax.bitcast_convert_type(
        jnp.full((L,), thresh, jnp.int32), jnp.float32)
    k_rem_f = jnp.full((L,), k_rem, jnp.int32).astype(jnp.float32)
    topk_vec = jnp.full((L,), sum_above, jnp.float32) + k_rem_f * tie_vec
    valid = jnp.full((L,), k_eff, jnp.int32) > 0
    topk_vec = jnp.where(valid, topk_vec, jnp.zeros((L,), jnp.float32))
    loss_vec = (jnp.full((L,), pos_sum, jnp.float32) + topk_vec) * (
        1.0 / TOTAL_NORM)
    tmp_f[...] = loss_vec
    pltpu.sync_copy(tmp_f, out_hbm)


def _rpn_cls_loss_sc(xt, tgt):
  run = pl.kernel(
      _sc_body,
      out_type=jax.ShapeDtypeStruct((L,), jnp.float32),
      mesh=_mesh,
      scratch_types=[
          pltpu.VMEM((CHUNK,), jnp.float32),
          pltpu.VMEM((CHUNK,), jnp.float32),
          pltpu.VMEM((CHUNK,), jnp.int32),
          pltpu.VMEM((CHUNK,), jnp.int32),
          pltpu.VMEM((CHUNK + L,), jnp.int32),
          pltpu.VMEM((CHUNK + L,), jnp.int32),
          pltpu.VMEM((NSLOT * NB,), jnp.int32),
          pltpu.VMEM((NT * NB,), jnp.int32),
          pltpu.VMEM((PR,), jnp.int32),
          pltpu.VMEM((NT * PR,), jnp.int32),
          pltpu.VMEM((PR,), jnp.int32),
          pltpu.VMEM((L,), jnp.float32),
          pltpu.SMEM((8,), jnp.int32),
          pltpu.SMEM((8,), jnp.float32),
          pltpu.SemaphoreType.DMA,
          pltpu.VMEM_SHARED((NT * NB,), jnp.int32),
          pltpu.VMEM_SHARED((NT * PR,), jnp.int32),
          pltpu.VMEM_SHARED((NT * PR,), jnp.int32),
          pltpu.VMEM_SHARED((PR,), jnp.int32),
      ],
      compiler_params=pltpu.CompilerParams(needs_layout_passes=False),
  )
  return run(xt, tgt)


def kernel(input_data, target):
  xt = input_data[0].astype(jnp.float32).T.reshape(-1)
  tgt = target[0, 0].astype(jnp.int32)
  out = _rpn_cls_loss_sc(xt, tgt)
  return out[0]

# --- scband reference (transcript-rebuilt; emitter-appended) ---
"""Pipeline reference for scband-rpn-cls-loss-18124761989480 (READ-ONLY COPY).

The authoritative reference and input builder live on the scoring server;
editing this copy changes nothing except your own understanding.
"""

import jax, jax.numpy as jnp
import numpy as np

# Global config assumed by the original torch module
OHEM = True
RPN_TOTAL_NUM = 60000

def setup_inputs(seed: int = 0) -> dict:
    key = jax.random.key(seed)
    k1, k2 = jax.random.split(key)
    N = 100000
    input_data = jax.random.normal(k1, (1, N, 2), dtype=jnp.float32)
    target = jax.random.randint(k2, (1, 1, N), 0, 2, dtype=jnp.int64)
    return {"input_data": input_data, "target": target}

def reference(input_data, target):
    # input_data: [1, N, 2] float logits; target: [1, 1, N] labels in {0,1}
    x = input_data.astype(jnp.float32)
    cls_gt = target[0][0].astype(jnp.float32)  # torch: target.float()
    logits = x[0]  # [N, 2]
    logp = jax.nn.log_softmax(logits, axis=-1)  # CrossEntropyLoss(reduction='none') = -logp[label]
    pos_mask = (cls_gt == 1)
    neg_mask = (cls_gt == 0)
    num_pos = jnp.sum(pos_mask).astype(jnp.int32)
    num_neg = jnp.sum(neg_mask).astype(jnp.int32)
    # positive branch (equivalent to gathering pos indices and summing their CE)
    loss_pos_sum = jnp.sum(jnp.where(pos_mask, -logp[:, 1], 0.0))
    # negative branch: OHEM top-k hard negative mining
    neg_losses = jnp.where(neg_mask, -logp[:, 0], jnp.float32(-1e30))
    N = neg_losses.shape[0]
    k = jnp.minimum(num_neg, RPN_TOTAL_NUM - num_pos)
    sorted_vals, _ = jax.lax.top_k(neg_losses, N)
    topk_sum = jnp.sum(jnp.where(jnp.arange(N) < k, sorted_vals, 0.0))
    loss_cls = (loss_pos_sum + topk_sum) / RPN_TOTAL_NUM
    return loss_cls

if False:  # reference __main__ guard neutralized (emitter)
    out = reference(**setup_inputs())
    print(out)

if __name__ == "__main__":
    import jax
    _d = setup_inputs()
    print(jax.jit(kernel)(*tuple(_d.values())))

</pallas_src>

<mosaic_0001>
#map = affine_map<(d0, d1) -> (0)>
module attributes {stable_mosaic.version = 14 : i64} {
  func.func @_sc_body(%arg0: i32, %arg1: i32, %arg2: memref<200000xf32, #tpu.memory_space<hbm>>, %arg3: memref<100000xi32, #tpu.memory_space<hbm>>, %arg4: memref<16xf32, #tpu.memory_space<hbm>>, %arg5: memref<6272xf32, #tpu.memory_space<vmem>>, %arg6: memref<6272xf32, #tpu.memory_space<vmem>>, %arg7: memref<6272xi32, #tpu.memory_space<vmem>>, %arg8: memref<6272xi32, #tpu.memory_space<vmem>>, %arg9: memref<6288xi32, #tpu.memory_space<vmem>>, %arg10: memref<6288xi32, #tpu.memory_space<vmem>>, %arg11: memref<1024xi32, #tpu.memory_space<vmem>>, %arg12: memref<4096xi32, #tpu.memory_space<vmem>>, %arg13: memref<128xi32, #tpu.memory_space<vmem>>, %arg14: memref<2048xi32, #tpu.memory_space<vmem>>, %arg15: memref<128xi32, #tpu.memory_space<vmem>>, %arg16: memref<16xf32, #tpu.memory_space<vmem>>, %arg17: memref<8xi32, #tpu.memory_space<smem>>, %arg18: memref<8xf32, #tpu.memory_space<smem>>, %arg19: memref<!tpu.dma_semaphore, #tpu.memory_space<semaphore_mem>>, %arg20: memref<4096xi32, #tpu.memory_space<vmem_shared>>, %arg21: memref<2048xi32, #tpu.memory_space<vmem_shared>>, %arg22: memref<2048xi32, #tpu.memory_space<vmem_shared>>, %arg23: memref<128xi32, #tpu.memory_space<vmem_shared>>) attributes {dimension_semantics = [#tpu.dimension_semantics<core_parallel>, #tpu.dimension_semantics<subcore_parallel>], iteration_bounds = array<i64: 1, 16>, scalar_prefetch = 0 : i64, scratch_operands = 19 : i64, tpu.core_type = #tpu.core_type<sc_vector_subcore>, window_params = [{transform_indices = #map}, {transform_indices = #map}, {transform_indices = #map}]} {
    %mul3A = arith.constant 6272 : i32
    %mul3A_0 = arith.muli %arg1, %mul3A : i32
    %lt3A = arith.constant 15 : i32
    %lt3A_1 = arith.cmpi slt, %arg1, %lt3A : i32
    %convert_element_type3A = arith.extui %lt3A_1 : i1 to i32
    %cond3A = arith.constant 0 : i32
    %cond3A_2 = arith.cmpi ne, %convert_element_type3A, %cond3A : i32
    scf.if %cond3A_2 {
      %add3A_202 = arith.constant 100000 : i32
      %add3A_203 = arith.addi %add3A_202, %mul3A_0 : i32
      %dma_start3A = tpu.memref_slice %arg2[%mul3A_0] : memref<200000xf32, #tpu.memory_space<hbm>> -> memref<6272xf32, #tpu.memory_space<hbm>>
      %dma_start3A_204 = tpu.memref_slice %arg2[%mul3A_0] : memref<200000xf32, #tpu.memory_space<hbm>> -> memref<6272xf32, #tpu.memory_space<hbm>>
      tpu.enqueue_dma source(%dma_start3A_204 : memref<6272xf32, #tpu.memory_space<hbm>>) target(%arg5 : memref<6272xf32, #tpu.memory_space<vmem>>) target_semaphore(%arg19 : memref<!tpu.dma_semaphore, #tpu.memory_space<semaphore_mem>>)
      %dma_start3A_205 = tpu.memref_slice %arg2[%add3A_203] : memref<200000xf32, #tpu.memory_space<hbm>> -> memref<6272xf32, #tpu.memory_space<hbm>>
      %dma_start3A_206 = tpu.memref_slice %arg2[%add3A_203] : memref<200000xf32, #tpu.memory_space<hbm>> -> memref<6272xf32, #tpu.memory_space<hbm>>
      tpu.enqueue_dma source(%dma_start3A_206 : memref<6272xf32, #tpu.memory_space<hbm>>) target(%arg6 : memref<6272xf32, #tpu.memory_space<vmem>>) target_semaphore(%arg19 : memref<!tpu.dma_semaphore, #tpu.memory_space<semaphore_mem>>)
      %dma_start3A_207 = tpu.memref_slice %arg3[%mul3A_0] : memref<100000xi32, #tpu.memory_space<hbm>> -> memref<6272xi32, #tpu.memory_space<hbm>>
      %dma_start3A_208 = tpu.memref_slice %arg3[%mul3A_0] : memref<100000xi32, #tpu.memory_space<hbm>> -> memref<6272xi32, #tpu.memory_space<hbm>>
      tpu.enqueue_dma source(%dma_start3A_208 : memref<6272xi32, #tpu.memory_space<hbm>>) target(%arg7 : memref<6272xi32, #tpu.memory_space<vmem>>) target_semaphore(%arg19 : memref<!tpu.dma_semaphore, #tpu.memory_space<semaphore_mem>>)
      %dma_wait3A = tpu.memref_slice %arg2[%mul3A_0] : memref<200000xf32, #tpu.memory_space<hbm>> -> memref<6272xf32, #tpu.memory_space<hbm>>
      %dma_wait3A_209 = tpu.memref_slice %arg2[%mul3A_0] : memref<200000xf32, #tpu.memory_space<hbm>> -> memref<6272xf32, #tpu.memory_space<hbm>>
      tpu.wait_dma2 semaphore(%arg19 : memref<!tpu.dma_semaphore, #tpu.memory_space<semaphore_mem>>) src(%dma_wait3A_209 : memref<6272xf32, #tpu.memory_space<hbm>>) dst(%arg5 : memref<6272xf32, #tpu.memory_space<vmem>>)
      %dma_wait3A_210 = tpu.memref_slice %arg2[%add3A_203] : memref<200000xf32, #tpu.memory_space<hbm>> -> memref<6272xf32, #tpu.memory_space<hbm>>
      %dma_wait3A_211 = tpu.memref_slice %arg2[%add3A_203] : memref<200000xf32, #tpu.memory_space<hbm>> -> memref<6272xf32, #tpu.memory_space<hbm>>
      tpu.wait_dma2 semaphore(%arg19 : memref<!tpu.dma_semaphore, #tpu.memory_space<semaphore_mem>>) src(%dma_wait3A_211 : memref<6272xf32, #tpu.memory_space<hbm>>) dst(%arg6 : memref<6272xf32, #tpu.memory_space<vmem>>)
      %dma_wait3A_212 = tpu.memref_slice %arg3[%mul3A_0] : memref<100000xi32, #tpu.memory_space<hbm>> -> memref<6272xi32, #tpu.memory_space<hbm>>
      %dma_wait3A_213 = tpu.memref_slice %arg3[%mul3A_0] : memref<100000xi32, #tpu.memory_space<hbm>> -> memref<6272xi32, #tpu.memory_space<hbm>>
      tpu.wait_dma2 semaphore(%arg19 : memref<!tpu.dma_semaphore, #tpu.memory_space<semaphore_mem>>) src(%dma_wait3A_213 : memref<6272xi32, #tpu.memory_space<hbm>>) dst(%arg7 : memref<6272xi32, #tpu.memory_space<vmem>>)
    } else {
    }
    %eq3A = arith.constant 15 : i32
    %eq3A_3 = arith.cmpi eq, %arg1, %eq3A : i32
    %convert_element_type3A_4 = arith.extui %eq3A_3 : i1 to i32
    %cond3A_5 = arith.constant 0 : i32
    %cond3A_6 = arith.cmpi ne, %convert_element_type3A_4, %cond3A_5 : i32
    scf.if %cond3A_6 {
      %add3A_202 = arith.constant 100000 : i32
      %add3A_203 = arith.addi %add3A_202, %mul3A_0 : i32
      %dma_start3A = arith.constant 0 : i32
      %dma_start3A_204 = tpu.memref_slice %arg5[%dma_start3A] : memref<6272xf32, #tpu.memory_space<vmem>> -> memref<5920xf32, #tpu.memory_space<vmem>>
      %dma_start3A_205 = tpu.memref_slice %arg2[%mul3A_0] : memref<200000xf32, #tpu.memory_space<hbm>> -> memref<5920xf32, #tpu.memory_space<hbm>>
      %dma_start3A_206 = arith.constant 0 : i32
      %dma_start3A_207 = tpu.memref_slice %arg5[%dma_start3A_206] : memref<6272xf32, #tpu.memory_space<vmem>> -> memref<5920xf32, #tpu.memory_space<vmem>>
      %dma_start3A_208 = tpu.memref_slice %arg2[%mul3A_0] : memref<200000xf32, #tpu.memory_space<hbm>> -> memref<5920xf32, #tpu.memory_space<hbm>>
      tpu.enqueue_dma source(%dma_start3A_208 : memref<5920xf32, #tpu.memory_space<hbm>>) target(%dma_start3A_207 : memref<5920xf32, #tpu.memory_space<vmem>>) target_semaphore(%arg19 : memref<!tpu.dma_semaphore, #tpu.memory_space<semaphore_mem>>)
      %dma_start3A_209 = arith.constant 0 : i32
      %dma_start3A_210 = tpu.memref_slice %arg6[%dma_start3A_209] : memref<6272xf32, #tpu.memory_space<vmem>> -> memref<5920xf32, #tpu.memory_space<vmem>>
      %dma_start3A_211 = tpu.memref_slice %arg2[%add3A_203] : memref<200000xf32, #tpu.memory_space<hbm>> -> memref<5920xf32, #tpu.memory_space<hbm>>
      %dma_start3A_212 = arith.constant 0 : i32
      %dma_start3A_213 = tpu.memref_slice %arg6[%dma_start3A_212] : memref<6272xf32, #tpu.memory_space<vmem>> -> memref<5920xf32, #tpu.memory_space<vmem>>
      %dma_start3A_214 = tpu.memref_slice %arg2[%add3A_203] : memref<200000xf32, #tpu.memory_space<hbm>> -> memref<5920xf32, #tpu.memory_space<hbm>>
      tpu.enqueue_dma source(%dma_start3A_214 : memref<5920xf32, #tpu.memory_space<hbm>>) target(%dma_start3A_213 : memref<5920xf32, #tpu.memory_space<vmem>>) target_semaphore(%arg19 : memref<!tpu.dma_semaphore, #tpu.memory_space<semaphore_mem>>)
      %dma_start3A_215 = arith.constant 0 : i32
      %dma_start3A_216 = tpu.memref_slice %arg7[%dma_start3A_215] : memref<6272xi32, #tpu.memory_space<vmem>> -> memref<5920xi32, #tpu.memory_space<vmem>>
      %dma_start3A_217 = tpu.memref_slice %arg3[%mul3A_0] : memref<100000xi32, #tpu.memory_space<hbm>> -> memref<5920xi32, #tpu.memory_space<hbm>>
      %dma_start3A_218 = arith.constant 0 : i32
      %dma_start3A_219 = tpu.memref_slice %arg7[%dma_start3A_218] : memref<6272xi32, #tpu.memory_space<vmem>> -> memref<5920xi32, #tpu.memory_space<vmem>>
      %dma_start3A_220 = tpu.memref_slice %arg3[%mul3A_0] : memref<100000xi32, #tpu.memory_space<hbm>> -> memref<5920xi32, #tpu.memory_space<hbm>>
      tpu.enqueue_dma source(%dma_start3A_220 : memref<5920xi32, #tpu.memory_space<hbm>>) target(%dma_start3A_219 : memref<5920xi32, #tpu.memory_space<vmem>>) target_semaphore(%arg19 : memref<!tpu.dma_semaphore, #tpu.memory_space<semaphore_mem>>)
      %dma_wait3A = arith.constant 0 : i32
      %dma_wait3A_221 = tpu.memref_slice %arg5[%dma_wait3A] : memref<6272xf32, #tpu.memory_space<vmem>> -> memref<5920xf32, #tpu.memory_space<vmem>>
      %dma_wait3A_222 = tpu.memref_slice %arg2[%mul3A_0] : memref<200000xf32, #tpu.memory_space<hbm>> -> memref<5920xf32, #tpu.memory_space<hbm>>
      %dma_wait3A_223 = arith.constant 0 : i32
      %dma_wait3A_224 = tpu.memref_slice %arg5[%dma_wait3A_223] : memref<6272xf32, #tpu.memory_space<vmem>> -> memref<5920xf32, #tpu.memory_space<vmem>>
      %dma_wait3A_225 = tpu.memref_slice %arg2[%mul3A_0] : memref<200000xf32, #tpu.memory_space<hbm>> -> memref<5920xf32, #tpu.memory_space<hbm>>
      tpu.wait_dma2 semaphore(%arg19 : memref<!tpu.dma_semaphore, #tpu.memory_space<semaphore_mem>>) src(%dma_wait3A_225 : memref<5920xf32, #tpu.memory_space<hbm>>) dst(%dma_wait3A_224 : memref<5920xf32, #tpu.memory_space<vmem>>)
      %dma_wait3A_226 = arith.constant 0 : i32
      %dma_wait3A_227 = tpu.memref_slice %arg6[%dma_wait3A_226] : memref<6272xf32, #tpu.memory_space<vmem>> -> memref<5920xf32, #tpu.memory_space<vmem>>
      %dma_wait3A_228 = tpu.memref_slice %arg2[%add3A_203] : memref<200000xf32, #tpu.memory_space<hbm>> -> memref<5920xf32, #tpu.memory_space<hbm>>
      %dma_wait3A_229 = arith.constant 0 : i32
      %dma_wait3A_230 = tpu.memref_slice %arg6[%dma_wait3A_229] : memref<6272xf32, #tpu.memory_space<vmem>> -> memref<5920xf32, #tpu.memory_space<vmem>>
      %dma_wait3A_231 = tpu.memref_slice %arg2[%add3A_203] : memref<200000xf32, #tpu.memory_space<hbm>> -> memref<5920xf32, #tpu.memory_space<hbm>>
      tpu.wait_dma2 semaphore(%arg19 : memref<!tpu.dma_semaphore, #tpu.memory_space<semaphore_mem>>) src(%dma_wait3A_231 : memref<5920xf32, #tpu.memory_space<hbm>>) dst(%dma_wait3A_230 : memref<5920xf32, #tpu.memory_space<vmem>>)
      %dma_wait3A_232 = arith.constant 0 : i32
      %dma_wait3A_233 = tpu.memref_slice %arg7[%dma_wait3A_232] : memref<6272xi32, #tpu.memory_space<vmem>> -> memref<5920xi32, #tpu.memory_space<vmem>>
      %dma_wait3A_234 = tpu.memref_slice %arg3[%mul3A_0] : memref<100000xi32, #tpu.memory_space<hbm>> -> memref<5920xi32, #tpu.memory_space<hbm>>
      %dma_wait3A_235 = arith.constant 0 : i32
      %dma_wait3A_236 = tpu.memref_slice %arg7[%dma_wait3A_235] : memref<6272xi32, #tpu.memory_space<vmem>> -> memref<5920xi32, #tpu.memory_space<vmem>>
      %dma_wait3A_237 = tpu.memref_slice %arg3[%mul3A_0] : memref<100000xi32, #tpu.memory_space<hbm>> -> memref<5920xi32, #tpu.memory_space<hbm>>
      tpu.wait_dma2 semaphore(%arg19 : memref<!tpu.dma_semaphore, #tpu.memory_space<semaphore_mem>>) src(%dma_wait3A_237 : memref<5920xi32, #tpu.memory_space<hbm>>) dst(%dma_wait3A_236 : memref<5920xi32, #tpu.memory_space<vmem>>)
      %broadcast_in_dim3A_238 = arith.constant 2 : i32
      %broadcast_in_dim3A_239 = vector.broadcast %broadcast_in_dim3A_238 : i32 to vector<16xi32>
      %scan3A_240 = arith.constant 0 : i32
      %scan3A_241 = arith.constant 0 : i32
      %scan3A_242 = arith.constant 22 : i32
      %scan3A_243 = arith.addi %scan3A_241, %scan3A_242 : i32
      %scan3A_244 = arith.constant 1 : i32
      %scan3A_245 = scf.for %scan3A_247 = %scan3A_241 to %scan3A_243 step %scan3A_244 iter_args(%scan3A_248 = %scan3A_240) -> (i32)  : i32 {
        %mul3A_249 = arith.constant 16 : i32
        %mul3A_250 = arith.muli %scan3A_247, %mul3A_249 : i32
        %add3A_251 = arith.constant 5920 : i32
        %add3A_252 = arith.addi %add3A_251, %mul3A_250 : i32
        %swap3A_253 = arith.index_cast %add3A_252 : i32 to index
        %swap3A_254 = tpu.vector_load %arg7[%swap3A_253] {strides = array<i32>} : memref<6272xi32, #tpu.memory_space<vmem>>, vector<16xi32>,
        tpu.vector_store %arg7[%swap3A_253], %broadcast_in_dim3A_239 {strides = array<i32>} : memref<6272xi32, #tpu.memory_space<vmem>>, vector<16xi32>,
        %scan3A_255 = arith.constant 0 : i32
        scf.yield %scan3A_255 : i32
      }
      %scan3A_246 = arith.constant 22 : i32
    } else {
    }
    %broadcast_in_dim3A = arith.constant 0 : i32
    %broadcast_in_dim3A_7 = vector.broadcast %broadcast_in_dim3A : i32 to vector<16xi32>
    %scan3A = arith.constant 0 : i32
    %scan3A_8 = arith.constant 0 : i32
    %scan3A_9 = arith.constant 64 : i32
    %scan3A_10 = arith.addi %scan3A_8, %scan3A_9 : i32
    %scan3A_11 = arith.constant 1 : i32
    %scan3A_12 = scf.for %scan3A_202 = %scan3A_8 to %scan3A_10 step %scan3A_11 iter_args(%scan3A_203 = %scan3A) -> (i32)  : i32 {
      %mul3A_204 = arith.constant 16 : i32
      %mul3A_205 = arith.muli %scan3A_202, %mul3A_204 : i32
      %swap3A_206 = arith.index_cast %mul3A_205 : i32 to index
      %swap3A_207 = tpu.vector_load %arg11[%swap3A_206] {strides = array<i32>} : memref<1024xi32, #tpu.memory_space<vmem>>, vector<16xi32>,
      tpu.vector_store %arg11[%swap3A_206], %broadcast_in_dim3A_7 {strides = array<i32>} : memref<1024xi32, #tpu.memory_space<vmem>>, vector<16xi32>,
      %scan3A_208 = arith.constant 0 : i32
      scf.yield %scan3A_208 : i32
    }
    %scan3A_13 = arith.constant 64 : i32
    %broadcast_in_dim3A_14 = arith.constant 1 : i32
    %broadcast_in_dim3A_15 = vector.broadcast %broadcast_in_dim3A_14 : i32 to vector<16xi32>
    %broadcast_in_dim3A_16 = arith.constant 0.000000e+00 : f32
    %broadcast_in_dim3A_17 = vector.broadcast %broadcast_in_dim3A_16 : f32 to vector<16xf32>
    %broadcast_in_dim3A_18 = arith.constant 0 : i32
    %broadcast_in_dim3A_19 = vector.broadcast %broadcast_in_dim3A_18 : i32 to vector<16xi32>
    %iota3A = tpu.iota {dimensions = array<i32: 0>} : vector<16xi32>
    %parallel_loop3A = arith.constant 0 : i32
    %parallel_loop3A_20 = arith.constant 392 : i32
    %parallel_loop3A_21 = arith.constant 1 : i32
    %parallel_loop3A_22:3 = scf.for %parallel_loop3A_202 = %parallel_loop3A to %parallel_loop3A_20 step %parallel_loop3A_21 iter_args(%parallel_loop3A_203 = %broadcast_in_dim3A_17, %parallel_loop3A_204 = %broadcast_in_dim3A_19, %parallel_loop3A_205 = %broadcast_in_dim3A_19) -> (vector<16xf32>, vector<16xi32>, vector<16xi32>)  : i32 {
      %parallel_loop3A_206 = arith.constant 16 : i32
      %parallel_loop3A_207 = arith.muli %parallel_loop3A_202, %parallel_loop3A_206 : i32
      %parallel_loop3A_208 = arith.index_cast %parallel_loop3A_207 : i32 to index
      %parallel_loop3A_209 = tpu.vector_load %arg5[%parallel_loop3A_208] {strides = array<i32>} : memref<6272xf32, #tpu.memory_space<vmem>>, vector<16xf32>,
      %parallel_loop3A_210 = arith.index_cast %parallel_loop3A_207 : i32 to index
      %parallel_loop3A_211 = tpu.vector_load %arg6[%parallel_loop3A_210] {strides = array<i32>} : memref<6272xf32, #tpu.memory_space<vmem>>, vector<16xf32>,
      %parallel_loop3A_212 = arith.index_cast %parallel_loop3A_207 : i32 to index
      %parallel_loop3A_213 = tpu.vector_load %arg7[%parallel_loop3A_212] {strides = array<i32>} : memref<6272xi32, #tpu.memory_space<vmem>>, vector<16xi32>,
      %parallel_loop3A_214 = arith.subf %parallel_loop3A_209, %parallel_loop3A_211 : vector<16xf32>
      %parallel_loop3A_215 = math.absf %parallel_loop3A_214 : vector<16xf32>
      %parallel_loop3A_216 = arith.constant 0.000000e+00 : f32
      %parallel_loop3A_217 = vector.broadcast %parallel_loop3A_216 : f32 to vector<16xf32>
      %parallel_loop3A_218 = arith.subf %parallel_loop3A_217, %parallel_loop3A_215 : vector<16xf32>
      %parallel_loop3A_219 = math.exp %parallel_loop3A_218 : vector<16xf32>
      %parallel_loop3A_220 = arith.constant 2.000000e+00 : f32
      %parallel_loop3A_221 = vector.broadcast %parallel_loop3A_220 : f32 to vector<16xf32>
      %parallel_loop3A_222 = arith.addf %parallel_loop3A_221, %parallel_loop3A_219 : vector<16xf32>
      %parallel_loop3A_223 = arith.divf %parallel_loop3A_219, %parallel_loop3A_222 : vector<16xf32>
      %parallel_loop3A_224 = arith.mulf %parallel_loop3A_223, %parallel_loop3A_223 : vector<16xf32>
      %parallel_loop3A_225 = arith.constant 0.111111112 : f32
      %parallel_loop3A_226 = vector.broadcast %parallel_loop3A_225 : f32 to vector<16xf32>
      %parallel_loop3A_227 = arith.mulf %parallel_loop3A_224, %parallel_loop3A_226 : vector<16xf32>
      %parallel_loop3A_228 = arith.constant 0.142857149 : f32
      %parallel_loop3A_229 = vector.broadcast %parallel_loop3A_228 : f32 to vector<16xf32>
      %parallel_loop3A_230 = arith.addf %parallel_loop3A_229, %parallel_loop3A_227 : vector<16xf32>
      %parallel_loop3A_231 = arith.mulf %parallel_loop3A_224, %parallel_loop3A_230 : vector<16xf32>
      %parallel_loop3A_232 = arith.constant 2.000000e-01 : f32
      %parallel_loop3A_233 = vector.broadcast %parallel_loop3A_232 : f32 to vector<16xf32>
      %parallel_loop3A_234 = arith.addf %parallel_loop3A_233, %parallel_loop3A_231 : vector<16xf32>
      %parallel_loop3A_235 = arith.mulf %parallel_loop3A_224, %parallel_loop3A_234 : vector<16xf32>
      %parallel_loop3A_236 = arith.constant 0.333333343 : f32
      %parallel_loop3A_237 = vector.broadcast %parallel_loop3A_236 : f32 to vector<16xf32>
      %parallel_loop3A_238 = arith.addf %parallel_loop3A_237, %parallel_loop3A_235 : vector<16xf32>
      %parallel_loop3A_239 = arith.mulf %parallel_loop3A_224, %parallel_loop3A_238 : vector<16xf32>
      %parallel_loop3A_240 = arith.constant 1.000000e+00 : f32
      %parallel_loop3A_241 = vector.broadcast %parallel_loop3A_240 : f32 to vector<16xf32>
      %parallel_loop3A_242 = arith.addf %parallel_loop3A_241, %parallel_loop3A_239 : vector<16xf32>
      %parallel_loop3A_243 = arith.constant 2.000000e+00 : f32
      %parallel_loop3A_244 = vector.broadcast %parallel_loop3A_243 : f32 to vector<16xf32>
      %parallel_loop3A_245 = arith.mulf %parallel_loop3A_244, %parallel_loop3A_223 : vector<16xf32>
      %parallel_loop3A_246 = arith.mulf %parallel_loop3A_245, %parallel_loop3A_242 : vector<16xf32>
      %parallel_loop3A_247 = arith.constant 0.000000e+00 : f32
      %parallel_loop3A_248 = vector.broadcast %parallel_loop3A_247 : f32 to vector<16xf32>
      %parallel_loop3A_249 = arith.maximumf %parallel_loop3A_214, %parallel_loop3A_248 : vector<16xf32>
      %parallel_loop3A_250 = arith.addf %parallel_loop3A_249, %parallel_loop3A_246 : vector<16xf32>
      %parallel_loop3A_251 = arith.constant 0.000000e+00 : f32
      %parallel_loop3A_252 = vector.broadcast %parallel_loop3A_251 : f32 to vector<16xf32>
      %parallel_loop3A_253 = arith.subf %parallel_loop3A_252, %parallel_loop3A_214 : vector<16xf32>
      %parallel_loop3A_254 = arith.constant 0.000000e+00 : f32
      %parallel_loop3A_255 = vector.broadcast %parallel_loop3A_254 : f32 to vector<16xf32>
      %parallel_loop3A_256 = arith.maximumf %parallel_loop3A_253, %parallel_loop3A_255 : vector<16xf32>
      %parallel_loop3A_257 = arith.addf %parallel_loop3A_256, %parallel_loop3A_246 : vector<16xf32>
      %parallel_loop3A_258 = arith.constant 1 : i32
      %parallel_loop3A_259 = vector.broadcast %parallel_loop3A_258 : i32 to vector<16xi32>
      %parallel_loop3A_260 = arith.cmpi eq, %parallel_loop3A_213, %parallel_loop3A_259 : vector<16xi32>
      %parallel_loop3A_261 = arith.constant 0 : i32
      %parallel_loop3A_262 = vector.broadcast %parallel_loop3A_261 : i32 to vector<16xi32>
      %parallel_loop3A_263 = arith.cmpi eq, %parallel_loop3A_213, %parallel_loop3A_262 : vector<16xi32>
      %parallel_loop3A_264 = arith.select %parallel_loop3A_260, %parallel_loop3A_250, %broadcast_in_dim3A_17 : vector<16xi1>, vector<16xf32>
      %parallel_loop3A_265 = arith.addf %parallel_loop3A_203, %parallel_loop3A_264 : vector<16xf32>
      %parallel_loop3A_266 = arith.select %parallel_loop3A_260, %broadcast_in_dim3A_15, %broadcast_in_dim3A_19 : vector<16xi1>, vector<16xi32>
      %parallel_loop3A_267 = arith.addi %parallel_loop3A_204, %parallel_loop3A_266 : vector<16xi32>
      %parallel_loop3A_268 = arith.select %parallel_loop3A_263, %broadcast_in_dim3A_15, %broadcast_in_dim3A_19 : vector<16xi1>, vector<16xi32>
      %parallel_loop3A_269 = arith.addi %parallel_loop3A_205, %parallel_loop3A_268 : vector<16xi32>
      %parallel_loop3A_270 = tpu.bitcast %parallel_loop3A_257 : vector<16xf32> -> vector<16xi32>
      %parallel_loop3A_271 = arith.constant -1 : i32
      %parallel_loop3A_272 = vector.broadcast %parallel_loop3A_271 : i32 to vector<16xi32>
      %parallel_loop3A_273 = arith.select %parallel_loop3A_263, %parallel_loop3A_270, %parallel_loop3A_272 : vector<16xi1>, vector<16xi32>
      %parallel_loop3A_274 = arith.index_cast %parallel_loop3A_207 : i32 to index
      %parallel_loop3A_275 = tpu.vector_load %arg8[%parallel_loop3A_274] {strides = array<i32>} : memref<6272xi32, #tpu.memory_space<vmem>>, vector<16xi32>,
      tpu.vector_store %arg8[%parallel_loop3A_274], %parallel_loop3A_273 {strides = array<i32>} : memref<6272xi32, #tpu.memory_space<vmem>>, vector<16xi32>,
      %parallel_loop3A_276 = arith.constant 23 : i32
      %parallel_loop3A_277 = vector.broadcast %parallel_loop3A_276 : i32 to vector<16xi32>
      %parallel_loop3A_278 = arith.shrsi %parallel_loop3A_273, %parallel_loop3A_277 : vector<16xi32>
      %parallel_loop3A_279 = arith.constant 3 : i32
      %parallel_loop3A_280 = arith.andi %parallel_loop3A_202, %parallel_loop3A_279 : i32
      %parallel_loop3A_281 = arith.constant 8 : i32
      %parallel_loop3A_282 = arith.shli %parallel_loop3A_280, %parallel_loop3A_281 : i32
      %parallel_loop3A_283 = vector.broadcast %parallel_loop3A_282 : i32 to vector<16xi32>
      %parallel_loop3A_284 = arith.addi %parallel_loop3A_278, %parallel_loop3A_283 : vector<16xi32>
      %parallel_loop3A_285, %parallel_loop3A_286 = tpu.scan_count mask(%parallel_loop3A_263 : vector<16xi1>) value(%parallel_loop3A_284 : vector<16xi32>) : vector<16xi1>, vector<16xi32>
      tpu.vector_store_idx %arg11[%parallel_loop3A_284], %parallel_loop3A_286 masked %parallel_loop3A_285 {add = true} : memref<1024xi32, #tpu.memory_space<vmem>>[vector<16xi32>], vector<16xi32>, vector<16xi1>
      scf.yield %parallel_loop3A_265, %parallel_loop3A_267, %parallel_loop3A_269 : vector<16xf32>, vector<16xi32>, vector<16xi32>
    } {sc.loop_unroll_factor = 4 : i64, sc.parallel_access}
    %scan3A_23 = arith.constant 0 : i32
    %scan3A_24 = arith.constant 0 : i32
    %scan3A_25 = arith.constant 16 : i32
    %scan3A_26 = arith.addi %scan3A_24, %scan3A_25 : i32
    %scan3A_27 = arith.constant 1 : i32
    %scan3A_28 = scf.for %scan3A_202 = %scan3A_24 to %scan3A_26 step %scan3A_27 iter_args(%scan3A_203 = %scan3A_23) -> (i32)  : i32 {
      %mul3A_204 = arith.constant 16 : i32
      %mul3A_205 = arith.muli %scan3A_202, %mul3A_204 : i32
      %get3A_206 = arith.index_cast %mul3A_205 : i32 to index
      %get3A_207 = tpu.vector_load %arg11[%get3A_206] {strides = array<i32>} : memref<1024xi32, #tpu.memory_space<vmem>>, vector<16xi32>,
      %mul3A_208 = arith.constant 16 : i32
      %mul3A_209 = arith.muli %scan3A_202, %mul3A_208 : i32
      %add3A_210 = arith.constant 256 : i32
      %add3A_211 = arith.addi %add3A_210, %mul3A_209 : i32
      %get3A_212 = arith.index_cast %add3A_211 : i32 to index
      %get3A_213 = tpu.vector_load %arg11[%get3A_212] {strides = array<i32>} : memref<1024xi32, #tpu.memory_space<vmem>>, vector<16xi32>,
      %add3A_214 = arith.addi %get3A_207, %get3A_213 : vector<16xi32>
      %mul3A_215 = arith.constant 16 : i32
      %mul3A_216 = arith.muli %scan3A_202, %mul3A_215 : i32
      %add3A_217 = arith.constant 512 : i32
      %add3A_218 = arith.addi %add3A_217, %mul3A_216 : i32
      %get3A_219 = arith.index_cast %add3A_218 : i32 to index
      %get3A_220 = tpu.vector_load %arg11[%get3A_219] {strides = array<i32>} : memref<1024xi32, #tpu.memory_space<vmem>>, vector<16xi32>,
      %add3A_221 = arith.addi %add3A_214, %get3A_220 : vector<16xi32>
      %mul3A_222 = arith.constant 16 : i32
      %mul3A_223 = arith.muli %scan3A_202, %mul3A_222 : i32
      %add3A_224 = arith.constant 768 : i32
      %add3A_225 = arith.addi %add3A_224, %mul3A_223 : i32
      %get3A_226 = arith.index_cast %add3A_225 : i32 to index
      %get3A_227 = tpu.vector_load %arg11[%get3A_226] {strides = array<i32>} : memref<1024xi32, #tpu.memory_space<vmem>>, vector<16xi32>,
      %add3A_228 = arith.addi %add3A_221, %get3A_227 : vector<16xi32>
      %mul3A_229 = arith.constant 16 : i32
      %mul3A_230 = arith.muli %scan3A_202, %mul3A_229 : i32
      %swap3A_231 = arith.index_cast %mul3A_230 : i32 to index
      %swap3A_232 = tpu.vector_load %arg11[%swap3A_231] {strides = array<i32>} : memref<1024xi32, #tpu.memory_space<vmem>>, vector<16xi32>,
      tpu.vector_store %arg11[%swap3A_231], %add3A_228 {strides = array<i32>} : memref<1024xi32, #tpu.memory_space<vmem>>, vector<16xi32>,
      %scan3A_233 = arith.constant 0 : i32
      scf.yield %scan3A_233 : i32
    }
    %scan3A_29 = arith.constant 16 : i32
    %bitcast_convert_type3A = tpu.bitcast %parallel_loop3A_22#0 : vector<16xf32> -> vector<16xi32>
    %swap3A = arith.constant 0 : index
    %swap3A_30 = tpu.vector_load %arg13[%swap3A] {strides = array<i32>} : memref<128xi32, #tpu.memory_space<vmem>>, vector<16xi32>,
    tpu.vector_store %arg13[%swap3A], %bitcast_convert_type3A {strides = array<i32>} : memref<128xi32, #tpu.memory_space<vmem>>, vector<16xi32>,
    %swap3A_31 = arith.constant 16 : index
    %swap3A_32 = tpu.vector_load %arg13[%swap3A_31] {strides = array<i32>} : memref<128xi32, #tpu.memory_space<vmem>>, vector<16xi32>,
    tpu.vector_store %arg13[%swap3A_31], %parallel_loop3A_22#1 {strides = array<i32>} : memref<128xi32, #tpu.memory_space<vmem>>, vector<16xi32>,
    %swap3A_33 = arith.constant 32 : index
    %swap3A_34 = tpu.vector_load %arg13[%swap3A_33] {strides = array<i32>} : memref<128xi32, #tpu.memory_space<vmem>>, vector<16xi32>,
    tpu.vector_store %arg13[%swap3A_33], %parallel_loop3A_22#2 {strides = array<i32>} : memref<128xi32, #tpu.memory_space<vmem>>, vector<16xi32>,
    %mul3A_35 = arith.constant 128 : i32
    %mul3A_36 = arith.muli %arg1, %mul3A_35 : i32
    "tpu.region"() ({
      %run_scoped3A = tpu.sem_alloc : memref<!tpu.dma_semaphore, #tpu.memory_space<semaphore_mem>>
      %dma_start3A = tpu.memref_slice %arg21[%mul3A_36] : memref<2048xi32, #tpu.memory_space<vmem_shared>> -> memref<128xi32, #tpu.memory_space<vmem_shared>>
      %dma_start3A_202 = tpu.memref_slice %arg21[%mul3A_36] : memref<2048xi32, #tpu.memory_space<vmem_shared>> -> memref<128xi32, #tpu.memory_space<vmem_shared>>
      tpu.enqueue_dma source(%arg13 : memref<128xi32, #tpu.memory_space<vmem>>) target(%dma_start3A_202 : memref<128xi32, #tpu.memory_space<vmem_shared>>) target_semaphore(%run_scoped3A : memref<!tpu.dma_semaphore, #tpu.memory_space<semaphore_mem>>)
      %dma_wait3A = tpu.memref_slice %arg21[%mul3A_36] : memref<2048xi32, #tpu.memory_space<vmem_shared>> -> memref<128xi32, #tpu.memory_space<vmem_shared>>
      %dma_wait3A_203 = tpu.memref_slice %arg21[%mul3A_36] : memref<2048xi32, #tpu.memory_space<vmem_shared>> -> memref<128xi32, #tpu.memory_space<vmem_shared>>
      tpu.wait_dma2 semaphore(%run_scoped3A : memref<!tpu.dma_semaphore, #tpu.memory_space<semaphore_mem>>) src(%arg13 : memref<128xi32, #tpu.memory_space<vmem>>) dst(%dma_wait3A_203 : memref<128xi32, #tpu.memory_space<vmem_shared>>)
      tpu.yield
    }) : () -> ()
    %mul3A_37 = arith.constant 256 : i32
    %mul3A_38 = arith.muli %arg1, %mul3A_37 : i32
    "tpu.region"() ({
      %run_scoped3A = tpu.sem_alloc : memref<!tpu.dma_semaphore, #tpu.memory_space<semaphore_mem>>
      %dma_start3A = arith.constant 0 : i32
      %dma_start3A_202 = tpu.memref_slice %arg11[%dma_start3A] : memref<1024xi32, #tpu.memory_space<vmem>> -> memref<256xi32, #tpu.memory_space<vmem>>
      %dma_start3A_203 = tpu.memref_slice %arg20[%mul3A_38] : memref<4096xi32, #tpu.memory_space<vmem_shared>> -> memref<256xi32, #tpu.memory_space<vmem_shared>>
      %dma_start3A_204 = tpu.memref_slice %arg20[%mul3A_38] : memref<4096xi32, #tpu.memory_space<vmem_shared>> -> memref<256xi32, #tpu.memory_space<vmem_shared>>
      %dma_start3A_205 = arith.constant 0 : i32
      %dma_start3A_206 = tpu.memref_slice %arg11[%dma_start3A_205] : memref<1024xi32, #tpu.memory_space<vmem>> -> memref<256xi32, #tpu.memory_space<vmem>>
      tpu.enqueue_dma source(%dma_start3A_206 : memref<256xi32, #tpu.memory_space<vmem>>) target(%dma_start3A_204 : memref<256xi32, #tpu.memory_space<vmem_shared>>) target_semaphore(%run_scoped3A : memref<!tpu.dma_semaphore, #tpu.memory_space<semaphore_mem>>)
      %dma_wait3A = arith.constant 0 : i32
      %dma_wait3A_207 = tpu.memref_slice %arg11[%dma_wait3A] : memref<1024xi32, #tpu.memory_space<vmem>> -> memref<256xi32, #tpu.memory_space<vmem>>
      %dma_wait3A_208 = tpu.memref_slice %arg20[%mul3A_38] : memref<4096xi32, #tpu.memory_space<vmem_shared>> -> memref<256xi32, #tpu.memory_space<vmem_shared>>
      %dma_wait3A_209 = tpu.memref_slice %arg20[%mul3A_38] : memref<4096xi32, #tpu.memory_space<vmem_shared>> -> memref<256xi32, #tpu.memory_space<vmem_shared>>
      %dma_wait3A_210 = arith.constant 0 : i32
      %dma_wait3A_211 = tpu.memref_slice %arg11[%dma_wait3A_210] : memref<1024xi32, #tpu.memory_space<vmem>> -> memref<256xi32, #tpu.memory_space<vmem>>
      tpu.wait_dma2 semaphore(%run_scoped3A : memref<!tpu.dma_semaphore, #tpu.memory_space<semaphore_mem>>) src(%dma_wait3A_211 : memref<256xi32, #tpu.memory_space<vmem>>) dst(%dma_wait3A_209 : memref<256xi32, #tpu.memory_space<vmem_shared>>)
      tpu.yield
    }) : () -> ()
    %barrier3A = arith.constant 0 : index
    tpu.barrier barrier_id(%barrier3A)
    %eq3A_39 = arith.constant 0 : i32
    %eq3A_40 = arith.cmpi eq, %arg1, %eq3A_39 : i32
    %convert_element_type3A_41 = arith.extui %eq3A_40 : i1 to i32
    %cond3A_42 = arith.constant 0 : i32
    %cond3A_43 = arith.cmpi ne, %convert_element_type3A_41, %cond3A_42 : i32
    scf.if %cond3A_43 {
      "tpu.region"() ({
        %run_scoped3A = tpu.sem_alloc : memref<!tpu.dma_semaphore, #tpu.memory_space<semaphore_mem>>
        tpu.enqueue_dma source(%arg21 : memref<2048xi32, #tpu.memory_space<vmem_shared>>) target(%arg14 : memref<2048xi32, #tpu.memory_space<vmem>>) target_semaphore(%run_scoped3A : memref<!tpu.dma_semaphore, #tpu.memory_space<semaphore_mem>>)
        tpu.wait_dma2 semaphore(%run_scoped3A : memref<!tpu.dma_semaphore, #tpu.memory_space<semaphore_mem>>) src(%arg21 : memref<2048xi32, #tpu.memory_space<vmem_shared>>) dst(%arg14 : memref<2048xi32, #tpu.memory_space<vmem>>)
        tpu.yield
      }) : () -> ()
      %broadcast_in_dim3A_202 = arith.constant 0.000000e+00 : f32
      %broadcast_in_dim3A_203 = vector.broadcast %broadcast_in_dim3A_202 : f32 to vector<16xf32>
      %broadcast_in_dim3A_204 = arith.constant 0 : i32
      %broadcast_in_dim3A_205 = vector.broadcast %broadcast_in_dim3A_204 : i32 to vector<16xi32>
      %broadcast_in_dim3A_206 = arith.constant 0 : i32
      %broadcast_in_dim3A_207 = vector.broadcast %broadcast_in_dim3A_206 : i32 to vector<16xi32>
      %get3A_208 = arith.constant 0 : index
      %get3A_209 = tpu.vector_load %arg14[%get3A_208] {strides = array<i32>} : memref<2048xi32, #tpu.memory_space<vmem>>, vector<16xi32>,
      %bitcast_convert_type3A_210 = tpu.bitcast %get3A_209 : vector<16xi32> -> vector<16xf32>
      %add3A_211 = arith.addf %broadcast_in_dim3A_203, %bitcast_convert_type3A_210 : vector<16xf32>
      %get3A_212 = arith.constant 16 : index
      %get3A_213 = tpu.vector_load %arg14[%get3A_212] {strides = array<i32>} : memref<2048xi32, #tpu.memory_space<vmem>>, vector<16xi32>,
      %add3A_214 = arith.addi %broadcast_in_dim3A_205, %get3A_213 : vector<16xi32>
      %get3A_215 = arith.constant 32 : index
      %get3A_216 = tpu.vector_load %arg14[%get3A_215] {strides = array<i32>} : memref<2048xi32, #tpu.memory_space<vmem>>, vector<16xi32>,
      %add3A_217 = arith.addi %broadcast_in_dim3A_207, %get3A_216 : vector<16xi32>
      %get3A_218 = arith.constant 128 : index
      %get3A_219 = tpu.vector_load %arg14[%get3A_218] {strides = array<i32>} : memref<2048xi32, #tpu.memory_space<vmem>>, vector<16xi32>,
      %bitcast_convert_type3A_220 = tpu.bitcast %get3A_219 : vector<16xi32> -> vector<16xf32>
      %add3A_221 = arith.addf %add3A_211, %bitcast_convert_type3A_220 : vector<16xf32>
      %get3A_222 = arith.constant 144 : index
      %get3A_223 = tpu.vector_load %arg14[%get3A_222] {strides = array<i32>} : memref<2048xi32, #tpu.memory_space<vmem>>, vector<16xi32>,
      %add3A_224 = arith.addi %add3A_214, %get3A_223 : vector<16xi32>
      %get3A_225 = arith.constant 160 : index
      %get3A_226 = tpu.vector_load %arg14[%get3A_225] {strides = array<i32>} : memref<2048xi32, #tpu.memory_space<vmem>>, vector<16xi32>,
      %add3A_227 = arith.addi %add3A_217, %get3A_226 : vector<16xi32>
      %get3A_228 = arith.constant 256 : index
      %get3A_229 = tpu.vector_load %arg14[%get3A_228] {strides = array<i32>} : memref<2048xi32, #tpu.memory_space<vmem>>, vector<16xi32>,
      %bitcast_convert_type3A_230 = tpu.bitcast %get3A_229 : vector<16xi32> -> vector<16xf32>
      %add3A_231 = arith.addf %add3A_221, %bitcast_convert_type3A_230 : vector<16xf32>
      %get3A_232 = arith.constant 272 : index
      %get3A_233 = tpu.vector_load %arg14[%get3A_232] {strides = array<i32>} : memref<2048xi32, #tpu.memory_space<vmem>>, vector<16xi32>,
      %add3A_234 = arith.addi %add3A_224, %get3A_233 : vector<16xi32>
      %get3A_235 = arith.constant 288 : index
      %get3A_236 = tpu.vector_load %arg14[%get3A_235] {strides = array<i32>} : memref<2048xi32, #tpu.memory_space<vmem>>, vector<16xi32>,
      %add3A_237 = arith.addi %add3A_227, %get3A_236 : vector<16xi32>
      %get3A_238 = arith.constant 384 : index
      %get3A_239 = tpu.vector_load %arg14[%get3A_238] {strides = array<i32>} : memref<2048xi32, #tpu.memory_space<vmem>>, vector<16xi32>,
      %bitcast_convert_type3A_240 = tpu.bitcast %get3A_239 : vector<16xi32> -> vector<16xf32>
      %add3A_241 = arith.addf %add3A_231, %bitcast_convert_type3A_240 : vector<16xf32>
      %get3A_242 = arith.constant 400 : index
      %get3A_243 = tpu.vector_load %arg14[%get3A_242] {strides = array<i32>} : memref<2048xi32, #tpu.memory_space<vmem>>, vector<16xi32>,
      %add3A_244 = arith.addi %add3A_234, %get3A_243 : vector<16xi32>
      %get3A_245 = arith.constant 416 : index
      %get3A_246 = tpu.vector_load %arg14[%get3A_245] {strides = array<i32>} : memref<2048xi32, #tpu.memory_space<vmem>>, vector<16xi32>,
      %add3A_247 = arith.addi %add3A_237, %get3A_246 : vector<16xi32>
      %get3A_248 = arith.constant 512 : index
      %get3A_249 = tpu.vector_load %arg14[%get3A_248] {strides = array<i32>} : memref<2048xi32, #tpu.memory_space<vmem>>, vector<16xi32>,
      %bitcast_convert_type3A_250 = tpu.bitcast %get3A_249 : vector<16xi32> -> vector<16xf32>
      %add3A_251 = arith.addf %add3A_241, %bitcast_convert_type3A_250 : vector<16xf32>
      %get3A_252 = arith.constant 528 : index
      %get3A_253 = tpu.vector_load %arg14[%get3A_252] {strides = array<i32>} : memref<2048xi32, #tpu.memory_space<vmem>>, vector<16xi32>,
      %add3A_254 = arith.addi %add3A_244, %get3A_253 : vector<16xi32>
      %get3A_255 = arith.constant 544 : index
      %get3A_256 = tpu.vector_load %arg14[%get3A_255] {strides = array<i32>} : memref<2048xi32, #tpu.memory_space<vmem>>, vector<16xi32>,
      %add3A_257 = arith.addi %add3A_247, %get3A_256 : vector<16xi32>
      %get3A_258 = arith.constant 640 : index
      %get3A_259 = tpu.vector_load %arg14[%get3A_258] {strides = array<i32>} : memref<2048xi32, #tpu.memory_space<vmem>>, vector<16xi32>,
      %bitcast_convert_type3A_260 = tpu.bitcast %get3A_259 : vector<16xi32> -> vector<16xf32>
      %add3A_261 = arith.addf %add3A_251, %bitcast_convert_type3A_260 : vector<16xf32>
      %get3A_262 = arith.constant 656 : index
      %get3A_263 = tpu.vector_load %arg14[%get3A_262] {strides = array<i32>} : memref<2048xi32, #tpu.memory_space<vmem>>, vector<16xi32>,
      %add3A_264 = arith.addi %add3A_254, %get3A_263 : vector<16xi32>
      %get3A_265 = arith.constant 672 : index
      %get3A_266 = tpu.vector_load %arg14[%get3A_265] {strides = array<i32>} : memref<2048xi32, #tpu.memory_space<vmem>>, vector<16xi32>,
      %add3A_267 = arith.addi %add3A_257, %get3A_266 : vector<16xi32>
      %get3A_268 = arith.constant 768 : index
      %get3A_269 = tpu.vector_load %arg14[%get3A_268] {strides = array<i32>} : memref<2048xi32, #tpu.memory_space<vmem>>, vector<16xi32>,
      %bitcast_convert_type3A_270 = tpu.bitcast %get3A_269 : vector<16xi32> -> vector<16xf32>
      %add3A_271 = arith.addf %add3A_261, %bitcast_convert_type3A_270 : vector<16xf32>
      %get3A_272 = arith.constant 784 : index
      %get3A_273 = tpu.vector_load %arg14[%get3A_272] {strides = array<i32>} : memref<2048xi32, #tpu.memory_space<vmem>>, vector<16xi32>,
      %add3A_274 = arith.addi %add3A_264, %get3A_273 : vector<16xi32>
      %get3A_275 = arith.constant 800 : index
      %get3A_276 = tpu.vector_load %arg14[%get3A_275] {strides = array<i32>} : memref<2048xi32, #tpu.memory_space<vmem>>, vector<16xi32>,
      %add3A_277 = arith.addi %add3A_267, %get3A_276 : vector<16xi32>
      %get3A_278 = arith.constant 896 : index
      %get3A_279 = tpu.vector_load %arg14[%get3A_278] {strides = array<i32>} : memref<2048xi32, #tpu.memory_space<vmem>>, vector<16xi32>,
      %bitcast_convert_type3A_280 = tpu.bitcast %get3A_279 : vector<16xi32> -> vector<16xf32>
      %add3A_281 = arith.addf %add3A_271, %bitcast_convert_type3A_280 : vector<16xf32>
      %get3A_282 = arith.constant 912 : index
      %get3A_283 = tpu.vector_load %arg14[%get3A_282] {strides = array<i32>} : memref<2048xi32, #tpu.memory_space<vmem>>, vector<16xi32>,
      %add3A_284 = arith.addi %add3A_274, %get3A_283 : vector<16xi32>
      %get3A_285 = arith.constant 928 : index
      %get3A_286 = tpu.vector_load %arg14[%get3A_285] {strides = array<i32>} : memref<2048xi32, #tpu.memory_space<vmem>>, vector<16xi32>,
      %add3A_287 = arith.addi %add3A_277, %get3A_286 : vector<16xi32>
      %get3A_288 = arith.constant 1024 : index
      %get3A_289 = tpu.vector_load %arg14[%get3A_288] {strides = array<i32>} : memref<2048xi32, #tpu.memory_space<vmem>>, vector<16xi32>,
      %bitcast_convert_type3A_290 = tpu.bitcast %get3A_289 : vector<16xi32> -> vector<16xf32>
      %add3A_291 = arith.addf %add3A_281, %bitcast_convert_type3A_290 : vector<16xf32>
      %get3A_292 = arith.constant 1040 : index
      %get3A_293 = tpu.vector_load %arg14[%get3A_292] {strides = array<i32>} : memref<2048xi32, #tpu.memory_space<vmem>>, vector<16xi32>,
      %add3A_294 = arith.addi %add3A_284, %get3A_293 : vector<16xi32>
      %get3A_295 = arith.constant 1056 : index
      %get3A_296 = tpu.vector_load %arg14[%get3A_295] {strides = array<i32>} : memref<2048xi32, #tpu.memory_space<vmem>>, vector<16xi32>,
      %add3A_297 = arith.addi %add3A_287, %get3A_296 : vector<16xi32>
      %get3A_298 = arith.constant 1152 : index
      %get3A_299 = tpu.vector_load %arg14[%get3A_298] {strides = array<i32>} : memref<2048xi32, #tpu.memory_space<vmem>>, vector<16xi32>,
      %bitcast_convert_type3A_300 = tpu.bitcast %get3A_299 : vector<16xi32> -> vector<16xf32>
      %add3A_301 = arith.addf %add3A_291, %bitcast_convert_type3A_300 : vector<16xf32>
      %get3A_302 = arith.constant 1168 : index
      %get3A_303 = tpu.vector_load %arg14[%get3A_302] {strides = array<i32>} : memref<2048xi32, #tpu.memory_space<vmem>>, vector<16xi32>,
      %add3A_304 = arith.addi %add3A_294, %get3A_303 : vector<16xi32>
      %get3A_305 = arith.constant 1184 : index
      %get3A_306 = tpu.vector_load %arg14[%get3A_305] {strides = array<i32>} : memref<2048xi32, #tpu.memory_space<vmem>>, vector<16xi32>,
      %add3A_307 = arith.addi %add3A_297, %get3A_306 : vector<16xi32>
      %get3A_308 = arith.constant 1280 : index
      %get3A_309 = tpu.vector_load %arg14[%get3A_308] {strides = array<i32>} : memref<2048xi32, #tpu.memory_space<vmem>>, vector<16xi32>,
      %bitcast_convert_type3A_310 = tpu.bitcast %get3A_309 : vector<16xi32> -> vector<16xf32>
      %add3A_311 = arith.addf %add3A_301, %bitcast_convert_type3A_310 : vector<16xf32>
      %get3A_312 = arith.constant 1296 : index
      %get3A_313 = tpu.vector_load %arg14[%get3A_312] {strides = array<i32>} : memref<2048xi32, #tpu.memory_space<vmem>>, vector<16xi32>,
      %add3A_314 = arith.addi %add3A_304, %get3A_313 : vector<16xi32>
      %get3A_315 = arith.constant 1312 : index
      %get3A_316 = tpu.vector_load %arg14[%get3A_315] {strides = array<i32>} : memref<2048xi32, #tpu.memory_space<vmem>>, vector<16xi32>,
      %add3A_317 = arith.addi %add3A_307, %get3A_316 : vector<16xi32>
      %get3A_318 = arith.constant 1408 : index
      %get3A_319 = tpu.vector_load %arg14[%get3A_318] {strides = array<i32>} : memref<2048xi32, #tpu.memory_space<vmem>>, vector<16xi32>,
      %bitcast_convert_type3A_320 = tpu.bitcast %get3A_319 : vector<16xi32> -> vector<16xf32>
      %add3A_321 = arith.addf %add3A_311, %bitcast_convert_type3A_320 : vector<16xf32>
      %get3A_322 = arith.constant 1424 : index
      %get3A_323 = tpu.vector_load %arg14[%get3A_322] {strides = array<i32>} : memref<2048xi32, #tpu.memory_space<vmem>>, vector<16xi32>,
      %add3A_324 = arith.addi %add3A_314, %get3A_323 : vector<16xi32>
      %get3A_325 = arith.constant 1440 : index
      %get3A_326 = tpu.vector_load %arg14[%get3A_325] {strides = array<i32>} : memref<2048xi32, #tpu.memory_space<vmem>>, vector<16xi32>,
      %add3A_327 = arith.addi %add3A_317, %get3A_326 : vector<16xi32>
      %get3A_328 = arith.constant 1536 : index
      %get3A_329 = tpu.vector_load %arg14[%get3A_328] {strides = array<i32>} : memref<2048xi32, #tpu.memory_space<vmem>>, vector<16xi32>,
      %bitcast_convert_type3A_330 = tpu.bitcast %get3A_329 : vector<16xi32> -> vector<16xf32>
      %add3A_331 = arith.addf %add3A_321, %bitcast_convert_type3A_330 : vector<16xf32>
      %get3A_332 = arith.constant 1552 : index
      %get3A_333 = tpu.vector_load %arg14[%get3A_332] {strides = array<i32>} : memref<2048xi32, #tpu.memory_space<vmem>>, vector<16xi32>,
      %add3A_334 = arith.addi %add3A_324, %get3A_333 : vector<16xi32>
      %get3A_335 = arith.constant 1568 : index
      %get3A_336 = tpu.vector_load %arg14[%get3A_335] {strides = array<i32>} : memref<2048xi32, #tpu.memory_space<vmem>>, vector<16xi32>,
      %add3A_337 = arith.addi %add3A_327, %get3A_336 : vector<16xi32>
      %get3A_338 = arith.constant 1664 : index
      %get3A_339 = tpu.vector_load %arg14[%get3A_338] {strides = array<i32>} : memref<2048xi32, #tpu.memory_space<vmem>>, vector<16xi32>,
      %bitcast_convert_type3A_340 = tpu.bitcast %get3A_339 : vector<16xi32> -> vector<16xf32>
      %add3A_341 = arith.addf %add3A_331, %bitcast_convert_type3A_340 : vector<16xf32>
      %get3A_342 = arith.constant 1680 : index
      %get3A_343 = tpu.vector_load %arg14[%get3A_342] {strides = array<i32>} : memref<2048xi32, #tpu.memory_space<vmem>>, vector<16xi32>,
      %add3A_344 = arith.addi %add3A_334, %get3A_343 : vector<16xi32>
      %get3A_345 = arith.constant 1696 : index
      %get3A_346 = tpu.vector_load %arg14[%get3A_345] {strides = array<i32>} : memref<2048xi32, #tpu.memory_space<vmem>>, vector<16xi32>,
      %add3A_347 = arith.addi %add3A_337, %get3A_346 : vector<16xi32>
      %get3A_348 = arith.constant 1792 : index
      %get3A_349 = tpu.vector_load %arg14[%get3A_348] {strides = array<i32>} : memref<2048xi32, #tpu.memory_space<vmem>>, vector<16xi32>,
      %bitcast_convert_type3A_350 = tpu.bitcast %get3A_349 : vector<16xi32> -> vector<16xf32>
      %add3A_351 = arith.addf %add3A_341, %bitcast_convert_type3A_350 : vector<16xf32>
      %get3A_352 = arith.constant 1808 : index
      %get3A_353 = tpu.vector_load %arg14[%get3A_352] {strides = array<i32>} : memref<2048xi32, #tpu.memory_space<vmem>>, vector<16xi32>,
      %add3A_354 = arith.addi %add3A_344, %get3A_353 : vector<16xi32>
      %get3A_355 = arith.constant 1824 : index
      %get3A_356 = tpu.vector_load %arg14[%get3A_355] {strides = array<i32>} : memref<2048xi32, #tpu.memory_space<vmem>>, vector<16xi32>,
      %add3A_357 = arith.addi %add3A_347, %get3A_356 : vector<16xi32>
      %get3A_358 = arith.constant 1920 : index
      %get3A_359 = tpu.vector_load %arg14[%get3A_358] {strides = array<i32>} : memref<2048xi32, #tpu.memory_space<vmem>>, vector<16xi32>,
      %bitcast_convert_type3A_360 = tpu.bitcast %get3A_359 : vector<16xi32> -> vector<16xf32>
      %add3A_361 = arith.addf %add3A_351, %bitcast_convert_type3A_360 : vector<16xf32>
      %get3A_362 = arith.constant 1936 : index
      %get3A_363 = tpu.vector_load %arg14[%get3A_362] {strides = array<i32>} : memref<2048xi32, #tpu.memory_space<vmem>>, vector<16xi32>,
      %add3A_364 = arith.addi %add3A_354, %get3A_363 : vector<16xi32>
      %get3A_365 = arith.constant 1952 : index
      %get3A_366 = tpu.vector_load %arg14[%get3A_365] {strides = array<i32>} : memref<2048xi32, #tpu.memory_space<vmem>>, vector<16xi32>,
      %add3A_367 = arith.addi %add3A_357, %get3A_366 : vector<16xi32>
      %reduce_sum3A = arith.constant true
      %reduce_sum3A_368 = vector.broadcast %reduce_sum3A : i1 to vector<16xi1>
      %reduce_sum3A_369 = tpu.scan <sum>, %add3A_364 masked %reduce_sum3A_368 : vector<16xi32>, vector<16xi1> -> vector<16xi32>
      %reduce_sum3A_370 = vector.extract %reduce_sum3A_369[15] : i32 from vector<16xi32>
      %reduce_sum3A_371 = arith.constant true
      %reduce_sum3A_372 = vector.broadcast %reduce_sum3A_371 : i1 to vector<16xi1>
      %reduce_sum3A_373 = tpu.scan <sum>, %add3A_367 masked %reduce_sum3A_372 : vector<16xi32>, vector<16xi1> -> vector<16xi32>
      %reduce_sum3A_374 = vector.extract %reduce_sum3A_373[15] : i32 from vector<16xi32>
      %reduce_sum3A_375 = arith.constant true
      %reduce_sum3A_376 = vector.broadcast %reduce_sum3A_375 : i1 to vector<16xi1>
      %reduce_sum3A_377 = tpu.scan <sum>, %add3A_361 masked %reduce_sum3A_376 : vector<16xf32>, vector<16xi1> -> vector<16xf32>
      %reduce_sum3A_378 = vector.extract %reduce_sum3A_377[15] : f32 from vector<16xf32>
      %sub3A_379 = arith.constant 60000 : i32
      %sub3A_380 = arith.subi %sub3A_379, %reduce_sum3A_370 : i32
      %min3A = arith.minsi %reduce_sum3A_374, %sub3A_380 : i32
      %max3A = arith.constant 0 : i32
      %max3A_381 = arith.maxsi %min3A, %max3A : i32
      "tpu.region"() ({
        %run_scoped3A = tpu.sem_alloc : memref<!tpu.dma_semaphore, #tpu.memory_space<semaphore_mem>>
        tpu.enqueue_dma source(%arg20 : memref<4096xi32, #tpu.memory_space<vmem_shared>>) target(%arg12 : memref<4096xi32, #tpu.memory_space<vmem>>) target_semaphore(%run_scoped3A : memref<!tpu.dma_semaphore, #tpu.memory_space<semaphore_mem>>)
        tpu.wait_dma2 semaphore(%run_scoped3A : memref<!tpu.dma_semaphore, #tpu.memory_space<semaphore_mem>>) src(%arg20 : memref<4096xi32, #tpu.memory_space<vmem_shared>>) dst(%arg12 : memref<4096xi32, #tpu.memory_space<vmem>>)
        tpu.yield
      }) : () -> ()
      %scan3A_382 = arith.constant 0 : i32
      %scan3A_383 = arith.constant 0 : i32
      %scan3A_384 = arith.constant 16 : i32
      %scan3A_385 = arith.addi %scan3A_383, %scan3A_384 : i32
      %scan3A_386 = arith.constant 1 : i32
      %scan3A_387 = scf.for %scan3A_420 = %scan3A_383 to %scan3A_385 step %scan3A_386 iter_args(%scan3A_421 = %scan3A_382) -> (i32)  : i32 {
        %broadcast_in_dim3A_422 = arith.constant 0 : i32
        %broadcast_in_dim3A_423 = vector.broadcast %broadcast_in_dim3A_422 : i32 to vector<16xi32>
        %mul3A_424 = arith.constant 16 : i32
        %mul3A_425 = arith.muli %scan3A_420, %mul3A_424 : i32
        %add3A_426 = arith.constant 0 : i32
        %add3A_427 = arith.addi %add3A_426, %mul3A_425 : i32
        %get3A_428 = arith.index_cast %add3A_427 : i32 to index
        %get3A_429 = tpu.vector_load %arg12[%get3A_428] {strides = array<i32>} : memref<4096xi32, #tpu.memory_space<vmem>>, vector<16xi32>,
        %add3A_430 = arith.addi %broadcast_in_dim3A_423, %get3A_429 : vector<16xi32>
        %mul3A_431 = arith.constant 16 : i32
        %mul3A_432 = arith.muli %scan3A_420, %mul3A_431 : i32
        %add3A_433 = arith.constant 256 : i32
        %add3A_434 = arith.addi %add3A_433, %mul3A_432 : i32
        %get3A_435 = arith.index_cast %add3A_434 : i32 to index
        %get3A_436 = tpu.vector_load %arg12[%get3A_435] {strides = array<i32>} : memref<4096xi32, #tpu.memory_space<vmem>>, vector<16xi32>,
        %add3A_437 = arith.addi %add3A_430, %get3A_436 : vector<16xi32>
        %mul3A_438 = arith.constant 16 : i32
        %mul3A_439 = arith.muli %scan3A_420, %mul3A_438 : i32
        %add3A_440 = arith.constant 512 : i32
        %add3A_441 = arith.addi %add3A_440, %mul3A_439 : i32
        %get3A_442 = arith.index_cast %add3A_441 : i32 to index
        %get3A_443 = tpu.vector_load %arg12[%get3A_442] {strides = array<i32>} : memref<4096xi32, #tpu.memory_space<vmem>>, vector<16xi32>,
        %add3A_444 = arith.addi %add3A_437, %get3A_443 : vector<16xi32>
        %mul3A_445 = arith.constant 16 : i32
        %mul3A_446 = arith.muli %scan3A_420, %mul3A_445 : i32
        %add3A_447 = arith.constant 768 : i32
        %add3A_448 = arith.addi %add3A_447, %mul3A_446 : i32
        %get3A_449 = arith.index_cast %add3A_448 : i32 to index
        %get3A_450 = tpu.vector_load %arg12[%get3A_449] {strides = array<i32>} : memref<4096xi32, #tpu.memory_space<vmem>>, vector<16xi32>,
        %add3A_451 = arith.addi %add3A_444, %get3A_450 : vector<16xi32>
        %mul3A_452 = arith.constant 16 : i32
        %mul3A_453 = arith.muli %scan3A_420, %mul3A_452 : i32
        %add3A_454 = arith.constant 1024 : i32
        %add3A_455 = arith.addi %add3A_454, %mul3A_453 : i32
        %get3A_456 = arith.index_cast %add3A_455 : i32 to index
        %get3A_457 = tpu.vector_load %arg12[%get3A_456] {strides = array<i32>} : memref<4096xi32, #tpu.memory_space<vmem>>, vector<16xi32>,
        %add3A_458 = arith.addi %add3A_451, %get3A_457 : vector<16xi32>
        %mul3A_459 = arith.constant 16 : i32
        %mul3A_460 = arith.muli %scan3A_420, %mul3A_459 : i32
        %add3A_461 = arith.constant 1280 : i32
        %add3A_462 = arith.addi %add3A_461, %mul3A_460 : i32
        %get3A_463 = arith.index_cast %add3A_462 : i32 to index
        %get3A_464 = tpu.vector_load %arg12[%get3A_463] {strides = array<i32>} : memref<4096xi32, #tpu.memory_space<vmem>>, vector<16xi32>,
        %add3A_465 = arith.addi %add3A_458, %get3A_464 : vector<16xi32>
        %mul3A_466 = arith.constant 16 : i32
        %mul3A_467 = arith.muli %scan3A_420, %mul3A_466 : i32
        %add3A_468 = arith.constant 1536 : i32
        %add3A_469 = arith.addi %add3A_468, %mul3A_467 : i32
        %get3A_470 = arith.index_cast %add3A_469 : i32 to index
        %get3A_471 = tpu.vector_load %arg12[%get3A_470] {strides = array<i32>} : memref<4096xi32, #tpu.memory_space<vmem>>, vector<16xi32>,
        %add3A_472 = arith.addi %add3A_465, %get3A_471 : vector<16xi32>
        %mul3A_473 = arith.constant 16 : i32
        %mul3A_474 = arith.muli %scan3A_420, %mul3A_473 : i32
        %add3A_475 = arith.constant 1792 : i32
        %add3A_476 = arith.addi %add3A_475, %mul3A_474 : i32
        %get3A_477 = arith.index_cast %add3A_476 : i32 to index
        %get3A_478 = tpu.vector_load %arg12[%get3A_477] {strides = array<i32>} : memref<4096xi32, #tpu.memory_space<vmem>>, vector<16xi32>,
        %add3A_479 = arith.addi %add3A_472, %get3A_478 : vector<16xi32>
        %mul3A_480 = arith.constant 16 : i32
        %mul3A_481 = arith.muli %scan3A_420, %mul3A_480 : i32
        %add3A_482 = arith.constant 2048 : i32
        %add3A_483 = arith.addi %add3A_482, %mul3A_481 : i32
        %get3A_484 = arith.index_cast %add3A_483 : i32 to index
        %get3A_485 = tpu.vector_load %arg12[%get3A_484] {strides = array<i32>} : memref<4096xi32, #tpu.memory_space<vmem>>, vector<16xi32>,
        %add3A_486 = arith.addi %add3A_479, %get3A_485 : vector<16xi32>
        %mul3A_487 = arith.constant 16 : i32
        %mul3A_488 = arith.muli %scan3A_420, %mul3A_487 : i32
        %add3A_489 = arith.constant 2304 : i32
        %add3A_490 = arith.addi %add3A_489, %mul3A_488 : i32
        %get3A_491 = arith.index_cast %add3A_490 : i32 to index
        %get3A_492 = tpu.vector_load %arg12[%get3A_491] {strides = array<i32>} : memref<4096xi32, #tpu.memory_space<vmem>>, vector<16xi32>,
        %add3A_493 = arith.addi %add3A_486, %get3A_492 : vector<16xi32>
        %mul3A_494 = arith.constant 16 : i32
        %mul3A_495 = arith.muli %scan3A_420, %mul3A_494 : i32
        %add3A_496 = arith.constant 2560 : i32
        %add3A_497 = arith.addi %add3A_496, %mul3A_495 : i32
        %get3A_498 = arith.index_cast %add3A_497 : i32 to index
        %get3A_499 = tpu.vector_load %arg12[%get3A_498] {strides = array<i32>} : memref<4096xi32, #tpu.memory_space<vmem>>, vector<16xi32>,
        %add3A_500 = arith.addi %add3A_493, %get3A_499 : vector<16xi32>
        %mul3A_501 = arith.constant 16 : i32
        %mul3A_502 = arith.muli %scan3A_420, %mul3A_501 : i32
        %add3A_503 = arith.constant 2816 : i32
        %add3A_504 = arith.addi %add3A_503, %mul3A_502 : i32
        %get3A_505 = arith.index_cast %add3A_504 : i32 to index
        %get3A_506 = tpu.vector_load %arg12[%get3A_505] {strides = array<i32>} : memref<4096xi32, #tpu.memory_space<vmem>>, vector<16xi32>,
        %add3A_507 = arith.addi %add3A_500, %get3A_506 : vector<16xi32>
        %mul3A_508 = arith.constant 16 : i32
        %mul3A_509 = arith.muli %scan3A_420, %mul3A_508 : i32
        %add3A_510 = arith.constant 3072 : i32
        %add3A_511 = arith.addi %add3A_510, %mul3A_509 : i32
        %get3A_512 = arith.index_cast %add3A_511 : i32 to index
        %get3A_513 = tpu.vector_load %arg12[%get3A_512] {strides = array<i32>} : memref<4096xi32, #tpu.memory_space<vmem>>, vector<16xi32>,
        %add3A_514 = arith.addi %add3A_507, %get3A_513 : vector<16xi32>
        %mul3A_515 = arith.constant 16 : i32
        %mul3A_516 = arith.muli %scan3A_420, %mul3A_515 : i32
        %add3A_517 = arith.constant 3328 : i32
        %add3A_518 = arith.addi %add3A_517, %mul3A_516 : i32
        %get3A_519 = arith.index_cast %add3A_518 : i32 to index
        %get3A_520 = tpu.vector_load %arg12[%get3A_519] {strides = array<i32>} : memref<4096xi32, #tpu.memory_space<vmem>>, vector<16xi32>,
        %add3A_521 = arith.addi %add3A_514, %get3A_520 : vector<16xi32>
        %mul3A_522 = arith.constant 16 : i32
        %mul3A_523 = arith.muli %scan3A_420, %mul3A_522 : i32
        %add3A_524 = arith.constant 3584 : i32
        %add3A_525 = arith.addi %add3A_524, %mul3A_523 : i32
        %get3A_526 = arith.index_cast %add3A_525 : i32 to index
        %get3A_527 = tpu.vector_load %arg12[%get3A_526] {strides = array<i32>} : memref<4096xi32, #tpu.memory_space<vmem>>, vector<16xi32>,
        %add3A_528 = arith.addi %add3A_521, %get3A_527 : vector<16xi32>
        %mul3A_529 = arith.constant 16 : i32
        %mul3A_530 = arith.muli %scan3A_420, %mul3A_529 : i32
        %add3A_531 = arith.constant 3840 : i32
        %add3A_532 = arith.addi %add3A_531, %mul3A_530 : i32
        %get3A_533 = arith.index_cast %add3A_532 : i32 to index
        %get3A_534 = tpu.vector_load %arg12[%get3A_533] {strides = array<i32>} : memref<4096xi32, #tpu.memory_space<vmem>>, vector<16xi32>,
        %add3A_535 = arith.addi %add3A_528, %get3A_534 : vector<16xi32>
        %mul3A_536 = arith.constant 16 : i32
        %mul3A_537 = arith.muli %scan3A_420, %mul3A_536 : i32
        %swap3A_538 = arith.index_cast %mul3A_537 : i32 to index
        %swap3A_539 = tpu.vector_load %arg11[%swap3A_538] {strides = array<i32>} : memref<1024xi32, #tpu.memory_space<vmem>>, vector<16xi32>,
        tpu.vector_store %arg11[%swap3A_538], %add3A_535 {strides = array<i32>} : memref<1024xi32, #tpu.memory_space<vmem>>, vector<16xi32>,
        %scan3A_540 = arith.constant 0 : i32
        scf.yield %scan3A_540 : i32
      }
      %scan3A_388 = arith.constant 16 : i32
      %sub3A_389 = arith.subi %reduce_sum3A_374, %max3A_381 : i32
      %iota3A_390 = tpu.iota {dimensions = array<i32: 0>} : vector<16xi32>
      %scan3A_391 = arith.constant 0 : i32
      %scan3A_392 = arith.constant 0 : i32
      %scan3A_393 = arith.constant 0 : i32
      %scan3A_394 = arith.constant 0 : i32
      %scan3A_395 = arith.constant 0 : i32
      %scan3A_396 = arith.constant 16 : i32
      %scan3A_397 = arith.addi %scan3A_395, %scan3A_396 : i32
      %scan3A_398 = arith.constant 1 : i32
      %scan3A_399:4 = scf.for %scan3A_420 = %scan3A_395 to %scan3A_397 step %scan3A_398 iter_args(%scan3A_421 = %scan3A_391, %scan3A_422 = %scan3A_392, %scan3A_423 = %scan3A_393, %scan3A_424 = %scan3A_394) -> (i32, i32, i32, i32)  : i32 {
        %mul3A_425 = arith.constant 16 : i32
        %mul3A_426 = arith.muli %scan3A_420, %mul3A_425 : i32
        %get3A_427 = arith.index_cast %mul3A_426 : i32 to index
        %get3A_428 = tpu.vector_load %arg11[%get3A_427] {strides = array<i32>} : memref<1024xi32, #tpu.memory_space<vmem>>, vector<16xi32>,
        %broadcast_in_dim3A_429 = arith.constant true
        %broadcast_in_dim3A_430 = vector.broadcast %broadcast_in_dim3A_429 : i1 to vector<16xi1>
        %masked_cumsum3A = tpu.scan <sum>, %get3A_428 masked %broadcast_in_dim3A_430 : vector<16xi32>, vector<16xi1> -> vector<16xi32>
        %add3A_431 = vector.broadcast %scan3A_421 : i32 to vector<16xi32>
        %add3A_432 = arith.addi %masked_cumsum3A, %add3A_431 : vector<16xi32>
        %sub3A_433 = arith.subi %add3A_432, %get3A_428 : vector<16xi32>
        %broadcast_in_dim3A_434 = vector.broadcast %sub3A_389 : i32 to vector<16xi32>
        %le3A = arith.cmpi sle, %sub3A_433, %broadcast_in_dim3A_434 : vector<16xi32>
        %lt3A_435 = arith.cmpi slt, %broadcast_in_dim3A_434, %add3A_432 : vector<16xi32>
        %and3A_436 = arith.andi %le3A, %lt3A_435 : vector<16xi1>
        %broadcast_in_dim3A_437 = arith.constant 0 : i32
        %broadcast_in_dim3A_438 = vector.broadcast %broadcast_in_dim3A_437 : i32 to vector<16xi32>
        %mul3A_439 = arith.constant 16 : i32
        %mul3A_440 = arith.muli %scan3A_420, %mul3A_439 : i32
        %add3A_441 = vector.broadcast %mul3A_440 : i32 to vector<16xi32>
        %add3A_442 = arith.addi %iota3A_390, %add3A_441 : vector<16xi32>
        %select_n3A_443 = arith.select %and3A_436, %add3A_442, %broadcast_in_dim3A_438 : vector<16xi1>, vector<16xi32>
        %reduce_sum3A_444 = arith.constant true
        %reduce_sum3A_445 = vector.broadcast %reduce_sum3A_444 : i1 to vector<16xi1>
        %reduce_sum3A_446 = tpu.scan <sum>, %select_n3A_443 masked %reduce_sum3A_445 : vector<16xi32>, vector<16xi1> -> vector<16xi32>
        %reduce_sum3A_447 = vector.extract %reduce_sum3A_446[15] : i32 from vector<16xi32>
        %add3A_448 = arith.addi %scan3A_422, %reduce_sum3A_447 : i32
        %select_n3A_449 = arith.select %and3A_436, %add3A_432, %broadcast_in_dim3A_438 : vector<16xi1>, vector<16xi32>
        %reduce_sum3A_450 = arith.constant true
        %reduce_sum3A_451 = vector.broadcast %reduce_sum3A_450 : i1 to vector<16xi1>
        %reduce_sum3A_452 = tpu.scan <sum>, %select_n3A_449 masked %reduce_sum3A_451 : vector<16xi32>, vector<16xi1> -> vector<16xi32>
        %reduce_sum3A_453 = vector.extract %reduce_sum3A_452[15] : i32 from vector<16xi32>
        %add3A_454 = arith.addi %scan3A_423, %reduce_sum3A_453 : i32
        %select_n3A_455 = arith.select %and3A_436, %get3A_428, %broadcast_in_dim3A_438 : vector<16xi1>, vector<16xi32>
        %reduce_sum3A_456 = arith.constant true
        %reduce_sum3A_457 = vector.broadcast %reduce_sum3A_456 : i1 to vector<16xi1>
        %reduce_sum3A_458 = tpu.scan <sum>, %select_n3A_455 masked %reduce_sum3A_457 : vector<16xi32>, vector<16xi1> -> vector<16xi32>
        %reduce_sum3A_459 = vector.extract %reduce_sum3A_458[15] : i32 from vector<16xi32>
        %add3A_460 = arith.addi %scan3A_424, %reduce_sum3A_459 : i32
        %reduce_sum3A_461 = arith.constant true
        %reduce_sum3A_462 = vector.broadcast %reduce_sum3A_461 : i1 to vector<16xi1>
        %reduce_sum3A_463 = tpu.scan <sum>, %get3A_428 masked %reduce_sum3A_462 : vector<16xi32>, vector<16xi1> -> vector<16xi32>
        %reduce_sum3A_464 = vector.extract %reduce_sum3A_463[15] : i32 from vector<16xi32>
        %add3A_465 = arith.addi %scan3A_421, %reduce_sum3A_464 : i32
        scf.yield %add3A_465, %add3A_448, %add3A_454, %add3A_460 : i32, i32, i32, i32
      }
      %scan3A_400 = arith.constant 16 : i32
      %sub3A_401 = arith.subi %scan3A_399#2, %sub3A_389 : i32
      %swap3A_402 = arith.constant 0 : i32
      %swap3A_403 = arith.index_cast %swap3A_402 : i32 to index
      %swap3A_404 = memref.load %arg17[%swap3A_403] : memref<8xi32, #tpu.memory_space<smem>>
      memref.store %sub3A_401, %arg17[%swap3A_403] : memref<8xi32, #tpu.memory_space<smem>>
      %swap3A_405 = arith.constant 1 : i32
      %swap3A_406 = arith.index_cast %swap3A_405 : i32 to index
      %swap3A_407 = memref.load %arg17[%swap3A_406] : memref<8xi32, #tpu.memory_space<smem>>
      memref.store %scan3A_399#1, %arg17[%swap3A_406] : memref<8xi32, #tpu.memory_space<smem>>
      %swap3A_408 = arith.constant 2 : i32
      %swap3A_409 = arith.index_cast %swap3A_408 : i32 to index
      %swap3A_410 = memref.load %arg17[%swap3A_409] : memref<8xi32, #tpu.memory_space<smem>>
      memref.store %max3A_381, %arg17[%swap3A_409] : memref<8xi32, #tpu.memory_space<smem>>
      %swap3A_411 = arith.constant 5 : i32
      %swap3A_412 = arith.index_cast %swap3A_411 : i32 to index
      %swap3A_413 = memref.load %arg17[%swap3A_412] : memref<8xi32, #tpu.memory_space<smem>>
      memref.store %scan3A_399#3, %arg17[%swap3A_412] : memref<8xi32, #tpu.memory_space<smem>>
      %swap3A_414 = arith.constant 0 : i32
      %swap3A_415 = arith.index_cast %swap3A_414 : i32 to index
      %swap3A_416 = memref.load %arg18[%swap3A_415] : memref<8xf32, #tpu.memory_space<smem>>
      memref.store %reduce_sum3A_378, %arg18[%swap3A_415] : memref<8xf32, #tpu.memory_space<smem>>
      %broadcast_in_dim3A_417 = vector.broadcast %scan3A_399#1 : i32 to vector<16xi32>
      %swap3A_418 = arith.constant 0 : index
      %swap3A_419 = tpu.vector_load %arg15[%swap3A_418] {strides = array<i32>} : memref<128xi32, #tpu.memory_space<vmem>>, vector<16xi32>,
      tpu.vector_store %arg15[%swap3A_418], %broadcast_in_dim3A_417 {strides = array<i32>} : memref<128xi32, #tpu.memory_space<vmem>>, vector<16xi32>,
      "tpu.region"() ({
        %run_scoped3A = tpu.sem_alloc : memref<!tpu.dma_semaphore, #tpu.memory_space<semaphore_mem>>
        tpu.enqueue_dma source(%arg15 : memref<128xi32, #tpu.memory_space<vmem>>) target(%arg23 : memref<128xi32, #tpu.memory_space<vmem_shared>>) target_semaphore(%run_scoped3A : memref<!tpu.dma_semaphore, #tpu.memory_space<semaphore_mem>>)
        tpu.wait_dma2 semaphore(%run_scoped3A : memref<!tpu.dma_semaphore, #tpu.memory_space<semaphore_mem>>) src(%arg15 : memref<128xi32, #tpu.memory_space<vmem>>) dst(%arg23 : memref<128xi32, #tpu.memory_space<vmem_shared>>)
        tpu.yield
      }) : () -> ()
    } else {
    }
    %barrier3A_44 = arith.constant 0 : index
    tpu.barrier barrier_id(%barrier3A_44)
    "tpu.region"() ({
      %run_scoped3A = tpu.sem_alloc : memref<!tpu.dma_semaphore, #tpu.memory_space<semaphore_mem>>
      tpu.enqueue_dma source(%arg23 : memref<128xi32, #tpu.memory_space<vmem_shared>>) target(%arg13 : memref<128xi32, #tpu.memory_space<vmem>>) target_semaphore(%run_scoped3A : memref<!tpu.dma_semaphore, #tpu.memory_space<semaphore_mem>>)
      tpu.wait_dma2 semaphore(%run_scoped3A : memref<!tpu.dma_semaphore, #tpu.memory_space<semaphore_mem>>) src(%arg23 : memref<128xi32, #tpu.memory_space<vmem_shared>>) dst(%arg13 : memref<128xi32, #tpu.memory_space<vmem>>)
      tpu.yield
    }) : () -> ()
    %get3A = arith.constant 0 : index
    %get3A_45 = tpu.vector_load %arg13[%get3A] {strides = array<i32>} : memref<128xi32, #tpu.memory_space<vmem>>, vector<16xi32>,
    %broadcast_in_dim3A_46 = arith.constant 0 : i32
    %broadcast_in_dim3A_47 = vector.broadcast %broadcast_in_dim3A_46 : i32 to vector<16xi32>
    %scan3A_48 = arith.constant 0 : i32
    %scan3A_49 = arith.constant 0 : i32
    %scan3A_50 = arith.constant 64 : i32
    %scan3A_51 = arith.addi %scan3A_49, %scan3A_50 : i32
    %scan3A_52 = arith.constant 1 : i32
    %scan3A_53 = scf.for %scan3A_202 = %scan3A_49 to %scan3A_51 step %scan3A_52 iter_args(%scan3A_203 = %scan3A_48) -> (i32)  : i32 {
      %mul3A_204 = arith.constant 16 : i32
      %mul3A_205 = arith.muli %scan3A_202, %mul3A_204 : i32
      %swap3A_206 = arith.index_cast %mul3A_205 : i32 to index
      %swap3A_207 = tpu.vector_load %arg11[%swap3A_206] {strides = array<i32>} : memref<1024xi32, #tpu.memory_space<vmem>>, vector<16xi32>,
      tpu.vector_store %arg11[%swap3A_206], %broadcast_in_dim3A_47 {strides = array<i32>} : memref<1024xi32, #tpu.memory_space<vmem>>, vector<16xi32>,
      %scan3A_208 = arith.constant 0 : i32
      scf.yield %scan3A_208 : i32
    }
    %scan3A_54 = arith.constant 64 : i32
    %parallel_loop3A_55 = arith.constant 0 : i32
    %parallel_loop3A_56 = arith.constant 392 : i32
    %parallel_loop3A_57 = arith.constant 1 : i32
    %parallel_loop3A_58 = arith.constant 0 : i32
    %parallel_loop3A_59 = scf.for %parallel_loop3A_202 = %parallel_loop3A_55 to %parallel_loop3A_56 step %parallel_loop3A_57 iter_args(%parallel_loop3A_203 = %parallel_loop3A_58) -> (i32)  : i32 {
      %parallel_loop3A_204 = arith.constant 16 : i32
      %parallel_loop3A_205 = arith.muli %parallel_loop3A_202, %parallel_loop3A_204 : i32
      %parallel_loop3A_206 = arith.index_cast %parallel_loop3A_205 : i32 to index
      %parallel_loop3A_207 = tpu.vector_load %arg8[%parallel_loop3A_206] {strides = array<i32>} : memref<6272xi32, #tpu.memory_space<vmem>>, vector<16xi32>,
      %parallel_loop3A_208 = arith.constant 23 : i32
      %parallel_loop3A_209 = vector.broadcast %parallel_loop3A_208 : i32 to vector<16xi32>
      %parallel_loop3A_210 = arith.shrsi %parallel_loop3A_207, %parallel_loop3A_209 : vector<16xi32>
      %parallel_loop3A_211 = arith.cmpi eq, %parallel_loop3A_210, %get3A_45 : vector<16xi32>
      %parallel_loop3A_212 = arith.constant 15 : i32
      %parallel_loop3A_213 = vector.broadcast %parallel_loop3A_212 : i32 to vector<16xi32>
      %parallel_loop3A_214 = arith.shrsi %parallel_loop3A_207, %parallel_loop3A_213 : vector<16xi32>
      %parallel_loop3A_215 = arith.constant 255 : i32
      %parallel_loop3A_216 = vector.broadcast %parallel_loop3A_215 : i32 to vector<16xi32>
      %parallel_loop3A_217 = arith.andi %parallel_loop3A_214, %parallel_loop3A_216 : vector<16xi32>
      %parallel_loop3A_218 = arith.constant 3 : i32
      %parallel_loop3A_219 = arith.andi %parallel_loop3A_202, %parallel_loop3A_218 : i32
      %parallel_loop3A_220 = arith.constant 8 : i32
      %parallel_loop3A_221 = arith.shli %parallel_loop3A_219, %parallel_loop3A_220 : i32
      %parallel_loop3A_222 = vector.broadcast %parallel_loop3A_221 : i32 to vector<16xi32>
      %parallel_loop3A_223 = arith.addi %parallel_loop3A_217, %parallel_loop3A_222 : vector<16xi32>
      %parallel_loop3A_224, %parallel_loop3A_225 = tpu.scan_count mask(%parallel_loop3A_211 : vector<16xi1>) value(%parallel_loop3A_223 : vector<16xi32>) : vector<16xi1>, vector<16xi32>
      tpu.vector_store_idx %arg11[%parallel_loop3A_223], %parallel_loop3A_225 masked %parallel_loop3A_224 {add = true} : memref<1024xi32, #tpu.memory_space<vmem>>[vector<16xi32>], vector<16xi32>, vector<16xi1>
      %parallel_loop3A_226 = arith.index_cast %parallel_loop3A_203 : i32 to index
      %parallel_loop3A_227 = tpu.vector_load %arg9[%parallel_loop3A_226] masked %parallel_loop3A_211 {strides = array<i32>} : memref<6288xi32, #tpu.memory_space<vmem>>, vector<16xi32>, vector<16xi1>
      tpu.vector_store %arg9[%parallel_loop3A_226], %parallel_loop3A_207 masked %parallel_loop3A_211 {strides = array<i32>} : memref<6288xi32, #tpu.memory_space<vmem>>, vector<16xi32>, vector<16xi1>
      %parallel_loop3A_228 = arith.select %parallel_loop3A_211, %broadcast_in_dim3A_15, %broadcast_in_dim3A_19 : vector<16xi1>, vector<16xi32>
      %parallel_loop3A_229 = arith.constant true
      %parallel_loop3A_230 = vector.broadcast %parallel_loop3A_229 : i1 to vector<16xi1>
      %parallel_loop3A_231 = tpu.scan <sum>, %parallel_loop3A_228 masked %parallel_loop3A_230 : vector<16xi32>, vector<16xi1> -> vector<16xi32>
      %parallel_loop3A_232 = vector.extract %parallel_loop3A_231[15] : i32 from vector<16xi32>
      %parallel_loop3A_233 = arith.addi %parallel_loop3A_203, %parallel_loop3A_232 : i32
      scf.yield %parallel_loop3A_233 : i32
    } {sc.loop_unroll_factor = 4 : i64, sc.parallel_access}
    %scan3A_60 = arith.constant 0 : i32
    %scan3A_61 = arith.constant 0 : i32
    %scan3A_62 = arith.constant 16 : i32
    %scan3A_63 = arith.addi %scan3A_61, %scan3A_62 : i32
    %scan3A_64 = arith.constant 1 : i32
    %scan3A_65 = scf.for %scan3A_202 = %scan3A_61 to %scan3A_63 step %scan3A_64 iter_args(%scan3A_203 = %scan3A_60) -> (i32)  : i32 {
      %mul3A_204 = arith.constant 16 : i32
      %mul3A_205 = arith.muli %scan3A_202, %mul3A_204 : i32
      %get3A_206 = arith.index_cast %mul3A_205 : i32 to index
      %get3A_207 = tpu.vector_load %arg11[%get3A_206] {strides = array<i32>} : memref<1024xi32, #tpu.memory_space<vmem>>, vector<16xi32>,
      %mul3A_208 = arith.constant 16 : i32
      %mul3A_209 = arith.muli %scan3A_202, %mul3A_208 : i32
      %add3A_210 = arith.constant 256 : i32
      %add3A_211 = arith.addi %add3A_210, %mul3A_209 : i32
      %get3A_212 = arith.index_cast %add3A_211 : i32 to index
      %get3A_213 = tpu.vector_load %arg11[%get3A_212] {strides = array<i32>} : memref<1024xi32, #tpu.memory_space<vmem>>, vector<16xi32>,
      %add3A_214 = arith.addi %get3A_207, %get3A_213 : vector<16xi32>
      %mul3A_215 = arith.constant 16 : i32
      %mul3A_216 = arith.muli %scan3A_202, %mul3A_215 : i32
      %add3A_217 = arith.constant 512 : i32
      %add3A_218 = arith.addi %add3A_217, %mul3A_216 : i32
      %get3A_219 = arith.index_cast %add3A_218 : i32 to index
      %get3A_220 = tpu.vector_load %arg11[%get3A_219] {strides = array<i32>} : memref<1024xi32, #tpu.memory_space<vmem>>, vector<16xi32>,
      %add3A_221 = arith.addi %add3A_214, %get3A_220 : vector<16xi32>
      %mul3A_222 = arith.constant 16 : i32
      %mul3A_223 = arith.muli %scan3A_202, %mul3A_222 : i32
      %add3A_224 = arith.constant 768 : i32
      %add3A_225 = arith.addi %add3A_224, %mul3A_223 : i32
      %get3A_226 = arith.index_cast %add3A_225 : i32 to index
      %get3A_227 = tpu.vector_load %arg11[%get3A_226] {strides = array<i32>} : memref<1024xi32, #tpu.memory_space<vmem>>, vector<16xi32>,
      %add3A_228 = arith.addi %add3A_221, %get3A_227 : vector<16xi32>
      %mul3A_229 = arith.constant 16 : i32
      %mul3A_230 = arith.muli %scan3A_202, %mul3A_229 : i32
      %swap3A_231 = arith.index_cast %mul3A_230 : i32 to index
      %swap3A_232 = tpu.vector_load %arg11[%swap3A_231] {strides = array<i32>} : memref<1024xi32, #tpu.memory_space<vmem>>, vector<16xi32>,
      tpu.vector_store %arg11[%swap3A_231], %add3A_228 {strides = array<i32>} : memref<1024xi32, #tpu.memory_space<vmem>>, vector<16xi32>,
      %scan3A_233 = arith.constant 0 : i32
      scf.yield %scan3A_233 : i32
    }
    %scan3A_66 = arith.constant 16 : i32
    %mul3A_67 = arith.constant 256 : i32
    %mul3A_68 = arith.muli %arg1, %mul3A_67 : i32
    "tpu.region"() ({
      %run_scoped3A = tpu.sem_alloc : memref<!tpu.dma_semaphore, #tpu.memory_space<semaphore_mem>>
      %dma_start3A = arith.constant 0 : i32
      %dma_start3A_202 = tpu.memref_slice %arg11[%dma_start3A] : memref<1024xi32, #tpu.memory_space<vmem>> -> memref<256xi32, #tpu.memory_space<vmem>>
      %dma_start3A_203 = tpu.memref_slice %arg20[%mul3A_68] : memref<4096xi32, #tpu.memory_space<vmem_shared>> -> memref<256xi32, #tpu.memory_space<vmem_shared>>
      %dma_start3A_204 = tpu.memref_slice %arg20[%mul3A_68] : memref<4096xi32, #tpu.memory_space<vmem_shared>> -> memref<256xi32, #tpu.memory_space<vmem_shared>>
      %dma_start3A_205 = arith.constant 0 : i32
      %dma_start3A_206 = tpu.memref_slice %arg11[%dma_start3A_205] : memref<1024xi32, #tpu.memory_space<vmem>> -> memref<256xi32, #tpu.memory_space<vmem>>
      tpu.enqueue_dma source(%dma_start3A_206 : memref<256xi32, #tpu.memory_space<vmem>>) target(%dma_start3A_204 : memref<256xi32, #tpu.memory_space<vmem_shared>>) target_semaphore(%run_scoped3A : memref<!tpu.dma_semaphore, #tpu.memory_space<semaphore_mem>>)
      %dma_wait3A = arith.constant 0 : i32
      %dma_wait3A_207 = tpu.memref_slice %arg11[%dma_wait3A] : memref<1024xi32, #tpu.memory_space<vmem>> -> memref<256xi32, #tpu.memory_space<vmem>>
      %dma_wait3A_208 = tpu.memref_slice %arg20[%mul3A_68] : memref<4096xi32, #tpu.memory_space<vmem_shared>> -> memref<256xi32, #tpu.memory_space<vmem_shared>>
      %dma_wait3A_209 = tpu.memref_slice %arg20[%mul3A_68] : memref<4096xi32, #tpu.memory_space<vmem_shared>> -> memref<256xi32, #tpu.memory_space<vmem_shared>>
      %dma_wait3A_210 = arith.constant 0 : i32
      %dma_wait3A_211 = tpu.memref_slice %arg11[%dma_wait3A_210] : memref<1024xi32, #tpu.memory_space<vmem>> -> memref<256xi32, #tpu.memory_space<vmem>>
      tpu.wait_dma2 semaphore(%run_scoped3A : memref<!tpu.dma_semaphore, #tpu.memory_space<semaphore_mem>>) src(%dma_wait3A_211 : memref<256xi32, #tpu.memory_space<vmem>>) dst(%dma_wait3A_209 : memref<256xi32, #tpu.memory_space<vmem_shared>>)
      tpu.yield
    }) : () -> ()
    %barrier3A_69 = arith.constant 0 : index
    tpu.barrier barrier_id(%barrier3A_69)
    %eq3A_70 = arith.constant 0 : i32
    %eq3A_71 = arith.cmpi eq, %arg1, %eq3A_70 : i32
    %convert_element_type3A_72 = arith.extui %eq3A_71 : i1 to i32
    %cond3A_73 = arith.constant 0 : i32
    %cond3A_74 = arith.cmpi ne, %convert_element_type3A_72, %cond3A_73 : i32
    scf.if %cond3A_74 {
      %get3A_202 = arith.constant 0 : i32
      %get3A_203 = arith.index_cast %get3A_202 : i32 to index
      %get3A_204 = memref.load %arg17[%get3A_203] : memref<8xi32, #tpu.memory_space<smem>>
      %get3A_205 = arith.constant 1 : i32
      %get3A_206 = arith.index_cast %get3A_205 : i32 to index
      %get3A_207 = memref.load %arg17[%get3A_206] : memref<8xi32, #tpu.memory_space<smem>>
      "tpu.region"() ({
        %run_scoped3A = tpu.sem_alloc : memref<!tpu.dma_semaphore, #tpu.memory_space<semaphore_mem>>
        tpu.enqueue_dma source(%arg20 : memref<4096xi32, #tpu.memory_space<vmem_shared>>) target(%arg12 : memref<4096xi32, #tpu.memory_space<vmem>>) target_semaphore(%run_scoped3A : memref<!tpu.dma_semaphore, #tpu.memory_space<semaphore_mem>>)
        tpu.wait_dma2 semaphore(%run_scoped3A : memref<!tpu.dma_semaphore, #tpu.memory_space<semaphore_mem>>) src(%arg20 : memref<4096xi32, #tpu.memory_space<vmem_shared>>) dst(%arg12 : memref<4096xi32, #tpu.memory_space<vmem>>)
        tpu.yield
      }) : () -> ()
      %scan3A_208 = arith.constant 0 : i32
      %scan3A_209 = arith.constant 0 : i32
      %scan3A_210 = arith.constant 16 : i32
      %scan3A_211 = arith.addi %scan3A_209, %scan3A_210 : i32
      %scan3A_212 = arith.constant 1 : i32
      %scan3A_213 = scf.for %scan3A_244 = %scan3A_209 to %scan3A_211 step %scan3A_212 iter_args(%scan3A_245 = %scan3A_208) -> (i32)  : i32 {
        %broadcast_in_dim3A_246 = arith.constant 0 : i32
        %broadcast_in_dim3A_247 = vector.broadcast %broadcast_in_dim3A_246 : i32 to vector<16xi32>
        %mul3A_248 = arith.constant 16 : i32
        %mul3A_249 = arith.muli %scan3A_244, %mul3A_248 : i32
        %add3A_250 = arith.constant 0 : i32
        %add3A_251 = arith.addi %add3A_250, %mul3A_249 : i32
        %get3A_252 = arith.index_cast %add3A_251 : i32 to index
        %get3A_253 = tpu.vector_load %arg12[%get3A_252] {strides = array<i32>} : memref<4096xi32, #tpu.memory_space<vmem>>, vector<16xi32>,
        %add3A_254 = arith.addi %broadcast_in_dim3A_247, %get3A_253 : vector<16xi32>
        %mul3A_255 = arith.constant 16 : i32
        %mul3A_256 = arith.muli %scan3A_244, %mul3A_255 : i32
        %add3A_257 = arith.constant 256 : i32
        %add3A_258 = arith.addi %add3A_257, %mul3A_256 : i32
        %get3A_259 = arith.index_cast %add3A_258 : i32 to index
        %get3A_260 = tpu.vector_load %arg12[%get3A_259] {strides = array<i32>} : memref<4096xi32, #tpu.memory_space<vmem>>, vector<16xi32>,
        %add3A_261 = arith.addi %add3A_254, %get3A_260 : vector<16xi32>
        %mul3A_262 = arith.constant 16 : i32
        %mul3A_263 = arith.muli %scan3A_244, %mul3A_262 : i32
        %add3A_264 = arith.constant 512 : i32
        %add3A_265 = arith.addi %add3A_264, %mul3A_263 : i32
        %get3A_266 = arith.index_cast %add3A_265 : i32 to index
        %get3A_267 = tpu.vector_load %arg12[%get3A_266] {strides = array<i32>} : memref<4096xi32, #tpu.memory_space<vmem>>, vector<16xi32>,
        %add3A_268 = arith.addi %add3A_261, %get3A_267 : vector<16xi32>
        %mul3A_269 = arith.constant 16 : i32
        %mul3A_270 = arith.muli %scan3A_244, %mul3A_269 : i32
        %add3A_271 = arith.constant 768 : i32
        %add3A_272 = arith.addi %add3A_271, %mul3A_270 : i32
        %get3A_273 = arith.index_cast %add3A_272 : i32 to index
        %get3A_274 = tpu.vector_load %arg12[%get3A_273] {strides = array<i32>} : memref<4096xi32, #tpu.memory_space<vmem>>, vector<16xi32>,
        %add3A_275 = arith.addi %add3A_268, %get3A_274 : vector<16xi32>
        %mul3A_276 = arith.constant 16 : i32
        %mul3A_277 = arith.muli %scan3A_244, %mul3A_276 : i32
        %add3A_278 = arith.constant 1024 : i32
        %add3A_279 = arith.addi %add3A_278, %mul3A_277 : i32
        %get3A_280 = arith.index_cast %add3A_279 : i32 to index
        %get3A_281 = tpu.vector_load %arg12[%get3A_280] {strides = array<i32>} : memref<4096xi32, #tpu.memory_space<vmem>>, vector<16xi32>,
        %add3A_282 = arith.addi %add3A_275, %get3A_281 : vector<16xi32>
        %mul3A_283 = arith.constant 16 : i32
        %mul3A_284 = arith.muli %scan3A_244, %mul3A_283 : i32
        %add3A_285 = arith.constant 1280 : i32
        %add3A_286 = arith.addi %add3A_285, %mul3A_284 : i32
        %get3A_287 = arith.index_cast %add3A_286 : i32 to index
        %get3A_288 = tpu.vector_load %arg12[%get3A_287] {strides = array<i32>} : memref<4096xi32, #tpu.memory_space<vmem>>, vector<16xi32>,
        %add3A_289 = arith.addi %add3A_282, %get3A_288 : vector<16xi32>
        %mul3A_290 = arith.constant 16 : i32
        %mul3A_291 = arith.muli %scan3A_244, %mul3A_290 : i32
        %add3A_292 = arith.constant 1536 : i32
        %add3A_293 = arith.addi %add3A_292, %mul3A_291 : i32
        %get3A_294 = arith.index_cast %add3A_293 : i32 to index
        %get3A_295 = tpu.vector_load %arg12[%get3A_294] {strides = array<i32>} : memref<4096xi32, #tpu.memory_space<vmem>>, vector<16xi32>,
        %add3A_296 = arith.addi %add3A_289, %get3A_295 : vector<16xi32>
        %mul3A_297 = arith.constant 16 : i32
        %mul3A_298 = arith.muli %scan3A_244, %mul3A_297 : i32
        %add3A_299 = arith.constant 1792 : i32
        %add3A_300 = arith.addi %add3A_299, %mul3A_298 : i32
        %get3A_301 = arith.index_cast %add3A_300 : i32 to index
        %get3A_302 = tpu.vector_load %arg12[%get3A_301] {strides = array<i32>} : memref<4096xi32, #tpu.memory_space<vmem>>, vector<16xi32>,
        %add3A_303 = arith.addi %add3A_296, %get3A_302 : vector<16xi32>
        %mul3A_304 = arith.constant 16 : i32
        %mul3A_305 = arith.muli %scan3A_244, %mul3A_304 : i32
        %add3A_306 = arith.constant 2048 : i32
        %add3A_307 = arith.addi %add3A_306, %mul3A_305 : i32
        %get3A_308 = arith.index_cast %add3A_307 : i32 to index
        %get3A_309 = tpu.vector_load %arg12[%get3A_308] {strides = array<i32>} : memref<4096xi32, #tpu.memory_space<vmem>>, vector<16xi32>,
        %add3A_310 = arith.addi %add3A_303, %get3A_309 : vector<16xi32>
        %mul3A_311 = arith.constant 16 : i32
        %mul3A_312 = arith.muli %scan3A_244, %mul3A_311 : i32
        %add3A_313 = arith.constant 2304 : i32
        %add3A_314 = arith.addi %add3A_313, %mul3A_312 : i32
        %get3A_315 = arith.index_cast %add3A_314 : i32 to index
        %get3A_316 = tpu.vector_load %arg12[%get3A_315] {strides = array<i32>} : memref<4096xi32, #tpu.memory_space<vmem>>, vector<16xi32>,
        %add3A_317 = arith.addi %add3A_310, %get3A_316 : vector<16xi32>
        %mul3A_318 = arith.constant 16 : i32
        %mul3A_319 = arith.muli %scan3A_244, %mul3A_318 : i32
        %add3A_320 = arith.constant 2560 : i32
        %add3A_321 = arith.addi %add3A_320, %mul3A_319 : i32
        %get3A_322 = arith.index_cast %add3A_321 : i32 to index
        %get3A_323 = tpu.vector_load %arg12[%get3A_322] {strides = array<i32>} : memref<4096xi32, #tpu.memory_space<vmem>>, vector<16xi32>,
        %add3A_324 = arith.addi %add3A_317, %get3A_323 : vector<16xi32>
        %mul3A_325 = arith.constant 16 : i32
        %mul3A_326 = arith.muli %scan3A_244, %mul3A_325 : i32
        %add3A_327 = arith.constant 2816 : i32
        %add3A_328 = arith.addi %add3A_327, %mul3A_326 : i32
        %get3A_329 = arith.index_cast %add3A_328 : i32 to index
        %get3A_330 = tpu.vector_load %arg12[%get3A_329] {strides = array<i32>} : memref<4096xi32, #tpu.memory_space<vmem>>, vector<16xi32>,
        %add3A_331 = arith.addi %add3A_324, %get3A_330 : vector<16xi32>
        %mul3A_332 = arith.constant 16 : i32
        %mul3A_333 = arith.muli %scan3A_244, %mul3A_332 : i32
        %add3A_334 = arith.constant 3072 : i32
        %add3A_335 = arith.addi %add3A_334, %mul3A_333 : i32
        %get3A_336 = arith.index_cast %add3A_335 : i32 to index
        %get3A_337 = tpu.vector_load %arg12[%get3A_336] {strides = array<i32>} : memref<4096xi32, #tpu.memory_space<vmem>>, vector<16xi32>,
        %add3A_338 = arith.addi %add3A_331, %get3A_337 : vector<16xi32>
        %mul3A_339 = arith.constant 16 : i32
        %mul3A_340 = arith.muli %scan3A_244, %mul3A_339 : i32
        %add3A_341 = arith.constant 3328 : i32
        %add3A_342 = arith.addi %add3A_341, %mul3A_340 : i32
        %get3A_343 = arith.index_cast %add3A_342 : i32 to index
        %get3A_344 = tpu.vector_load %arg12[%get3A_343] {strides = array<i32>} : memref<4096xi32, #tpu.memory_space<vmem>>, vector<16xi32>,
        %add3A_345 = arith.addi %add3A_338, %get3A_344 : vector<16xi32>
        %mul3A_346 = arith.constant 16 : i32
        %mul3A_347 = arith.muli %scan3A_244, %mul3A_346 : i32
        %add3A_348 = arith.constant 3584 : i32
        %add3A_349 = arith.addi %add3A_348, %mul3A_347 : i32
        %get3A_350 = arith.index_cast %add3A_349 : i32 to index
        %get3A_351 = tpu.vector_load %arg12[%get3A_350] {strides = array<i32>} : memref<4096xi32, #tpu.memory_space<vmem>>, vector<16xi32>,
        %add3A_352 = arith.addi %add3A_345, %get3A_351 : vector<16xi32>
        %mul3A_353 = arith.constant 16 : i32
        %mul3A_354 = arith.muli %scan3A_244, %mul3A_353 : i32
        %add3A_355 = arith.constant 3840 : i32
        %add3A_356 = arith.addi %add3A_355, %mul3A_354 : i32
        %get3A_357 = arith.index_cast %add3A_356 : i32 to index
        %get3A_358 = tpu.vector_load %arg12[%get3A_357] {strides = array<i32>} : memref<4096xi32, #tpu.memory_space<vmem>>, vector<16xi32>,
        %add3A_359 = arith.addi %add3A_352, %get3A_358 : vector<16xi32>
        %mul3A_360 = arith.constant 16 : i32
        %mul3A_361 = arith.muli %scan3A_244, %mul3A_360 : i32
        %swap3A_362 = arith.index_cast %mul3A_361 : i32 to index
        %swap3A_363 = tpu.vector_load %arg11[%swap3A_362] {strides = array<i32>} : memref<1024xi32, #tpu.memory_space<vmem>>, vector<16xi32>,
        tpu.vector_store %arg11[%swap3A_362], %add3A_359 {strides = array<i32>} : memref<1024xi32, #tpu.memory_space<vmem>>, vector<16xi32>,
        %scan3A_364 = arith.constant 0 : i32
        scf.yield %scan3A_364 : i32
      }
      %scan3A_214 = arith.constant 16 : i32
      %get3A_215 = arith.constant 5 : i32
      %get3A_216 = arith.index_cast %get3A_215 : i32 to index
      %get3A_217 = memref.load %arg17[%get3A_216] : memref<8xi32, #tpu.memory_space<smem>>
      %sub3A_218 = arith.subi %get3A_217, %get3A_204 : i32
      %iota3A_219 = tpu.iota {dimensions = array<i32: 0>} : vector<16xi32>
      %scan3A_220 = arith.constant 0 : i32
      %scan3A_221 = arith.constant 0 : i32
      %scan3A_222 = arith.constant 0 : i32
      %scan3A_223 = arith.constant 0 : i32
      %scan3A_224 = arith.constant 0 : i32
      %scan3A_225 = arith.constant 16 : i32
      %scan3A_226 = arith.addi %scan3A_224, %scan3A_225 : i32
      %scan3A_227 = arith.constant 1 : i32
      %scan3A_228:4 = scf.for %scan3A_244 = %scan3A_224 to %scan3A_226 step %scan3A_227 iter_args(%scan3A_245 = %scan3A_220, %scan3A_246 = %scan3A_221, %scan3A_247 = %scan3A_222, %scan3A_248 = %scan3A_223) -> (i32, i32, i32, i32)  : i32 {
        %mul3A_249 = arith.constant 16 : i32
        %mul3A_250 = arith.muli %scan3A_244, %mul3A_249 : i32
        %get3A_251 = arith.index_cast %mul3A_250 : i32 to index
        %get3A_252 = tpu.vector_load %arg11[%get3A_251] {strides = array<i32>} : memref<1024xi32, #tpu.memory_space<vmem>>, vector<16xi32>,
        %broadcast_in_dim3A_253 = arith.constant true
        %broadcast_in_dim3A_254 = vector.broadcast %broadcast_in_dim3A_253 : i1 to vector<16xi1>
        %masked_cumsum3A = tpu.scan <sum>, %get3A_252 masked %broadcast_in_dim3A_254 : vector<16xi32>, vector<16xi1> -> vector<16xi32>
        %add3A_255 = vector.broadcast %scan3A_245 : i32 to vector<16xi32>
        %add3A_256 = arith.addi %masked_cumsum3A, %add3A_255 : vector<16xi32>
        %sub3A_257 = arith.subi %add3A_256, %get3A_252 : vector<16xi32>
        %broadcast_in_dim3A_258 = vector.broadcast %sub3A_218 : i32 to vector<16xi32>
        %le3A = arith.cmpi sle, %sub3A_257, %broadcast_in_dim3A_258 : vector<16xi32>
        %lt3A_259 = arith.cmpi slt, %broadcast_in_dim3A_258, %add3A_256 : vector<16xi32>
        %and3A_260 = arith.andi %le3A, %lt3A_259 : vector<16xi1>
        %broadcast_in_dim3A_261 = arith.constant 0 : i32
        %broadcast_in_dim3A_262 = vector.broadcast %broadcast_in_dim3A_261 : i32 to vector<16xi32>
        %mul3A_263 = arith.constant 16 : i32
        %mul3A_264 = arith.muli %scan3A_244, %mul3A_263 : i32
        %add3A_265 = vector.broadcast %mul3A_264 : i32 to vector<16xi32>
        %add3A_266 = arith.addi %iota3A_219, %add3A_265 : vector<16xi32>
        %select_n3A_267 = arith.select %and3A_260, %add3A_266, %broadcast_in_dim3A_262 : vector<16xi1>, vector<16xi32>
        %reduce_sum3A = arith.constant true
        %reduce_sum3A_268 = vector.broadcast %reduce_sum3A : i1 to vector<16xi1>
        %reduce_sum3A_269 = tpu.scan <sum>, %select_n3A_267 masked %reduce_sum3A_268 : vector<16xi32>, vector<16xi1> -> vector<16xi32>
        %reduce_sum3A_270 = vector.extract %reduce_sum3A_269[15] : i32 from vector<16xi32>
        %add3A_271 = arith.addi %scan3A_246, %reduce_sum3A_270 : i32
        %select_n3A_272 = arith.select %and3A_260, %add3A_256, %broadcast_in_dim3A_262 : vector<16xi1>, vector<16xi32>
        %reduce_sum3A_273 = arith.constant true
        %reduce_sum3A_274 = vector.broadcast %reduce_sum3A_273 : i1 to vector<16xi1>
        %reduce_sum3A_275 = tpu.scan <sum>, %select_n3A_272 masked %reduce_sum3A_274 : vector<16xi32>, vector<16xi1> -> vector<16xi32>
        %reduce_sum3A_276 = vector.extract %reduce_sum3A_275[15] : i32 from vector<16xi32>
        %add3A_277 = arith.addi %scan3A_247, %reduce_sum3A_276 : i32
        %select_n3A_278 = arith.select %and3A_260, %get3A_252, %broadcast_in_dim3A_262 : vector<16xi1>, vector<16xi32>
        %reduce_sum3A_279 = arith.constant true
        %reduce_sum3A_280 = vector.broadcast %reduce_sum3A_279 : i1 to vector<16xi1>
        %reduce_sum3A_281 = tpu.scan <sum>, %select_n3A_278 masked %reduce_sum3A_280 : vector<16xi32>, vector<16xi1> -> vector<16xi32>
        %reduce_sum3A_282 = vector.extract %reduce_sum3A_281[15] : i32 from vector<16xi32>
        %add3A_283 = arith.addi %scan3A_248, %reduce_sum3A_282 : i32
        %reduce_sum3A_284 = arith.constant true
        %reduce_sum3A_285 = vector.broadcast %reduce_sum3A_284 : i1 to vector<16xi1>
        %reduce_sum3A_286 = tpu.scan <sum>, %get3A_252 masked %reduce_sum3A_285 : vector<16xi32>, vector<16xi1> -> vector<16xi32>
        %reduce_sum3A_287 = vector.extract %reduce_sum3A_286[15] : i32 from vector<16xi32>
        %add3A_288 = arith.addi %scan3A_245, %reduce_sum3A_287 : i32
        scf.yield %add3A_288, %add3A_271, %add3A_277, %add3A_283 : i32, i32, i32, i32
      }
      %scan3A_229 = arith.constant 16 : i32
      %sub3A_230 = arith.subi %scan3A_228#2, %sub3A_218 : i32
      %shift_left3A = arith.constant 8 : i32
      %shift_left3A_231 = arith.shli %get3A_207, %shift_left3A : i32
      %or3A = arith.ori %shift_left3A_231, %scan3A_228#1 : i32
      %swap3A_232 = arith.constant 0 : i32
      %swap3A_233 = arith.index_cast %swap3A_232 : i32 to index
      %swap3A_234 = memref.load %arg17[%swap3A_233] : memref<8xi32, #tpu.memory_space<smem>>
      memref.store %sub3A_230, %arg17[%swap3A_233] : memref<8xi32, #tpu.memory_space<smem>>
      %swap3A_235 = arith.constant 1 : i32
      %swap3A_236 = arith.index_cast %swap3A_235 : i32 to index
      %swap3A_237 = memref.load %arg17[%swap3A_236] : memref<8xi32, #tpu.memory_space<smem>>
      memref.store %or3A, %arg17[%swap3A_236] : memref<8xi32, #tpu.memory_space<smem>>
      %swap3A_238 = arith.constant 5 : i32
      %swap3A_239 = arith.index_cast %swap3A_238 : i32 to index
      %swap3A_240 = memref.load %arg17[%swap3A_239] : memref<8xi32, #tpu.memory_space<smem>>
      memref.store %scan3A_228#3, %arg17[%swap3A_239] : memref<8xi32, #tpu.memory_space<smem>>
      %broadcast_in_dim3A_241 = vector.broadcast %or3A : i32 to vector<16xi32>
      %swap3A_242 = arith.constant 0 : index
      %swap3A_243 = tpu.vector_load %arg15[%swap3A_242] {strides = array<i32>} : memref<128xi32, #tpu.memory_space<vmem>>, vector<16xi32>,
      tpu.vector_store %arg15[%swap3A_242], %broadcast_in_dim3A_241 {strides = array<i32>} : memref<128xi32, #tpu.memory_space<vmem>>, vector<16xi32>,
      "tpu.region"() ({
        %run_scoped3A = tpu.sem_alloc : memref<!tpu.dma_semaphore, #tpu.memory_space<semaphore_mem>>
        tpu.enqueue_dma source(%arg15 : memref<128xi32, #tpu.memory_space<vmem>>) target(%arg23 : memref<128xi32, #tpu.memory_space<vmem_shared>>) target_semaphore(%run_scoped3A : memref<!tpu.dma_semaphore, #tpu.memory_space<semaphore_mem>>)
        tpu.wait_dma2 semaphore(%run_scoped3A : memref<!tpu.dma_semaphore, #tpu.memory_space<semaphore_mem>>) src(%arg15 : memref<128xi32, #tpu.memory_space<vmem>>) dst(%arg23 : memref<128xi32, #tpu.memory_space<vmem_shared>>)
        tpu.yield
      }) : () -> ()
    } else {
    }
    %barrier3A_75 = arith.constant 0 : index
    tpu.barrier barrier_id(%barrier3A_75)
    "tpu.region"() ({
      %run_scoped3A = tpu.sem_alloc : memref<!tpu.dma_semaphore, #tpu.memory_space<semaphore_mem>>
      tpu.enqueue_dma source(%arg23 : memref<128xi32, #tpu.memory_space<vmem_shared>>) target(%arg13 : memref<128xi32, #tpu.memory_space<vmem>>) target_semaphore(%run_scoped3A : memref<!tpu.dma_semaphore, #tpu.memory_space<semaphore_mem>>)
      tpu.wait_dma2 semaphore(%run_scoped3A : memref<!tpu.dma_semaphore, #tpu.memory_space<semaphore_mem>>) src(%arg23 : memref<128xi32, #tpu.memory_space<vmem_shared>>) dst(%arg13 : memref<128xi32, #tpu.memory_space<vmem>>)
      tpu.yield
    }) : () -> ()
    %get3A_76 = arith.constant 0 : index
    %get3A_77 = tpu.vector_load %arg13[%get3A_76] {strides = array<i32>} : memref<128xi32, #tpu.memory_space<vmem>>, vector<16xi32>,
    %broadcast_in_dim3A_78 = arith.constant 0 : i32
    %broadcast_in_dim3A_79 = vector.broadcast %broadcast_in_dim3A_78 : i32 to vector<16xi32>
    %scan3A_80 = arith.constant 0 : i32
    %scan3A_81 = arith.constant 0 : i32
    %scan3A_82 = arith.constant 64 : i32
    %scan3A_83 = arith.addi %scan3A_81, %scan3A_82 : i32
    %scan3A_84 = arith.constant 1 : i32
    %scan3A_85 = scf.for %scan3A_202 = %scan3A_81 to %scan3A_83 step %scan3A_84 iter_args(%scan3A_203 = %scan3A_80) -> (i32)  : i32 {
      %mul3A_204 = arith.constant 16 : i32
      %mul3A_205 = arith.muli %scan3A_202, %mul3A_204 : i32
      %swap3A_206 = arith.index_cast %mul3A_205 : i32 to index
      %swap3A_207 = tpu.vector_load %arg11[%swap3A_206] {strides = array<i32>} : memref<1024xi32, #tpu.memory_space<vmem>>, vector<16xi32>,
      tpu.vector_store %arg11[%swap3A_206], %broadcast_in_dim3A_79 {strides = array<i32>} : memref<1024xi32, #tpu.memory_space<vmem>>, vector<16xi32>,
      %scan3A_208 = arith.constant 0 : i32
      scf.yield %scan3A_208 : i32
    }
    %scan3A_86 = arith.constant 64 : i32
    %broadcast_in_dim3A_87 = vector.broadcast %parallel_loop3A_59 : i32 to vector<16xi32>
    %add3A = arith.constant 16 : i32
    %add3A_88 = arith.addi %parallel_loop3A_59, %add3A : i32
    %sub3A = arith.constant 1 : i32
    %sub3A_89 = arith.subi %add3A_88, %sub3A : i32
    %jit3A = arith.constant 16 : i32
    %div3A = arith.divsi %sub3A_89, %jit3A : i32
    %sign3A = arith.constant 0 : i32
    %sign3A_90 = arith.cmpi sgt, %sub3A_89, %sign3A : i32
    %sign3A_91 = arith.extui %sign3A_90 : i1 to i32
    %sign3A_92 = arith.constant 0 : i32
    %sign3A_93 = arith.cmpi slt, %sub3A_89, %sign3A_92 : i32
    %sign3A_94 = arith.extui %sign3A_93 : i1 to i32
    %sign3A_95 = arith.subi %sign3A_91, %sign3A_94 : i32
    %sign3A_96 = arith.constant 0 : i32
    %sign3A_97 = arith.cmpi sgt, %jit3A, %sign3A_96 : i32
    %sign3A_98 = arith.extui %sign3A_97 : i1 to i32
    %sign3A_99 = arith.constant 0 : i32
    %sign3A_100 = arith.cmpi slt, %jit3A, %sign3A_99 : i32
    %sign3A_101 = arith.extui %sign3A_100 : i1 to i32
    %sign3A_102 = arith.subi %sign3A_98, %sign3A_101 : i32
    %ne3A = arith.cmpi ne, %sign3A_95, %sign3A_102 : i32
    %rem3A = arith.remsi %sub3A_89, %jit3A : i32
    %ne3A_103 = arith.constant 0 : i32
    %ne3A_104 = arith.cmpi ne, %rem3A, %ne3A_103 : i32
    %and3A = arith.andi %ne3A, %ne3A_104 : i1
    %sub3A_105 = arith.constant 1 : i32
    %sub3A_106 = arith.subi %div3A, %sub3A_105 : i32
    %select_n3A = arith.select %and3A, %sub3A_106, %div3A : i32
    %parallel_loop3A_107 = arith.constant 0 : i32
    %parallel_loop3A_108 = arith.constant 1 : i32
    %parallel_loop3A_109 = arith.constant 0 : i32
    %parallel_loop3A_110 = scf.for %parallel_loop3A_202 = %parallel_loop3A_107 to %select_n3A step %parallel_loop3A_108 iter_args(%parallel_loop3A_203 = %parallel_loop3A_109) -> (i32)  : i32 {
      %parallel_loop3A_204 = arith.constant 16 : i32
      %parallel_loop3A_205 = arith.muli %parallel_loop3A_202, %parallel_loop3A_204 : i32
      %parallel_loop3A_206 = arith.index_cast %parallel_loop3A_205 : i32 to index
      %parallel_loop3A_207 = tpu.vector_load %arg9[%parallel_loop3A_206] {strides = array<i32>} : memref<6288xi32, #tpu.memory_space<vmem>>, vector<16xi32>,
      %parallel_loop3A_208 = arith.constant 16 : i32
      %parallel_loop3A_209 = arith.muli %parallel_loop3A_202, %parallel_loop3A_208 : i32
      %parallel_loop3A_210 = vector.broadcast %parallel_loop3A_209 : i32 to vector<16xi32>
      %parallel_loop3A_211 = arith.addi %parallel_loop3A_210, %iota3A : vector<16xi32>
      %parallel_loop3A_212 = arith.cmpi slt, %parallel_loop3A_211, %broadcast_in_dim3A_87 : vector<16xi32>
      %parallel_loop3A_213 = arith.constant 15 : i32
      %parallel_loop3A_214 = vector.broadcast %parallel_loop3A_213 : i32 to vector<16xi32>
      %parallel_loop3A_215 = arith.shrsi %parallel_loop3A_207, %parallel_loop3A_214 : vector<16xi32>
      %parallel_loop3A_216 = arith.cmpi eq, %parallel_loop3A_215, %get3A_77 : vector<16xi32>
      %parallel_loop3A_217 = arith.andi %parallel_loop3A_212, %parallel_loop3A_216 : vector<16xi1>
      %parallel_loop3A_218 = arith.constant 7 : i32
      %parallel_loop3A_219 = vector.broadcast %parallel_loop3A_218 : i32 to vector<16xi32>
      %parallel_loop3A_220 = arith.shrsi %parallel_loop3A_207, %parallel_loop3A_219 : vector<16xi32>
      %parallel_loop3A_221 = arith.constant 255 : i32
      %parallel_loop3A_222 = vector.broadcast %parallel_loop3A_221 : i32 to vector<16xi32>
      %parallel_loop3A_223 = arith.andi %parallel_loop3A_220, %parallel_loop3A_222 : vector<16xi32>
      %parallel_loop3A_224 = arith.constant 3 : i32
      %parallel_loop3A_225 = arith.andi %parallel_loop3A_202, %parallel_loop3A_224 : i32
      %parallel_loop3A_226 = arith.constant 8 : i32
      %parallel_loop3A_227 = arith.shli %parallel_loop3A_225, %parallel_loop3A_226 : i32
      %parallel_loop3A_228 = vector.broadcast %parallel_loop3A_227 : i32 to vector<16xi32>
      %parallel_loop3A_229 = arith.addi %parallel_loop3A_223, %parallel_loop3A_228 : vector<16xi32>
      %parallel_loop3A_230, %parallel_loop3A_231 = tpu.scan_count mask(%parallel_loop3A_217 : vector<16xi1>) value(%parallel_loop3A_229 : vector<16xi32>) : vector<16xi1>, vector<16xi32>
      tpu.vector_store_idx %arg11[%parallel_loop3A_229], %parallel_loop3A_231 masked %parallel_loop3A_230 {add = true} : memref<1024xi32, #tpu.memory_space<vmem>>[vector<16xi32>], vector<16xi32>, vector<16xi1>
      %parallel_loop3A_232 = arith.index_cast %parallel_loop3A_203 : i32 to index
      %parallel_loop3A_233 = tpu.vector_load %arg10[%parallel_loop3A_232] masked %parallel_loop3A_217 {strides = array<i32>} : memref<6288xi32, #tpu.memory_space<vmem>>, vector<16xi32>, vector<16xi1>
      tpu.vector_store %arg10[%parallel_loop3A_232], %parallel_loop3A_207 masked %parallel_loop3A_217 {strides = array<i32>} : memref<6288xi32, #tpu.memory_space<vmem>>, vector<16xi32>, vector<16xi1>
      %parallel_loop3A_234 = arith.select %parallel_loop3A_217, %broadcast_in_dim3A_15, %broadcast_in_dim3A_19 : vector<16xi1>, vector<16xi32>
      %parallel_loop3A_235 = arith.constant true
      %parallel_loop3A_236 = vector.broadcast %parallel_loop3A_235 : i1 to vector<16xi1>
      %parallel_loop3A_237 = tpu.scan <sum>, %parallel_loop3A_234 masked %parallel_loop3A_236 : vector<16xi32>, vector<16xi1> -> vector<16xi32>
      %parallel_loop3A_238 = vector.extract %parallel_loop3A_237[15] : i32 from vector<16xi32>
      %parallel_loop3A_239 = arith.addi %parallel_loop3A_203, %parallel_loop3A_238 : i32
      scf.yield %parallel_loop3A_239 : i32
    } {sc.loop_unroll_factor = 4 : i64, sc.parallel_access}
    %scan3A_111 = arith.constant 0 : i32
    %scan3A_112 = arith.constant 0 : i32
    %scan3A_113 = arith.constant 16 : i32
    %scan3A_114 = arith.addi %scan3A_112, %scan3A_113 : i32
    %scan3A_115 = arith.constant 1 : i32
    %scan3A_116 = scf.for %scan3A_202 = %scan3A_112 to %scan3A_114 step %scan3A_115 iter_args(%scan3A_203 = %scan3A_111) -> (i32)  : i32 {
      %mul3A_204 = arith.constant 16 : i32
      %mul3A_205 = arith.muli %scan3A_202, %mul3A_204 : i32
      %get3A_206 = arith.index_cast %mul3A_205 : i32 to index
      %get3A_207 = tpu.vector_load %arg11[%get3A_206] {strides = array<i32>} : memref<1024xi32, #tpu.memory_space<vmem>>, vector<16xi32>,
      %mul3A_208 = arith.constant 16 : i32
      %mul3A_209 = arith.muli %scan3A_202, %mul3A_208 : i32
      %add3A_210 = arith.constant 256 : i32
      %add3A_211 = arith.addi %add3A_210, %mul3A_209 : i32
      %get3A_212 = arith.index_cast %add3A_211 : i32 to index
      %get3A_213 = tpu.vector_load %arg11[%get3A_212] {strides = array<i32>} : memref<1024xi32, #tpu.memory_space<vmem>>, vector<16xi32>,
      %add3A_214 = arith.addi %get3A_207, %get3A_213 : vector<16xi32>
      %mul3A_215 = arith.constant 16 : i32
      %mul3A_216 = arith.muli %scan3A_202, %mul3A_215 : i32
      %add3A_217 = arith.constant 512 : i32
      %add3A_218 = arith.addi %add3A_217, %mul3A_216 : i32
      %get3A_219 = arith.index_cast %add3A_218 : i32 to index
      %get3A_220 = tpu.vector_load %arg11[%get3A_219] {strides = array<i32>} : memref<1024xi32, #tpu.memory_space<vmem>>, vector<16xi32>,
      %add3A_221 = arith.addi %add3A_214, %get3A_220 : vector<16xi32>
      %mul3A_222 = arith.constant 16 : i32
      %mul3A_223 = arith.muli %scan3A_202, %mul3A_222 : i32
      %add3A_224 = arith.constant 768 : i32
      %add3A_225 = arith.addi %add3A_224, %mul3A_223 : i32
      %get3A_226 = arith.index_cast %add3A_225 : i32 to index
      %get3A_227 = tpu.vector_load %arg11[%get3A_226] {strides = array<i32>} : memref<1024xi32, #tpu.memory_space<vmem>>, vector<16xi32>,
      %add3A_228 = arith.addi %add3A_221, %get3A_227 : vector<16xi32>
      %mul3A_229 = arith.constant 16 : i32
      %mul3A_230 = arith.muli %scan3A_202, %mul3A_229 : i32
      %swap3A_231 = arith.index_cast %mul3A_230 : i32 to index
      %swap3A_232 = tpu.vector_load %arg11[%swap3A_231] {strides = array<i32>} : memref<1024xi32, #tpu.memory_space<vmem>>, vector<16xi32>,
      tpu.vector_store %arg11[%swap3A_231], %add3A_228 {strides = array<i32>} : memref<1024xi32, #tpu.memory_space<vmem>>, vector<16xi32>,
      %scan3A_233 = arith.constant 0 : i32
      scf.yield %scan3A_233 : i32
    }
    %scan3A_117 = arith.constant 16 : i32
    %mul3A_118 = arith.constant 256 : i32
    %mul3A_119 = arith.muli %arg1, %mul3A_118 : i32
    "tpu.region"() ({
      %run_scoped3A = tpu.sem_alloc : memref<!tpu.dma_semaphore, #tpu.memory_space<semaphore_mem>>
      %dma_start3A = arith.constant 0 : i32
      %dma_start3A_202 = tpu.memref_slice %arg11[%dma_start3A] : memref<1024xi32, #tpu.memory_space<vmem>> -> memref<256xi32, #tpu.memory_space<vmem>>
      %dma_start3A_203 = tpu.memref_slice %arg20[%mul3A_119] : memref<4096xi32, #tpu.memory_space<vmem_shared>> -> memref<256xi32, #tpu.memory_space<vmem_shared>>
      %dma_start3A_204 = tpu.memref_slice %arg20[%mul3A_119] : memref<4096xi32, #tpu.memory_space<vmem_shared>> -> memref<256xi32, #tpu.memory_space<vmem_shared>>
      %dma_start3A_205 = arith.constant 0 : i32
      %dma_start3A_206 = tpu.memref_slice %arg11[%dma_start3A_205] : memref<1024xi32, #tpu.memory_space<vmem>> -> memref<256xi32, #tpu.memory_space<vmem>>
      tpu.enqueue_dma source(%dma_start3A_206 : memref<256xi32, #tpu.memory_space<vmem>>) target(%dma_start3A_204 : memref<256xi32, #tpu.memory_space<vmem_shared>>) target_semaphore(%run_scoped3A : memref<!tpu.dma_semaphore, #tpu.memory_space<semaphore_mem>>)
      %dma_wait3A = arith.constant 0 : i32
      %dma_wait3A_207 = tpu.memref_slice %arg11[%dma_wait3A] : memref<1024xi32, #tpu.memory_space<vmem>> -> memref<256xi32, #tpu.memory_space<vmem>>
      %dma_wait3A_208 = tpu.memref_slice %arg20[%mul3A_119] : memref<4096xi32, #tpu.memory_space<vmem_shared>> -> memref<256xi32, #tpu.memory_space<vmem_shared>>
      %dma_wait3A_209 = tpu.memref_slice %arg20[%mul3A_119] : memref<4096xi32, #tpu.memory_space<vmem_shared>> -> memref<256xi32, #tpu.memory_space<vmem_shared>>
      %dma_wait3A_210 = arith.constant 0 : i32
      %dma_wait3A_211 = tpu.memref_slice %arg11[%dma_wait3A_210] : memref<1024xi32, #tpu.memory_space<vmem>> -> memref<256xi32, #tpu.memory_space<vmem>>
      tpu.wait_dma2 semaphore(%run_scoped3A : memref<!tpu.dma_semaphore, #tpu.memory_space<semaphore_mem>>) src(%dma_wait3A_211 : memref<256xi32, #tpu.memory_space<vmem>>) dst(%dma_wait3A_209 : memref<256xi32, #tpu.memory_space<vmem_shared>>)
      tpu.yield
    }) : () -> ()
    %barrier3A_120 = arith.constant 0 : index
    tpu.barrier barrier_id(%barrier3A_120)
    %eq3A_121 = arith.constant 0 : i32
    %eq3A_122 = arith.cmpi eq, %arg1, %eq3A_121 : i32
    %convert_element_type3A_123 = arith.extui %eq3A_122 : i1 to i32
    %cond3A_124 = arith.constant 0 : i32
    %cond3A_125 = arith.cmpi ne, %convert_element_type3A_123, %cond3A_124 : i32
    scf.if %cond3A_125 {
      %get3A_202 = arith.constant 0 : i32
      %get3A_203 = arith.index_cast %get3A_202 : i32 to index
      %get3A_204 = memref.load %arg17[%get3A_203] : memref<8xi32, #tpu.memory_space<smem>>
      %get3A_205 = arith.constant 1 : i32
      %get3A_206 = arith.index_cast %get3A_205 : i32 to index
      %get3A_207 = memref.load %arg17[%get3A_206] : memref<8xi32, #tpu.memory_space<smem>>
      "tpu.region"() ({
        %run_scoped3A = tpu.sem_alloc : memref<!tpu.dma_semaphore, #tpu.memory_space<semaphore_mem>>
        tpu.enqueue_dma source(%arg20 : memref<4096xi32, #tpu.memory_space<vmem_shared>>) target(%arg12 : memref<4096xi32, #tpu.memory_space<vmem>>) target_semaphore(%run_scoped3A : memref<!tpu.dma_semaphore, #tpu.memory_space<semaphore_mem>>)
        tpu.wait_dma2 semaphore(%run_scoped3A : memref<!tpu.dma_semaphore, #tpu.memory_space<semaphore_mem>>) src(%arg20 : memref<4096xi32, #tpu.memory_space<vmem_shared>>) dst(%arg12 : memref<4096xi32, #tpu.memory_space<vmem>>)
        tpu.yield
      }) : () -> ()
      %scan3A_208 = arith.constant 0 : i32
      %scan3A_209 = arith.constant 0 : i32
      %scan3A_210 = arith.constant 16 : i32
      %scan3A_211 = arith.addi %scan3A_209, %scan3A_210 : i32
      %scan3A_212 = arith.constant 1 : i32
      %scan3A_213 = scf.for %scan3A_244 = %scan3A_209 to %scan3A_211 step %scan3A_212 iter_args(%scan3A_245 = %scan3A_208) -> (i32)  : i32 {
        %broadcast_in_dim3A_246 = arith.constant 0 : i32
        %broadcast_in_dim3A_247 = vector.broadcast %broadcast_in_dim3A_246 : i32 to vector<16xi32>
        %mul3A_248 = arith.constant 16 : i32
        %mul3A_249 = arith.muli %scan3A_244, %mul3A_248 : i32
        %add3A_250 = arith.constant 0 : i32
        %add3A_251 = arith.addi %add3A_250, %mul3A_249 : i32
        %get3A_252 = arith.index_cast %add3A_251 : i32 to index
        %get3A_253 = tpu.vector_load %arg12[%get3A_252] {strides = array<i32>} : memref<4096xi32, #tpu.memory_space<vmem>>, vector<16xi32>,
        %add3A_254 = arith.addi %broadcast_in_dim3A_247, %get3A_253 : vector<16xi32>
        %mul3A_255 = arith.constant 16 : i32
        %mul3A_256 = arith.muli %scan3A_244, %mul3A_255 : i32
        %add3A_257 = arith.constant 256 : i32
        %add3A_258 = arith.addi %add3A_257, %mul3A_256 : i32
        %get3A_259 = arith.index_cast %add3A_258 : i32 to index
        %get3A_260 = tpu.vector_load %arg12[%get3A_259] {strides = array<i32>} : memref<4096xi32, #tpu.memory_space<vmem>>, vector<16xi32>,
        %add3A_261 = arith.addi %add3A_254, %get3A_260 : vector<16xi32>
        %mul3A_262 = arith.constant 16 : i32
        %mul3A_263 = arith.muli %scan3A_244, %mul3A_262 : i32
        %add3A_264 = arith.constant 512 : i32
        %add3A_265 = arith.addi %add3A_264, %mul3A_263 : i32
        %get3A_266 = arith.index_cast %add3A_265 : i32 to index
        %get3A_267 = tpu.vector_load %arg12[%get3A_266] {strides = array<i32>} : memref<4096xi32, #tpu.memory_space<vmem>>, vector<16xi32>,
        %add3A_268 = arith.addi %add3A_261, %get3A_267 : vector<16xi32>
        %mul3A_269 = arith.constant 16 : i32
        %mul3A_270 = arith.muli %scan3A_244, %mul3A_269 : i32
        %add3A_271 = arith.constant 768 : i32
        %add3A_272 = arith.addi %add3A_271, %mul3A_270 : i32
        %get3A_273 = arith.index_cast %add3A_272 : i32 to index
        %get3A_274 = tpu.vector_load %arg12[%get3A_273] {strides = array<i32>} : memref<4096xi32, #tpu.memory_space<vmem>>, vector<16xi32>,
        %add3A_275 = arith.addi %add3A_268, %get3A_274 : vector<16xi32>
        %mul3A_276 = arith.constant 16 : i32
        %mul3A_277 = arith.muli %scan3A_244, %mul3A_276 : i32
        %add3A_278 = arith.constant 1024 : i32
        %add3A_279 = arith.addi %add3A_278, %mul3A_277 : i32
        %get3A_280 = arith.index_cast %add3A_279 : i32 to index
        %get3A_281 = tpu.vector_load %arg12[%get3A_280] {strides = array<i32>} : memref<4096xi32, #tpu.memory_space<vmem>>, vector<16xi32>,
        %add3A_282 = arith.addi %add3A_275, %get3A_281 : vector<16xi32>
        %mul3A_283 = arith.constant 16 : i32
        %mul3A_284 = arith.muli %scan3A_244, %mul3A_283 : i32
        %add3A_285 = arith.constant 1280 : i32
        %add3A_286 = arith.addi %add3A_285, %mul3A_284 : i32
        %get3A_287 = arith.index_cast %add3A_286 : i32 to index
        %get3A_288 = tpu.vector_load %arg12[%get3A_287] {strides = array<i32>} : memref<4096xi32, #tpu.memory_space<vmem>>, vector<16xi32>,
        %add3A_289 = arith.addi %add3A_282, %get3A_288 : vector<16xi32>
        %mul3A_290 = arith.constant 16 : i32
        %mul3A_291 = arith.muli %scan3A_244, %mul3A_290 : i32
        %add3A_292 = arith.constant 1536 : i32
        %add3A_293 = arith.addi %add3A_292, %mul3A_291 : i32
        %get3A_294 = arith.index_cast %add3A_293 : i32 to index
        %get3A_295 = tpu.vector_load %arg12[%get3A_294] {strides = array<i32>} : memref<4096xi32, #tpu.memory_space<vmem>>, vector<16xi32>,
        %add3A_296 = arith.addi %add3A_289, %get3A_295 : vector<16xi32>
        %mul3A_297 = arith.constant 16 : i32
        %mul3A_298 = arith.muli %scan3A_244, %mul3A_297 : i32
        %add3A_299 = arith.constant 1792 : i32
        %add3A_300 = arith.addi %add3A_299, %mul3A_298 : i32
        %get3A_301 = arith.index_cast %add3A_300 : i32 to index
        %get3A_302 = tpu.vector_load %arg12[%get3A_301] {strides = array<i32>} : memref<4096xi32, #tpu.memory_space<vmem>>, vector<16xi32>,
        %add3A_303 = arith.addi %add3A_296, %get3A_302 : vector<16xi32>
        %mul3A_304 = arith.constant 16 : i32
        %mul3A_305 = arith.muli %scan3A_244, %mul3A_304 : i32
        %add3A_306 = arith.constant 2048 : i32
        %add3A_307 = arith.addi %add3A_306, %mul3A_305 : i32
        %get3A_308 = arith.index_cast %add3A_307 : i32 to index
        %get3A_309 = tpu.vector_load %arg12[%get3A_308] {strides = array<i32>} : memref<4096xi32, #tpu.memory_space<vmem>>, vector<16xi32>,
        %add3A_310 = arith.addi %add3A_303, %get3A_309 : vector<16xi32>
        %mul3A_311 = arith.constant 16 : i32
        %mul3A_312 = arith.muli %scan3A_244, %mul3A_311 : i32
        %add3A_313 = arith.constant 2304 : i32
        %add3A_314 = arith.addi %add3A_313, %mul3A_312 : i32
        %get3A_315 = arith.index_cast %add3A_314 : i32 to index
        %get3A_316 = tpu.vector_load %arg12[%get3A_315] {strides = array<i32>} : memref<4096xi32, #tpu.memory_space<vmem>>, vector<16xi32>,
        %add3A_317 = arith.addi %add3A_310, %get3A_316 : vector<16xi32>
        %mul3A_318 = arith.constant 16 : i32
        %mul3A_319 = arith.muli %scan3A_244, %mul3A_318 : i32
        %add3A_320 = arith.constant 2560 : i32
        %add3A_321 = arith.addi %add3A_320, %mul3A_319 : i32
        %get3A_322 = arith.index_cast %add3A_321 : i32 to index
        %get3A_323 = tpu.vector_load %arg12[%get3A_322] {strides = array<i32>} : memref<4096xi32, #tpu.memory_space<vmem>>, vector<16xi32>,
        %add3A_324 = arith.addi %add3A_317, %get3A_323 : vector<16xi32>
        %mul3A_325 = arith.constant 16 : i32
        %mul3A_326 = arith.muli %scan3A_244, %mul3A_325 : i32
        %add3A_327 = arith.constant 2816 : i32
        %add3A_328 = arith.addi %add3A_327, %mul3A_326 : i32
        %get3A_329 = arith.index_cast %add3A_328 : i32 to index
        %get3A_330 = tpu.vector_load %arg12[%get3A_329] {strides = array<i32>} : memref<4096xi32, #tpu.memory_space<vmem>>, vector<16xi32>,
        %add3A_331 = arith.addi %add3A_324, %get3A_330 : vector<16xi32>
        %mul3A_332 = arith.constant 16 : i32
        %mul3A_333 = arith.muli %scan3A_244, %mul3A_332 : i32
        %add3A_334 = arith.constant 3072 : i32
        %add3A_335 = arith.addi %add3A_334, %mul3A_333 : i32
        %get3A_336 = arith.index_cast %add3A_335 : i32 to index
        %get3A_337 = tpu.vector_load %arg12[%get3A_336] {strides = array<i32>} : memref<4096xi32, #tpu.memory_space<vmem>>, vector<16xi32>,
        %add3A_338 = arith.addi %add3A_331, %get3A_337 : vector<16xi32>
        %mul3A_339 = arith.constant 16 : i32
        %mul3A_340 = arith.muli %scan3A_244, %mul3A_339 : i32
        %add3A_341 = arith.constant 3328 : i32
        %add3A_342 = arith.addi %add3A_341, %mul3A_340 : i32
        %get3A_343 = arith.index_cast %add3A_342 : i32 to index
        %get3A_344 = tpu.vector_load %arg12[%get3A_343] {strides = array<i32>} : memref<4096xi32, #tpu.memory_space<vmem>>, vector<16xi32>,
        %add3A_345 = arith.addi %add3A_338, %get3A_344 : vector<16xi32>
        %mul3A_346 = arith.constant 16 : i32
        %mul3A_347 = arith.muli %scan3A_244, %mul3A_346 : i32
        %add3A_348 = arith.constant 3584 : i32
        %add3A_349 = arith.addi %add3A_348, %mul3A_347 : i32
        %get3A_350 = arith.index_cast %add3A_349 : i32 to index
        %get3A_351 = tpu.vector_load %arg12[%get3A_350] {strides = array<i32>} : memref<4096xi32, #tpu.memory_space<vmem>>, vector<16xi32>,
        %add3A_352 = arith.addi %add3A_345, %get3A_351 : vector<16xi32>
        %mul3A_353 = arith.constant 16 : i32
        %mul3A_354 = arith.muli %scan3A_244, %mul3A_353 : i32
        %add3A_355 = arith.constant 3840 : i32
        %add3A_356 = arith.addi %add3A_355, %mul3A_354 : i32
        %get3A_357 = arith.index_cast %add3A_356 : i32 to index
        %get3A_358 = tpu.vector_load %arg12[%get3A_357] {strides = array<i32>} : memref<4096xi32, #tpu.memory_space<vmem>>, vector<16xi32>,
        %add3A_359 = arith.addi %add3A_352, %get3A_358 : vector<16xi32>
        %mul3A_360 = arith.constant 16 : i32
        %mul3A_361 = arith.muli %scan3A_244, %mul3A_360 : i32
        %swap3A_362 = arith.index_cast %mul3A_361 : i32 to index
        %swap3A_363 = tpu.vector_load %arg11[%swap3A_362] {strides = array<i32>} : memref<1024xi32, #tpu.memory_space<vmem>>, vector<16xi32>,
        tpu.vector_store %arg11[%swap3A_362], %add3A_359 {strides = array<i32>} : memref<1024xi32, #tpu.memory_space<vmem>>, vector<16xi32>,
        %scan3A_364 = arith.constant 0 : i32
        scf.yield %scan3A_364 : i32
      }
      %scan3A_214 = arith.constant 16 : i32
      %get3A_215 = arith.constant 5 : i32
      %get3A_216 = arith.index_cast %get3A_215 : i32 to index
      %get3A_217 = memref.load %arg17[%get3A_216] : memref<8xi32, #tpu.memory_space<smem>>
      %sub3A_218 = arith.subi %get3A_217, %get3A_204 : i32
      %iota3A_219 = tpu.iota {dimensions = array<i32: 0>} : vector<16xi32>
      %scan3A_220 = arith.constant 0 : i32
      %scan3A_221 = arith.constant 0 : i32
      %scan3A_222 = arith.constant 0 : i32
      %scan3A_223 = arith.constant 0 : i32
      %scan3A_224 = arith.constant 0 : i32
      %scan3A_225 = arith.constant 16 : i32
      %scan3A_226 = arith.addi %scan3A_224, %scan3A_225 : i32
      %scan3A_227 = arith.constant 1 : i32
      %scan3A_228:4 = scf.for %scan3A_244 = %scan3A_224 to %scan3A_226 step %scan3A_227 iter_args(%scan3A_245 = %scan3A_220, %scan3A_246 = %scan3A_221, %scan3A_247 = %scan3A_222, %scan3A_248 = %scan3A_223) -> (i32, i32, i32, i32)  : i32 {
        %mul3A_249 = arith.constant 16 : i32
        %mul3A_250 = arith.muli %scan3A_244, %mul3A_249 : i32
        %get3A_251 = arith.index_cast %mul3A_250 : i32 to index
        %get3A_252 = tpu.vector_load %arg11[%get3A_251] {strides = array<i32>} : memref<1024xi32, #tpu.memory_space<vmem>>, vector<16xi32>,
        %broadcast_in_dim3A_253 = arith.constant true
        %broadcast_in_dim3A_254 = vector.broadcast %broadcast_in_dim3A_253 : i1 to vector<16xi1>
        %masked_cumsum3A = tpu.scan <sum>, %get3A_252 masked %broadcast_in_dim3A_254 : vector<16xi32>, vector<16xi1> -> vector<16xi32>
        %add3A_255 = vector.broadcast %scan3A_245 : i32 to vector<16xi32>
        %add3A_256 = arith.addi %masked_cumsum3A, %add3A_255 : vector<16xi32>
        %sub3A_257 = arith.subi %add3A_256, %get3A_252 : vector<16xi32>
        %broadcast_in_dim3A_258 = vector.broadcast %sub3A_218 : i32 to vector<16xi32>
        %le3A = arith.cmpi sle, %sub3A_257, %broadcast_in_dim3A_258 : vector<16xi32>
        %lt3A_259 = arith.cmpi slt, %broadcast_in_dim3A_258, %add3A_256 : vector<16xi32>
        %and3A_260 = arith.andi %le3A, %lt3A_259 : vector<16xi1>
        %broadcast_in_dim3A_261 = arith.constant 0 : i32
        %broadcast_in_dim3A_262 = vector.broadcast %broadcast_in_dim3A_261 : i32 to vector<16xi32>
        %mul3A_263 = arith.constant 16 : i32
        %mul3A_264 = arith.muli %scan3A_244, %mul3A_263 : i32
        %add3A_265 = vector.broadcast %mul3A_264 : i32 to vector<16xi32>
        %add3A_266 = arith.addi %iota3A_219, %add3A_265 : vector<16xi32>
        %select_n3A_267 = arith.select %and3A_260, %add3A_266, %broadcast_in_dim3A_262 : vector<16xi1>, vector<16xi32>
        %reduce_sum3A = arith.constant true
        %reduce_sum3A_268 = vector.broadcast %reduce_sum3A : i1 to vector<16xi1>
        %reduce_sum3A_269 = tpu.scan <sum>, %select_n3A_267 masked %reduce_sum3A_268 : vector<16xi32>, vector<16xi1> -> vector<16xi32>
        %reduce_sum3A_270 = vector.extract %reduce_sum3A_269[15] : i32 from vector<16xi32>
        %add3A_271 = arith.addi %scan3A_246, %reduce_sum3A_270 : i32
        %select_n3A_272 = arith.select %and3A_260, %add3A_256, %broadcast_in_dim3A_262 : vector<16xi1>, vector<16xi32>
        %reduce_sum3A_273 = arith.constant true
        %reduce_sum3A_274 = vector.broadcast %reduce_sum3A_273 : i1 to vector<16xi1>
        %reduce_sum3A_275 = tpu.scan <sum>, %select_n3A_272 masked %reduce_sum3A_274 : vector<16xi32>, vector<16xi1> -> vector<16xi32>
        %reduce_sum3A_276 = vector.extract %reduce_sum3A_275[15] : i32 from vector<16xi32>
        %add3A_277 = arith.addi %scan3A_247, %reduce_sum3A_276 : i32
        %select_n3A_278 = arith.select %and3A_260, %get3A_252, %broadcast_in_dim3A_262 : vector<16xi1>, vector<16xi32>
        %reduce_sum3A_279 = arith.constant true
        %reduce_sum3A_280 = vector.broadcast %reduce_sum3A_279 : i1 to vector<16xi1>
        %reduce_sum3A_281 = tpu.scan <sum>, %select_n3A_278 masked %reduce_sum3A_280 : vector<16xi32>, vector<16xi1> -> vector<16xi32>
        %reduce_sum3A_282 = vector.extract %reduce_sum3A_281[15] : i32 from vector<16xi32>
        %add3A_283 = arith.addi %scan3A_248, %reduce_sum3A_282 : i32
        %reduce_sum3A_284 = arith.constant true
        %reduce_sum3A_285 = vector.broadcast %reduce_sum3A_284 : i1 to vector<16xi1>
        %reduce_sum3A_286 = tpu.scan <sum>, %get3A_252 masked %reduce_sum3A_285 : vector<16xi32>, vector<16xi1> -> vector<16xi32>
        %reduce_sum3A_287 = vector.extract %reduce_sum3A_286[15] : i32 from vector<16xi32>
        %add3A_288 = arith.addi %scan3A_245, %reduce_sum3A_287 : i32
        scf.yield %add3A_288, %add3A_271, %add3A_277, %add3A_283 : i32, i32, i32, i32
      }
      %scan3A_229 = arith.constant 16 : i32
      %sub3A_230 = arith.subi %scan3A_228#2, %sub3A_218 : i32
      %shift_left3A = arith.constant 8 : i32
      %shift_left3A_231 = arith.shli %get3A_207, %shift_left3A : i32
      %or3A = arith.ori %shift_left3A_231, %scan3A_228#1 : i32
      %swap3A_232 = arith.constant 0 : i32
      %swap3A_233 = arith.index_cast %swap3A_232 : i32 to index
      %swap3A_234 = memref.load %arg17[%swap3A_233] : memref<8xi32, #tpu.memory_space<smem>>
      memref.store %sub3A_230, %arg17[%swap3A_233] : memref<8xi32, #tpu.memory_space<smem>>
      %swap3A_235 = arith.constant 1 : i32
      %swap3A_236 = arith.index_cast %swap3A_235 : i32 to index
      %swap3A_237 = memref.load %arg17[%swap3A_236] : memref<8xi32, #tpu.memory_space<smem>>
      memref.store %or3A, %arg17[%swap3A_236] : memref<8xi32, #tpu.memory_space<smem>>
      %swap3A_238 = arith.constant 5 : i32
      %swap3A_239 = arith.index_cast %swap3A_238 : i32 to index
      %swap3A_240 = memref.load %arg17[%swap3A_239] : memref<8xi32, #tpu.memory_space<smem>>
      memref.store %scan3A_228#3, %arg17[%swap3A_239] : memref<8xi32, #tpu.memory_space<smem>>
      %broadcast_in_dim3A_241 = vector.broadcast %or3A : i32 to vector<16xi32>
      %swap3A_242 = arith.constant 0 : index
      %swap3A_243 = tpu.vector_load %arg15[%swap3A_242] {strides = array<i32>} : memref<128xi32, #tpu.memory_space<vmem>>, vector<16xi32>,
      tpu.vector_store %arg15[%swap3A_242], %broadcast_in_dim3A_241 {strides = array<i32>} : memref<128xi32, #tpu.memory_space<vmem>>, vector<16xi32>,
      "tpu.region"() ({
        %run_scoped3A = tpu.sem_alloc : memref<!tpu.dma_semaphore, #tpu.memory_space<semaphore_mem>>
        tpu.enqueue_dma source(%arg15 : memref<128xi32, #tpu.memory_space<vmem>>) target(%arg23 : memref<128xi32, #tpu.memory_space<vmem_shared>>) target_semaphore(%run_scoped3A : memref<!tpu.dma_semaphore, #tpu.memory_space<semaphore_mem>>)
        tpu.wait_dma2 semaphore(%run_scoped3A : memref<!tpu.dma_semaphore, #tpu.memory_space<semaphore_mem>>) src(%arg15 : memref<128xi32, #tpu.memory_space<vmem>>) dst(%arg23 : memref<128xi32, #tpu.memory_space<vmem_shared>>)
        tpu.yield
      }) : () -> ()
    } else {
    }
    %barrier3A_126 = arith.constant 0 : index
    tpu.barrier barrier_id(%barrier3A_126)
    "tpu.region"() ({
      %run_scoped3A = tpu.sem_alloc : memref<!tpu.dma_semaphore, #tpu.memory_space<semaphore_mem>>
      tpu.enqueue_dma source(%arg23 : memref<128xi32, #tpu.memory_space<vmem_shared>>) target(%arg13 : memref<128xi32, #tpu.memory_space<vmem>>) target_semaphore(%run_scoped3A : memref<!tpu.dma_semaphore, #tpu.memory_space<semaphore_mem>>)
      tpu.wait_dma2 semaphore(%run_scoped3A : memref<!tpu.dma_semaphore, #tpu.memory_space<semaphore_mem>>) src(%arg23 : memref<128xi32, #tpu.memory_space<vmem_shared>>) dst(%arg13 : memref<128xi32, #tpu.memory_space<vmem>>)
      tpu.yield
    }) : () -> ()
    %get3A_127 = arith.constant 0 : index
    %get3A_128 = tpu.vector_load %arg13[%get3A_127] {strides = array<i32>} : memref<128xi32, #tpu.memory_space<vmem>>, vector<16xi32>,
    %broadcast_in_dim3A_129 = arith.constant 0 : i32
    %broadcast_in_dim3A_130 = vector.broadcast %broadcast_in_dim3A_129 : i32 to vector<16xi32>
    %scan3A_131 = arith.constant 0 : i32
    %scan3A_132 = arith.constant 0 : i32
    %scan3A_133 = arith.constant 64 : i32
    %scan3A_134 = arith.addi %scan3A_132, %scan3A_133 : i32
    %scan3A_135 = arith.constant 1 : i32
    %scan3A_136 = scf.for %scan3A_202 = %scan3A_132 to %scan3A_134 step %scan3A_135 iter_args(%scan3A_203 = %scan3A_131) -> (i32)  : i32 {
      %mul3A_204 = arith.constant 16 : i32
      %mul3A_205 = arith.muli %scan3A_202, %mul3A_204 : i32
      %swap3A_206 = arith.index_cast %mul3A_205 : i32 to index
      %swap3A_207 = tpu.vector_load %arg11[%swap3A_206] {strides = array<i32>} : memref<1024xi32, #tpu.memory_space<vmem>>, vector<16xi32>,
      tpu.vector_store %arg11[%swap3A_206], %broadcast_in_dim3A_130 {strides = array<i32>} : memref<1024xi32, #tpu.memory_space<vmem>>, vector<16xi32>,
      %scan3A_208 = arith.constant 0 : i32
      scf.yield %scan3A_208 : i32
    }
    %scan3A_137 = arith.constant 64 : i32
    %broadcast_in_dim3A_138 = vector.broadcast %parallel_loop3A_110 : i32 to vector<16xi32>
    %add3A_139 = arith.constant 16 : i32
    %add3A_140 = arith.addi %parallel_loop3A_110, %add3A_139 : i32
    %sub3A_141 = arith.constant 1 : i32
    %sub3A_142 = arith.subi %add3A_140, %sub3A_141 : i32
    %jit3A_143 = arith.constant 16 : i32
    %div3A_144 = arith.divsi %sub3A_142, %jit3A_143 : i32
    %sign3A_145 = arith.constant 0 : i32
    %sign3A_146 = arith.cmpi sgt, %sub3A_142, %sign3A_145 : i32
    %sign3A_147 = arith.extui %sign3A_146 : i1 to i32
    %sign3A_148 = arith.constant 0 : i32
    %sign3A_149 = arith.cmpi slt, %sub3A_142, %sign3A_148 : i32
    %sign3A_150 = arith.extui %sign3A_149 : i1 to i32
    %sign3A_151 = arith.subi %sign3A_147, %sign3A_150 : i32
    %sign3A_152 = arith.constant 0 : i32
    %sign3A_153 = arith.cmpi sgt, %jit3A_143, %sign3A_152 : i32
    %sign3A_154 = arith.extui %sign3A_153 : i1 to i32
    %sign3A_155 = arith.constant 0 : i32
    %sign3A_156 = arith.cmpi slt, %jit3A_143, %sign3A_155 : i32
    %sign3A_157 = arith.extui %sign3A_156 : i1 to i32
    %sign3A_158 = arith.subi %sign3A_154, %sign3A_157 : i32
    %ne3A_159 = arith.cmpi ne, %sign3A_151, %sign3A_158 : i32
    %rem3A_160 = arith.remsi %sub3A_142, %jit3A_143 : i32
    %ne3A_161 = arith.constant 0 : i32
    %ne3A_162 = arith.cmpi ne, %rem3A_160, %ne3A_161 : i32
    %and3A_163 = arith.andi %ne3A_159, %ne3A_162 : i1
    %sub3A_164 = arith.constant 1 : i32
    %sub3A_165 = arith.subi %div3A_144, %sub3A_164 : i32
    %select_n3A_166 = arith.select %and3A_163, %sub3A_165, %div3A_144 : i32
    %parallel_loop3A_167 = arith.constant 0 : i32
    %parallel_loop3A_168 = arith.constant 1 : i32
    scf.for %parallel_loop3A_202 = %parallel_loop3A_167 to %select_n3A_166 step %parallel_loop3A_168  : i32 {
      %parallel_loop3A_203 = arith.constant 16 : i32
      %parallel_loop3A_204 = arith.muli %parallel_loop3A_202, %parallel_loop3A_203 : i32
      %parallel_loop3A_205 = arith.index_cast %parallel_loop3A_204 : i32 to index
      %parallel_loop3A_206 = tpu.vector_load %arg10[%parallel_loop3A_205] {strides = array<i32>} : memref<6288xi32, #tpu.memory_space<vmem>>, vector<16xi32>,
      %parallel_loop3A_207 = arith.constant 16 : i32
      %parallel_loop3A_208 = arith.muli %parallel_loop3A_202, %parallel_loop3A_207 : i32
      %parallel_loop3A_209 = vector.broadcast %parallel_loop3A_208 : i32 to vector<16xi32>
      %parallel_loop3A_210 = arith.addi %parallel_loop3A_209, %iota3A : vector<16xi32>
      %parallel_loop3A_211 = arith.cmpi slt, %parallel_loop3A_210, %broadcast_in_dim3A_138 : vector<16xi32>
      %parallel_loop3A_212 = arith.constant 7 : i32
      %parallel_loop3A_213 = vector.broadcast %parallel_loop3A_212 : i32 to vector<16xi32>
      %parallel_loop3A_214 = arith.shrsi %parallel_loop3A_206, %parallel_loop3A_213 : vector<16xi32>
      %parallel_loop3A_215 = arith.cmpi eq, %parallel_loop3A_214, %get3A_128 : vector<16xi32>
      %parallel_loop3A_216 = arith.andi %parallel_loop3A_211, %parallel_loop3A_215 : vector<16xi1>
      %parallel_loop3A_217 = arith.constant 127 : i32
      %parallel_loop3A_218 = vector.broadcast %parallel_loop3A_217 : i32 to vector<16xi32>
      %parallel_loop3A_219 = arith.andi %parallel_loop3A_206, %parallel_loop3A_218 : vector<16xi32>
      %parallel_loop3A_220 = arith.constant 3 : i32
      %parallel_loop3A_221 = arith.andi %parallel_loop3A_202, %parallel_loop3A_220 : i32
      %parallel_loop3A_222 = arith.constant 8 : i32
      %parallel_loop3A_223 = arith.shli %parallel_loop3A_221, %parallel_loop3A_222 : i32
      %parallel_loop3A_224 = vector.broadcast %parallel_loop3A_223 : i32 to vector<16xi32>
      %parallel_loop3A_225 = arith.addi %parallel_loop3A_219, %parallel_loop3A_224 : vector<16xi32>
      %parallel_loop3A_226, %parallel_loop3A_227 = tpu.scan_count mask(%parallel_loop3A_216 : vector<16xi1>) value(%parallel_loop3A_225 : vector<16xi32>) : vector<16xi1>, vector<16xi32>
      tpu.vector_store_idx %arg11[%parallel_loop3A_225], %parallel_loop3A_227 masked %parallel_loop3A_226 {add = true} : memref<1024xi32, #tpu.memory_space<vmem>>[vector<16xi32>], vector<16xi32>, vector<16xi1>
    } {sc.loop_unroll_factor = 4 : i64, sc.parallel_access}
    %scan3A_169 = arith.constant 0 : i32
    %scan3A_170 = arith.constant 0 : i32
    %scan3A_171 = arith.constant 8 : i32
    %scan3A_172 = arith.addi %scan3A_170, %scan3A_171 : i32
    %scan3A_173 = arith.constant 1 : i32
    %scan3A_174 = scf.for %scan3A_202 = %scan3A_170 to %scan3A_172 step %scan3A_173 iter_args(%scan3A_203 = %scan3A_169) -> (i32)  : i32 {
      %mul3A_204 = arith.constant 16 : i32
      %mul3A_205 = arith.muli %scan3A_202, %mul3A_204 : i32
      %get3A_206 = arith.index_cast %mul3A_205 : i32 to index
      %get3A_207 = tpu.vector_load %arg11[%get3A_206] {strides = array<i32>} : memref<1024xi32, #tpu.memory_space<vmem>>, vector<16xi32>,
      %mul3A_208 = arith.constant 16 : i32
      %mul3A_209 = arith.muli %scan3A_202, %mul3A_208 : i32
      %add3A_210 = arith.constant 256 : i32
      %add3A_211 = arith.addi %add3A_210, %mul3A_209 : i32
      %get3A_212 = arith.index_cast %add3A_211 : i32 to index
      %get3A_213 = tpu.vector_load %arg11[%get3A_212] {strides = array<i32>} : memref<1024xi32, #tpu.memory_space<vmem>>, vector<16xi32>,
      %add3A_214 = arith.addi %get3A_207, %get3A_213 : vector<16xi32>
      %mul3A_215 = arith.constant 16 : i32
      %mul3A_216 = arith.muli %scan3A_202, %mul3A_215 : i32
      %add3A_217 = arith.constant 512 : i32
      %add3A_218 = arith.addi %add3A_217, %mul3A_216 : i32
      %get3A_219 = arith.index_cast %add3A_218 : i32 to index
      %get3A_220 = tpu.vector_load %arg11[%get3A_219] {strides = array<i32>} : memref<1024xi32, #tpu.memory_space<vmem>>, vector<16xi32>,
      %add3A_221 = arith.addi %add3A_214, %get3A_220 : vector<16xi32>
      %mul3A_222 = arith.constant 16 : i32
      %mul3A_223 = arith.muli %scan3A_202, %mul3A_222 : i32
      %add3A_224 = arith.constant 768 : i32
      %add3A_225 = arith.addi %add3A_224, %mul3A_223 : i32
      %get3A_226 = arith.index_cast %add3A_225 : i32 to index
      %get3A_227 = tpu.vector_load %arg11[%get3A_226] {strides = array<i32>} : memref<1024xi32, #tpu.memory_space<vmem>>, vector<16xi32>,
      %add3A_228 = arith.addi %add3A_221, %get3A_227 : vector<16xi32>
      %mul3A_229 = arith.constant 16 : i32
      %mul3A_230 = arith.muli %scan3A_202, %mul3A_229 : i32
      %swap3A_231 = arith.index_cast %mul3A_230 : i32 to index
      %swap3A_232 = tpu.vector_load %arg11[%swap3A_231] {strides = array<i32>} : memref<1024xi32, #tpu.memory_space<vmem>>, vector<16xi32>,
      tpu.vector_store %arg11[%swap3A_231], %add3A_228 {strides = array<i32>} : memref<1024xi32, #tpu.memory_space<vmem>>, vector<16xi32>,
      %scan3A_233 = arith.constant 0 : i32
      scf.yield %scan3A_233 : i32
    }
    %scan3A_175 = arith.constant 8 : i32
    %mul3A_176 = arith.constant 256 : i32
    %mul3A_177 = arith.muli %arg1, %mul3A_176 : i32
    "tpu.region"() ({
      %run_scoped3A = tpu.sem_alloc : memref<!tpu.dma_semaphore, #tpu.memory_space<semaphore_mem>>
      %dma_start3A = arith.constant 0 : i32
      %dma_start3A_202 = tpu.memref_slice %arg11[%dma_start3A] : memref<1024xi32, #tpu.memory_space<vmem>> -> memref<128xi32, #tpu.memory_space<vmem>>
      %dma_start3A_203 = tpu.memref_slice %arg20[%mul3A_177] : memref<4096xi32, #tpu.memory_space<vmem_shared>> -> memref<128xi32, #tpu.memory_space<vmem_shared>>
      %dma_start3A_204 = tpu.memref_slice %arg20[%mul3A_177] : memref<4096xi32, #tpu.memory_space<vmem_shared>> -> memref<128xi32, #tpu.memory_space<vmem_shared>>
      %dma_start3A_205 = arith.constant 0 : i32
      %dma_start3A_206 = tpu.memref_slice %arg11[%dma_start3A_205] : memref<1024xi32, #tpu.memory_space<vmem>> -> memref<128xi32, #tpu.memory_space<vmem>>
      tpu.enqueue_dma source(%dma_start3A_206 : memref<128xi32, #tpu.memory_space<vmem>>) target(%dma_start3A_204 : memref<128xi32, #tpu.memory_space<vmem_shared>>) target_semaphore(%run_scoped3A : memref<!tpu.dma_semaphore, #tpu.memory_space<semaphore_mem>>)
      %dma_wait3A = arith.constant 0 : i32
      %dma_wait3A_207 = tpu.memref_slice %arg11[%dma_wait3A] : memref<1024xi32, #tpu.memory_space<vmem>> -> memref<128xi32, #tpu.memory_space<vmem>>
      %dma_wait3A_208 = tpu.memref_slice %arg20[%mul3A_177] : memref<4096xi32, #tpu.memory_space<vmem_shared>> -> memref<128xi32, #tpu.memory_space<vmem_shared>>
      %dma_wait3A_209 = tpu.memref_slice %arg20[%mul3A_177] : memref<4096xi32, #tpu.memory_space<vmem_shared>> -> memref<128xi32, #tpu.memory_space<vmem_shared>>
      %dma_wait3A_210 = arith.constant 0 : i32
      %dma_wait3A_211 = tpu.memref_slice %arg11[%dma_wait3A_210] : memref<1024xi32, #tpu.memory_space<vmem>> -> memref<128xi32, #tpu.memory_space<vmem>>
      tpu.wait_dma2 semaphore(%run_scoped3A : memref<!tpu.dma_semaphore, #tpu.memory_space<semaphore_mem>>) src(%dma_wait3A_211 : memref<128xi32, #tpu.memory_space<vmem>>) dst(%dma_wait3A_209 : memref<128xi32, #tpu.memory_space<vmem_shared>>)
      tpu.yield
    }) : () -> ()
    %barrier3A_178 = arith.constant 0 : index
    tpu.barrier barrier_id(%barrier3A_178)
    %eq3A_179 = arith.constant 0 : i32
    %eq3A_180 = arith.cmpi eq, %arg1, %eq3A_179 : i32
    %convert_element_type3A_181 = arith.extui %eq3A_180 : i1 to i32
    %cond3A_182 = arith.constant 0 : i32
    %cond3A_183 = arith.cmpi ne, %convert_element_type3A_181, %cond3A_182 : i32
    scf.if %cond3A_183 {
      %get3A_202 = arith.constant 0 : i32
      %get3A_203 = arith.index_cast %get3A_202 : i32 to index
      %get3A_204 = memref.load %arg17[%get3A_203] : memref<8xi32, #tpu.memory_space<smem>>
      %get3A_205 = arith.constant 1 : i32
      %get3A_206 = arith.index_cast %get3A_205 : i32 to index
      %get3A_207 = memref.load %arg17[%get3A_206] : memref<8xi32, #tpu.memory_space<smem>>
      "tpu.region"() ({
        %run_scoped3A = tpu.sem_alloc : memref<!tpu.dma_semaphore, #tpu.memory_space<semaphore_mem>>
        tpu.enqueue_dma source(%arg20 : memref<4096xi32, #tpu.memory_space<vmem_shared>>) target(%arg12 : memref<4096xi32, #tpu.memory_space<vmem>>) target_semaphore(%run_scoped3A : memref<!tpu.dma_semaphore, #tpu.memory_space<semaphore_mem>>)
        tpu.wait_dma2 semaphore(%run_scoped3A : memref<!tpu.dma_semaphore, #tpu.memory_space<semaphore_mem>>) src(%arg20 : memref<4096xi32, #tpu.memory_space<vmem_shared>>) dst(%arg12 : memref<4096xi32, #tpu.memory_space<vmem>>)
        tpu.yield
      }) : () -> ()
      %scan3A_208 = arith.constant 0 : i32
      %scan3A_209 = arith.constant 0 : i32
      %scan3A_210 = arith.constant 8 : i32
      %scan3A_211 = arith.addi %scan3A_209, %scan3A_210 : i32
      %scan3A_212 = arith.constant 1 : i32
      %scan3A_213 = scf.for %scan3A_241 = %scan3A_209 to %scan3A_211 step %scan3A_212 iter_args(%scan3A_242 = %scan3A_208) -> (i32)  : i32 {
        %broadcast_in_dim3A_243 = arith.constant 0 : i32
        %broadcast_in_dim3A_244 = vector.broadcast %broadcast_in_dim3A_243 : i32 to vector<16xi32>
        %mul3A_245 = arith.constant 16 : i32
        %mul3A_246 = arith.muli %scan3A_241, %mul3A_245 : i32
        %add3A_247 = arith.constant 0 : i32
        %add3A_248 = arith.addi %add3A_247, %mul3A_246 : i32
        %get3A_249 = arith.index_cast %add3A_248 : i32 to index
        %get3A_250 = tpu.vector_load %arg12[%get3A_249] {strides = array<i32>} : memref<4096xi32, #tpu.memory_space<vmem>>, vector<16xi32>,
        %add3A_251 = arith.addi %broadcast_in_dim3A_244, %get3A_250 : vector<16xi32>
        %mul3A_252 = arith.constant 16 : i32
        %mul3A_253 = arith.muli %scan3A_241, %mul3A_252 : i32
        %add3A_254 = arith.constant 256 : i32
        %add3A_255 = arith.addi %add3A_254, %mul3A_253 : i32
        %get3A_256 = arith.index_cast %add3A_255 : i32 to index
        %get3A_257 = tpu.vector_load %arg12[%get3A_256] {strides = array<i32>} : memref<4096xi32, #tpu.memory_space<vmem>>, vector<16xi32>,
        %add3A_258 = arith.addi %add3A_251, %get3A_257 : vector<16xi32>
        %mul3A_259 = arith.constant 16 : i32
        %mul3A_260 = arith.muli %scan3A_241, %mul3A_259 : i32
        %add3A_261 = arith.constant 512 : i32
        %add3A_262 = arith.addi %add3A_261, %mul3A_260 : i32
        %get3A_263 = arith.index_cast %add3A_262 : i32 to index
        %get3A_264 = tpu.vector_load %arg12[%get3A_263] {strides = array<i32>} : memref<4096xi32, #tpu.memory_space<vmem>>, vector<16xi32>,
        %add3A_265 = arith.addi %add3A_258, %get3A_264 : vector<16xi32>
        %mul3A_266 = arith.constant 16 : i32
        %mul3A_267 = arith.muli %scan3A_241, %mul3A_266 : i32
        %add3A_268 = arith.constant 768 : i32
        %add3A_269 = arith.addi %add3A_268, %mul3A_267 : i32
        %get3A_270 = arith.index_cast %add3A_269 : i32 to index
        %get3A_271 = tpu.vector_load %arg12[%get3A_270] {strides = array<i32>} : memref<4096xi32, #tpu.memory_space<vmem>>, vector<16xi32>,
        %add3A_272 = arith.addi %add3A_265, %get3A_271 : vector<16xi32>
        %mul3A_273 = arith.constant 16 : i32
        %mul3A_274 = arith.muli %scan3A_241, %mul3A_273 : i32
        %add3A_275 = arith.constant 1024 : i32
        %add3A_276 = arith.addi %add3A_275, %mul3A_274 : i32
        %get3A_277 = arith.index_cast %add3A_276 : i32 to index
        %get3A_278 = tpu.vector_load %arg12[%get3A_277] {strides = array<i32>} : memref<4096xi32, #tpu.memory_space<vmem>>, vector<16xi32>,
        %add3A_279 = arith.addi %add3A_272, %get3A_278 : vector<16xi32>
        %mul3A_280 = arith.constant 16 : i32
        %mul3A_281 = arith.muli %scan3A_241, %mul3A_280 : i32
        %add3A_282 = arith.constant 1280 : i32
        %add3A_283 = arith.addi %add3A_282, %mul3A_281 : i32
        %get3A_284 = arith.index_cast %add3A_283 : i32 to index
        %get3A_285 = tpu.vector_load %arg12[%get3A_284] {strides = array<i32>} : memref<4096xi32, #tpu.memory_space<vmem>>, vector<16xi32>,
        %add3A_286 = arith.addi %add3A_279, %get3A_285 : vector<16xi32>
        %mul3A_287 = arith.constant 16 : i32
        %mul3A_288 = arith.muli %scan3A_241, %mul3A_287 : i32
        %add3A_289 = arith.constant 1536 : i32
        %add3A_290 = arith.addi %add3A_289, %mul3A_288 : i32
        %get3A_291 = arith.index_cast %add3A_290 : i32 to index
        %get3A_292 = tpu.vector_load %arg12[%get3A_291] {strides = array<i32>} : memref<4096xi32, #tpu.memory_space<vmem>>, vector<16xi32>,
        %add3A_293 = arith.addi %add3A_286, %get3A_292 : vector<16xi32>
        %mul3A_294 = arith.constant 16 : i32
        %mul3A_295 = arith.muli %scan3A_241, %mul3A_294 : i32
        %add3A_296 = arith.constant 1792 : i32
        %add3A_297 = arith.addi %add3A_296, %mul3A_295 : i32
        %get3A_298 = arith.index_cast %add3A_297 : i32 to index
        %get3A_299 = tpu.vector_load %arg12[%get3A_298] {strides = array<i32>} : memref<4096xi32, #tpu.memory_space<vmem>>, vector<16xi32>,
        %add3A_300 = arith.addi %add3A_293, %get3A_299 : vector<16xi32>
        %mul3A_301 = arith.constant 16 : i32
        %mul3A_302 = arith.muli %scan3A_241, %mul3A_301 : i32
        %add3A_303 = arith.constant 2048 : i32
        %add3A_304 = arith.addi %add3A_303, %mul3A_302 : i32
        %get3A_305 = arith.index_cast %add3A_304 : i32 to index
        %get3A_306 = tpu.vector_load %arg12[%get3A_305] {strides = array<i32>} : memref<4096xi32, #tpu.memory_space<vmem>>, vector<16xi32>,
        %add3A_307 = arith.addi %add3A_300, %get3A_306 : vector<16xi32>
        %mul3A_308 = arith.constant 16 : i32
        %mul3A_309 = arith.muli %scan3A_241, %mul3A_308 : i32
        %add3A_310 = arith.constant 2304 : i32
        %add3A_311 = arith.addi %add3A_310, %mul3A_309 : i32
        %get3A_312 = arith.index_cast %add3A_311 : i32 to index
        %get3A_313 = tpu.vector_load %arg12[%get3A_312] {strides = array<i32>} : memref<4096xi32, #tpu.memory_space<vmem>>, vector<16xi32>,
        %add3A_314 = arith.addi %add3A_307, %get3A_313 : vector<16xi32>
        %mul3A_315 = arith.constant 16 : i32
        %mul3A_316 = arith.muli %scan3A_241, %mul3A_315 : i32
        %add3A_317 = arith.constant 2560 : i32
        %add3A_318 = arith.addi %add3A_317, %mul3A_316 : i32
        %get3A_319 = arith.index_cast %add3A_318 : i32 to index
        %get3A_320 = tpu.vector_load %arg12[%get3A_319] {strides = array<i32>} : memref<4096xi32, #tpu.memory_space<vmem>>, vector<16xi32>,
        %add3A_321 = arith.addi %add3A_314, %get3A_320 : vector<16xi32>
        %mul3A_322 = arith.constant 16 : i32
        %mul3A_323 = arith.muli %scan3A_241, %mul3A_322 : i32
        %add3A_324 = arith.constant 2816 : i32
        %add3A_325 = arith.addi %add3A_324, %mul3A_323 : i32
        %get3A_326 = arith.index_cast %add3A_325 : i32 to index
        %get3A_327 = tpu.vector_load %arg12[%get3A_326] {strides = array<i32>} : memref<4096xi32, #tpu.memory_space<vmem>>, vector<16xi32>,
        %add3A_328 = arith.addi %add3A_321, %get3A_327 : vector<16xi32>
        %mul3A_329 = arith.constant 16 : i32
        %mul3A_330 = arith.muli %scan3A_241, %mul3A_329 : i32
        %add3A_331 = arith.constant 3072 : i32
        %add3A_332 = arith.addi %add3A_331, %mul3A_330 : i32
        %get3A_333 = arith.index_cast %add3A_332 : i32 to index
        %get3A_334 = tpu.vector_load %arg12[%get3A_333] {strides = array<i32>} : memref<4096xi32, #tpu.memory_space<vmem>>, vector<16xi32>,
        %add3A_335 = arith.addi %add3A_328, %get3A_334 : vector<16xi32>
        %mul3A_336 = arith.constant 16 : i32
        %mul3A_337 = arith.muli %scan3A_241, %mul3A_336 : i32
        %add3A_338 = arith.constant 3328 : i32
        %add3A_339 = arith.addi %add3A_338, %mul3A_337 : i32
        %get3A_340 = arith.index_cast %add3A_339 : i32 to index
        %get3A_341 = tpu.vector_load %arg12[%get3A_340] {strides = array<i32>} : memref<4096xi32, #tpu.memory_space<vmem>>, vector<16xi32>,
        %add3A_342 = arith.addi %add3A_335, %get3A_341 : vector<16xi32>
        %mul3A_343 = arith.constant 16 : i32
        %mul3A_344 = arith.muli %scan3A_241, %mul3A_343 : i32
        %add3A_345 = arith.constant 3584 : i32
        %add3A_346 = arith.addi %add3A_345, %mul3A_344 : i32
        %get3A_347 = arith.index_cast %add3A_346 : i32 to index
        %get3A_348 = tpu.vector_load %arg12[%get3A_347] {strides = array<i32>} : memref<4096xi32, #tpu.memory_space<vmem>>, vector<16xi32>,
        %add3A_349 = arith.addi %add3A_342, %get3A_348 : vector<16xi32>
        %mul3A_350 = arith.constant 16 : i32
        %mul3A_351 = arith.muli %scan3A_241, %mul3A_350 : i32
        %add3A_352 = arith.constant 3840 : i32
        %add3A_353 = arith.addi %add3A_352, %mul3A_351 : i32
        %get3A_354 = arith.index_cast %add3A_353 : i32 to index
        %get3A_355 = tpu.vector_load %arg12[%get3A_354] {strides = array<i32>} : memref<4096xi32, #tpu.memory_space<vmem>>, vector<16xi32>,
        %add3A_356 = arith.addi %add3A_349, %get3A_355 : vector<16xi32>
        %mul3A_357 = arith.constant 16 : i32
        %mul3A_358 = arith.muli %scan3A_241, %mul3A_357 : i32
        %swap3A_359 = arith.index_cast %mul3A_358 : i32 to index
        %swap3A_360 = tpu.vector_load %arg11[%swap3A_359] {strides = array<i32>} : memref<1024xi32, #tpu.memory_space<vmem>>, vector<16xi32>,
        tpu.vector_store %arg11[%swap3A_359], %add3A_356 {strides = array<i32>} : memref<1024xi32, #tpu.memory_space<vmem>>, vector<16xi32>,
        %scan3A_361 = arith.constant 0 : i32
        scf.yield %scan3A_361 : i32
      }
      %scan3A_214 = arith.constant 8 : i32
      %get3A_215 = arith.constant 5 : i32
      %get3A_216 = arith.index_cast %get3A_215 : i32 to index
      %get3A_217 = memref.load %arg17[%get3A_216] : memref<8xi32, #tpu.memory_space<smem>>
      %sub3A_218 = arith.subi %get3A_217, %get3A_204 : i32
      %iota3A_219 = tpu.iota {dimensions = array<i32: 0>} : vector<16xi32>
      %scan3A_220 = arith.constant 0 : i32
      %scan3A_221 = arith.constant 0 : i32
      %scan3A_222 = arith.constant 0 : i32
      %scan3A_223 = arith.constant 0 : i32
      %scan3A_224 = arith.constant 0 : i32
      %scan3A_225 = arith.constant 8 : i32
      %scan3A_226 = arith.addi %scan3A_224, %scan3A_225 : i32
      %scan3A_227 = arith.constant 1 : i32
      %scan3A_228:4 = scf.for %scan3A_241 = %scan3A_224 to %scan3A_226 step %scan3A_227 iter_args(%scan3A_242 = %scan3A_220, %scan3A_243 = %scan3A_221, %scan3A_244 = %scan3A_222, %scan3A_245 = %scan3A_223) -> (i32, i32, i32, i32)  : i32 {
        %mul3A_246 = arith.constant 16 : i32
        %mul3A_247 = arith.muli %scan3A_241, %mul3A_246 : i32
        %get3A_248 = arith.index_cast %mul3A_247 : i32 to index
        %get3A_249 = tpu.vector_load %arg11[%get3A_248] {strides = array<i32>} : memref<1024xi32, #tpu.memory_space<vmem>>, vector<16xi32>,
        %broadcast_in_dim3A_250 = arith.constant true
        %broadcast_in_dim3A_251 = vector.broadcast %broadcast_in_dim3A_250 : i1 to vector<16xi1>
        %masked_cumsum3A = tpu.scan <sum>, %get3A_249 masked %broadcast_in_dim3A_251 : vector<16xi32>, vector<16xi1> -> vector<16xi32>
        %add3A_252 = vector.broadcast %scan3A_242 : i32 to vector<16xi32>
        %add3A_253 = arith.addi %masked_cumsum3A, %add3A_252 : vector<16xi32>
        %sub3A_254 = arith.subi %add3A_253, %get3A_249 : vector<16xi32>
        %broadcast_in_dim3A_255 = vector.broadcast %sub3A_218 : i32 to vector<16xi32>
        %le3A = arith.cmpi sle, %sub3A_254, %broadcast_in_dim3A_255 : vector<16xi32>
        %lt3A_256 = arith.cmpi slt, %broadcast_in_dim3A_255, %add3A_253 : vector<16xi32>
        %and3A_257 = arith.andi %le3A, %lt3A_256 : vector<16xi1>
        %broadcast_in_dim3A_258 = arith.constant 0 : i32
        %broadcast_in_dim3A_259 = vector.broadcast %broadcast_in_dim3A_258 : i32 to vector<16xi32>
        %mul3A_260 = arith.constant 16 : i32
        %mul3A_261 = arith.muli %scan3A_241, %mul3A_260 : i32
        %add3A_262 = vector.broadcast %mul3A_261 : i32 to vector<16xi32>
        %add3A_263 = arith.addi %iota3A_219, %add3A_262 : vector<16xi32>
        %select_n3A_264 = arith.select %and3A_257, %add3A_263, %broadcast_in_dim3A_259 : vector<16xi1>, vector<16xi32>
        %reduce_sum3A = arith.constant true
        %reduce_sum3A_265 = vector.broadcast %reduce_sum3A : i1 to vector<16xi1>
        %reduce_sum3A_266 = tpu.scan <sum>, %select_n3A_264 masked %reduce_sum3A_265 : vector<16xi32>, vector<16xi1> -> vector<16xi32>
        %reduce_sum3A_267 = vector.extract %reduce_sum3A_266[15] : i32 from vector<16xi32>
        %add3A_268 = arith.addi %scan3A_243, %reduce_sum3A_267 : i32
        %select_n3A_269 = arith.select %and3A_257, %add3A_253, %broadcast_in_dim3A_259 : vector<16xi1>, vector<16xi32>
        %reduce_sum3A_270 = arith.constant true
        %reduce_sum3A_271 = vector.broadcast %reduce_sum3A_270 : i1 to vector<16xi1>
        %reduce_sum3A_272 = tpu.scan <sum>, %select_n3A_269 masked %reduce_sum3A_271 : vector<16xi32>, vector<16xi1> -> vector<16xi32>
        %reduce_sum3A_273 = vector.extract %reduce_sum3A_272[15] : i32 from vector<16xi32>
        %add3A_274 = arith.addi %scan3A_244, %reduce_sum3A_273 : i32
        %select_n3A_275 = arith.select %and3A_257, %get3A_249, %broadcast_in_dim3A_259 : vector<16xi1>, vector<16xi32>
        %reduce_sum3A_276 = arith.constant true
        %reduce_sum3A_277 = vector.broadcast %reduce_sum3A_276 : i1 to vector<16xi1>
        %reduce_sum3A_278 = tpu.scan <sum>, %select_n3A_275 masked %reduce_sum3A_277 : vector<16xi32>, vector<16xi1> -> vector<16xi32>
        %reduce_sum3A_279 = vector.extract %reduce_sum3A_278[15] : i32 from vector<16xi32>
        %add3A_280 = arith.addi %scan3A_245, %reduce_sum3A_279 : i32
        %reduce_sum3A_281 = arith.constant true
        %reduce_sum3A_282 = vector.broadcast %reduce_sum3A_281 : i1 to vector<16xi1>
        %reduce_sum3A_283 = tpu.scan <sum>, %get3A_249 masked %reduce_sum3A_282 : vector<16xi32>, vector<16xi1> -> vector<16xi32>
        %reduce_sum3A_284 = vector.extract %reduce_sum3A_283[15] : i32 from vector<16xi32>
        %add3A_285 = arith.addi %scan3A_242, %reduce_sum3A_284 : i32
        scf.yield %add3A_285, %add3A_268, %add3A_274, %add3A_280 : i32, i32, i32, i32
      }
      %scan3A_229 = arith.constant 8 : i32
      %sub3A_230 = arith.subi %scan3A_228#2, %sub3A_218 : i32
      %shift_left3A = arith.constant 7 : i32
      %shift_left3A_231 = arith.shli %get3A_207, %shift_left3A : i32
      %or3A = arith.ori %shift_left3A_231, %scan3A_228#1 : i32
      %swap3A_232 = arith.constant 3 : i32
      %swap3A_233 = arith.index_cast %swap3A_232 : i32 to index
      %swap3A_234 = memref.load %arg17[%swap3A_233] : memref<8xi32, #tpu.memory_space<smem>>
      memref.store %or3A, %arg17[%swap3A_233] : memref<8xi32, #tpu.memory_space<smem>>
      %swap3A_235 = arith.constant 4 : i32
      %swap3A_236 = arith.index_cast %swap3A_235 : i32 to index
      %swap3A_237 = memref.load %arg17[%swap3A_236] : memref<8xi32, #tpu.memory_space<smem>>
      memref.store %sub3A_230, %arg17[%swap3A_236] : memref<8xi32, #tpu.memory_space<smem>>
      %broadcast_in_dim3A_238 = vector.broadcast %or3A : i32 to vector<16xi32>
      %swap3A_239 = arith.constant 0 : index
      %swap3A_240 = tpu.vector_load %arg15[%swap3A_239] {strides = array<i32>} : memref<128xi32, #tpu.memory_space<vmem>>, vector<16xi32>,
      tpu.vector_store %arg15[%swap3A_239], %broadcast_in_dim3A_238 {strides = array<i32>} : memref<128xi32, #tpu.memory_space<vmem>>, vector<16xi32>,
      "tpu.region"() ({
        %run_scoped3A = tpu.sem_alloc : memref<!tpu.dma_semaphore, #tpu.memory_space<semaphore_mem>>
        tpu.enqueue_dma source(%arg15 : memref<128xi32, #tpu.memory_space<vmem>>) target(%arg23 : memref<128xi32, #tpu.memory_space<vmem_shared>>) target_semaphore(%run_scoped3A : memref<!tpu.dma_semaphore, #tpu.memory_space<semaphore_mem>>)
        tpu.wait_dma2 semaphore(%run_scoped3A : memref<!tpu.dma_semaphore, #tpu.memory_space<semaphore_mem>>) src(%arg15 : memref<128xi32, #tpu.memory_space<vmem>>) dst(%arg23 : memref<128xi32, #tpu.memory_space<vmem_shared>>)
        tpu.yield
      }) : () -> ()
    } else {
    }
    %barrier3A_184 = arith.constant 0 : index
    tpu.barrier barrier_id(%barrier3A_184)
    "tpu.region"() ({
      %run_scoped3A = tpu.sem_alloc : memref<!tpu.dma_semaphore, #tpu.memory_space<semaphore_mem>>
      tpu.enqueue_dma source(%arg23 : memref<128xi32, #tpu.memory_space<vmem_shared>>) target(%arg13 : memref<128xi32, #tpu.memory_space<vmem>>) target_semaphore(%run_scoped3A : memref<!tpu.dma_semaphore, #tpu.memory_space<semaphore_mem>>)
      tpu.wait_dma2 semaphore(%run_scoped3A : memref<!tpu.dma_semaphore, #tpu.memory_space<semaphore_mem>>) src(%arg23 : memref<128xi32, #tpu.memory_space<vmem_shared>>) dst(%arg13 : memref<128xi32, #tpu.memory_space<vmem>>)
      tpu.yield
    }) : () -> ()
    %get3A_185 = arith.constant 0 : index
    %get3A_186 = tpu.vector_load %arg13[%get3A_185] {strides = array<i32>} : memref<128xi32, #tpu.memory_space<vmem>>, vector<16xi32>,
    %parallel_loop3A_187 = arith.constant 0 : i32
    %parallel_loop3A_188 = arith.constant 392 : i32
    %parallel_loop3A_189 = arith.constant 1 : i32
    %parallel_loop3A_190 = scf.for %parallel_loop3A_202 = %parallel_loop3A_187 to %parallel_loop3A_188 step %parallel_loop3A_189 iter_args(%parallel_loop3A_203 = %broadcast_in_dim3A_17) -> (vector<16xf32>)  : i32 {
      %parallel_loop3A_204 = arith.constant 16 : i32
      %parallel_loop3A_205 = arith.muli %parallel_loop3A_202, %parallel_loop3A_204 : i32
      %parallel_loop3A_206 = arith.index_cast %parallel_loop3A_205 : i32 to index
      %parallel_loop3A_207 = tpu.vector_load %arg8[%parallel_loop3A_206] {strides = array<i32>} : memref<6272xi32, #tpu.memory_space<vmem>>, vector<16xi32>,
      %parallel_loop3A_208 = tpu.bitcast %parallel_loop3A_207 : vector<16xi32> -> vector<16xf32>
      %parallel_loop3A_209 = arith.cmpi sgt, %parallel_loop3A_207, %get3A_186 : vector<16xi32>
      %parallel_loop3A_210 = arith.select %parallel_loop3A_209, %parallel_loop3A_208, %broadcast_in_dim3A_17 : vector<16xi1>, vector<16xf32>
      %parallel_loop3A_211 = arith.addf %parallel_loop3A_203, %parallel_loop3A_210 : vector<16xf32>
      scf.yield %parallel_loop3A_211 : vector<16xf32>
    } {sc.loop_unroll_factor = 4 : i64, sc.parallel_access}
    %bitcast_convert_type3A_191 = tpu.bitcast %parallel_loop3A_190 : vector<16xf32> -> vector<16xi32>
    %swap3A_192 = arith.constant 0 : index
    %swap3A_193 = tpu.vector_load %arg13[%swap3A_192] {strides = array<i32>} : memref<128xi32, #tpu.memory_space<vmem>>, vector<16xi32>,
    tpu.vector_store %arg13[%swap3A_192], %bitcast_convert_type3A_191 {strides = array<i32>} : memref<128xi32, #tpu.memory_space<vmem>>, vector<16xi32>,
    %mul3A_194 = arith.constant 128 : i32
    %mul3A_195 = arith.muli %arg1, %mul3A_194 : i32
    "tpu.region"() ({
      %run_scoped3A = tpu.sem_alloc : memref<!tpu.dma_semaphore, #tpu.memory_space<semaphore_mem>>
      %dma_start3A = tpu.memref_slice %arg22[%mul3A_195] : memref<2048xi32, #tpu.memory_space<vmem_shared>> -> memref<128xi32, #tpu.memory_space<vmem_shared>>
      %dma_start3A_202 = tpu.memref_slice %arg22[%mul3A_195] : memref<2048xi32, #tpu.memory_space<vmem_shared>> -> memref<128xi32, #tpu.memory_space<vmem_shared>>
      tpu.enqueue_dma source(%arg13 : memref<128xi32, #tpu.memory_space<vmem>>) target(%dma_start3A_202 : memref<128xi32, #tpu.memory_space<vmem_shared>>) target_semaphore(%run_scoped3A : memref<!tpu.dma_semaphore, #tpu.memory_space<semaphore_mem>>)
      %dma_wait3A = tpu.memref_slice %arg22[%mul3A_195] : memref<2048xi32, #tpu.memory_space<vmem_shared>> -> memref<128xi32, #tpu.memory_space<vmem_shared>>
      %dma_wait3A_203 = tpu.memref_slice %arg22[%mul3A_195] : memref<2048xi32, #tpu.memory_space<vmem_shared>> -> memref<128xi32, #tpu.memory_space<vmem_shared>>
      tpu.wait_dma2 semaphore(%run_scoped3A : memref<!tpu.dma_semaphore, #tpu.memory_space<semaphore_mem>>) src(%arg13 : memref<128xi32, #tpu.memory_space<vmem>>) dst(%dma_wait3A_203 : memref<128xi32, #tpu.memory_space<vmem_shared>>)
      tpu.yield
    }) : () -> ()
    %barrier3A_196 = arith.constant 0 : index
    tpu.barrier barrier_id(%barrier3A_196)
    %eq3A_197 = arith.constant 0 : i32
    %eq3A_198 = arith.cmpi eq, %arg1, %eq3A_197 : i32
    %convert_element_type3A_199 = arith.extui %eq3A_198 : i1 to i32
    %cond3A_200 = arith.constant 0 : i32
    %cond3A_201 = arith.cmpi ne, %convert_element_type3A_199, %cond3A_200 : i32
    scf.if %cond3A_201 {
      "tpu.region"() ({
        %run_scoped3A = tpu.sem_alloc : memref<!tpu.dma_semaphore, #tpu.memory_space<semaphore_mem>>
        tpu.enqueue_dma source(%arg22 : memref<2048xi32, #tpu.memory_space<vmem_shared>>) target(%arg14 : memref<2048xi32, #tpu.memory_space<vmem>>) target_semaphore(%run_scoped3A : memref<!tpu.dma_semaphore, #tpu.memory_space<semaphore_mem>>)
        tpu.wait_dma2 semaphore(%run_scoped3A : memref<!tpu.dma_semaphore, #tpu.memory_space<semaphore_mem>>) src(%arg22 : memref<2048xi32, #tpu.memory_space<vmem_shared>>) dst(%arg14 : memref<2048xi32, #tpu.memory_space<vmem>>)
        tpu.yield
      }) : () -> ()
      %broadcast_in_dim3A_202 = arith.constant 0.000000e+00 : f32
      %broadcast_in_dim3A_203 = vector.broadcast %broadcast_in_dim3A_202 : f32 to vector<16xf32>
      %get3A_204 = arith.constant 0 : index
      %get3A_205 = tpu.vector_load %arg14[%get3A_204] {strides = array<i32>} : memref<2048xi32, #tpu.memory_space<vmem>>, vector<16xi32>,
      %bitcast_convert_type3A_206 = tpu.bitcast %get3A_205 : vector<16xi32> -> vector<16xf32>
      %add3A_207 = arith.addf %broadcast_in_dim3A_203, %bitcast_convert_type3A_206 : vector<16xf32>
      %get3A_208 = arith.constant 128 : index
      %get3A_209 = tpu.vector_load %arg14[%get3A_208] {strides = array<i32>} : memref<2048xi32, #tpu.memory_space<vmem>>, vector<16xi32>,
      %bitcast_convert_type3A_210 = tpu.bitcast %get3A_209 : vector<16xi32> -> vector<16xf32>
      %add3A_211 = arith.addf %add3A_207, %bitcast_convert_type3A_210 : vector<16xf32>
      %get3A_212 = arith.constant 256 : index
      %get3A_213 = tpu.vector_load %arg14[%get3A_212] {strides = array<i32>} : memref<2048xi32, #tpu.memory_space<vmem>>, vector<16xi32>,
      %bitcast_convert_type3A_214 = tpu.bitcast %get3A_213 : vector<16xi32> -> vector<16xf32>
      %add3A_215 = arith.addf %add3A_211, %bitcast_convert_type3A_214 : vector<16xf32>
      %get3A_216 = arith.constant 384 : index
      %get3A_217 = tpu.vector_load %arg14[%get3A_216] {strides = array<i32>} : memref<2048xi32, #tpu.memory_space<vmem>>, vector<16xi32>,
      %bitcast_convert_type3A_218 = tpu.bitcast %get3A_217 : vector<16xi32> -> vector<16xf32>
      %add3A_219 = arith.addf %add3A_215, %bitcast_convert_type3A_218 : vector<16xf32>
      %get3A_220 = arith.constant 512 : index
      %get3A_221 = tpu.vector_load %arg14[%get3A_220] {strides = array<i32>} : memref<2048xi32, #tpu.memory_space<vmem>>, vector<16xi32>,
      %bitcast_convert_type3A_222 = tpu.bitcast %get3A_221 : vector<16xi32> -> vector<16xf32>
      %add3A_223 = arith.addf %add3A_219, %bitcast_convert_type3A_222 : vector<16xf32>
      %get3A_224 = arith.constant 640 : index
      %get3A_225 = tpu.vector_load %arg14[%get3A_224] {strides = array<i32>} : memref<2048xi32, #tpu.memory_space<vmem>>, vector<16xi32>,
      %bitcast_convert_type3A_226 = tpu.bitcast %get3A_225 : vector<16xi32> -> vector<16xf32>
      %add3A_227 = arith.addf %add3A_223, %bitcast_convert_type3A_226 : vector<16xf32>
      %get3A_228 = arith.constant 768 : index
      %get3A_229 = tpu.vector_load %arg14[%get3A_228] {strides = array<i32>} : memref<2048xi32, #tpu.memory_space<vmem>>, vector<16xi32>,
      %bitcast_convert_type3A_230 = tpu.bitcast %get3A_229 : vector<16xi32> -> vector<16xf32>
      %add3A_231 = arith.addf %add3A_227, %bitcast_convert_type3A_230 : vector<16xf32>
      %get3A_232 = arith.constant 896 : index
      %get3A_233 = tpu.vector_load %arg14[%get3A_232] {strides = array<i32>} : memref<2048xi32, #tpu.memory_space<vmem>>, vector<16xi32>,
      %bitcast_convert_type3A_234 = tpu.bitcast %get3A_233 : vector<16xi32> -> vector<16xf32>
      %add3A_235 = arith.addf %add3A_231, %bitcast_convert_type3A_234 : vector<16xf32>
      %get3A_236 = arith.constant 1024 : index
      %get3A_237 = tpu.vector_load %arg14[%get3A_236] {strides = array<i32>} : memref<2048xi32, #tpu.memory_space<vmem>>, vector<16xi32>,
      %bitcast_convert_type3A_238 = tpu.bitcast %get3A_237 : vector<16xi32> -> vector<16xf32>
      %add3A_239 = arith.addf %add3A_235, %bitcast_convert_type3A_238 : vector<16xf32>
      %get3A_240 = arith.constant 1152 : index
      %get3A_241 = tpu.vector_load %arg14[%get3A_240] {strides = array<i32>} : memref<2048xi32, #tpu.memory_space<vmem>>, vector<16xi32>,
      %bitcast_convert_type3A_242 = tpu.bitcast %get3A_241 : vector<16xi32> -> vector<16xf32>
      %add3A_243 = arith.addf %add3A_239, %bitcast_convert_type3A_242 : vector<16xf32>
      %get3A_244 = arith.constant 1280 : index
      %get3A_245 = tpu.vector_load %arg14[%get3A_244] {strides = array<i32>} : memref<2048xi32, #tpu.memory_space<vmem>>, vector<16xi32>,
      %bitcast_convert_type3A_246 = tpu.bitcast %get3A_245 : vector<16xi32> -> vector<16xf32>
      %add3A_247 = arith.addf %add3A_243, %bitcast_convert_type3A_246 : vector<16xf32>
      %get3A_248 = arith.constant 1408 : index
      %get3A_249 = tpu.vector_load %arg14[%get3A_248] {strides = array<i32>} : memref<2048xi32, #tpu.memory_space<vmem>>, vector<16xi32>,
      %bitcast_convert_type3A_250 = tpu.bitcast %get3A_249 : vector<16xi32> -> vector<16xf32>
      %add3A_251 = arith.addf %add3A_247, %bitcast_convert_type3A_250 : vector<16xf32>
      %get3A_252 = arith.constant 1536 : index
      %get3A_253 = tpu.vector_load %arg14[%get3A_252] {strides = array<i32>} : memref<2048xi32, #tpu.memory_space<vmem>>, vector<16xi32>,
      %bitcast_convert_type3A_254 = tpu.bitcast %get3A_253 : vector<16xi32> -> vector<16xf32>
      %add3A_255 = arith.addf %add3A_251, %bitcast_convert_type3A_254 : vector<16xf32>
      %get3A_256 = arith.constant 1664 : index
      %get3A_257 = tpu.vector_load %arg14[%get3A_256] {strides = array<i32>} : memref<2048xi32, #tpu.memory_space<vmem>>, vector<16xi32>,
      %bitcast_convert_type3A_258 = tpu.bitcast %get3A_257 : vector<16xi32> -> vector<16xf32>
      %add3A_259 = arith.addf %add3A_255, %bitcast_convert_type3A_258 : vector<16xf32>
      %get3A_260 = arith.constant 1792 : index
      %get3A_261 = tpu.vector_load %arg14[%get3A_260] {strides = array<i32>} : memref<2048xi32, #tpu.memory_space<vmem>>, vector<16xi32>,
      %bitcast_convert_type3A_262 = tpu.bitcast %get3A_261 : vector<16xi32> -> vector<16xf32>
      %add3A_263 = arith.addf %add3A_259, %bitcast_convert_type3A_262 : vector<16xf32>
      %get3A_264 = arith.constant 1920 : index
      %get3A_265 = tpu.vector_load %arg14[%get3A_264] {strides = array<i32>} : memref<2048xi32, #tpu.memory_space<vmem>>, vector<16xi32>,
      %bitcast_convert_type3A_266 = tpu.bitcast %get3A_265 : vector<16xi32> -> vector<16xf32>
      %add3A_267 = arith.addf %add3A_263, %bitcast_convert_type3A_266 : vector<16xf32>
      %reduce_sum3A = arith.constant true
      %reduce_sum3A_268 = vector.broadcast %reduce_sum3A : i1 to vector<16xi1>
      %reduce_sum3A_269 = tpu.scan <sum>, %add3A_267 masked %reduce_sum3A_268 : vector<16xf32>, vector<16xi1> -> vector<16xf32>
      %reduce_sum3A_270 = vector.extract %reduce_sum3A_269[15] : f32 from vector<16xf32>
      %get3A_271 = arith.constant 0 : i32
      %get3A_272 = arith.index_cast %get3A_271 : i32 to index
      %get3A_273 = memref.load %arg18[%get3A_272] : memref<8xf32, #tpu.memory_space<smem>>
      %get3A_274 = arith.constant 2 : i32
      %get3A_275 = arith.index_cast %get3A_274 : i32 to index
      %get3A_276 = memref.load %arg17[%get3A_275] : memref<8xi32, #tpu.memory_space<smem>>
      %get3A_277 = arith.constant 3 : i32
      %get3A_278 = arith.index_cast %get3A_277 : i32 to index
      %get3A_279 = memref.load %arg17[%get3A_278] : memref<8xi32, #tpu.memory_space<smem>>
      %get3A_280 = arith.constant 4 : i32
      %get3A_281 = arith.index_cast %get3A_280 : i32 to index
      %get3A_282 = memref.load %arg17[%get3A_281] : memref<8xi32, #tpu.memory_space<smem>>
      %broadcast_in_dim3A_283 = vector.broadcast %get3A_279 : i32 to vector<16xi32>
      %bitcast_convert_type3A_284 = tpu.bitcast %broadcast_in_dim3A_283 : vector<16xi32> -> vector<16xf32>
      %broadcast_in_dim3A_285 = vector.broadcast %get3A_282 : i32 to vector<16xi32>
      %convert_element_type3A_286 = arith.sitofp %broadcast_in_dim3A_285 : vector<16xi32> to vector<16xf32>
      %broadcast_in_dim3A_287 = vector.broadcast %reduce_sum3A_270 : f32 to vector<16xf32>
      %mul3A_288 = arith.mulf %convert_element_type3A_286, %bitcast_convert_type3A_284 : vector<16xf32>
      %add3A_289 = arith.addf %broadcast_in_dim3A_287, %mul3A_288 : vector<16xf32>
      %broadcast_in_dim3A_290 = vector.broadcast %get3A_276 : i32 to vector<16xi32>
      %gt3A = arith.constant 0 : i32
      %gt3A_291 = vector.broadcast %gt3A : i32 to vector<16xi32>
      %gt3A_292 = arith.cmpi sgt, %broadcast_in_dim3A_290, %gt3A_291 : vector<16xi32>
      %broadcast_in_dim3A_293 = arith.constant 0.000000e+00 : f32
      %broadcast_in_dim3A_294 = vector.broadcast %broadcast_in_dim3A_293 : f32 to vector<16xf32>
      %select_n3A_295 = arith.select %gt3A_292, %add3A_289, %broadcast_in_dim3A_294 : vector<16xi1>, vector<16xf32>
      %broadcast_in_dim3A_296 = vector.broadcast %get3A_273 : f32 to vector<16xf32>
      %add3A_297 = arith.addf %broadcast_in_dim3A_296, %select_n3A_295 : vector<16xf32>
      %mul3A_298 = arith.constant 1.66666669E-5 : f32
      %mul3A_299 = vector.broadcast %mul3A_298 : f32 to vector<16xf32>
      %mul3A_300 = arith.mulf %add3A_297, %mul3A_299 : vector<16xf32>
      %swap3A_301 = arith.constant 0 : index
      %swap3A_302 = tpu.vector_load %arg16[%swap3A_301] {strides = array<i32>} : memref<16xf32, #tpu.memory_space<vmem>>, vector<16xf32>,
      tpu.vector_store %arg16[%swap3A_301], %mul3A_300 {strides = array<i32>} : memref<16xf32, #tpu.memory_space<vmem>>, vector<16xf32>,
      "tpu.region"() ({
        %run_scoped3A = tpu.sem_alloc : memref<!tpu.dma_semaphore, #tpu.memory_space<semaphore_mem>>
        tpu.enqueue_dma source(%arg16 : memref<16xf32, #tpu.memory_space<vmem>>) target(%arg4 : memref<16xf32, #tpu.memory_space<hbm>>) target_semaphore(%run_scoped3A : memref<!tpu.dma_semaphore, #tpu.memory_space<semaphore_mem>>)
        tpu.wait_dma2 semaphore(%run_scoped3A : memref<!tpu.dma_semaphore, #tpu.memory_space<semaphore_mem>>) src(%arg16 : memref<16xf32, #tpu.memory_space<vmem>>) dst(%arg4 : memref<16xf32, #tpu.memory_space<hbm>>)
        tpu.yield
      }) : () -> ()
    } else {
    }
    return
  }
}

</mosaic_0001>

<sc_bundles>
// kernel: kernel.3.cloned.1.call-start
scs
__scs_entry_jumppad:
0x0: {  	(pc) =	sbr.rel $0x88, $3  }
0x1: {  	(tag) =	ssettag $0x0;
	lr =	simm.s32 $0x1  }
0x2: {  	[smem:$0x3F9F] =	sst lr;
	_ =	strace $0xD0000000  }
0x3: {  	_ = 	snop  }
0x4: {  	_ = 	snop  }
0x5: {  	_ = 	snop  }
0x6: {  	_ = 	snop  }
0x7: {  	_ = 	snop  }
__scs_overlays_trampoline_lowered:
0x8: {  	[smem:$0x3FAE] =	sst s0  }
0x9: {  	[smem:$0x3FAF] =	sst s1  }
0xa: {  	[smem:$0x3FB0] =	sst s2  }
0xb: {  	[smem:$0x3FB1] =	sst s3  }
0xc: {  	[smem:$0x3FB2] =	sst s4  }
0xd: {  	[smem:$0x3FB3] =	sst s5  }
0xe: {  	[smem:$0x3FB4] =	sst s6  }
0xf: {  	[smem:$0x3FB5] =	sst s7  }
0x10: {  	[smem:$0x3FB6] =	sst s8  }
0x11: {  	[smem:$0x3FB7] =	sst s9;
	s0 =	simm.s32 @!p0 $0x0  }
0x12: {  	s1 =	sld [smem:$0x3F9D];
	s0 =	simm.s32 @p0 $0x1  }
0x13: {  	[smem:$0x3FB8] =	sst s0;
	s0 =	simm.s32 @!p1 $0x0  }
0x14: {  	s2 =	sld [smem:$0x3F9C];
	s0 =	simm.s32 @p1 $0x1  }
0x15: {  	[smem:$0x3FB9] =	sst s0;
	s0 =	simm.s32 @!p2 $0x0  }
0x16: {  	s3 =	sld [smem:$0x3FDB];
	s0 =	simm.s32 @p2 $0x1  }
0x17: {  	s4 =	simm.s32 $0x1BF5;
	[smem:$0x3FBB] =	sst s0  }
0x18: {  	s0 =	sld [smem:$0x3F9E];
	_ =	swait.ge [sflag:s4], $0x0  }
0x19: {  	s7 =	sld [smem:$0x3F9F]  }
0x1a: {  	s8 =	sadd.s32 $0xFFFFE003, lr  }
0x1b: {  	s9 =	sadd.s32 $0xFFFFFEF7, lr;
	s5 =	simm.s32 $0xFFFFFFFF;
	p2 =	slt.u32 s8, $0xFFFFF086  }
0x1c: {  	p1 =	slt.u32 s9, $0xF7A;
	s5 =	simm.s32 @!p2 $0x0  }
0x1d: {  	s5 =	simm.s32 @p1 $0x1;
	p0 =	seq.s32 s7, s2  }
0x1e: {  	s7 =	smul.u32 @!p0 $0xF7A, s2;
	p2 =	seq.s32 @!p0 s5, $0x0  }
0x1f: {  	s9 =	smul.u32 $0xF7A, s1;
	s8 =	simm.s32 @!p0 $0x1BF5;
	p2 =	por !p2, p0  }
0x20: {  	[sflag:s8] =	ssyncset.s32 @!p0 $0xFFFFF086;
	s6 =	sadd.s32 @!p0 s3, s7;
	s7 =	simm.s32 @!p0 $0x108  }
0x21: {  	s3 =	sadd.s32 s3, s9;
	s6 =	sadd.s32 @!p0 $0x88, s6;
	s7 =	simm.s32 @p2 $0x1082  }
0x22: {  	[simem:s7], [sflag:s8] =	dma.local @!p0 [hbm:s6], $0xF7A  }
0x23: {  	s9 =	sor.u32 $0xD0000000, s2;
	s6 =	simm.s32 $0x108;
	_ =	swait.ge @!p0 [sflag:s8], $0x0  }
0x24: {  	s3 =	sadd.s32 $0x88, s3;
	s6 =	simm.s32 @!p1 $0x1082;
	[sflag:s4] =	ssyncset.s32 $0xFFFFF086  }
0x25: {  	[simem:s6], [sflag:s4] =	dma.local [hbm:s3], $0xF7A  }
0x26: {  	[smem:$0x3F9F] =	sst s1;
	(tag) =	ssettag s2;
	_ =	strace s9  }
0x27: {  	s1 =	sld [smem:$0x3FAF]  }
0x28: {  	s2 =	sld [smem:$0x3FB0]  }
0x29: {  	s4 =	sld [smem:$0x3FB2]  }
0x2a: {  	p0 =	seq.s32 s5, $0x0;
	s5 =	sld [smem:$0x3FB3]  }
0x2b: {  	s6 =	sld [smem:$0x3FB4]  }
0x2c: {  	s7 =	sld [smem:$0x3FB5]  }
0x2d: {  	s3 =	simm.s32 $0x108;
	s8 =	sld [smem:$0x3FB6]  }
0x2e: {  	s3 =	simm.s32 @!p0 $0x1082;
	s9 =	sld [smem:$0x3FB7]  }
0x2f: {  	lr =	sadd.s32 s0, s3;
	s0 =	sld [smem:$0x3FAE]  }
0x30: {  	s3 =	sld [smem:$0x3FB1]  }
0x31: {  	[smem:$0x3FBA] =	sst s10  }
0x32: {  	s10 =	sld [smem:$0x3FB8];
	_ =	sdelay $0x3  }
0x33: {  	p0 =	seq.s32 s10, $0x1;
	s10 =	sld [smem:$0x3FBA];
	_ =	sdelay $0x3  }
0x34: {  	[smem:$0x3FBA] =	sst s10  }
0x35: {  	s10 =	sld [smem:$0x3FB9];
	_ =	sdelay $0x3  }
0x36: {  	p1 =	seq.s32 s10, $0x1;
	s10 =	sld [smem:$0x3FBA];
	_ =	sdelay $0x3  }
0x37: {  	[smem:$0x3FBA] =	sst s10  }
0x38: {  	s10 =	sld [smem:$0x3FBB]  }
0x39: {  	_ = 	snop;
	(pc) =	sbr.ind lr, $3  }
0x3a: {  	_ = 	snop  }
0x3b: {  	_ = 	snop  }
0x3c: {  	p2 =	seq.s32 s10, $0x1;
	s10 =	sld [smem:$0x3FBA]  }
0x3d: {  	_ =	shalt  }
0x3e: {  	_ =	shalt  }
0x3f: {  	_ =	shalt  }
0x40: {  	_ =	shalt  }
0x41: {  	_ =	shalt  }
0x42: {  	_ =	shalt  }
0x43: {  	_ =	shalt  }
0x44: {  	_ =	shalt  }
0x45: {  	_ =	shalt  }
0x46: {  	_ =	shalt  }
0x47: {  	_ =	shalt  }
0x48: {  	_ =	shalt  }
0x49: {  	_ =	shalt  }
0x4a: {  	_ =	shalt  }
0x4b: {  	_ =	shalt  }
0x4c: {  	_ =	shalt  }
0x4d: {  	_ =	shalt  }
0x4e: {  	_ =	shalt  }
0x4f: {  	_ =	shalt  }
0x50: {  	_ =	shalt  }
0x51: {  	_ =	shalt  }
0x52: {  	_ =	shalt  }
0x53: {  	_ =	shalt  }
0x54: {  	_ =	shalt  }
0x55: {  	_ =	shalt  }
0x56: {  	_ =	shalt  }
0x57: {  	_ =	shalt  }
0x58: {  	_ =	shalt  }
0x59: {  	_ =	shalt  }
0x5a: {  	_ =	shalt  }
0x5b: {  	_ =	shalt  }
0x5c: {  	_ =	shalt  }
0x5d: {  	_ =	shalt  }
0x5e: {  	_ =	shalt  }
0x5f: {  	_ =	shalt  }
0x60: {  	_ =	shalt  }
0x61: {  	_ =	shalt  }
0x62: {  	_ =	shalt  }
0x63: {  	_ =	shalt  }
0x64: {  	_ =	shalt  }
0x65: {  	_ =	shalt  }
0x66: {  	_ =	shalt  }
0x67: {  	_ =	shalt  }
0x68: {  	_ =	shalt  }
0x69: {  	_ =	shalt  }
0x6a: {  	_ =	shalt  }
0x6b: {  	_ =	shalt  }
0x6c: {  	_ =	shalt  }
0x6d: {  	_ =	shalt  }
0x6e: {  	_ =	shalt  }
0x6f: {  	_ =	shalt  }
0x70: {  	_ =	shalt  }
0x71: {  	_ =	shalt  }
0x72: {  	_ =	shalt  }
0x73: {  	_ =	shalt  }
0x74: {  	_ =	shalt  }
0x75: {  	_ =	shalt  }
0x76: {  	_ =	shalt  }
0x77: {  	_ =	shalt  }
0x78: {  	_ =	shalt  }
0x79: {  	_ =	shalt  }
0x7a: {  	_ =	shalt  }
0x7b: {  	_ =	shalt  }
0x7c: {  	_ =	shalt  }
0x7d: {  	_ =	shalt  }
0x7e: {  	_ =	shalt  }
0x7f: {  	_ =	shalt  }
0x80: {  	_ =	shalt  }
0x81: {  	_ =	shalt  }
0x82: {  	_ =	shalt  }
0x83: {  	_ =	shalt  }
0x84: {  	_ =	shalt  }
0x85: {  	_ =	shalt  }
0x86: {  	_ =	shalt  }
0x87: {  	_ =	shalt  }
.Lfunc_end0:
.L_simem_size_0:
called_computation_lowered:
.L_overlay_start_0:
0x88: {  	s0 =	sld [smem:$0x3FD9]  }
0x89: {  	s1 =	sld [smem:$0x3FFE];
	_ =	sdelay $0x3  }
0x8a: {  	s0 =	sadd.s32 s1, s0  }
0x8b: {  	[smem:$0x3FC6] =	sst s0  }
0x8c: {  	_ = 	snop  }
0x8d: {  	s0 =	sld [smem:$0x3FD0];
	(tm) =	ssettm $0x1  }
0x8e: {  	s16 =	sld [smem:$0x3FFB];
	_ =	sdelay $0x3  }
0x8f: {  	_ =	strace s16  }
0x90: {  	s1 =	sld [smem:$0x3FFC];
	_ =	sdelay $0x3  }
0x91: {  	_ =	strace s1  }
0x92: {  	s1 =	sld [smem:$0x3FFD];
	_ =	sdelay $0x3  }
0x93: {  	_ =	strace s1  }
0x94: {  	_ =	strace $0x8FFFFFFF  }
0x95: {  	s17 =	sld [smem:$0x3FDB];
	_ =	sdelay $0x1  }
0x96: {  	s2 =	simm.s32 $_scs_section_size  }
0x97: {  	s3 =	simm.s32 $_size__tile_overlayer_lowered;
	s4 =	simm.s32 $_tile_overlayer_lowered  }
0x98: {  	s20 =	simm.s32 $0x1BFF;
	s19 =	sshll.u32 s4, $0x1;
	s1 =	sadd.s32 s2, s17  }
0x99: {  	s5 =	simm.s32 $0x0;
	s18 =	sshll.u32 s3, $0x1;
	s3 =	sadd.s32 s19, s1  }
0x9a: {  	[timem:s5], [sflag:s20] =	dma.local [hbm:s3], s18  }
0x9b: {  	_ =	swait.ge [sflag:s20], s18  }
0x9c: {  	s2 =	ssub.s32 $0x0, s18;
	[sflag:s20] =	ssyncset.done $0x0  }
0x9d: {  	[sflag:s20] =	ssyncadd.s32 s2;
	_ =	sdelay $0x1  }
0x9e: {  	s21 =	simm.s32 $0x1B8B  }
0x9f: {  	_ =	swait.ge [sflag:s21], $0x1  }
0xa0: {  	[sflag:s21] =	ssyncset.done $0x0  }
0xa1: {  	s23 =	simm.s32 $0x1B8E;
	s22 =	sld [smem:$0x3FFE];
	[sflag:s21] =	ssyncadd.s32 $0xFFFFFFFF  }
0xa2: {  	s24 =	simm.s32 $execute0_lowered;
	[smem:$0x3FD2] =	sst s23  }
0xa3: {  	s3 =	sshll.u32 s24, $0x1;
	_ =	strace $0x80000046;
	[dreg:$0x1] =	wrdreg $0xFFFFFFFF  }
0xa4: {  	s25 =	simm.s32 $_size_execute0_lowered;
	s1 =	sadd.s32 s1, s3;
	[dreg:$0x0] =	wrdreg $0x0  }
0xa5: {  	s3 =	sshll.u32 s25, $0x1;
	[dreg:$0x2] =	wrdreg s1  }
0xa6: {  	[dreg:$0x3] =	wrdreg s3  }
0xa7: {  	[dreg:$0x4] =	wrdreg $0xC0  }
0xa8: {  	_ =	task [dreg:s5], $0x5FFFF  }
0xa9: {  	[dreg:$0x1] =	wrdreg $0xFFFFFFFF  }
0xaa: {  	[dreg:$0x0] =	wrdreg $0x60  }
0xab: {  	[dreg:$0x2] =	wrdreg s22  }
0xac: {  	[dreg:$0x3] =	wrdreg s0  }
0xad: {  	[dreg:$0x4] =	wrdreg $0xB2800  }
0xae: {  	[dreg:$0x5] =	wrdreg $0xB1800  }
0xaf: {  	[dreg:$0x6] =	wrdreg $0xB3800  }
0xb0: {  	[dreg:$0x7] =	wrdreg $0xB3000  }
0xb1: {  	[dreg:$0x8] =	wrdreg $0x9  }
0xb2: {  	_ =	task.clear_ibuf [dreg:s5], $0x9FFFF;
	_ =	strace $0x90000046  }
0xb3: {  	s26 =	simm.s32 $0x9;
	_ =	strace $0x80000048  }
0xb4: {  	_ =	swait.ge [sflag:s26], $0x1  }
0xb5: {  	[sflag:s26] =	ssyncadd.s32 $0xFFFFFFFF  }
0xb6: {  	_ =	strace $0x90000048  }
0xb7: {  	_ =	sfence  }
0xb8: {  	s28 =	sld [smem:$0x0];
	_ =	sdelay $0x1  }
0xb9: {  	s29 =	srdreg.scid  }
0xba: {  	s30 =	sshll.u32 s29, $0xD;
	s31 =	sshrl.u32 s29, $0x2  }
0xbb: {  	s2 =	sand.u32 $0x4000, s30;
	s1 =	sand.u32 $0x1, s29;
	s0 =	sadd.s32 s31, s28  }
0xbc: {  	s1 =	sor.u32 s2, s1;
	s0 =	sshll.u32 s0, $0x11  }
0xbd: {  	s0 =	sor.u32 s0, s1  }
0xbe: {  	s0 =	sadd.s32 $0x8F2B, s0  }
0xbf: {  	[sflag:s0] =	ssyncadd.remote.s32 $0x1  }
0xc0: {  	_ =	sfence.sel $0xFFFF  }
0xc1: {  	[dreg:$0x0] =	wrdreg $0xFFFFFFFF;
	(pc) =	sbr.abs _section_cstart, $3  }
0xc2: {  	[dreg:$0x1] =	wrdreg $0xFFFFFFFF  }
0xc3: {  	_ =	task.clear_ibuf [dreg:s5], $0x2FFFF;
	_ =	strace $0x9FFFFFFF  }
0xc4: {  	(tm) =	ssettm $0x7FFFFFFF  }
0xc5: {  	_ =	shalt  }
tec
execute0_lowered:
.L_overlay_start_1:
0x0: {  	(tag) =	ssettag $0x1  }
0x1: {  	s4 =	rddreg [dreg:$0x0]  }
0x2: {  	s1 =	rddreg [dreg:$0x1]  }
0x3: {  	s8 =	rddreg [dreg:$0x2]  }
0x4: {  	s5 =	rddreg [dreg:$0x3]  }
0x5: {  	s3 =	rddreg [dreg:$0x4]  }
0x6: {  	s2 =	rddreg [dreg:$0x5]  }
0x7: {  	s0 =	rddreg [dreg:$0x6];
	s7 =	simm.s32 $0x0;
	s6 =	stileid.u32  }
0x8: {  	[smem:$0x7FF] =	sst s7;
	s7 =	sadd.s32 $0x200, s4;
	p0 =	seq.s32 s6, $0xF  }
0x9: {  	_ =	strace $0x80000047;
	s9 =	sadd.s32 @p0 $0x2DF0, s7;
	s10 =	simm.s32 @p0 $0x0  }
0xa: {  	[tilespmem:s10], [sflag:$0x1] =	stream.linear.gather @p0 [hbm4b:s9+s10], $0x1720, $0x38;
	[tilespmem:$0xB388] =	vst v63  }
0xb: {  	s4 =	sadd.s32 $0x6400, s4;
	s11 =	simm.s32 @p0 $0x1880;
	s9 =	sadd.s32 @p0 $0x5EC4, s7  }
0xc: {  	[tilespmem:s11], [sflag:$0x1] =	stream.linear.gather @p0 [hbm4b:s9+s10], $0x1720, $0x38;
	[tilespmem:$0xB388] =	vst v63  }
0xd: {  	s9 =	sadd.s32 @p0 $0x2DF0, s4;
	s11 =	simm.s32 @p0 $0x3100  }
0xe: {  	[tilespmem:s11], [sflag:$0x1] =	stream.linear.gather @p0 [hbm4b:s9+s10], $0x1720, $0x38;
	[tilespmem:$0xB388] =	vst v63  }
0xf: {  	s9 =	simm.s32 @p0 $0x1  }
0x10: {  	_ =	swait.ge @p0 [sflag:s9], $0x1720  }
0x11: {  	[sflag:s9] =	ssyncset.done @p0 $0x0  }
0x12: {  	[sflag:s9] =	ssyncadd.s32 @p0 $0xFFFFE8E0  }
0x13: {  	_ =	swait.ge @p0 [sflag:s9], $0x1720  }
0x14: {  	[sflag:s9] =	ssyncset.done @p0 $0x0  }
0x15: {  	[sflag:s9] =	ssyncadd.s32 @p0 $0xFFFFE8E0  }
0x16: {  	_ =	swait.ge @p0 [sflag:s9], $0x1720  }
0x17: {  	[sflag:s9] =	ssyncset.done @p0 $0x0  }
0x18: {  	v0 =	vimm.s32 @p0 $0x2;
	[sflag:s9] =	ssyncadd.s32 @p0 $0xFFFFE8E0  }
0x19: {  	[tilespmem:$0x4820] =	vst @p0 v0  }
0x1a: {  	[tilespmem:$0x4830] =	vst @p0 v0  }
0x1b: {  	[tilespmem:$0x4840] =	vst @p0 v0  }
0x1c: {  	[tilespmem:$0x4850] =	vst @p0 v0  }
0x1d: {  	[tilespmem:$0x4860] =	vst @p0 v0  }
0x1e: {  	[tilespmem:$0x4870] =	vst @p0 v0  }
0x1f: {  	[tilespmem:$0x4880] =	vst @p0 v0  }
0x20: {  	[tilespmem:$0x4890] =	vst @p0 v0  }
0x21: {  	[tilespmem:$0x48A0] =	vst @p0 v0  }
0x22: {  	[tilespmem:$0x48B0] =	vst @p0 v0  }
0x23: {  	[tilespmem:$0x48C0] =	vst @p0 v0  }
0x24: {  	[tilespmem:$0x48D0] =	vst @p0 v0  }
0x25: {  	[tilespmem:$0x48E0] =	vst @p0 v0  }
0x26: {  	[tilespmem:$0x48F0] =	vst @p0 v0  }
0x27: {  	[tilespmem:$0x4900] =	vst @p0 v0  }
0x28: {  	[tilespmem:$0x4910] =	vst @p0 v0  }
0x29: {  	[tilespmem:$0x4920] =	vst @p0 v0  }
0x2a: {  	[tilespmem:$0x4930] =	vst @p0 v0  }
0x2b: {  	s9 =	smul.u32 @!p0 $0x1880, s6;
	[tilespmem:$0x4940] =	vst @p0 v0  }
0x2c: {  	[tilespmem:$0x4950] =	vst @p0 v0  }
0x2d: {  	[tilespmem:$0x4960] =	vst @p0 v0;
	s9 =	sshrl.u32 @!p0 s9, $0x3  }
0x2e: {  	s10 =	simm.s32 @!p0 $0x0;
	[tilespmem:$0x4970] =	vst @p0 v0;
	s7 =	sadd.s32 @!p0 s7, s9  }
0x2f: {  	[tilespmem:s10], [sflag:$0x1] =	stream.linear.gather @!p0 [hbm4b:s7+s10], $0x1880, $0x38;
	[tilespmem:$0xB388] =	vst v63  }
0x30: {  	s11 =	simm.s32 @!p0 $0x1880;
	s7 =	sadd.s32 @!p0 $0x30D4, s7  }
0x31: {  	[tilespmem:s11], [sflag:$0x1] =	stream.linear.gather @!p0 [hbm4b:s7+s10], $0x1880, $0x38;
	[tilespmem:$0xB388] =	vst v63  }
0x32: {  	s4 =	sadd.s32 @!p0 s4, s9;
	s7 =	simm.s32 @!p0 $0x3100  }
0x33: {  	[tilespmem:s7], [sflag:$0x1] =	stream.linear.gather @!p0 [hbm4b:s4+s10], $0x1880, $0x38;
	[tilespmem:$0xB388] =	vst v63  }
0x34: {  	s10 =	simm.s32 @!p0 $0x1  }
0x35: {  	_ =	swait.ge @!p0 [sflag:s10], $0x1880  }
0x36: {  	[sflag:s10] =	ssyncset.done @!p0 $0x0  }
0x37: {  	[sflag:s10] =	ssyncadd.s32 @!p0 $0xFFFFE780  }
0x38: {  	_ =	swait.ge @!p0 [sflag:s10], $0x1880  }
0x39: {  	[sflag:s10] =	ssyncset.done @!p0 $0x0  }
0x3a: {  	s30 =	sshll.u32 s6, $0x7;
	[sflag:s10] =	ssyncadd.s32 @!p0 $0xFFFFE780  }
0x3b: {  	s31 =	sshll.u32 s6, $0x8;
	s9 =	sadd.s32 s30, s8;
	_ =	swait.ge @!p0 [sflag:s10], $0x1880  }
0x3c: {  	s11 =	simm.s32 $0x0;
	s7 =	sadd.s32 s31, s5;
	[sflag:s10] =	ssyncset.done @!p0 $0x0  }
0x3d: {  	v0 =	vimm.s32 $0x0;
	s4 =	sadd.s32 s30, s2;
	[sflag:s10] =	ssyncadd.s32 @!p0 $0xFFFFE780;
	s10 =	simm.s32 $0x40  }
.LBB2_1:
0x3e: {  	p0 =	sne.s32 s10, $0xFC0;
	[tilespmem:s11+$0x9400] =	vst v0;
	s11 =	smov.u32 s10;
	s10 =	sadd.s32 $0x40, s10  }
.Ltmp0:
0x3f: {  	(pc) =	sbr.rel @p0 .LBB2_1-.Ltmp0, $2  }
0x40: {  	_ =	sdelay $0x2  }
0x41: {  	s11 =	sshra.s32 s11, $0x2  }
0x42: {  	[tilespmem:s11+$0x9400] =	vst v0;
	s10 =	simm.s32 $0x20  }
0x43: {  	s25 =	simm.s32 $0x18A0;
	v0 =	vld [tilespmem:s10+$0xFFFFFFE0]  }
0x44: {  	v1 =	vld [tilespmem:s25+$0xFFFFFFE0]  }
0x45: {  	v2 =	vld [tilespmem:s10+$0xFFFFFFF0]  }
0x46: {  	v3 =	vld [tilespmem:s25+$0xFFFFFFF0]  }
0x47: {  	v4 =	vld [tilespmem:s10+$0x0]  }
0x48: {  	v5 =	vld [tilespmem:s25+$0x0]  }
0x49: {  	v6 =	vld [tilespmem:s10+$0x10]  }
0x4a: {  	v7 =	vld [tilespmem:s25+$0x10]  }
0x4b: {  	v12 =	vsub.f32 v0, v1;
	_ =	sdelay $0x1  }
0x4c: {  	v13 =	vsub.f32 v2, v3;
	v0 =	vand.u32 $0x7FFFFFFF, v12  }
0x4d: {  	v14 =	vsub.f32 v4, v5;
	v0 =	vsub.f32 $0.0e+00, v0  }
0x4e: {  	v2 =	vsub.f32 v6, v7;
	v1 =	vand.u32 $0x7FFFFFFF, v13  }
0x4f: {  	v3 =	vand.u32 $0x7FFFFFFF, v14;
	v1 =	vsub.f32 $0.0e+00, v1;
	v0 =	vmul.f32 $1.442695020e+00, v0  }
0x50: {  	v3 =	vsub.f32 $0.0e+00, v3  }
0x51: {  	v4 =	vand.u32 $0x7FFFFFFF, v2;
	v1 =	vmul.f32 $1.442695020e+00, v1;
	(erf) = vpow2.f32 v0  }
0x52: {  	s26 =	simm.s32 $0x3120;
	v3 =	vmul.f32 $1.442695020e+00, v3;
	v0 =	vsub.f32 $0.0e+00, v4  }
0x53: {  	v10 =	vld [tilespmem:s26+$0x0];
	(erf) = vpow2.f32 v1  }
0x54: {  	s28 =	simm.s32 $0x60;
	v15 =	vld [tilespmem:s26+$0x10];
	v0 =	vmul.f32 $1.442695020e+00, v0;
	(erf) = vpow2.f32 v3  }
0x55: {  	s29 =	simm.s32 $0x18E0;
	v8 =	vld [tilespmem:s28+$0xFFFFFFE0]  }
0x56: {  	v9 =	vld [tilespmem:s29+$0xFFFFFFE0];
	(erf) = vpow2.f32 v0  }
0x57: {  	v11 =	vld [tilespmem:s28+$0xFFFFFFF0]  }
0x58: {  	v19 =	vld [tilespmem:s29+$0xFFFFFFF0]  }
0x59: {  	v21 =	vld [tilespmem:s28+$0x0]  }
0x5a: {  	v23 =	vld [tilespmem:s29+$0x0];
	v16 =	vpop (erf)  }
0x5b: {  	v24 =	vld [tilespmem:s28+$0x10];
	v0 =	vadd.f32 $2.000000000e+00, v16  }
0x5c: {  	v20 =	vimm.f32 $0.0e+00;
	v27 =	vld [tilespmem:s29+$0x10];
	v17 =	vpop (erf)  }
0x5d: {  	vm2 =	veq.s32 v10, $0x1;
	v18 =	vpop (erf);
	v1 =	vadd.f32 $2.000000000e+00, v17;
	(erf) = vrcp.f32 v0  }
0x5e: {  	vm1 =	veq.s32 v15, $0x1;
	v8 =	vsub.f32 v8, v9;
	v0 =	vadd.f32 $2.000000000e+00, v18  }
0x5f: {  	v6 =	vld [tilespmem:s26+$0xFFFFFFE0];
	v9 =	vsub.f32 v11, v19;
	vm6 =	veq.s32 v10, $0x0;
	v22 =	vpop (erf);
	(erf) = vrcp.f32 v1  }
0x60: {  	v7 =	vld [tilespmem:s26+$0xFFFFFFF0];
	v10 =	vsub.f32 v21, v23;
	v25 =	vadd.f32 $2.000000000e+00, v22;
	(erf) = vrcp.f32 v0  }
0x61: {  	v11 =	vsub.f32 v24, v27;
	vm0 =	veq.s32 v15, $0x0;
	v26 =	vsub.f32 $0.0e+00, v2  }
0x62: {  	v31 =	vand.u32 $0x7FFFFFFF, v8;
	v34 =	vand.u32 $0x7FFFFFFF, v9;
	(erf) = vrcp.f32 v25  }
0x63: {  	v35 =	vand.u32 $0x7FFFFFFF, v10;
	v37 =	vand.u32 $0x7FFFFFFF, v11;
	v31 =	vsub.f32 $0.0e+00, v31  }
0x64: {  	v2 =	vmax.f32 v2, $0.0e+00;
	v34 =	vsub.f32 $0.0e+00, v34;
	v35 =	vsub.f32 $0.0e+00, v35  }
0x65: {  	v37 =	vsub.f32 $0.0e+00, v37;
	vm3 =	veq.s32 v7, $0x1;
	vm4 =	veq.s32 v6, $0x1  }
0x66: {  	vm5 =	veq.s32 v6, $0x0;
	v31 =	vmul.f32 $1.442695020e+00, v31;
	v57 =	vmul.f32 $1.442695020e+00, v34;
	v6 =	vpop (erf)  }
0x67: {  	vm7 =	veq.s32 v7, $0x0;
	v60 =	vmul.f32 $1.442695020e+00, v35;
	v6 =	vmul.f32 v6, v16  }
0x68: {  	v61 =	vmul.f32 $1.442695020e+00, v37;
	v4 =	vsub.f32 $0.0e+00, v14;
	v14 =	vmax.f32 v14, $0.0e+00;
	v21 =	vpop (erf)  }
0x69: {  	v3 =	vsub.f32 $0.0e+00, v13;
	v17 =	vmul.f32 v21, v17;
	v21 =	vpop (erf);
	v24 =	vmul.f32 v6, v6  }
0x6a: {  	v4 =	vmax.f32 v4, $0.0e+00;
	v13 =	vmax.f32 v13, $0.0e+00;
	v18 =	vmul.f32 v21, v18  }
0x6b: {  	v5 =	vmax.f32 v3, $0.0e+00;
	v28 =	vmul.f32 v17, v17;
	v29 =	vpop (erf);
	v27 =	vmul.f32 $1.111111120e-01, v24  }
0x6c: {  	v1 =	vsub.f32 $0.0e+00, v12;
	v12 =	vmax.f32 v12, $0.0e+00;
	v22 =	vmul.f32 v29, v22  }
0x6d: {  	v30 =	vmul.f32 v18, v18;
	v55 =	vmul.f32 $1.111111120e-01, v28;
	v27 =	vadd.f32 $1.428571490e-01, v27  }
0x6e: {  	v0 =	vimm.s32 $0x0;
	v3 =	vmax.f32 v1, $0.0e+00;
	v32 =	vmul.f32 v22, v22  }
0x6f: {  	v33 =	vmul.f32 $1.111111120e-01, v30;
	v29 =	vadd.f32 $1.428571490e-01, v55;
	v27 =	vmul.f32 v27, v24  }
0x70: {  	v1 =	vmax.f32 v26, $0.0e+00;
	v7 =	vsel vm1, $0x1, v0;
	v36 =	vmul.f32 $1.111111120e-01, v32  }
0x71: {  	v33 =	vadd.f32 $1.428571490e-01, v33;
	v29 =	vmul.f32 v29, v28;
	v27 =	vadd.f32 $2.000000030e-01, v27  }
0x72: {  	v15 =	vsel vm3, $0x1, v0;
	v19 =	vsel vm2, $0x1, v0;
	v36 =	vadd.f32 $1.428571490e-01, v36  }
0x73: {  	v33 =	vmul.f32 v33, v30;
	v29 =	vadd.f32 $2.000000030e-01, v29;
	v27 =	vmul.f32 v27, v24  }
0x74: {  	v23 =	vsel vm6, $0x1, v0;
	v26 =	vsel vm4, $0x1, v0;
	v36 =	vmul.f32 v36, v32  }
0x75: {  	v33 =	vadd.f32 $2.000000030e-01, v33;
	v29 =	vmul.f32 v29, v28;
	v27 =	vadd.f32 $3.333333430e-01, v27  }
0x76: {  	v25 =	vsel vm7, $0x1, v0;
	(erf) = vpow2.f32 v31;
	v36 =	vadd.f32 $2.000000030e-01, v36  }
0x77: {  	v56 =	vmul.f32 v33, v30;
	v24 =	vmul.f32 v27, v24;
	v27 =	vadd.f32 $3.333333430e-01, v29  }
0x78: {  	v16 =	vsel vm0, $0x1, v0;
	v6 =	vadd.f32 v6, v6;
	v58 =	vmul.f32 v36, v32  }
0x79: {  	v59 =	vadd.f32 $3.333333430e-01, v56;
	v24 =	vadd.f32 $1.000000000e+00, v24;
	v27 =	vmul.f32 v27, v28  }
0x7a: {  	(erf) = vpow2.f32 v57;
	v17 =	vadd.f32 v17, v17;
	v34 =	vadd.f32 $3.333333430e-01, v58  }
0x7b: {  	v24 =	vmul.f32 v24, v6;
	v6 =	vadd.f32 $1.000000000e+00, v27;
	v27 =	vmul.f32 v59, v30  }
0x7c: {  	(erf) = vpow2.f32 v60;
	v18 =	vadd.f32 v18, v18;
	v62 =	vmul.f32 v34, v32  }
0x7d: {  	v12 =	vadd.f32 v24, v12;
	v6 =	vmul.f32 v6, v17;
	v17 =	vadd.f32 $1.000000000e+00, v27  }
0x7e: {  	v21 =	vsel vm5, $0x1, v0;
	v22 =	vadd.f32 v22, v22;
	v27 =	vadd.f32 $1.000000000e+00, v62  }
0x7f: {  	v12 =	vnsel vm4, $0x0, v12;
	v13 =	vadd.f32 v6, v13;
	v17 =	vmul.f32 v17, v18  }
0x80: {  	(erf) = vpow2.f32 v61;
	v3 =	vadd.f32 v24, v3;
	v12 =	vadd.f32 v12, v20  }
0x81: {  	v18 =	vmul.f32 v27, v22;
	v13 =	vnsel vm3, $0x0, v13;
	v14 =	vadd.f32 v17, v14  }
0x82: {  	v24 =	vsub.f32 $0.0e+00, v11;
	v11 =	vmax.f32 v11, $0.0e+00;
	v12 =	vadd.f32 v13, v12  }
0x83: {  	v5 =	vadd.f32 v6, v5;
	v2 =	vadd.f32 v18, v2;
	v14 =	vnsel vm2, $0x0, v14  }
0x84: {  	v33 =	vnsel vm5, $0xFFFFFFFF, v3;
	v20 =	vadd.s32 v21, v0;
	v12 =	vadd.f32 v14, v12  }
0x85: {  	s30 =	simm.s32 $0x3160;
	v22 =	vpop (erf);
	v38 =	vshra.s32 v33, $0x17;
	v13 =	vadd.s32 v26, v0;
	v2 =	vnsel vm1, $0x0, v2  }
0x86: {  	v21 =	vld [tilespmem:s30+$0xFFFFFFE0];
	v26 =	vpop (erf);
	v13 =	vadd.s32 v15, v13;
	v15 =	vadd.f32 v2, v12;
	v2 =	vsub.f32 $0.0e+00, v9  }
0x87: {  	v63 =	vnsel vm7, $0xFFFFFFFF, v5;
	v5 =	vadd.f32 $2.000000000e+00, v26;
	v14 =	vadd.s32 v25, v20  }
0x88: {  	v12 =	vmax.f32 v2, $0.0e+00;
	v2 =	vadd.f32 v17, v4;
	v17 =	vadd.f32 $2.000000000e+00, v22  }
0x89: {  	s31 =	simm.s32 $0xA0;
	vm1 =	vmmov vm0;
	v13 =	vadd.s32 v19, v13;
	v14 =	vadd.s32 v23, v14  }
0x8a: {  	v44 =	vld [tilespmem:s31+$0x0];
	v27 =	vpop (erf);
	v13 =	vadd.s32 v7, v13;
	v7 =	vsub.f32 $0.0e+00, v10;
	(erf) = vrcp.f32 v17  }
0x8b: {  	v19 =	vld [tilespmem:s30+$0xFFFFFFF0];
	v23 =	vsub.f32 $0.0e+00, v8;
	vm11 =	veq.s32 v21, $0x1;
	v17 =	vadd.f32 $2.000000000e+00, v27  }
0x8c: {  	s10 =	simm.s32 $0x1920;
	v20 =	vld [tilespmem:s30+$0x0];
	v45 =	vpop (erf);
	v30 =	vnsel vm6, $0xFFFFFFFF, v2;
	v2 =	vshra.s32 v63, $0x17;
	(erf) = vrcp.f32 v5  }
0x8d: {  	v43 =	vld [tilespmem:s10+$0xFFFFFFF0];
	v35 =	vadd.s32 $0x100, v2;
	v2 =	vadd.f32 $2.000000000e+00, v45;
	(erf) = vrcp.f32 v17  }
0x8e: {  	vm0 =	veq.s32 v21, $0x0;
	v10 =	vmax.f32 v10, $0.0e+00;
	v14 =	vadd.s32 v16, v14;
	v16 =	vld [tilespmem:s30+$0x10]  }
0x8f: {  	v46 =	vld [tilespmem:s10+$0x0];
	v8 =	vmax.f32 v8, $0.0e+00;
	v29 =	vsel vm11, $0x1, v0;
	(erf) = vrcp.f32 v2  }
0x90: {  	v25 =	vld [tilespmem:s31+$0xFFFFFFE0];
	v48 =	vsel vm0, $0x1, v0;
	v9 =	vmax.f32 v9, $0.0e+00;
	v7 =	vmax.f32 v7, $0.0e+00  }
0x91: {  	v6 =	vmax.f32 v23, $0.0e+00;
	v23 =	vld [tilespmem:s31+$0xFFFFFFF0];
	vm10 =	veq.s32 v19, $0x1;
	vm9 =	veq.s32 v20, $0x1  }
0x92: {  	v4 =	vld [tilespmem:s10+$0xFFFFFFE0];
	vm3 =	veq.s32 v19, $0x0;
	vm2 =	veq.s32 v20, $0x0;
	v3 =	vshra.s32 v30, $0x17  }
0x93: {  	v5 =	vmax.f32 v24, $0.0e+00;
	vm8 =	veq.s32 v16, $0x1;
	vm4 =	veq.s32 v16, $0x0;
	v16 =	vpop (erf)  }
0x94: {  	v24 =	vsel vm2, $0x1, v0;
	v37 =	vadd.s32 $0x200, v3;
	v16 =	vmul.f32 v16, v22  }
0x95: {  	v17 =	vadd.f32 v18, v1;
	v1 =	vsub.f32 v44, v46;
	v19 =	vsel vm8, $0x1, v0;
	v18 =	vpop (erf)  }
0x96: {  	v20 =	vsel vm4, $0x1, v0;
	v18 =	vmul.f32 v18, v26;
	v26 =	vpop (erf);
	v21 =	vmul.f32 v16, v16  }
0x97: {  	v4 =	vsub.f32 v25, v4;
	v2 =	vsub.f32 v23, v43;
	v26 =	vmul.f32 v26, v27  }
0x98: {  	v25 =	vsel vm3, $0x1, v0;
	v50 =	vpop (erf);
	v49 =	vmul.f32 v18, v18;
	v27 =	vmul.f32 $1.111111120e-01, v21  }
0x99: {  	v44 =	vand.u32 $0x7FFFFFFF, v1;
	v40 =	vand.u32 $0x7FFFFFFF, v4;
	v32 =	vmul.f32 v50, v45  }
0x9a: {  	(xrf1) =	vunique.msk.u32 vm7, v35;
	v39 =	vmul.f32 v26, v26;
	v51 =	vmul.f32 $1.111111120e-01, v49;
	v27 =	vadd.f32 $1.428571490e-01, v27  }
0x9b: {  	v47 =	vld [tilespmem:s31+$0x10];
	v43 =	vand.u32 $0x7FFFFFFF, v2;
	v44 =	vsub.f32 $0.0e+00, v44;
	v41 =	vmul.f32 v32, v32  }
0x9c: {  	v3 =	vld [tilespmem:s10+$0x10];
	v42 =	vmul.f32 $1.111111120e-01, v39;
	v36 =	vadd.f32 $1.428571490e-01, v51;
	v27 =	vmul.f32 v27, v21  }
0x9d: {  	(xrf1) =	vunique.msk.u32 vm6, v37;
	v40 =	vsub.f32 $0.0e+00, v40;
	v43 =	vsub.f32 $0.0e+00, v43;
	v45 =	vmul.f32 $1.111111120e-01, v41  }
0x9e: {  	v42 =	vadd.f32 $1.428571490e-01, v42;
	v36 =	vmul.f32 v36, v49;
	v27 =	vadd.f32 $2.000000030e-01, v27  }
0x9f: {  	(xrf1) =	vunique.msk.u32 vm5, v38;
	v56 =	vmul.f32 $1.442695020e+00, v44;
	v40 =	vmul.f32 $1.442695020e+00, v40;
	v45 =	vadd.f32 $1.428571490e-01, v45  }
0xa0: {  	v42 =	vmul.f32 v42, v39;
	v36 =	vadd.f32 $2.000000030e-01, v36;
	v27 =	vmul.f32 v27, v21  }
0xa1: {  	v3 =	vsub.f32 v47, v3;
	v53 =	vmul.f32 $1.442695020e+00, v43;
	v45 =	vmul.f32 v45, v41  }
0xa2: {  	v42 =	vadd.f32 $2.000000030e-01, v42;
	v36 =	vmul.f32 v36, v49;
	v27 =	vadd.f32 $3.333333430e-01, v27  }
0xa3: {  	v46 =	vand.u32 $0x7FFFFFFF, v3;
	v22 =	vsel vm10, $0x1, v0;
	v45 =	vadd.f32 $2.000000030e-01, v45  }
0xa4: {  	v52 =	vmul.f32 v42, v39;
	v21 =	vmul.f32 v27, v21;
	v27 =	vadd.f32 $3.333333430e-01, v36  }
0xa5: {  	v46 =	vsub.f32 $0.0e+00, v46;
	v16 =	vadd.f32 v16, v16;
	v54 =	vmul.f32 v45, v41  }
0xa6: {  	v55 =	vadd.f32 $3.333333430e-01, v52;
	v21 =	vadd.f32 $1.000000000e+00, v21;
	v27 =	vmul.f32 v27, v49  }
0xa7: {  	v59 =	vmul.f32 $1.442695020e+00, v46;
	v57 =	vadd.f32 v18, v18;
	v43 =	vadd.f32 $3.333333430e-01, v54  }
0xa8: {  	_, v58, vm5 =	vpop (xrf1);
	v18 =	vmul.f32 v21, v16;
	v16 =	vadd.f32 $1.000000000e+00, v27;
	v21 =	vmul.f32 v55, v39  }
0xa9: {  	(erf) = vpow2.f32 v40;
	v26 =	vadd.f32 v26, v26;
	v60 =	vmul.f32 v43, v41  }
0xaa: {  	s11 =	simm.s32 $0x49A0;
	v8 =	vadd.f32 v18, v8;
	v62 =	vmul.f32 v16, v57;
	v16 =	vadd.f32 $1.000000000e+00, v21  }
0xab: {  	[tilespmem:s11+$0xFFFFFFF0] =	vst v63;
	(erf) = vpow2.f32 v53;
	v32 =	vadd.f32 v32, v32;
	v63 =	vadd.f32 $1.000000000e+00, v60;
	_, v27, vm6 =	vpop (xrf1)  }
0xac: {  	v8 =	vnsel vm11, $0x0, v8;
	v9 =	vadd.f32 v62, v9;
	v21 =	vmul.f32 v16, v26  }
0xad: {  	s13 =	simm.s32 $0x9400;
	(erf) = vpow2.f32 v56;
	_, v61, vm7 =	vpop (xrf1);
	v16 =	vmul.f32 v63, v32;
	v8 =	vadd.f32 v8, v15  }
0xae: {  	(erf) = vpow2.f32 v59;
	[tilespmem:v35+s13+$0x0] =	vst.idx.add.s32.msk vm5, v58;
	v9 =	vnsel vm10, $0x0, v9;
	v10 =	vadd.f32 v21, v10  }
0xaf: {  	s14 =	simm.s32 $0x31A0;
	v8 =	vadd.f32 v9, v8;
	v9 =	vadd.f32 v16, v11;
	v11 =	vadd.s32 v29, v13  }
0xb0: {  	[tilespmem:s11+$0x0] =	vst v30;
	v13 =	vadd.s32 v48, v14;
	v10 =	vnsel vm9, $0x0, v10;
	v14 =	vadd.s32 v22, v11;
	v11 =	vld [tilespmem:s14+$0xFFFFFFE0]  }
0xb1: {  	v23 =	vsel vm9, $0x1, v0;
	v13 =	vadd.s32 v25, v13;
	[tilespmem:v37+s13+$0x0] =	vst.idx.add.s32.msk vm6, v27;
	v8 =	vadd.f32 v10, v8  }
0xb2: {  	[tilespmem:s11+$0xFFFFFFE0] =	vst v33;
	v15 =	vadd.s32 v24, v13;
	v9 =	vnsel vm8, $0x0, v9;
	v13 =	vld [tilespmem:s14+$0xFFFFFFF0];
	v24 =	vsub.f32 $0.0e+00, v2  }
0xb3: {  	v14 =	vadd.s32 v23, v14;
	v23 =	vsub.f32 $0.0e+00, v1;
	[tilespmem:v38+s13+$0x0] =	vst.idx.add.s32.msk vm7, v61;
	v10 =	vadd.f32 v9, v8  }
0xb4: {  	v8 =	vadd.s32 v19, v14;
	v9 =	vadd.s32 v20, v15;
	v14 =	vld [tilespmem:s14+$0x0];
	v20 =	vnsel vm1, $0xFFFFFFFF, v17  }
0xb5: {  	s15 =	simm.s32 $0x8;
	s16 =	simm.s32 $0xE0;
	s12 =	simm.s32 $0x9400;
	v22 =	vsub.f32 $0.0e+00, v4;
	v19 =	vpop (erf);
	v15 =	vld [tilespmem:s14+$0x10];
	v17 =	vadd.f32 v62, v12;
	[tilespmem:s11+$0x10] =	vst v20;
	v20 =	vshra.s32 v20, $0x17  }
.LBB2_3:
0xb6: {  	v25 =	vld [tilespmem:s16+$0xFFFFFFE0];
	v12 =	vmax.f32 v24, $0.0e+00;
	s10 =	sadd.s32 $0x40, s10;
	v24 =	vpop (erf);
	v21 =	vadd.f32 v21, v7;
	v7 =	vmax.f32 v23, $0.0e+00  }
0xb7: {  	v26 =	vadd.f32 $2.000000000e+00, v19;
	v18 =	vadd.f32 v18, v6;
	v23 =	vld [tilespmem:s10+$0xFFFFFFE0];
	v27 =	vpop (erf);
	v6 =	vmax.f32 v22, $0.0e+00  }
0xb8: {  	v28 =	vsub.f32 $0.0e+00, v3;
	s11 =	sadd.s32 $0x40, s11;
	v17 =	vnsel vm3, $0xFFFFFFFF, v17;
	v22 =	vld [tilespmem:s16+$0xFFFFFFF0];
	v29 =	vpop (erf);
	v21 =	vnsel vm2, $0xFFFFFFFF, v21  }
0xb9: {  	v31 =	vadd.f32 $2.000000000e+00, v24;
	v30 =	vld [tilespmem:s10+$0xFFFFFFF0];
	(erf) = vrcp.f32 v26;
	[tilespmem:s11+$0xFFFFFFF0] =	vst v17;
	v17 =	vshra.s32 v17, $0x17  }
0xba: {  	v32 =	vadd.f32 $2.000000000e+00, v27;
	v18 =	vnsel vm0, $0xFFFFFFFF, v18;
	v26 =	vld [tilespmem:s16+$0x0];
	[tilespmem:s11+$0x0] =	vst v21;
	v21 =	vshra.s32 v21, $0x17  }
0xbb: {  	v33 =	vld [tilespmem:s10+$0x0];
	(erf) = vrcp.f32 v31;
	[tilespmem:s11+$0xFFFFFFE0] =	vst v18;
	v31 =	vadd.s32 $0x100, v17;
	v21 =	vadd.s32 $0x200, v21  }
0xbc: {  	v35 =	vadd.f32 $2.000000000e+00, v29;
	v18 =	vshra.s32 v18, $0x17;
	v34 =	vld [tilespmem:s16+$0x10];
	(erf) = vrcp.f32 v32;
	(xrf1) =	vunique.msk.u32 vm3, v31  }
0xbd: {  	v17 =	vadd.f32 v16, v5;
	v5 =	vmax.f32 v28, $0.0e+00;
	v16 =	vadd.s32 $0x300, v20;
	v32 =	vld [tilespmem:s10+$0x10];
	(xrf1) =	vunique.msk.u32 vm2, v21  }
0xbe: {  	(erf) = vrcp.f32 v35;
	(xrf1) =	vunique.msk.u32 vm0, v18;
	vm0 =	vmmov vm1;
	vm1 =	vmmov vm4  }
0xbf: {  	vm7 =	veq.s32 v13, $0x1;
	vm6 =	veq.s32 v14, $0x1;
	vm5 =	veq.s32 v15, $0x1;
	(xrf1) =	vunique.msk.u32 vm0, v16  }
0xc0: {  	s15 =	sadd.s32 $0x4, s15;
	vm8 =	veq.s32 v11, $0x1;
	vm3 =	veq.s32 v13, $0x0;
	vm0 =	veq.s32 v11, $0x0  }
0xc1: {  	p0 =	slt.u32 s15, $0x184;
	vm2 =	veq.s32 v14, $0x0;
	v20 =	vsub.f32 v22, v30;
	v11 =	vsub.f32 v25, v23  }
0xc2: {  	vm4 =	veq.s32 v15, $0x0;
	v22 =	vsub.f32 v26, v33;
	v23 =	vsub.f32 v34, v32;
	v13 =	vpop (erf)  }
0xc3: {  	v14 =	vsel vm5, $0x1, v0;
	v15 =	vsel vm4, $0x1, v0;
	v25 =	vmul.f32 v13, v19  }
0xc4: {  	v26 =	vsel vm7, $0x1, v0;
	v13 =	vsel vm6, $0x1, v0;
	v19 =	vsel vm2, $0x1, v0;
	v28 =	vpop (erf)  }
0xc5: {  	v30 =	vmul.f32 v25, v25;
	v24 =	vmul.f32 v28, v24;
	v28 =	vsel vm3, $0x1, v0;
	v32 =	vpop (erf)  }
0xc6: {  	v33 =	vsel vm8, $0x1, v0;
	v34 =	vsel vm0, $0x1, v0;
	v27 =	vmul.f32 v32, v27  }
0xc7: {  	v36 =	vmax.f32 v3, $0.0e+00;
	v32 =	vmul.f32 $1.111111120e-01, v30;
	v35 =	vmul.f32 v24, v24;
	v3 =	vpop (erf)  }
0xc8: {  	v37 =	vmax.f32 v2, $0.0e+00;
	v38 =	vmax.f32 v1, $0.0e+00;
	v2 =	vmovc v20;
	v1 =	vmovc v22;
	v29 =	vmul.f32 v3, v29  }
0xc9: {  	v3 =	vmovc v23;
	v20 =	vadd.f32 $1.428571490e-01, v32;
	v22 =	vmul.f32 $1.111111120e-01, v35;
	v32 =	vmul.f32 v27, v27  }
0xca: {  	v39 =	vmax.f32 v4, $0.0e+00;
	v23 =	vand.u32 $0x7FFFFFFF, v11;
	v40 =	vmul.f32 v29, v29;
	_, v41, vm9 =	vpop (xrf1)  }
0xcb: {  	v50 =	vmul.f32 v20, v30;
	v20 =	vadd.f32 $1.428571490e-01, v22;
	v22 =	vmul.f32 $1.111111120e-01, v32;
	_, v42, vm10 =	vpop (xrf1)  }
0xcc: {  	v43 =	vand.u32 $0x7FFFFFFF, v2;
	v44 =	vand.u32 $0x7FFFFFFF, v1;
	v45 =	vmul.f32 $1.111111120e-01, v40;
	_, v46, vm11 =	vpop (xrf1)  }
0xcd: {  	v47 =	vadd.f32 $2.000000030e-01, v50;
	v20 =	vmul.f32 v20, v35;
	v22 =	vadd.f32 $1.428571490e-01, v22;
	_, v48, vm12 =	vpop (xrf1)  }
0xce: {  	v4 =	vmovc v11;
	v23 =	vsub.f32 $0.0e+00, v23;
	v49 =	vand.u32 $0x7FFFFFFF, v3;
	v45 =	vadd.f32 $1.428571490e-01, v45  }
0xcf: {  	v11 =	vmul.f32 v47, v30;
	v20 =	vadd.f32 $2.000000030e-01, v20;
	v22 =	vmul.f32 v22, v32  }
0xd0: {  	v43 =	vsub.f32 $0.0e+00, v43;
	v44 =	vsub.f32 $0.0e+00, v44;
	v45 =	vmul.f32 v45, v40;
	[tilespmem:v31+s13+$0x0] =	vst.idx.add.s32.msk vm9, v41  }
0xd1: {  	v11 =	vadd.f32 $3.333333430e-01, v11;
	v20 =	vmul.f32 v20, v35;
	v22 =	vadd.f32 $2.000000030e-01, v22;
	[tilespmem:v21+s13+$0x0] =	vst.idx.add.s32.msk vm10, v42  }
0xd2: {  	v21 =	vmul.f32 $1.442695020e+00, v23;
	v23 =	vsub.f32 $0.0e+00, v49;
	v31 =	vadd.f32 $2.000000030e-01, v45;
	[tilespmem:v18+s13+$0x0] =	vst.idx.add.s32.msk vm11, v46  }
0xd3: {  	v11 =	vmul.f32 v11, v30;
	v18 =	vadd.f32 $3.333333430e-01, v20;
	v20 =	vmul.f32 v22, v32;
	[tilespmem:v16+s12+$0x0] =	vst.idx.add.s32.msk vm12, v48;
	s12 =	smov.u32 s13  }
0xd4: {  	v16 =	vmul.f32 $1.442695020e+00, v43;
	v22 =	vadd.f32 v25, v25;
	v25 =	vmul.f32 v31, v40  }
0xd5: {  	v11 =	vadd.f32 $1.000000000e+00, v11;
	v30 =	vmul.f32 v18, v35;
	v20 =	vadd.f32 $3.333333430e-01, v20  }
0xd6: {  	v24 =	vadd.f32 v24, v24;
	v31 =	vmul.f32 $1.442695020e+00, v44;
	v25 =	vadd.f32 $3.333333430e-01, v25  }
0xd7: {  	v18 =	vmul.f32 v11, v22;
	v11 =	vadd.f32 $1.000000000e+00, v30;
	v20 =	vmul.f32 v20, v32  }
0xd8: {  	v22 =	vmul.f32 $1.442695020e+00, v23;
	v23 =	vadd.f32 v27, v27;
	v25 =	vmul.f32 v25, v40  }
0xd9: {  	v27 =	vadd.f32 v18, v39;
	v30 =	vmul.f32 v11, v24;
	v11 =	vadd.f32 $1.000000000e+00, v20  }
0xda: {  	v24 =	vadd.f32 v29, v29;
	(erf) = vpow2.f32 v21;
	v20 =	vadd.f32 $1.000000000e+00, v25  }
0xdb: {  	v25 =	vnsel vm8, $0x0, v27;
	v27 =	vadd.f32 v30, v37;
	v21 =	vmul.f32 v11, v23  }
0xdc: {  	(erf) = vpow2.f32 v16;
	v10 =	vadd.f32 v25, v10;
	v16 =	vmul.f32 v20, v24  }
0xdd: {  	(erf) = vpow2.f32 v31;
	v11 =	vnsel vm7, $0x0, v27;
	v20 =	vadd.f32 v21, v38  }
0xde: {  	(erf) = vpow2.f32 v22;
	v10 =	vadd.f32 v11, v10;
	v22 =	vadd.f32 v16, v36  }
0xdf: {  	v8 =	vadd.s32 v33, v8;
	v9 =	vadd.s32 v34, v9;
	v11 =	vnsel vm6, $0x0, v20  }
.Ltmp1:
0xe0: {  	s14 =	sadd.s32 $0x40, s14;
	v8 =	vadd.s32 v26, v8;
	v9 =	vadd.s32 v28, v9;
	v10 =	vadd.f32 v11, v10;
	(pc) =	sbr.rel @p0 .LBB2_3-.Ltmp1, $4  }
0xe1: {  	v8 =	vadd.s32 v13, v8;
	v9 =	vadd.s32 v19, v9;
	v20 =	vnsel vm5, $0x0, v22;
	v11 =	vld [tilespmem:s14+$0xFFFFFFE0]  }
0xe2: {  	v8 =	vadd.s32 v14, v8;
	v9 =	vadd.s32 v15, v9;
	v13 =	vld [tilespmem:s14+$0xFFFFFFF0];
	v10 =	vadd.f32 v20, v10  }
0xe3: {  	v23 =	vsub.f32 $0.0e+00, v1;
	v24 =	vsub.f32 $0.0e+00, v2;
	v20 =	vnsel vm1, $0xFFFFFFFF, v17;
	v14 =	vld [tilespmem:s14+$0x0];
	v19 =	vpop (erf)  }
0xe4: {  	s16 =	sadd.s32 $0x40, s16;
	v22 =	vsub.f32 $0.0e+00, v4;
	v17 =	vadd.f32 v30, v12;
	v15 =	vld [tilespmem:s14+$0x10];
	[tilespmem:s11+$0x10] =	vst v20;
	v20 =	vshra.s32 v20, $0x17  }
0xe5: {  	v12 =	vpop (erf);
	v25 =	vadd.f32 $2.000000000e+00, v19  }
0xe6: {  	v26 =	vpop (erf);
	v27 =	vadd.f32 $2.000000000e+00, v12  }
0xe7: {  	(erf) = vrcp.f32 v25;
	v51 =	vadd.f32 $2.000000000e+00, v26  }
0xe8: {  	v28 =	vpop (erf);
	(erf) = vrcp.f32 v27  }
0xe9: {  	(erf) = vrcp.f32 v51  }
0xea: {  	v52 =	vadd.f32 $2.000000000e+00, v28;
	_ =	sdelay $0x1  }
0xeb: {  	(erf) = vrcp.f32 v52;
	_ =	sdelay $0x3  }
0xec: {  	v53 =	vpop (erf)  }
0xed: {  	v54 =	vpop (erf)  }
0xee: {  	v24 =	vmax.f32 v24, $0.0e+00;
	v23 =	vmax.f32 v23, $0.0e+00;
	v12 =	vmul.f32 v54, v12;
	v55 =	vpop (erf)  }
0xef: {  	v7 =	vadd.f32 v21, v7;
	v6 =	vadd.f32 v18, v6;
	v56 =	vmul.f32 v55, v26  }
0xf0: {  	v62 =	vsub.f32 $0.0e+00, v3;
	v5 =	vadd.f32 v16, v5;
	v58 =	vmul.f32 v12, v12  }
0xf1: {  	v20 =	vadd.s32 $0x300, v20;
	v57 =	vmul.f32 v53, v19;
	v59 =	vpop (erf);
	v61 =	vmul.f32 v56, v56  }
0xf2: {  	vm5 =	vmmov vm1;
	v60 =	vmul.f32 v59, v28;
	v29 =	vmul.f32 $1.111111120e-01, v58  }
0xf3: {  	vm4 =	vmmov vm4;
	v63 =	vmul.f32 v57, v57;
	v31 =	vmul.f32 $1.111111120e-01, v61  }
0xf4: {  	v22 =	vmax.f32 v22, $0.0e+00;
	v30 =	vmul.f32 v60, v60;
	v29 =	vadd.f32 $1.428571490e-01, v29  }
0xf5: {  	v17 =	vnsel vm3, $0xFFFFFFFF, v17;
	v32 =	vmul.f32 $1.111111120e-01, v63;
	v31 =	vadd.f32 $1.428571490e-01, v31  }
0xf6: {  	vm1 =	veq.s32 v11, $0x0;
	v34 =	vmul.f32 $1.111111120e-01, v30;
	v29 =	vmul.f32 v29, v58  }
0xf7: {  	v7 =	vnsel vm2, $0xFFFFFFFF, v7;
	v32 =	vadd.f32 $1.428571490e-01, v32;
	v31 =	vmul.f32 v31, v61  }
0xf8: {  	v33 =	vshra.s32 v17, $0x17;
	v34 =	vadd.f32 $1.428571490e-01, v34;
	v29 =	vadd.f32 $2.000000030e-01, v29  }
0xf9: {  	v6 =	vnsel vm0, $0xFFFFFFFF, v6;
	v32 =	vmul.f32 v32, v63;
	v31 =	vadd.f32 $2.000000030e-01, v31  }
0xfa: {  	v5 =	vnsel vm4, $0xFFFFFFFF, v5;
	v34 =	vmul.f32 v34, v30;
	v29 =	vmul.f32 v29, v58  }
0xfb: {  	v35 =	vshra.s32 v7, $0x17;
	v32 =	vadd.f32 $2.000000030e-01, v32;
	v31 =	vmul.f32 v31, v61  }
0xfc: {  	v33 =	vadd.s32 $0x100, v33;
	v34 =	vadd.f32 $2.000000030e-01, v34;
	v29 =	vadd.f32 $3.333333430e-01, v29  }
0xfd: {  	v36 =	vshra.s32 v6, $0x17;
	v37 =	vmul.f32 v32, v63;
	v31 =	vadd.f32 $3.333333430e-01, v31  }
0xfe: {  	v27 =	vmax.f32 v62, $0.0e+00;
	v38 =	vmul.f32 v34, v30;
	v25 =	vmul.f32 v29, v58  }
0xff: {  	v12 =	vadd.f32 v12, v12;
	v16 =	vadd.f32 $3.333333430e-01, v37;
	v26 =	vmul.f32 v31, v61  }
0x100: {  	v35 =	vadd.s32 $0x200, v35;
	v39 =	vadd.f32 $3.333333430e-01, v38;
	v25 =	vadd.f32 $1.000000000e+00, v25  }
0x101: {  	(xrf1) =	vunique.msk.u32 vm3, v33;
	v21 =	vadd.f32 v56, v56;
	v16 =	vmul.f32 v16, v63;
	v26 =	vadd.f32 $1.000000000e+00, v26  }
0x102: {  	(xrf1) =	vunique.msk.u32 vm2, v35;
	v19 =	vadd.f32 v57, v57;
	v40 =	vmul.f32 v39, v30;
	v12 =	vmul.f32 v25, v12  }
0x103: {  	(xrf1) =	vunique.msk.u32 vm0, v36;
	v18 =	vadd.f32 v60, v60;
	v16 =	vadd.f32 $1.000000000e+00, v16;
	v21 =	vmul.f32 v26, v21  }
0x104: {  	vm15 =	veq.s32 v15, $0x0;
	(xrf1) =	vunique.msk.u32 vm5, v20;
	v41 =	vadd.f32 $1.000000000e+00, v40;
	v24 =	vadd.f32 v12, v24  }
0x105: {  	vm0 =	veq.s32 v13, $0x0;
	v16 =	vmul.f32 v16, v19;
	v42 =	vadd.f32 v21, v23  }
0x106: {  	vm2 =	veq.s32 v14, $0x0;
	v18 =	vmul.f32 v41, v18;
	v43 =	vnsel vm0, $0xFFFFFFFF, v24  }
0x107: {  	v22 =	vadd.f32 v16, v22;
	v19 =	vnsel vm2, $0xFFFFFFFF, v42;
	v24 =	vshra.s32 v43, $0x17  }
0x108: {  	v45 =	vadd.f32 v18, v27;
	v44 =	vshra.s32 v19, $0x17;
	v24 =	vadd.s32 $0x100, v24  }
0x109: {  	vm8 =	vmmov vm15;
	v22 =	vnsel vm1, $0xFFFFFFFF, v22;
	v25 =	vadd.s32 $0x200, v44;
	(xrf1) =	vunique.msk.u32 vm0, v24  }
0x10a: {  	v46 =	vshra.s32 v5, $0x17;
	v47 =	vshra.s32 v22, $0x17;
	v26 =	vnsel vm8, $0xFFFFFFFF, v45;
	(xrf1) =	vunique.msk.u32 vm2, v25  }
0x10b: {  	vm4 =	vmmov vm4;
	v27 =	vadd.s32 $0x300, v46;
	v48 =	vshra.s32 v26, $0x17;
	(xrf1) =	vunique.msk.u32 vm1, v47  }
0x10c: {  	vm9 =	vmmov vm8;
	v29 =	vadd.s32 $0x300, v48;
	(xrf1) =	vunique.msk.u32 vm4, v27  }
0x10d: {  	(xrf1) =	vunique.msk.u32 vm9, v29;
	_ =	sdelay $0x1  }
0x10e: {  	_, v49, vm10 =	vpop (xrf1)  }
0x10f: {  	s11 =	sadd.s32 $0x40, s11;
	_, v50, vm11 =	vpop (xrf1)  }
0x110: {  	[tilespmem:s11+$0xFFFFFFF0] =	vst v17;
	_, v51, vm6 =	vpop (xrf1)  }
0x111: {  	[tilespmem:s11+$0x0] =	vst v7;
	_, v52, vm7 =	vpop (xrf1)  }
0x112: {  	[tilespmem:s11+$0xFFFFFFE0] =	vst v6  }
0x113: {  	s10 =	simm.s32 $0x9400;
	[tilespmem:s11+$0x10] =	vst v5  }
0x114: {  	[tilespmem:v33+s10+$0x0] =	vst.idx.add.s32.msk vm10, v49  }
0x115: {  	v4 =	vmax.f32 v4, $0.0e+00;
	v2 =	vmax.f32 v2, $0.0e+00;
	[tilespmem:v35+s10+$0x0] =	vst.idx.add.s32.msk vm11, v50  }
0x116: {  	v1 =	vmax.f32 v1, $0.0e+00;
	vm12 =	veq.s32 v15, $0x1;
	vm5 =	veq.s32 v14, $0x1;
	[tilespmem:v36+s10+$0x0] =	vst.idx.add.s32.msk vm6, v51;
	_, v53, vm8 =	vpop (xrf1)  }
0x117: {  	v3 =	vmax.f32 v3, $0.0e+00;
	s11 =	sadd.s32 $0x40, s11;
	v55 =	vsel vm12, $0x1, v0;
	v59 =	vsel vm5, $0x1, v0;
	[tilespmem:v20+s12+$0x0] =	vst.idx.add.s32.msk vm7, v52;
	_, v54, vm13 =	vpop (xrf1)  }
0x118: {  	v56 =	vsel vm15, $0x1, v0;
	v60 =	vsel vm2, $0x1, v0;
	v4 =	vadd.f32 v16, v4;
	[tilespmem:s11+$0xFFFFFFE0] =	vst v22;
	_, v5, vm10 =	vpop (xrf1)  }
0x119: {  	vm6 =	veq.s32 v13, $0x1;
	v2 =	vadd.f32 v12, v2;
	[tilespmem:s11+$0xFFFFFFF0] =	vst v43;
	vm9 =	veq.s32 v11, $0x1;
	_, v58, vm14 =	vpop (xrf1)  }
0x11a: {  	v57 =	vsel vm6, $0x1, v0;
	v61 =	vsel vm0, $0x1, v0;
	[tilespmem:s11+$0x0] =	vst v19;
	v4 =	vnsel vm9, $0x0, v4;
	_, v62, vm15 =	vpop (xrf1)  }
0x11b: {  	v1 =	vadd.f32 v21, v1;
	v2 =	vnsel vm6, $0x0, v2;
	[tilespmem:s11+$0x10] =	vst v26;
	v4 =	vadd.f32 v4, v10  }
0x11c: {  	v3 =	vadd.f32 v18, v3;
	v63 =	vsel vm9, $0x1, v0;
	v0 =	vsel vm1, $0x1, v0;
	[tilespmem:v24+s10+$0x0] =	vst.idx.add.s32.msk vm8, v53  }
0x11d: {  	v0 =	vadd.s32 v0, v9;
	v2 =	vadd.f32 v2, v4;
	[tilespmem:v25+s10+$0x0] =	vst.idx.add.s32.msk vm13, v54  }
0x11e: {  	v1 =	vnsel vm5, $0x0, v1;
	v0 =	vadd.s32 v61, v0;
	v4 =	vadd.s32 v63, v8;
	[tilespmem:v47+s10+$0x0] =	vst.idx.add.s32.msk vm10, v5  }
0x11f: {  	s31 =	simm.s32 $0x0;
	v4 =	vadd.s32 v57, v4;
	v1 =	vadd.f32 v1, v2;
	[tilespmem:v27+s10+$0x0] =	vst.idx.add.s32.msk vm14, v58  }
0x120: {  	s12 =	sand.u32 $0xF0, s31;
	v2 =	vadd.s32 v59, v4;
	v4 =	vadd.s32 v60, v0;
	v0 =	vnsel vm12, $0x0, v3;
	[tilespmem:v29+s10+$0x0] =	vst.idx.add.s32.msk vm15, v62  }
0x121: {  	s11 =	simm.s32 $0x10;
	v0 =	vadd.f32 v0, v1;
	v1 =	vadd.s32 v55, v2;
	v2 =	vadd.s32 v56, v4;
	v3 =	vld [tilespmem:s12+$0x9500]  }
.LBB2_5:
0x122: {  	p0 =	sne.s32 s11, $0xF0;
	v4 =	vld [tilespmem:s10+$0x0]  }
0x123: {  	v5 =	vld [tilespmem:s12+$0x9600]  }
0x124: {  	v6 =	vld [tilespmem:s12+$0x9700];
	_ =	sdelay $0x2  }
.Ltmp2:
0x125: {  	v3 =	vadd.s32 v4, v3;
	(pc) =	sbr.rel @p0 .LBB2_5-.Ltmp2, $4  }
0x126: {  	v3 =	vadd.s32 v5, v3  }
0x127: {  	v3 =	vadd.s32 v6, v3  }
0x128: {  	s12 =	sand.u32 $0xF0, s11;
	[tilespmem:s10+$0x0] =	vst v3  }
0x129: {  	s11 =	sadd.s32 $0x10, s11;
	s10 =	sadd.s32 $0x10, s10;
	v3 =	vld [tilespmem:s12+$0x9500]  }
0x12a: {  	v4 =	vld [tilespmem:s10+$0x0]  }
0x12b: {  	v5 =	vld [tilespmem:s12+$0x9600]  }
0x12c: {  	v6 =	vld [tilespmem:s12+$0x9700];
	_ =	sdelay $0x2  }
0x12d: {  	v3 =	vadd.s32 v4, v3  }
0x12e: {  	v3 =	vadd.s32 v5, v3  }
0x12f: {  	v3 =	vadd.s32 v6, v3  }
0x130: {  	[tilespmem:s10+$0x0] =	vst v3  }
0x131: {  	[tilespmem:$0xA800] =	vst v0  }
0x132: {  	[tilespmem:$0xA810] =	vst v1  }
0x133: {  	s10 =	simm.s32 $0xA800;
	[tilespmem:$0xA820] =	vst v2  }
0x134: {  	[spmem:s9] =	stream.linear.scatter [tilespmem:s10], [sflag:$0x2], $0x80, $0x38;
	[tilespmem:$0xB388] =	vst v63  }
0x135: {  	s9 =	simm.s32 $0x2  }
0x136: {  	_ =	swait.ge [sflag:s9], $0x80  }
0x137: {  	[sflag:s9] =	ssyncset.done $0x0  }
0x138: {  	s11 =	simm.s32 $0x9400;
	p0 =	sne.s32 s6, $0x0;
	[sflag:s9] =	ssyncadd.s32 $0xFFFFFF80  }
0x139: {  	[spmem:s7] =	stream.linear.scatter [tilespmem:s11], [sflag:$0x2], $0x100, $0x38;
	[tilespmem:$0xB388] =	vst v63  }
.Ltmp3:
0x13a: {  	_ =	swait.ge [sflag:s9], $0x100;
	(pc) =	sbr.rel @p0 .LBB2_12-.Ltmp3, $3  }
0x13b: {  	[sflag:s9] =	ssyncset.done $0x0  }
0x13c: {  	[sflag:s9] =	ssyncadd.s32 $0xFFFFFF00  }
0x13d: {  	[bflag:$0x0] =	sbarrier.arrive $0xFFFF;
	_ =	sdelay $0x1  }
0x13e: {  	s12 =	simm.s32 $0xA880  }
0x13f: {  	[tilespmem:s12], [sflag:$0x2] =	stream.linear.gather [spmem:s8], $0x800, $0x38;
	[tilespmem:$0xB388] =	vst v63  }
0x140: {  	_ =	swait.ge [sflag:s9], $0x800  }
0x141: {  	[sflag:s9] =	ssyncset.done $0x0  }
0x142: {  	[sflag:s9] =	ssyncadd.s32 $0xFFFFF800  }
0x143: {  	v9 =	vld [tilespmem:$0xA880]  }
0x144: {  	v22 =	vld [tilespmem:$0xA890]  }
0x145: {  	v23 =	vld [tilespmem:$0xA8A0]  }
0x146: {  	v11 =	vld [tilespmem:$0xA900]  }
0x147: {  	v30 =	vld [tilespmem:$0xA910]  }
0x148: {  	v31 =	vld [tilespmem:$0xA920]  }
0x149: {  	v13 =	vld [tilespmem:$0xA980]  }
0x14a: {  	v34 =	vld [tilespmem:$0xA990]  }
0x14b: {  	v35 =	vld [tilespmem:$0xA9A0]  }
0x14c: {  	v12 =	vld [tilespmem:$0xAA00]  }
0x14d: {  	v42 =	vld [tilespmem:$0xAA10]  }
0x14e: {  	v36 =	vld [tilespmem:$0xAA20]  }
0x14f: {  	v14 =	vld [tilespmem:$0xAA80]  }
0x150: {  	v43 =	vld [tilespmem:$0xAA90]  }
0x151: {  	v37 =	vld [tilespmem:$0xAAA0]  }
0x152: {  	v15 =	vld [tilespmem:$0xAB00]  }
0x153: {  	v44 =	vld [tilespmem:$0xAB10]  }
0x154: {  	v38 =	vld [tilespmem:$0xAB20]  }
0x155: {  	v10 =	vld [tilespmem:$0xAB80]  }
0x156: {  	v45 =	vld [tilespmem:$0xAB90]  }
0x157: {  	v39 =	vld [tilespmem:$0xABA0]  }
0x158: {  	v8 =	vld [tilespmem:$0xAC00]  }
0x159: {  	v46 =	vld [tilespmem:$0xAC10]  }
0x15a: {  	v40 =	vld [tilespmem:$0xAC20]  }
0x15b: {  	v7 =	vld [tilespmem:$0xAC80]  }
0x15c: {  	v47 =	vld [tilespmem:$0xAC90]  }
0x15d: {  	v32 =	vld [tilespmem:$0xACA0]  }
0x15e: {  	v6 =	vld [tilespmem:$0xAD00]  }
0x15f: {  	v41 =	vld [tilespmem:$0xAD10]  }
0x160: {  	v28 =	vld [tilespmem:$0xAD20]  }
0x161: {  	v5 =	vld [tilespmem:$0xAD80]  }
0x162: {  	v33 =	vld [tilespmem:$0xAD90]  }
0x163: {  	v26 =	vld [tilespmem:$0xADA0]  }
0x164: {  	v4 =	vld [tilespmem:$0xAE00]  }
0x165: {  	v29 =	vld [tilespmem:$0xAE10]  }
0x166: {  	v24 =	vld [tilespmem:$0xAE20]  }
0x167: {  	v3 =	vld [tilespmem:$0xAE80]  }
0x168: {  	v27 =	vld [tilespmem:$0xAE90]  }
0x169: {  	v20 =	vld [tilespmem:$0xAEA0]  }
0x16a: {  	v2 =	vld [tilespmem:$0xAF00]  }
0x16b: {  	v25 =	vld [tilespmem:$0xAF10]  }
0x16c: {  	v18 =	vld [tilespmem:$0xAF20]  }
0x16d: {  	v1 =	vld [tilespmem:$0xAF80]  }
0x16e: {  	v21 =	vld [tilespmem:$0xAF90]  }
0x16f: {  	v17 =	vld [tilespmem:$0xAFA0]  }
0x170: {  	v0 =	vld [tilespmem:$0xB000]  }
0x171: {  	s29 =	simm.s32 $0x9800;
	v19 =	vld [tilespmem:$0xB010]  }
0x172: {  	v16 =	vld [tilespmem:$0xB020];
	[tilespmem:s29], [sflag:$0x2] =	stream.linear.gather [spmem:s5], $0x1000, $0x38  }
0x173: {  	_ =	swait.ge [sflag:s9], $0x1000  }
0x174: {  	s30 =	simm.s32 $0x0;
	[sflag:s9] =	ssyncset.done $0x0  }
0x175: {  	s12 =	sand.u32 $0xF0, s30;
	[sflag:s9] =	ssyncadd.s32 $0xFFFFF000  }
0x176: {  	v48 =	vld [tilespmem:s12+$0x9900]  }
0x177: {  	v49 =	vld [tilespmem:s29+$0x0]  }
0x178: {  	v50 =	vld [tilespmem:s12+$0x9A00]  }
0x179: {  	v51 =	vld [tilespmem:s12+$0x9B00]  }
0x17a: {  	v52 =	vld [tilespmem:s12+$0x9C00]  }
0x17b: {  	v53 =	vld [tilespmem:s12+$0x9D00]  }
0x17c: {  	v62 =	vld [tilespmem:s12+$0x9E00];
	v48 =	vadd.s32 v49, v48  }
0x17d: {  	v63 =	vld [tilespmem:s12+$0x9F00];
	v48 =	vadd.s32 v50, v48  }
0x17e: {  	v56 =	vld [tilespmem:s12+$0xA000];
	v48 =	vadd.s32 v51, v48  }
0x17f: {  	v57 =	vld [tilespmem:s12+$0xA100];
	v48 =	vadd.s32 v52, v48  }
0x180: {  	v58 =	vld [tilespmem:s12+$0xA200];
	v48 =	vadd.s32 v53, v48  }
0x181: {  	v59 =	vld [tilespmem:s12+$0xA300];
	v48 =	vadd.s32 v62, v48  }
0x182: {  	v60 =	vld [tilespmem:s12+$0xA400];
	v48 =	vadd.s32 v63, v48  }
0x183: {  	v61 =	vld [tilespmem:s12+$0xA500];
	v48 =	vadd.s32 v56, v48  }
0x184: {  	v62 =	vld [tilespmem:s12+$0xA600];
	v48 =	vadd.s32 v57, v48  }
0x185: {  	v63 =	vld [tilespmem:s12+$0xA700];
	v48 =	vadd.s32 v58, v48  }
0x186: {  	v48 =	vadd.s32 v59, v48  }
0x187: {  	v48 =	vadd.s32 v60, v48  }
0x188: {  	v48 =	vadd.s32 v61, v48  }
0x189: {  	v48 =	vadd.s32 v62, v48  }
0x18a: {  	s31 =	simm.s32 $0x10;
	v48 =	vadd.s32 v63, v48  }
0x18b: {  	s8 =	sand.u32 $0xF0, s31;
	[tilespmem:s11+$0x0] =	vst v48  }
0x18c: {  	s13 =	simm.s32 $0x20;
	s12 =	simm.s32 $0x9810;
	v48 =	vld [tilespmem:s8+$0x9900]  }
.LBB2_8:
0x18d: {  	p1 =	sne.s32 s13, $0xF0;
	v49 =	vld [tilespmem:s12+$0x0]  }
0x18e: {  	v50 =	vld [tilespmem:s8+$0x9A00]  }
0x18f: {  	v51 =	vld [tilespmem:s8+$0x9B00]  }
0x190: {  	v52 =	vld [tilespmem:s8+$0x9C00]  }
0x191: {  	v53 =	vld [tilespmem:s8+$0x9D00]  }
0x192: {  	v48 =	vadd.s32 v49, v48;
	v49 =	vld [tilespmem:s8+$0x9E00]  }
0x193: {  	v48 =	vadd.s32 v50, v48;
	v50 =	vld [tilespmem:s8+$0x9F00]  }
0x194: {  	v48 =	vadd.s32 v51, v48;
	v51 =	vld [tilespmem:s8+$0xA000]  }
0x195: {  	v48 =	vadd.s32 v52, v48;
	v52 =	vld [tilespmem:s8+$0xA100]  }
0x196: {  	v48 =	vadd.s32 v53, v48;
	v53 =	vld [tilespmem:s8+$0xA200]  }
0x197: {  	v48 =	vadd.s32 v49, v48;
	v49 =	vld [tilespmem:s8+$0xA300]  }
0x198: {  	v48 =	vadd.s32 v50, v48;
	v50 =	vld [tilespmem:s8+$0xA400]  }
0x199: {  	v48 =	vadd.s32 v51, v48;
	v51 =	vld [tilespmem:s8+$0xA500]  }
0x19a: {  	v48 =	vadd.s32 v52, v48;
	v52 =	vld [tilespmem:s8+$0xA600]  }
0x19b: {  	v48 =	vadd.s32 v53, v48;
	v53 =	vld [tilespmem:s8+$0xA700]  }
0x19c: {  	v48 =	vadd.s32 v49, v48  }
0x19d: {  	v48 =	vadd.s32 v50, v48  }
.Ltmp4:
0x19e: {  	v48 =	vadd.s32 v51, v48;
	(pc) =	sbr.rel @p1 .LBB2_8-.Ltmp4, $4  }
0x19f: {  	v48 =	vadd.s32 v52, v48  }
0x1a0: {  	s11 =	sadd.s32 $0x10, s11;
	v48 =	vadd.s32 v53, v48  }
0x1a1: {  	s8 =	sand.u32 $0xF0, s13;
	[tilespmem:s11+$0x0] =	vst v48  }
0x1a2: {  	s12 =	sadd.s32 $0x10, s12;
	s13 =	sadd.s32 $0x10, s13;
	v48 =	vld [tilespmem:s8+$0x9900]  }
0x1a3: {  	v22 =	vadd.s32 v22, v30  }
0x1a4: {  	v23 =	vadd.s32 v23, v31;
	v22 =	vadd.s32 v34, v22  }
0x1a5: {  	v53 =	vld [tilespmem:s12+$0x0];
	v23 =	vadd.s32 v35, v23;
	v22 =	vadd.s32 v42, v22  }
0x1a6: {  	v54 =	vld [tilespmem:s8+$0x9A00];
	v23 =	vadd.s32 v36, v23;
	v22 =	vadd.s32 v43, v22  }
0x1a7: {  	v55 =	vld [tilespmem:s8+$0x9B00];
	v23 =	vadd.s32 v37, v23;
	v22 =	vadd.s32 v44, v22  }
0x1a8: {  	v56 =	vld [tilespmem:s8+$0x9C00];
	v23 =	vadd.s32 v38, v23;
	v22 =	vadd.s32 v45, v22  }
0x1a9: {  	v57 =	vld [tilespmem:s8+$0x9D00];
	v23 =	vadd.s32 v39, v23;
	v22 =	vadd.s32 v46, v22  }
0x1aa: {  	v58 =	vld [tilespmem:s8+$0x9E00];
	v30 =	vadd.s32 v53, v48;
	v23 =	vadd.s32 v40, v23;
	v22 =	vadd.s32 v47, v22  }
0x1ab: {  	v59 =	vld [tilespmem:s8+$0x9F00];
	v30 =	vadd.s32 v54, v30;
	v23 =	vadd.s32 v32, v23;
	v22 =	vadd.s32 v41, v22  }
0x1ac: {  	v61 =	vld [tilespmem:s8+$0xA000];
	v60 =	vadd.s32 v55, v30;
	v23 =	vadd.s32 v28, v23;
	v22 =	vadd.s32 v33, v22  }
0x1ad: {  	v62 =	vld [tilespmem:s8+$0xA100];
	v23 =	vadd.s32 v26, v23;
	v26 =	vadd.s32 v56, v60;
	v22 =	vadd.s32 v29, v22  }
0x1ae: {  	v23 =	vadd.s32 v24, v23;
	v24 =	vadd.s32 v57, v26;
	v26 =	vld [tilespmem:s8+$0xA200];
	v22 =	vadd.s32 v27, v22  }
0x1af: {  	v20 =	vadd.s32 v20, v23;
	v23 =	vadd.s32 v58, v24;
	v24 =	vld [tilespmem:s8+$0xA300];
	v22 =	vadd.s32 v25, v22  }
0x1b0: {  	v18 =	vadd.s32 v18, v20;
	v20 =	vadd.s32 v21, v22;
	v21 =	vadd.s32 v59, v23;
	v22 =	vld [tilespmem:s8+$0xA400]  }
0x1b1: {  	v17 =	vadd.s32 v17, v18;
	v18 =	vadd.s32 v19, v20;
	v19 =	vadd.s32 v61, v21;
	v20 =	vld [tilespmem:s8+$0xA500]  }
0x1b2: {  	v16 =	vadd.s32 v16, v17;
	(xrf0) =	vadd.scan.msk.s32 $0xffff, v18;
	v17 =	vadd.s32 v62, v19;
	v18 =	vld [tilespmem:s8+$0xA600]  }
0x1b3: {  	(xrf0) =	vadd.scan.msk.s32 $0xffff, v16;
	v16 =	vadd.s32 v26, v17;
	v17 =	vld [tilespmem:s8+$0xA700]  }
0x1b4: {  	v16 =	vadd.s32 v24, v16  }
0x1b5: {  	v16 =	vadd.s32 v22, v16  }
0x1b6: {  	v16 =	vadd.s32 v20, v16  }
0x1b7: {  	v16 =	vadd.s32 v18, v16  }
0x1b8: {  	s18 =	sadd.s32 $0x10, s11;
	v18, _, _ =	vpop (xrf0);
	v16 =	vadd.s32 v17, v16  }
0x1b9: {  	s19 =	simm.s32 $0x9400;
	(v2sf) =	vpush v18, $0xF;
	v17, _, _ =	vpop (xrf0);
	[tilespmem:s18+$0x0] =	vst v16  }
0x1ba: {  	(v2sf) =	vpush v17, $0xF;
	v18 =	vld [tilespmem:s19+$0x0];
	_ =	sdelay $0x2  }
0x1bb: {  	s20 =	simm.s32 $0x9410  }
0x1bc: {  	v19 =	vld [tilespmem:s20+$0x0]  }
0x1bd: {  	(xrf0) =	vadd.scan.msk.s32 $0xffff, v18;
	_ =	sdelay $0x3  }
0x1be: {  	(xrf0) =	vadd.scan.msk.s32 $0xffff, v19;
	_ =	sdelay $0x1  }
0x1bf: {  	v16, _, _ =	vpop (xrf0)  }
0x1c0: {  	s21 =	simm.s32 $0x9420;
	(v2sf) =	vpush v16, $0xF  }
0x1c1: {  	v21 =	vld [tilespmem:s21+$0x0]  }
0x1c2: {  	s22 =	spop (v2sf)  }
0x1c3: {  	v22, _, _ =	vpop (xrf0);
	s11 =	spop (v2sf);
	s8 =	ssub.s32 $0xEA60, s22  }
0x1c4: {  	(v2sf) =	vpush v22, $0xF;
	p1 =	slt.s32 s11, s8  }
0x1c5: {  	s23 =	simm.s32 $0x9430;
	s8 =	smov.u32 @p1 s11  }
0x1c6: {  	v24 =	vld [tilespmem:s23+$0x0];
	(xrf0) =	vadd.scan.msk.s32 $0xffff, v21;
	p1 =	sgt.s32 s8, $0x0  }
0x1c7: {  	s12 =	simm.s32 $0x0;
	s8 =	simm.s32 @!p1 $0x0  }
0x1c8: {  	v23 =	vadd.s32 s12, v16;
	s11 =	ssub.s32 s11, s8  }
0x1c9: {  	v20 =	vsub.s32 v23, v18;
	v17 =	vmov s11  }
0x1ca: {  	v16 =	vlaneseq.u32;
	vm0 =	vle.s32 v20, v17;
	vm1 =	vlt.s32 v17, v23  }
0x1cb: {  	(xrf0) =	vadd.scan.msk.s32 $0xffff, v24;
	v20 =	vor.u32 s12, v16;
	vm0 =	vmand vm1, vm0  }
0x1cc: {  	v25, _, _ =	vpop (xrf0);
	v20 =	vnsel vm0, $0x0, v20  }
0x1cd: {  	(v2sf) =	vpush v25, $0xF;
	(xrf0) =	vadd.scan.msk.s32 $0xffff, v20;
	_ =	sdelay $0x1  }
0x1ce: {  	s13 =	simm.s32 $0x9440;
	s14 =	spop (v2sf)  }
0x1cf: {  	v20 =	vld [tilespmem:s13+$0x0];
	s24 =	sadd.s32 $0x0, s14  }
0x1d0: {  	v26, _, _ =	vpop (xrf0);
	v18 =	vnsel vm0, $0x0, v18;
	v22 =	vadd.s32 s24, v22  }
0x1d1: {  	(v2sf) =	vpush v26, $0xF;
	v23 =	vnsel vm0, $0x0, v23;
	(xrf0) =	vadd.scan.msk.s32 $0xffff, v18;
	v27 =	vsub.s32 v22, v19  }
0x1d2: {  	s25 =	simm.s32 $0x10;
	s15 =	simm.s32 $0x9450;
	s16 =	spop (v2sf);
	vm11 =	vlt.s32 v17, v22;
	v63, _, _ =	vpop (xrf0);
	vm10 =	vle.s32 v27, v17;
	(xrf0) =	vadd.scan.msk.s32 $0xffff, v23  }
0x1d3: {  	v18 =	vld [tilespmem:s15+$0x0];
	s13 =	sadd.s32 s24, s16;
	v23 =	vor.u32 s25, v16;
	vm0 =	vmand vm11, vm10  }
0x1d4: {  	v25 =	vadd.s32 s13, v25;
	(xrf0) =	vadd.scan.msk.s32 $0xffff, v20;
	v23 =	vnsel vm0, $0x0, v23;
	v22 =	vnsel vm0, $0x0, v22  }
0x1d5: {  	v19 =	vnsel vm0, $0x0, v19;
	(xrf0) =	vadd.scan.msk.s32 $0xffff, v23;
	v23 =	vsub.s32 v25, v21  }
0x1d6: {  	s26 =	simm.s32 $0x20;
	vm13 =	vlt.s32 v17, v25;
	(xrf0) =	vadd.scan.msk.s32 $0xffff, v19;
	vm12 =	vle.s32 v23, v17  }
0x1d7: {  	(v2sf) =	vpush v63, $0xF;
	v19 =	vor.u32 s26, v16;
	(xrf0) =	vadd.scan.msk.s32 $0xffff, v22;
	vm0 =	vmand vm13, vm12;
	v22, _, _ =	vpop (xrf0)  }
0x1d8: {  	(xrf0) =	vadd.scan.msk.s32 $0xffff, v18;
	v19 =	vnsel vm0, $0x0, v19;
	v23, _, _ =	vpop (xrf0);
	(v2sf) =	vpush v22, $0xF;
	v21 =	vnsel vm0, $0x0, v21  }
0x1d9: {  	(xrf0) =	vadd.scan.msk.s32 $0xffff, v19;
	(v2sf) =	vpush v23, $0xF;
	v23 =	vnsel vm0, $0x0, v25  }
0x1da: {  	v22, _, _ =	vpop (xrf0);
	(xrf0) =	vadd.scan.msk.s32 $0xffff, v21  }
0x1db: {  	s29 =	spop (v2sf);
	(v2sf) =	vpush v22, $0xF;
	v21, _, _ =	vpop (xrf0)  }
0x1dc: {  	s13 =	sadd.s32 s13, s29;
	(xrf0) =	vadd.scan.msk.s32 $0xffff, v23;
	v23, _, _ =	vpop (xrf0);
	(v2sf) =	vpush v21, $0xF  }
0x1dd: {  	v25 =	vadd.s32 s13, v26;
	v26, _, _ =	vpop (xrf0);
	(v2sf) =	vpush v23, $0xF  }
0x1de: {  	(v2sf) =	vpush v26, $0xF;
	v23, _, _ =	vpop (xrf0)  }
0x1df: {  	(v2sf) =	vpush v23, $0xF;
	v26, _, _ =	vpop (xrf0)  }
0x1e0: {  	s28 =	simm.s32 $0x9460;
	s31 =	spop (v2sf);
	(v2sf) =	vpush v26, $0xF;
	v26, _, _ =	vpop (xrf0)  }
0x1e1: {  	v19 =	vld [tilespmem:s28+$0x0];
	(v2sf) =	vpush v26, $0xF;
	_ =	sdelay $0x1  }
0x1e2: {  	v21 =	vsub.s32 v25, v24  }
0x1e3: {  	s30 =	simm.s32 $0x30;
	vm15 =	vlt.s32 v17, v25;
	vm14 =	vle.s32 v21, v17  }
0x1e4: {  	s17 =	simm.s32 $0x60;
	v21 =	vor.u32 s30, v16;
	vm0 =	vmand vm15, vm14  }
0x1e5: {  	s18 =	simm.s32 $0x50;
	s21 =	simm.s32 $0x40;
	s20 =	simm.s32 $0x80;
	(xrf0) =	vadd.scan.msk.s32 $0xffff, v19;
	v21 =	vnsel vm0, $0x0, v21  }
0x1e6: {  	s19 =	simm.s32 $0x9470;
	s15 =	simm.s32 $0x70;
	s14 =	simm.s32 $0x0;
	v27 =	vnsel vm0, $0x0, v24;
	(xrf0) =	vadd.scan.msk.s32 $0xffff, v21  }
0x1e7: {  	s22 =	sadd.s32 s13, s31;
	s13 =	simm.s32 $0x0;
	v24 =	vnsel vm0, $0x0, v25;
	v21 =	vld [tilespmem:s19+$0x0];
	(xrf0) =	vadd.scan.msk.s32 $0xffff, v27;
	v25, _, _ =	vpop (xrf0);
	s16 =	spop (v2sf)  }
.LBB2_10:
0x1e8: {  	s12 =	sadd.s32 s12, s16  }
0x1e9: {  	v26 =	vadd.s32 s22, v22;
	(xrf0) =	vadd.scan.msk.s32 $0xffff, v24;
	(v2sf) =	vpush v25, $0xF;
	s16 =	spop (v2sf);
	v22 =	vmov v23;
	s23 =	smov.u32 s20;
	s24 =	sadd.s32 $0x10, s20  }
0x1ea: {  	p1 =	sne.s32 s20, $0xF0;
	v24 =	vsub.s32 v26, v20;
	s13 =	sadd.s32 s13, s16;
	s16 =	spop (v2sf)  }
.Ltmp5:
0x1eb: {  	vm1 =	vlt.s32 v17, v26;
	vm0 =	vle.s32 v24, v17;
	s14 =	sadd.s32 s14, s16;
	(pc) =	sbr.rel @p1 .LBB2_10-.Ltmp5, $4  }
0x1ec: {  	v24 =	vor.u32 s21, v16;
	s21 =	smov.u32 s18;
	s18 =	smov.u32 s17;
	s17 =	smov.u32 s15;
	v23, _, _ =	vpop (xrf0);
	vm0 =	vmand vm1, vm0  }
0x1ed: {  	s15 =	smov.u32 s23;
	(xrf0) =	vadd.scan.msk.s32 $0xffff, v21;
	(v2sf) =	vpush v23, $0xF;
	v28 =	vnsel vm0, $0x0, v24;
	v24 =	vnsel vm0, $0x0, v26;
	v26, _, _ =	vpop (xrf0)  }
0x1ee: {  	s19 =	sadd.s32 $0x10, s19;
	v27 =	vnsel vm0, $0x0, v20;
	v20 =	vmov v18;
	(xrf0) =	vadd.scan.msk.s32 $0xffff, v28;
	s16 =	spop (v2sf);
	(v2sf) =	vpush v26, $0xF;
	v26, _, _ =	vpop (xrf0)  }
0x1ef: {  	s20 =	smov.u32 s24;
	v18 =	vmov v19;
	v19 =	vmov v21;
	s22 =	sadd.s32 s22, s16;
	(xrf0) =	vadd.scan.msk.s32 $0xffff, v27;
	v25, _, _ =	vpop (xrf0);
	(v2sf) =	vpush v26, $0xF;
	s16 =	spop (v2sf);
	v21 =	vld [tilespmem:s19+$0x0]  }
0x1f0: {  	v9 =	vadd.f32 $0.0e+00, v9;
	_ =	sdelay $0x1  }
0x1f1: {  	v9 =	vadd.f32 v11, v9;
	_ =	sdelay $0x1  }
0x1f2: {  	(v2sf) =	vpush v25, $0xF;
	v26, _, _ =	vpop (xrf0);
	v9 =	vadd.f32 v13, v9  }
0x1f3: {  	(v2sf) =	vpush v26, $0xF  }
0x1f4: {  	v9 =	vadd.f32 v12, v9;
	_ =	sdelay $0x1  }
0x1f5: {  	v9 =	vadd.f32 v14, v9;
	_ =	sdelay $0x1  }
0x1f6: {  	s19 =	spop (v2sf);
	v9 =	vadd.f32 v15, v9  }
0x1f7: {  	v27 =	vadd.s32 s22, v22;
	(xrf0) =	vadd.scan.msk.s32 $0xffff, v24;
	v29 =	vor.u32 s21, v16;
	v37 =	vor.u32 s18, v16;
	s20 =	spop (v2sf)  }
0x1f8: {  	v43 =	vor.u32 s17, v16;
	v28 =	vsub.s32 v27, v20;
	s29 =	spop (v2sf);
	(xrf0) =	vadd.scan.msk.s32 $0xffff, v21;
	v9 =	vadd.f32 v10, v9  }
0x1f9: {  	v49 =	vor.u32 s15, v16;
	vm1 =	vlt.s32 v17, v27;
	vm0 =	vle.s32 v28, v17;
	s24 =	sadd.s32 s22, s29;
	s21 =	spop (v2sf)  }
0x1fa: {  	vm0 =	vmand vm1, vm0;
	v30, _, _ =	vpop (xrf0);
	v33 =	vadd.s32 s24, v23;
	s22 =	spop (v2sf);
	v8 =	vadd.f32 v8, v9  }
0x1fb: {  	v31 =	vnsel vm0, $0x0, v20;
	(v2sf) =	vpush v30, $0xF;
	v35 =	vsub.s32 v33, v18;
	s23 =	spop (v2sf)  }
0x1fc: {  	v32, _, _ =	vpop (xrf0);
	vm11 =	vlt.s32 v17, v33;
	v12 =	vnsel vm0, $0x0, v27;
	s25 =	spop (v2sf);
	v7 =	vadd.f32 v7, v8  }
0x1fd: {  	v34, _, _ =	vpop (xrf0);
	(v2sf) =	vpush v32, $0xF;
	vm10 =	vle.s32 v35, v17;
	v10 =	vnsel vm0, $0x0, v29;
	s18 =	spop (v2sf)  }
0x1fe: {  	(v2sf) =	vpush v34, $0xF;
	v36, _, _ =	vpop (xrf0);
	vm0 =	vmand vm11, vm10;
	(xrf0) =	vadd.scan.msk.s32 $0xffff, v10;
	s26 =	sadd.s32 s24, s25;
	s24 =	spop (v2sf);
	v6 =	vadd.f32 v6, v7  }
0x1ff: {  	(v2sf) =	vpush v36, $0xF;
	v38 =	vnsel vm0, $0x0, v37;
	v39 =	vadd.s32 s26, v26;
	(xrf0) =	vadd.scan.msk.s32 $0xffff, v31;
	s25 =	spop (v2sf)  }
0x200: {  	v40 =	vnsel vm0, $0x0, v33;
	v11 =	vsub.s32 v39, v19;
	(xrf0) =	vadd.scan.msk.s32 $0xffff, v12;
	s28 =	spop (v2sf);
	v5 =	vadd.f32 v5, v6  }
0x201: {  	v41 =	vnsel vm0, $0x0, v18;
	vm13 =	vlt.s32 v17, v39;
	vm12 =	vle.s32 v11, v17;
	(xrf0) =	vadd.scan.msk.s32 $0xffff, v38;
	s30 =	sadd.s32 s26, s28  }
0x202: {  	vm0 =	vmand vm13, vm12;
	(xrf0) =	vadd.scan.msk.s32 $0xffff, v41;
	v45 =	vadd.s32 s30, v36;
	v4 =	vadd.f32 v4, v5  }
0x203: {  	v44 =	vnsel vm0, $0x0, v43;
	(xrf0) =	vadd.scan.msk.s32 $0xffff, v40;
	v47 =	vnsel vm0, $0x0, v19;
	v8 =	vsub.s32 v45, v21  }
0x204: {  	v42, _, _ =	vpop (xrf0);
	(xrf0) =	vadd.scan.msk.s32 $0xffff, v44;
	vm15 =	vlt.s32 v17, v45;
	vm14 =	vle.s32 v8, v17;
	v3 =	vadd.f32 v3, v4  }
0x205: {  	v46 =	vnsel vm0, $0x0, v39;
	(v2sf) =	vpush v42, $0xF;
	v48, _, _ =	vpop (xrf0);
	(xrf0) =	vadd.scan.msk.s32 $0xffff, v47;
	vm0 =	vmand vm15, vm14  }
0x206: {  	v50, _, _ =	vpop (xrf0);
	(v2sf) =	vpush v48, $0xF;
	(xrf0) =	vadd.scan.msk.s32 $0xffff, v46;
	v4 =	vnsel vm0, $0x0, v49;
	v2 =	vadd.f32 v2, v3  }
0x207: {  	(v2sf) =	vpush v50, $0xF;
	v51, _, _ =	vpop (xrf0);
	v52 =	vnsel vm0, $0x0, v21;
	(xrf0) =	vadd.scan.msk.s32 $0xffff, v4  }
0x208: {  	(v2sf) =	vpush v51, $0xF;
	v53, _, _ =	vpop (xrf0);
	v54 =	vnsel vm0, $0x0, v45;
	(xrf0) =	vadd.scan.msk.s32 $0xffff, v52;
	v1 =	vadd.f32 v1, v2  }
0x209: {  	v55, _, _ =	vpop (xrf0);
	(v2sf) =	vpush v53, $0xF;
	(xrf0) =	vadd.scan.msk.s32 $0xffff, v54  }
0x20a: {  	v56, _, _ =	vpop (xrf0);
	(v2sf) =	vpush v55, $0xF;
	v0 =	vadd.f32 v0, v1  }
0x20b: {  	v57, _, _ =	vpop (xrf0);
	(v2sf) =	vpush v56, $0xF  }
0x20c: {  	v58, _, _ =	vpop (xrf0);
	(v2sf) =	vpush v57, $0xF;
	(xrf2) =	vadd.scan.msk.f32 $0xffff, v0  }
0x20d: {  	(v2sf) =	vpush v58, $0xF;
	v59, _, _ =	vpop (xrf0)  }
0x20e: {  	(v2sf) =	vpush v59, $0xF;
	v60, _, _ =	vpop (xrf0)  }
0x20f: {  	v61, _, _ =	vpop (xrf0);
	(v2sf) =	vpush v60, $0xF  }
0x210: {  	s15 =	spop (v2sf);
	(v2sf) =	vpush v61, $0xF  }
0x211: {  	s17 =	spop (v2sf)  }
0x212: {  	s26 =	spop (v2sf)  }
0x213: {  	s31 =	spop (v2sf)  }
0x214: {  	s28 =	spop (v2sf)  }
0x215: {  	s29 =	spop (v2sf)  }
0x216: {  	s30 =	spop (v2sf);
	v62, _, _ =	vpop (xrf2)  }
0x217: {  	s12 =	sadd.s32 s12, s16;
	s13 =	sadd.s32 s13, s19;
	s31 =	spop (v2sf);
	(v2sf) =	vpush v62, $0xF  }
0x218: {  	s14 =	sadd.s32 s14, s20;
	s12 =	sadd.s32 s12, s21;
	s16 =	spop (v2sf)  }
0x219: {  	s13 =	sadd.s32 s13, s22;
	s14 =	sadd.s32 s14, s23;
	s19 =	spop (v2sf)  }
0x21a: {  	s12 =	sadd.s32 s12, s18;
	s13 =	sadd.s32 s13, s24;
	s20 =	spop (v2sf)  }
0x21b: {  	s14 =	sadd.s32 s14, s25;
	s12 =	sadd.s32 s12, s15;
	s21 =	spop (v2sf)  }
0x21c: {  	s14 =	sadd.s32 s14, s26;
	s12 =	sadd.s32 s12, s28;
	s23 =	spop (v2sf)  }
0x21d: {  	s14 =	sadd.s32 s14, s30;
	s12 =	sadd.s32 s12, s31;
	s24 =	spop (v2sf)  }
0x21e: {  	s14 =	sadd.s32 s14, s19;
	s12 =	sadd.s32 s12, s20;
	s25 =	spop (v2sf)  }
0x21f: {  	s14 =	sadd.s32 s14, s23;
	s12 =	sadd.s32 s12, s24;
	s26 =	spop (v2sf)  }
0x220: {  	s13 =	sadd.s32 s13, s17;
	v63 =	vmov s12;
	s14 =	sadd.s32 s14, s26  }
0x221: {  	s13 =	sadd.s32 s13, s29;
	s30 =	simm.s32 $0xB080;
	[tilespmem:$0xB080] =	vst v63;
	s11 =	ssub.s32 s14, s11  }
0x222: {  	[spmem:s3] =	stream.linear.scatter [tilespmem:s30], [sflag:$0x2], $0x80, $0x38;
	[tilespmem:$0xB388] =	vst v63  }
0x223: {  	s13 =	sadd.s32 s13, s16;
	[smem:$0x0] =	sst s11  }
0x224: {  	s28 =	sadd.s32 s13, s21;
	[smem:$0x1] =	sst s12  }
0x225: {  	s11 =	sadd.s32 s28, s25;
	[smem:$0x2] =	sst s8  }
0x226: {  	[smem:$0x5] =	sst s11;
	s29 =	spop (v2sf)  }
0x227: {  	s31 =	simm.s32 $0x2;
	[smem:$0x80] =	sst s29  }
0x228: {  	_ =	swait.ge [sflag:s31], $0x80  }
0x229: {  	[sflag:s31] =	ssyncset.done $0x0  }
0x22a: {  	[sflag:s31] =	ssyncadd.s32 $0xFFFFFF80  }
.LBB2_12:
0x22b: {  	[bflag:$0x0] =	sbarrier.arrive $0xFFFF  }
0x22c: {  	[tilespmem:s10], [sflag:$0x2] =	stream.linear.gather [spmem:s3], $0x80, $0x38;
	[tilespmem:$0xB388] =	vst v63  }
0x22d: {  	_ =	swait.ge [sflag:s9], $0x80  }
0x22e: {  	[sflag:s9] =	ssyncset.done $0x0  }
0x22f: {  	[sflag:s9] =	ssyncadd.s32 $0xFFFFFF80  }
0x230: {  	v0 =	vimm.s32 $0x0;
	s8 =	simm.s32 $0x40;
	s9 =	simm.s32 $0x0;
	v2 =	vld [tilespmem:$0xA800]  }
.LBB2_13:
0x231: {  	p1 =	sne.s32 s8, $0xFC0;
	[tilespmem:s9+$0x9400] =	vst v0;
	s9 =	smov.u32 s8;
	s8 =	sadd.s32 $0x40, s8  }
.Ltmp6:
0x232: {  	(pc) =	sbr.rel @p1 .LBB2_13-.Ltmp6, $2  }
0x233: {  	_ =	sdelay $0x2  }
0x234: {  	s9 =	sshra.s32 s9, $0x2  }
0x235: {  	[tilespmem:s9+$0x9400] =	vst v0;
	s8 =	simm.s32 $0x49A0  }
0x236: {  	v14 =	vld [tilespmem:s8+$0xFFFFFFE0]  }
0x237: {  	v1 =	vld [tilespmem:s8+$0x0]  }
0x238: {  	v18 =	vld [tilespmem:s8+$0xFFFFFFF0];
	_ =	sdelay $0x2  }
0x239: {  	v0 =	vshra.s32 v14, $0x17  }
0x23a: {  	v5 =	vimm.s32 $0x0;
	v3 =	vld [tilespmem:s8+$0x10];
	v4 =	vshra.s32 v1, $0x17;
	vm0 =	veq.s32 v0, v2  }
0x23b: {  	v6 =	vshrl.u32 v14, $0xF;
	v0 =	vshra.s32 v18, $0x17;
	v7 =	vsel vm0, $0x1, v5  }
0x23c: {  	v15 =	vand.u32 $0xFF, v6;
	v6 =	vshrl.u32 v1, $0xF;
	vm1 =	veq.s32 v0, v2;
	(xrf0) =	vadd.scan.msk.s32 $0xffff, v7  }
0x23d: {  	v9 =	vshrl.u32 v18, $0xF;
	(xrf1) =	vunique.msk.u32 vm0, v15;
	v8 =	vand.u32 $0xFF, v6;
	v10 =	vsel vm1, $0x1, v5  }
0x23e: {  	vm3 =	veq.s32 v4, v2;
	v7 =	vor.u32 $0x200, v8;
	v8 =	vand.u32 $0xFF, v9;
	(xrf0) =	vadd.scan.msk.s32 $0xffff, v10  }
0x23f: {  	v4 =	vshra.s32 v3, $0x17;
	v8 =	vor.u32 $0x100, v8;
	(xrf1) =	vunique.msk.u32 vm3, v7;
	v10 =	vsel vm3, $0x1, v5  }
0x240: {  	v12 =	vshrl.u32 v3, $0xF;
	vm4 =	veq.s32 v4, v2;
	(xrf1) =	vunique.msk.u32 vm1, v8  }
0x241: {  	s31 =	simm.s32 $0x49E0;
	v4 =	vsel vm4, $0x1, v5;
	(xrf0) =	vadd.scan.msk.s32 $0xffff, v10;
	v16 =	vand.u32 $0x180, v8;
	v8 =	vand.u32 $0xFF, v12  }
0x242: {  	v11 =	vand.u32 $0x280, v7;
	(xrf0) =	vadd.scan.msk.s32 $0xffff, v4;
	v7 =	vor.u32 $0x300, v8;
	v8 =	vld [tilespmem:s31+$0xFFFFFFE0];
	v10, _, _ =	vpop (xrf0)  }
0x243: {  	v0 =	vld [tilespmem:s31+$0x0];
	(v2sf) =	vpush v10, $0xF  }
0x244: {  	v6 =	vand.u32 $0x7F, v6;
	v4 =	vld [tilespmem:s31+$0xFFFFFFF0];
	v10, _, _ =	vpop (xrf0)  }
0x245: {  	(v2sf) =	vpush v10, $0xF  }
0x246: {  	(xrf1) =	vunique.msk.u32 vm4, v7  }
0x247: {  	v23 =	vand.u32 $0x7F, v12;
	v10 =	vor.u32 v6, v11;
	v6, _, _ =	vpop (xrf0);
	v12 =	vshra.s32 v8, $0x17  }
0x248: {  	v13 =	vshra.s32 v0, $0x17;
	(v2sf) =	vpush v6, $0xF;
	v19, _, _ =	vpop (xrf0);
	vm5 =	veq.s32 v12, v2  }
0x249: {  	v12 =	vshra.s32 v4, $0x17;
	(v2sf) =	vpush v19, $0xF;
	v19 =	vsel vm5, $0x1, v5  }
0x24a: {  	v25 =	vshrl.u32 v0, $0xF;
	v22 =	vand.u32 $0x380, v7;
	v7 =	vld [tilespmem:s31+$0x10];
	vm8 =	veq.s32 v12, v2  }
0x24b: {  	v17 =	vand.u32 $0xFF, v25;
	vm6 =	veq.s32 v13, v2;
	v13 =	vsel vm8, $0x1, v5;
	(xrf0) =	vadd.scan.msk.s32 $0xffff, v19  }
0x24c: {  	vm2 =	vmmov vm0;
	v21 =	vor.u32 $0x200, v17;
	v17 =	vshrl.u32 v8, $0xF;
	(xrf0) =	vadd.scan.msk.s32 $0xffff, v13;
	_, v24, vm7 =	vpop (xrf1)  }
0x24d: {  	vm0 =	vmmov vm3;
	vm3 =	vmmov vm4;
	v12 =	vand.u32 $0xFF, v17;
	_, v19, vm4 =	vpop (xrf1)  }
0x24e: {  	v9 =	vand.u32 $0x7F, v9;
	v11 =	vshrl.u32 v4, $0xF;
	_, v28, vm10 =	vpop (xrf1);
	(xrf1) =	vunique.msk.u32 vm5, v12  }
0x24f: {  	v22 =	vor.u32 v23, v22;
	v20 =	vand.u32 $0xFF, v11;
	v27 =	vshra.s32 v7, $0x17  }
0x250: {  	s11 =	simm.s32 $0x4A20;
	v26 =	vsel vm6, $0x1, v5;
	v29 =	vor.u32 $0x100, v20;
	vm9 =	veq.s32 v27, v2  }
0x251: {  	s9 =	simm.s32 $0x9400;
	v6 =	vld [tilespmem:s11+$0x0];
	v27 =	vor.u32 v9, v16;
	v20 =	vshrl.u32 v7, $0xF;
	v16 =	vsel vm9, $0x1, v5;
	(xrf1) =	vunique.msk.u32 vm6, v21;
	v23, _, _ =	vpop (xrf0)  }
0x252: {  	s8 =	simm.s32 $0x0;
	(xrf1) =	vunique.msk.u32 vm8, v29;
	[tilespmem:v15+s9+$0x0] =	vst.idx.add.s32.msk vm7, v24;
	v15 =	vand.u32 $0xFF, v20;
	s10 =	spop (v2sf);
	(v2sf) =	vpush v23, $0xF;
	v23, _, _ =	vpop (xrf0)  }
0x253: {  	(xrf0) =	vadd.scan.msk.s32 $0xffff, v26;
	[tilespmem:s8+$0x6200] =	vst.msk vm2, v14;
	v14 =	vor.u32 $0x300, v15;
	vm2 =	vmmov vm5  }
0x254: {  	(xrf0) =	vadd.scan.msk.s32 $0xffff, v16;
	vm5 =	vmmov vm0;
	vm0 =	vmmov vm6;
	s13 =	spop (v2sf);
	(v2sf) =	vpush v23, $0xF;
	_, v23, vm6 =	vpop (xrf1)  }
0x255: {  	vm1 =	vmmov vm1;
	v25 =	vand.u32 $0x7F, v25;
	v16 =	vld [tilespmem:s11+$0xFFFFFFF0];
	(xrf1) =	vunique.msk.u32 vm9, v14  }
0x256: {  	v13 =	vand.u32 $0x180, v29;
	v9 =	vshrl.u32 v6, $0xF;
	v15 =	vand.u32 $0x380, v14;
	v14 =	vld [tilespmem:s11+$0xFFFFFFE0]  }
0x257: {  	v17 =	vshra.s32 v6, $0x17;
	v21 =	vand.u32 $0x280, v21;
	v24 =	vand.u32 $0xFF, v9;
	[tilespmem:v27+s9+$0x0] =	vst.idx.add.s32.msk vm10, v28;
	s12 =	sadd.s32 $0x0, s10  }
0x258: {  	vm7 =	vmmov vm3;
	vm3 =	vmmov vm8;
	s10 =	simm.s32 $0x8;
	[tilespmem:s12+$0x6200] =	vst.msk vm1, v18;
	s12 =	sadd.s32 s12, s13;
	vm1 =	vmmov vm9;
	v18 =	vld [tilespmem:s11+$0x10];
	s11 =	simm.s32 $0x4A60  }
.LBB2_15:
0x259: {  	s10 =	sadd.s32 $0x4, s10;
	v26, _, _ =	vpop (xrf0);
	[tilespmem:v10+s9+$0x0] =	vst.idx.add.s32.msk vm4, v19;
	v10 =	vor.u32 v25, v21;
	s13 =	spop (v2sf)  }
0x25a: {  	v21 =	vand.u32 $0x7F, v11;
	p1 =	slt.u32 s10, $0x184;
	v11 =	vshrl.u32 v16, $0xF;
	(v2sf) =	vpush v26, $0xF;
	v19, _, _ =	vpop (xrf0);
	s13 =	sadd.s32 s12, s13;
	[tilespmem:v22+s9+$0x0] =	vst.idx.add.s32.msk vm6, v23;
	s14 =	spop (v2sf)  }
0x25b: {  	v25 =	vor.u32 $0x200, v24;
	v26 =	vand.u32 $0x7F, v20;
	v27 =	vmovc v16;
	v22 =	vld [tilespmem:s11+$0x0];
	(v2sf) =	vpush v19, $0xF;
	[tilespmem:s13+$0x6200] =	vst.msk vm7, v3;
	s13 =	sadd.s32 s13, s14;
	v3 =	vmovc v7  }
0x25c: {  	v20 =	vand.u32 $0xFF, v11;
	v24 =	vshra.s32 v14, $0x17;
	v16 =	vshrl.u32 v14, $0xF;
	_, v23, vm6 =	vpop (xrf1);
	[tilespmem:s12+$0x6200] =	vst.msk vm5, v1  }
0x25d: {  	v29 =	vshra.s32 v27, $0x17;
	v1 =	vmovc v0;
	v0 =	vmovc v6;
	vm5 =	veq.s32 v24, v2;
	v16 =	vand.u32 $0xFF, v16  }
0x25e: {  	vm7 =	veq.s32 v17, v2;
	vm8 =	veq.s32 v29, v2;
	v7 =	vmovc v18;
	v6 =	vsel vm5, $0x1, v5;
	(xrf1) =	vunique.msk.u32 vm5, v16  }
0x25f: {  	v28 =	vsel vm7, $0x1, v5;
	v30 =	vsel vm8, $0x1, v5;
	v24 =	vshra.s32 v7, $0x17;
	(xrf0) =	vadd.scan.msk.s32 $0xffff, v6;
	_, v19, vm4 =	vpop (xrf1)  }
0x260: {  	v29 =	vor.u32 $0x100, v20;
	vm9 =	veq.s32 v24, v2;
	v17 =	vshra.s32 v22, $0x17;
	(xrf0) =	vadd.scan.msk.s32 $0xffff, v30;
	_, v18, vm10 =	vpop (xrf1)  }
0x261: {  	v31 =	vor.u32 v21, v13;
	v13 =	vand.u32 $0x180, v29;
	v30 =	vsel vm9, $0x1, v5;
	(xrf1) =	vunique.msk.u32 vm7, v25;
	v6 =	vmovc v22  }
0x262: {  	v20 =	vshrl.u32 v7, $0xF;
	v32 =	vshrl.u32 v6, $0xF;
	(xrf1) =	vunique.msk.u32 vm8, v29;
	[tilespmem:v12+s9+$0x0] =	vst.idx.add.s32.msk vm6, v23;
	v12 =	vmovc v16  }
0x263: {  	v16 =	vand.u32 $0xFF, v20;
	v24 =	vand.u32 $0xFF, v32;
	(xrf0) =	vadd.scan.msk.s32 $0xffff, v28;
	[tilespmem:s13+$0x6200] =	vst.msk vm2, v8;
	_, v23, vm6 =	vpop (xrf1)  }
.Ltmp7:
0x264: {  	v21 =	vand.u32 $0x280, v25;
	v22 =	vor.u32 v26, v15;
	v28 =	vor.u32 $0x300, v16;
	v8 =	vmovc v14;
	(xrf0) =	vadd.scan.msk.s32 $0xffff, v30;
	(pc) =	sbr.rel @p1 .LBB2_15-.Ltmp7, $4  }
0x265: {  	vm2 =	vmmov vm5;
	vm5 =	vmmov vm0;
	v15 =	vand.u32 $0x380, v28;
	v16 =	vld [tilespmem:s11+$0xFFFFFFF0];
	v14, _, _ =	vpop (xrf0);
	(xrf1) =	vunique.msk.u32 vm9, v28;
	s12 =	spop (v2sf)  }
0x266: {  	vm0 =	vmmov vm7;
	vm7 =	vmmov vm1;
	(v2sf) =	vpush v14, $0xF;
	v25, _, _ =	vpop (xrf0);
	s12 =	sadd.s32 s13, s12;
	[tilespmem:v31+s9+$0x0] =	vst.idx.add.s32.msk vm10, v18;
	s13 =	spop (v2sf)  }
0x267: {  	vm1 =	vmmov vm9;
	v14 =	vld [tilespmem:s11+$0xFFFFFFE0];
	(v2sf) =	vpush v25, $0xF;
	[tilespmem:s12+$0x6200] =	vst.msk vm3, v4;
	s12 =	sadd.s32 s12, s13;
	v4 =	vmovc v27;
	vm3 =	vmmov vm8  }
0x268: {  	v25 =	vand.u32 $0x7F, v9;
	v9 =	vmov v32;
	v18 =	vld [tilespmem:s11+$0x10];
	s11 =	sadd.s32 $0x40, s11  }
0x269: {  	_ =	sdelay $0x2  }
0x26a: {  	v26 =	vshra.s32 v14, $0x17;
	v27 =	vshrl.u32 v14, $0xF  }
0x26b: {  	vm10 =	veq.s32 v26, v2;
	v41 =	vand.u32 $0xFF, v27  }
0x26c: {  	v24 =	vor.u32 $0x200, v24;
	v42 =	vshra.s32 v16, $0x17;
	v28 =	vsel vm10, $0x1, v5;
	(xrf1) =	vunique.msk.u32 vm10, v41  }
0x26d: {  	vm8 =	veq.s32 v17, v2;
	v43 =	vshrl.u32 v16, $0xF;
	vm9 =	veq.s32 v42, v2;
	(xrf0) =	vadd.scan.msk.s32 $0xffff, v28  }
0x26e: {  	v44 =	vand.u32 $0xFF, v43;
	v29 =	vsel vm9, $0x1, v5;
	v47 =	vshra.s32 v18, $0x17;
	(xrf1) =	vunique.msk.u32 vm8, v24  }
0x26f: {  	v45, _, _ =	vpop (xrf0);
	vm11 =	veq.s32 v47, v2;
	v2 =	vshrl.u32 v18, $0xF;
	v28 =	vor.u32 $0x100, v44;
	(xrf0) =	vadd.scan.msk.s32 $0xffff, v29  }
0x270: {  	(v2sf) =	vpush v45, $0xF;
	v46 =	vsel vm8, $0x1, v5;
	v48, _, _ =	vpop (xrf0);
	v50 =	vand.u32 $0xFF, v2;
	(xrf1) =	vunique.msk.u32 vm9, v28  }
0x271: {  	_, v30, vm13 =	vpop (xrf1);
	v29 =	vor.u32 $0x300, v50;
	(xrf0) =	vadd.scan.msk.s32 $0xffff, v46  }
0x272: {  	(v2sf) =	vpush v48, $0xF;
	v49 =	vsel vm11, $0x1, v5;
	_, v51, vm12 =	vpop (xrf1);
	(xrf1) =	vunique.msk.u32 vm11, v29  }
0x273: {  	(xrf0) =	vadd.scan.msk.s32 $0xffff, v49  }
0x274: {  	_, v31, vm14 =	vpop (xrf1)  }
0x275: {  	[tilespmem:v10+s9+$0x0] =	vst.idx.add.s32.msk vm4, v19;
	v52, _, _ =	vpop (xrf0)  }
0x276: {  	s10 =	spop (v2sf);
	[tilespmem:v22+s9+$0x0] =	vst.idx.add.s32.msk vm6, v23;
	(v2sf) =	vpush v52, $0xF;
	v53, _, _ =	vpop (xrf0)  }
0x277: {  	v54 =	vand.u32 $0x7F, v11;
	s10 =	sadd.s32 s12, s10;
	[tilespmem:s12+$0x6200] =	vst.msk vm5, v1;
	v1 =	vor.u32 v25, v21;
	(v2sf) =	vpush v53, $0xF;
	v55, _, _ =	vpop (xrf0)  }
0x278: {  	v56 =	vand.u32 $0x7F, v20;
	v10 =	vor.u32 v54, v13;
	[tilespmem:s10+$0x6200] =	vst.msk vm7, v3;
	_, v3, vm4 =	vpop (xrf1);
	(v2sf) =	vpush v55, $0xF  }
0x279: {  	s9 =	simm.s32 $0x9400;
	s11 =	spop (v2sf);
	v5 =	vor.u32 v56, v15;
	v57, _, _ =	vpop (xrf0)  }
0x27a: {  	s10 =	sadd.s32 s10, s11;
	[tilespmem:v12+s9+$0x0] =	vst.idx.add.s32.msk vm13, v30;
	(v2sf) =	vpush v57, $0xF  }
0x27b: {  	[tilespmem:s10+$0x6200] =	vst.msk vm2, v8  }
0x27c: {  	[tilespmem:v1+s9+$0x0] =	vst.idx.add.s32.msk vm12, v51;
	_, v58, vm15 =	vpop (xrf1)  }
0x27d: {  	vm1 =	vmmov vm1;
	s22 =	spop (v2sf);
	[tilespmem:v10+s9+$0x0] =	vst.idx.add.s32.msk vm14, v31  }
0x27e: {  	vm0 =	vmmov vm0;
	v62 =	vand.u32 $0x7F, v9;
	s10 =	sadd.s32 s10, s22;
	s23 =	spop (v2sf);
	[tilespmem:v5+s9+$0x0] =	vst.idx.add.s32.msk vm4, v3;
	v3 =	vand.u32 $0x280, v24;
	_, v59, vm6 =	vpop (xrf1)  }
0x27f: {  	v60 =	vand.u32 $0x180, v28;
	v1 =	vand.u32 $0x7F, v43;
	[tilespmem:s10+$0x6200] =	vst.msk vm3, v4;
	s10 =	sadd.s32 s10, s23;
	s24 =	spop (v2sf);
	v3 =	vor.u32 v62, v3;
	_, v61, vm7 =	vpop (xrf1)  }
0x280: {  	v2 =	vand.u32 $0x7F, v2;
	v63 =	vand.u32 $0x380, v29;
	v1 =	vor.u32 v1, v60;
	[tilespmem:s10+$0x6200] =	vst.msk vm0, v0;
	s11 =	sadd.s32 s10, s24;
	_, v0, vm0 =	vpop (xrf1)  }
0x281: {  	v2 =	vor.u32 v2, v63;
	s25 =	spop (v2sf);
	[tilespmem:s11+$0x6200] =	vst.msk vm1, v7  }
0x282: {  	vm10 =	vmmov vm10;
	s26 =	sadd.s32 s11, s25;
	[tilespmem:v41+s9+$0x0] =	vst.idx.add.s32.msk vm15, v58  }
0x283: {  	[tilespmem:s26+$0x6200] =	vst.msk vm10, v14  }
0x284: {  	[tilespmem:v3+s9+$0x0] =	vst.idx.add.s32.msk vm6, v59  }
0x285: {  	[tilespmem:v1+s9+$0x0] =	vst.idx.add.s32.msk vm7, v61;
	s28 =	spop (v2sf)  }
0x286: {  	vm12 =	vmmov vm9;
	vm14 =	vmmov vm8;
	[tilespmem:v2+s9+$0x0] =	vst.idx.add.s32.msk vm0, v0;
	s10 =	sadd.s32 s26, s28;
	s29 =	spop (v2sf)  }
0x287: {  	vm13 =	vmmov vm11;
	vm15 =	vmmov vm14;
	[tilespmem:s10+$0x6200] =	vst.msk vm12, v16;
	s10 =	sadd.s32 s10, s29;
	s30 =	spop (v2sf)  }
0x288: {  	vm1 =	vmmov vm13;
	s31 =	sadd.s32 s10, s30;
	[tilespmem:s10+$0x6200] =	vst.msk vm15, v6  }
0x289: {  	s11 =	sand.u32 $0xF0, s8;
	s13 =	spop (v2sf);
	[tilespmem:s31+$0x6200] =	vst.msk vm1, v18  }
0x28a: {  	s10 =	simm.s32 $0x10;
	s8 =	sadd.s32 s31, s13;
	v0 =	vld [tilespmem:s11+$0x9500]  }
.LBB2_17:
0x28b: {  	p1 =	sne.s32 s10, $0xF0;
	v1 =	vld [tilespmem:s9+$0x0]  }
0x28c: {  	v2 =	vld [tilespmem:s11+$0x9600]  }
0x28d: {  	v3 =	vld [tilespmem:s11+$0x9700];
	_ =	sdelay $0x2  }
.Ltmp8:
0x28e: {  	v0 =	vadd.s32 v1, v0;
	(pc) =	sbr.rel @p1 .LBB2_17-.Ltmp8, $4  }
0x28f: {  	v0 =	vadd.s32 v2, v0  }
0x290: {  	v0 =	vadd.s32 v3, v0  }
0x291: {  	s11 =	sand.u32 $0xF0, s10;
	[tilespmem:s9+$0x0] =	vst v0  }
0x292: {  	s10 =	sadd.s32 $0x10, s10;
	s9 =	sadd.s32 $0x10, s9;
	v0 =	vld [tilespmem:s11+$0x9500]  }
0x293: {  	v1 =	vld [tilespmem:s9+$0x0]  }
0x294: {  	v2 =	vld [tilespmem:s11+$0x9600]  }
0x295: {  	v3 =	vld [tilespmem:s11+$0x9700];
	_ =	sdelay $0x2  }
0x296: {  	v0 =	vadd.s32 v1, v0  }
0x297: {  	v0 =	vadd.s32 v2, v0  }
0x298: {  	v0 =	vadd.s32 v3, v0  }
0x299: {  	s12 =	simm.s32 $0x9400;
	[tilespmem:s9+$0x0] =	vst v0;
	s9 =	simm.s32 $0x2  }
0x29a: {  	[spmem:s7] =	stream.linear.scatter [tilespmem:s12], [sflag:$0x2], $0x100, $0x38;
	[tilespmem:$0xB388] =	vst v63  }
.Ltmp9:
0x29b: {  	_ =	swait.ge [sflag:s9], $0x100;
	(pc) =	sbr.rel @p0 .LBB2_24-.Ltmp9, $3  }
0x29c: {  	[sflag:s9] =	ssyncset.done $0x0  }
0x29d: {  	[sflag:s9] =	ssyncadd.s32 $0xFFFFFF00  }
0x29e: {  	[bflag:$0x0] =	sbarrier.arrive $0xFFFF;
	_ =	sdelay $0x1  }
0x29f: {  	s11 =	sld [smem:$0x0];
	s13 =	simm.s32 $0x9800  }
0x2a0: {  	[tilespmem:s13], [sflag:$0x2] =	stream.linear.gather [spmem:s5], $0x1000, $0x38;
	[tilespmem:$0xB388] =	vst v63  }
0x2a1: {  	s10 =	sld [smem:$0x1];
	_ =	swait.ge [sflag:s9], $0x1000  }
0x2a2: {  	s14 =	simm.s32 $0x0;
	[sflag:s9] =	ssyncset.done $0x0  }
0x2a3: {  	s14 =	sand.u32 $0xF0, s14;
	[sflag:s9] =	ssyncadd.s32 $0xFFFFF000  }
0x2a4: {  	v0 =	vld [tilespmem:s14+$0x9900]  }
0x2a5: {  	v1 =	vld [tilespmem:s13+$0x0]  }
0x2a6: {  	v2 =	vld [tilespmem:s14+$0x9A00]  }
0x2a7: {  	v3 =	vld [tilespmem:s14+$0x9B00]  }
0x2a8: {  	v4 =	vld [tilespmem:s14+$0x9C00]  }
0x2a9: {  	v5 =	vld [tilespmem:s14+$0x9D00]  }
0x2aa: {  	v0 =	vadd.s32 v1, v0;
	v1 =	vld [tilespmem:s14+$0x9E00]  }
0x2ab: {  	v0 =	vadd.s32 v2, v0;
	v2 =	vld [tilespmem:s14+$0x9F00]  }
0x2ac: {  	v0 =	vadd.s32 v3, v0;
	v3 =	vld [tilespmem:s14+$0xA000]  }
0x2ad: {  	v60 =	vld [tilespmem:s14+$0xA100];
	v0 =	vadd.s32 v4, v0  }
0x2ae: {  	v61 =	vld [tilespmem:s14+$0xA200];
	v0 =	vadd.s32 v5, v0  }
0x2af: {  	v0 =	vadd.s32 v1, v0;
	v1 =	vld [tilespmem:s14+$0xA300]  }
0x2b0: {  	v0 =	vadd.s32 v2, v0;
	v2 =	vld [tilespmem:s14+$0xA400]  }
0x2b1: {  	v0 =	vadd.s32 v3, v0;
	v3 =	vld [tilespmem:s14+$0xA500]  }
0x2b2: {  	v62 =	vld [tilespmem:s14+$0xA600];
	v0 =	vadd.s32 v60, v0  }
0x2b3: {  	v63 =	vld [tilespmem:s14+$0xA700];
	v0 =	vadd.s32 v61, v0  }
0x2b4: {  	v0 =	vadd.s32 v1, v0  }
0x2b5: {  	v0 =	vadd.s32 v2, v0  }
0x2b6: {  	v0 =	vadd.s32 v3, v0  }
0x2b7: {  	v0 =	vadd.s32 v62, v0  }
0x2b8: {  	s31 =	simm.s32 $0x10;
	v0 =	vadd.s32 v63, v0  }
0x2b9: {  	s13 =	sand.u32 $0xF0, s31;
	[tilespmem:s12+$0x0] =	vst v0  }
0x2ba: {  	s15 =	simm.s32 $0x20;
	s14 =	simm.s32 $0x9810;
	v0 =	vld [tilespmem:s13+$0x9900]  }
.LBB2_20:
0x2bb: {  	p1 =	sne.s32 s15, $0xF0;
	v1 =	vld [tilespmem:s14+$0x0]  }
0x2bc: {  	v2 =	vld [tilespmem:s13+$0x9A00]  }
0x2bd: {  	v3 =	vld [tilespmem:s13+$0x9B00]  }
0x2be: {  	v4 =	vld [tilespmem:s13+$0x9C00]  }
0x2bf: {  	v5 =	vld [tilespmem:s13+$0x9D00]  }
0x2c0: {  	v0 =	vadd.s32 v1, v0;
	v1 =	vld [tilespmem:s13+$0x9E00]  }
0x2c1: {  	v0 =	vadd.s32 v2, v0;
	v2 =	vld [tilespmem:s13+$0x9F00]  }
0x2c2: {  	v0 =	vadd.s32 v3, v0;
	v3 =	vld [tilespmem:s13+$0xA000]  }
0x2c3: {  	v0 =	vadd.s32 v4, v0;
	v4 =	vld [tilespmem:s13+$0xA100]  }
0x2c4: {  	v0 =	vadd.s32 v5, v0;
	v5 =	vld [tilespmem:s13+$0xA200]  }
0x2c5: {  	v0 =	vadd.s32 v1, v0;
	v1 =	vld [tilespmem:s13+$0xA300]  }
0x2c6: {  	v0 =	vadd.s32 v2, v0;
	v2 =	vld [tilespmem:s13+$0xA400]  }
0x2c7: {  	v0 =	vadd.s32 v3, v0;
	v3 =	vld [tilespmem:s13+$0xA500]  }
0x2c8: {  	v0 =	vadd.s32 v4, v0;
	v4 =	vld [tilespmem:s13+$0xA600]  }
0x2c9: {  	v0 =	vadd.s32 v5, v0;
	v5 =	vld [tilespmem:s13+$0xA700]  }
0x2ca: {  	v0 =	vadd.s32 v1, v0  }
0x2cb: {  	v0 =	vadd.s32 v2, v0  }
.Ltmp10:
0x2cc: {  	v0 =	vadd.s32 v3, v0;
	(pc) =	sbr.rel @p1 .LBB2_20-.Ltmp10, $4  }
0x2cd: {  	v0 =	vadd.s32 v4, v0  }
0x2ce: {  	s12 =	sadd.s32 $0x10, s12;
	v0 =	vadd.s32 v5, v0  }
0x2cf: {  	s13 =	sand.u32 $0xF0, s15;
	[tilespmem:s12+$0x0] =	vst v0  }
0x2d0: {  	s14 =	sadd.s32 $0x10, s14;
	s15 =	sadd.s32 $0x10, s15;
	v0 =	vld [tilespmem:s13+$0x9900]  }
0x2d1: {  	v1 =	vld [tilespmem:s14+$0x0]  }
0x2d2: {  	v2 =	vld [tilespmem:s13+$0x9A00]  }
0x2d3: {  	v3 =	vld [tilespmem:s13+$0x9B00]  }
0x2d4: {  	v4 =	vld [tilespmem:s13+$0x9C00]  }
0x2d5: {  	v5 =	vld [tilespmem:s13+$0x9D00]  }
0x2d6: {  	v0 =	vadd.s32 v1, v0;
	v1 =	vld [tilespmem:s13+$0x9E00]  }
0x2d7: {  	v0 =	vadd.s32 v2, v0;
	v2 =	vld [tilespmem:s13+$0x9F00]  }
0x2d8: {  	v0 =	vadd.s32 v3, v0;
	v3 =	vld [tilespmem:s13+$0xA000]  }
0x2d9: {  	v0 =	vadd.s32 v4, v0;
	v4 =	vld [tilespmem:s13+$0xA100]  }
0x2da: {  	v0 =	vadd.s32 v5, v0;
	v5 =	vld [tilespmem:s13+$0xA200]  }
0x2db: {  	v0 =	vadd.s32 v1, v0;
	v1 =	vld [tilespmem:s13+$0xA300]  }
0x2dc: {  	v0 =	vadd.s32 v2, v0;
	v2 =	vld [tilespmem:s13+$0xA400]  }
0x2dd: {  	v0 =	vadd.s32 v3, v0;
	v3 =	vld [tilespmem:s13+$0xA500]  }
0x2de: {  	v0 =	vadd.s32 v4, v0;
	v4 =	vld [tilespmem:s13+$0xA600]  }
0x2df: {  	v0 =	vadd.s32 v5, v0;
	v5 =	vld [tilespmem:s13+$0xA700]  }
0x2e0: {  	v0 =	vadd.s32 v1, v0  }
0x2e1: {  	v0 =	vadd.s32 v2, v0  }
0x2e2: {  	v0 =	vadd.s32 v3, v0  }
0x2e3: {  	v0 =	vadd.s32 v4, v0  }
0x2e4: {  	s12 =	sadd.s32 $0x10, s12;
	v0 =	vadd.s32 v5, v0  }
0x2e5: {  	s18 =	simm.s32 $0x9400;
	[tilespmem:s12+$0x0] =	vst v0  }
0x2e6: {  	v3 =	vld [tilespmem:s18+$0x0];
	_ =	sdelay $0x4  }
0x2e7: {  	s19 =	simm.s32 $0x9410;
	(xrf0) =	vadd.scan.msk.s32 $0xffff, v3  }
0x2e8: {  	v4 =	vld [tilespmem:s19+$0x0];
	_ =	sdelay $0x4  }
0x2e9: {  	(xrf0) =	vadd.scan.msk.s32 $0xffff, v4;
	v0, _, _ =	vpop (xrf0)  }
0x2ea: {  	(v2sf) =	vpush v0, $0xF;
	_ =	sdelay $0x1  }
0x2eb: {  	s20 =	simm.s32 $0x9420  }
0x2ec: {  	v5 =	vld [tilespmem:s20+$0x0];
	_ =	sdelay $0x1  }
0x2ed: {  	v6, _, _ =	vpop (xrf0)  }
0x2ee: {  	(v2sf) =	vpush v6, $0xF  }
0x2ef: {  	s21 =	sld [smem:$0x5]  }
0x2f0: {  	s22 =	simm.s32 $0x9430;
	(xrf0) =	vadd.scan.msk.s32 $0xffff, v5  }
0x2f1: {  	s12 =	simm.s32 $0x0;
	v8 =	vld [tilespmem:s22+$0x0]  }
0x2f2: {  	s11 =	ssub.s32 s21, s11;
	v7 =	vadd.s32 s12, v0  }
0x2f3: {  	v1 =	vmov s11;
	v2 =	vsub.s32 v7, v3  }
0x2f4: {  	v0 =	vlaneseq.u32;
	vm1 =	vlt.s32 v1, v7;
	vm0 =	vle.s32 v2, v1  }
0x2f5: {  	v2 =	vor.u32 s12, v0;
	vm0 =	vmand vm1, vm0  }
0x2f6: {  	(xrf0) =	vadd.scan.msk.s32 $0xffff, v8;
	v9, _, _ =	vpop (xrf0);
	v2 =	vnsel vm0, $0x0, v2  }
0x2f7: {  	(v2sf) =	vpush v9, $0xF;
	(xrf0) =	vadd.scan.msk.s32 $0xffff, v2;
	s23 =	spop (v2sf)  }
0x2f8: {  	s13 =	sadd.s32 $0x0, s23  }
0x2f9: {  	s24 =	simm.s32 $0x9440;
	v6 =	vadd.s32 s13, v6  }
0x2fa: {  	v2 =	vld [tilespmem:s24+$0x0];
	v11 =	vsub.s32 v6, v4  }
0x2fb: {  	v3 =	vnsel vm0, $0x0, v3  }
0x2fc: {  	v10, _, _ =	vpop (xrf0);
	(xrf0) =	vadd.scan.msk.s32 $0xffff, v3;
	v3 =	vnsel vm0, $0x0, v7  }
0x2fd: {  	s25 =	simm.s32 $0x10;
	s15 =	simm.s32 $0x9450;
	(v2sf) =	vpush v10, $0xF;
	s16 =	spop (v2sf);
	vm11 =	vlt.s32 v1, v6;
	vm10 =	vle.s32 v11, v1;
	v11, _, _ =	vpop (xrf0);
	(xrf0) =	vadd.scan.msk.s32 $0xffff, v3  }
0x2fe: {  	v7 =	vor.u32 s25, v0;
	s13 =	sadd.s32 s13, s16;
	vm0 =	vmand vm11, vm10;
	v3 =	vld [tilespmem:s15+$0x0]  }
0x2ff: {  	v9 =	vadd.s32 s13, v9;
	v7 =	vnsel vm0, $0x0, v7;
	v6 =	vnsel vm0, $0x0, v6;
	(xrf0) =	vadd.scan.msk.s32 $0xffff, v2  }
0x300: {  	v4 =	vnsel vm0, $0x0, v4;
	(xrf0) =	vadd.scan.msk.s32 $0xffff, v7;
	v7 =	vsub.s32 v9, v5  }
0x301: {  	s26 =	simm.s32 $0x20;
	vm13 =	vlt.s32 v1, v9;
	(xrf0) =	vadd.scan.msk.s32 $0xffff, v4;
	vm12 =	vle.s32 v7, v1  }
0x302: {  	(v2sf) =	vpush v11, $0xF;
	v4 =	vor.u32 s26, v0;
	(xrf0) =	vadd.scan.msk.s32 $0xffff, v6;
	vm0 =	vmand vm13, vm12;
	v6, _, _ =	vpop (xrf0)  }
0x303: {  	(xrf0) =	vadd.scan.msk.s32 $0xffff, v3;
	v4 =	vnsel vm0, $0x0, v4;
	(v2sf) =	vpush v6, $0xF;
	v5 =	vnsel vm0, $0x0, v5;
	v7, _, _ =	vpop (xrf0)  }
0x304: {  	(xrf0) =	vadd.scan.msk.s32 $0xffff, v4;
	(v2sf) =	vpush v7, $0xF;
	v7 =	vnsel vm0, $0x0, v9  }
0x305: {  	v6, _, _ =	vpop (xrf0);
	(xrf0) =	vadd.scan.msk.s32 $0xffff, v5  }
0x306: {  	s29 =	spop (v2sf);
	(v2sf) =	vpush v6, $0xF;
	v5, _, _ =	vpop (xrf0)  }
0x307: {  	s13 =	sadd.s32 s13, s29;
	(xrf0) =	vadd.scan.msk.s32 $0xffff, v7;
	(v2sf) =	vpush v5, $0xF;
	v7, _, _ =	vpop (xrf0)  }
0x308: {  	v9 =	vadd.s32 s13, v10;
	v10, _, _ =	vpop (xrf0);
	(v2sf) =	vpush v7, $0xF  }
0x309: {  	(v2sf) =	vpush v10, $0xF;
	v7, _, _ =	vpop (xrf0)  }
0x30a: {  	(v2sf) =	vpush v7, $0xF;
	v10, _, _ =	vpop (xrf0)  }
0x30b: {  	s28 =	simm.s32 $0x9460;
	(v2sf) =	vpush v10, $0xF;
	v10, _, _ =	vpop (xrf0)  }
0x30c: {  	s31 =	spop (v2sf);
	v4 =	vld [tilespmem:s28+$0x0];
	(v2sf) =	vpush v10, $0xF;
	_ =	sdelay $0x1  }
0x30d: {  	v5 =	vsub.s32 v9, v8  }
0x30e: {  	s30 =	simm.s32 $0x30;
	vm15 =	vlt.s32 v1, v9;
	vm14 =	vle.s32 v5, v1  }
0x30f: {  	s14 =	simm.s32 $0x0;
	v5 =	vor.u32 s30, v0;
	vm0 =	vmand vm15, vm14  }
0x310: {  	s21 =	simm.s32 $0x80;
	s19 =	simm.s32 $0x40;
	s18 =	simm.s32 $0x50;
	(xrf0) =	vadd.scan.msk.s32 $0xffff, v4;
	v5 =	vnsel vm0, $0x0, v5  }
0x311: {  	s20 =	simm.s32 $0x9470;
	s16 =	simm.s32 $0x60;
	s23 =	sadd.s32 s13, s31;
	v11 =	vnsel vm0, $0x0, v8;
	(xrf0) =	vadd.scan.msk.s32 $0xffff, v5  }
0x312: {  	s15 =	simm.s32 $0x70;
	s13 =	simm.s32 $0x0;
	v8 =	vnsel vm0, $0x0, v9;
	v5 =	vld [tilespmem:s20+$0x0];
	(xrf0) =	vadd.scan.msk.s32 $0xffff, v11;
	v9, _, _ =	vpop (xrf0);
	s17 =	spop (v2sf)  }
.LBB2_22:
0x313: {  	s12 =	sadd.s32 s12, s17  }
0x314: {  	v10 =	vadd.s32 s23, v6;
	(xrf0) =	vadd.scan.msk.s32 $0xffff, v8;
	(v2sf) =	vpush v9, $0xF;
	s17 =	spop (v2sf);
	v6 =	vmov v7;
	s22 =	smov.u32 s21;
	s24 =	sadd.s32 $0x10, s21  }
0x315: {  	p1 =	sne.s32 s21, $0xF0;
	v8 =	vsub.s32 v10, v2;
	s13 =	sadd.s32 s13, s17;
	s17 =	spop (v2sf)  }
.Ltmp11:
0x316: {  	vm1 =	vlt.s32 v1, v10;
	vm0 =	vle.s32 v8, v1;
	s14 =	sadd.s32 s14, s17;
	(pc) =	sbr.rel @p1 .LBB2_22-.Ltmp11, $4  }
0x317: {  	v8 =	vor.u32 s19, v0;
	s19 =	smov.u32 s18;
	s18 =	smov.u32 s16;
	s16 =	smov.u32 s15;
	v7, _, _ =	vpop (xrf0);
	vm0 =	vmand vm1, vm0  }
0x318: {  	s15 =	smov.u32 s22;
	(xrf0) =	vadd.scan.msk.s32 $0xffff, v5;
	(v2sf) =	vpush v7, $0xF;
	v12 =	vnsel vm0, $0x0, v8;
	v8 =	vnsel vm0, $0x0, v10;
	v10, _, _ =	vpop (xrf0)  }
0x319: {  	s20 =	sadd.s32 $0x10, s20;
	v11 =	vnsel vm0, $0x0, v2;
	v2 =	vmov v3;
	(xrf0) =	vadd.scan.msk.s32 $0xffff, v12;
	s17 =	spop (v2sf);
	(v2sf) =	vpush v10, $0xF;
	v10, _, _ =	vpop (xrf0)  }
0x31a: {  	s21 =	smov.u32 s24;
	v3 =	vmov v4;
	v4 =	vmov v5;
	s23 =	sadd.s32 s23, s17;
	(xrf0) =	vadd.scan.msk.s32 $0xffff, v11;
	v9, _, _ =	vpop (xrf0);
	(v2sf) =	vpush v10, $0xF;
	s17 =	spop (v2sf);
	v5 =	vld [tilespmem:s20+$0x0]  }
0x31b: {  	_ =	sdelay $0x2  }
0x31c: {  	(v2sf) =	vpush v9, $0xF;
	v31, _, _ =	vpop (xrf0)  }
0x31d: {  	(v2sf) =	vpush v31, $0xF;
	_ =	sdelay $0x4  }
0x31e: {  	s20 =	spop (v2sf)  }
0x31f: {  	s21 =	spop (v2sf)  }
0x320: {  	v6 =	vadd.s32 s23, v6;
	s24 =	spop (v2sf)  }
0x321: {  	(xrf0) =	vadd.scan.msk.s32 $0xffff, v8;
	v32 =	vsub.s32 v6, v2;
	s22 =	spop (v2sf)  }
0x322: {  	v10 =	vor.u32 s19, v0;
	vm1 =	vlt.s32 v1, v6;
	vm0 =	vle.s32 v32, v1;
	s25 =	sadd.s32 s23, s24;
	s23 =	spop (v2sf)  }
0x323: {  	v39 =	vor.u32 s18, v0;
	v43 =	vor.u32 s16, v0;
	vm0 =	vmand vm1, vm0;
	(xrf0) =	vadd.scan.msk.s32 $0xffff, v5;
	s24 =	spop (v2sf)  }
0x324: {  	v50 =	vor.u32 s15, v0;
	v7 =	vadd.s32 s25, v7;
	v10 =	vnsel vm0, $0x0, v10;
	s26 =	spop (v2sf)  }
0x325: {  	v33, _, _ =	vpop (xrf0);
	v6 =	vnsel vm0, $0x0, v6;
	v37 =	vnsel vm0, $0x0, v2;
	v35 =	vsub.s32 v7, v3;
	s30 =	spop (v2sf)  }
0x326: {  	(v2sf) =	vpush v33, $0xF;
	v34, _, _ =	vpop (xrf0);
	vm2 =	vlt.s32 v1, v7;
	(xrf0) =	vadd.scan.msk.s32 $0xffff, v10;
	vm10 =	vle.s32 v35, v1;
	s26 =	sadd.s32 s25, s26;
	s25 =	spop (v2sf)  }
0x327: {  	(v2sf) =	vpush v34, $0xF;
	v36, _, _ =	vpop (xrf0);
	(xrf0) =	vadd.scan.msk.s32 $0xffff, v37;
	vm11 =	vmand vm2, vm10;
	v9 =	vadd.s32 s26, v31;
	s31 =	spop (v2sf)  }
0x328: {  	(v2sf) =	vpush v36, $0xF;
	(xrf0) =	vadd.scan.msk.s32 $0xffff, v6;
	v2 =	vnsel vm11, $0x0, v39;
	v41 =	vsub.s32 v9, v4;
	s28 =	spop (v2sf)  }
0x329: {  	v42 =	vnsel vm11, $0x0, v3;
	v38, _, _ =	vpop (xrf0);
	(xrf0) =	vadd.scan.msk.s32 $0xffff, v2;
	vm13 =	vlt.s32 v1, v9;
	vm12 =	vle.s32 v41, v1;
	s26 =	sadd.s32 s26, s28  }
0x32a: {  	v40 =	vnsel vm11, $0x0, v7;
	(xrf0) =	vadd.scan.msk.s32 $0xffff, v42;
	vm0 =	vmand vm13, vm12;
	v44 =	vadd.s32 s26, v38  }
0x32b: {  	(v2sf) =	vpush v38, $0xF;
	(xrf0) =	vadd.scan.msk.s32 $0xffff, v40;
	v2 =	vnsel vm0, $0x0, v43;
	v46 =	vsub.s32 v44, v5  }
0x32c: {  	v47, _, _ =	vpop (xrf0);
	v48 =	vnsel vm0, $0x0, v4;
	(xrf0) =	vadd.scan.msk.s32 $0xffff, v2;
	vm15 =	vlt.s32 v1, v44;
	vm14 =	vle.s32 v46, v1  }
0x32d: {  	(v2sf) =	vpush v47, $0xF;
	v49, _, _ =	vpop (xrf0);
	v45 =	vnsel vm0, $0x0, v9;
	(xrf0) =	vadd.scan.msk.s32 $0xffff, v48;
	vm0 =	vmand vm15, vm14  }
0x32e: {  	v51, _, _ =	vpop (xrf0);
	(v2sf) =	vpush v49, $0xF;
	(xrf0) =	vadd.scan.msk.s32 $0xffff, v45;
	v0 =	vnsel vm0, $0x0, v50  }
0x32f: {  	(v2sf) =	vpush v51, $0xF;
	v52, _, _ =	vpop (xrf0);
	v53 =	vnsel vm0, $0x0, v5;
	(xrf0) =	vadd.scan.msk.s32 $0xffff, v0  }
0x330: {  	(v2sf) =	vpush v52, $0xF;
	v54, _, _ =	vpop (xrf0);
	v55 =	vnsel vm0, $0x0, v44;
	(xrf0) =	vadd.scan.msk.s32 $0xffff, v53  }
0x331: {  	v56, _, _ =	vpop (xrf0);
	(v2sf) =	vpush v54, $0xF;
	(xrf0) =	vadd.scan.msk.s32 $0xffff, v55  }
0x332: {  	(v2sf) =	vpush v56, $0xF;
	v57, _, _ =	vpop (xrf0)  }
0x333: {  	v58, _, _ =	vpop (xrf0);
	(v2sf) =	vpush v57, $0xF  }
0x334: {  	v59, _, _ =	vpop (xrf0);
	(v2sf) =	vpush v58, $0xF  }
0x335: {  	(v2sf) =	vpush v59, $0xF;
	v60, _, _ =	vpop (xrf0)  }
0x336: {  	(v2sf) =	vpush v60, $0xF;
	v61, _, _ =	vpop (xrf0)  }
0x337: {  	v62, _, _ =	vpop (xrf0);
	(v2sf) =	vpush v61, $0xF  }
0x338: {  	s15 =	spop (v2sf);
	(v2sf) =	vpush v62, $0xF  }
0x339: {  	s16 =	spop (v2sf)  }
0x33a: {  	s26 =	spop (v2sf)  }
0x33b: {  	s29 =	spop (v2sf)  }
0x33c: {  	s12 =	sadd.s32 s12, s17;
	s28 =	spop (v2sf)  }
0x33d: {  	s10 =	sshll.u32 s10, $0x8;
	s13 =	sadd.s32 s13, s20;
	s29 =	spop (v2sf)  }
0x33e: {  	s14 =	sadd.s32 s14, s21;
	s12 =	sadd.s32 s12, s22;
	s17 =	spop (v2sf)  }
0x33f: {  	s13 =	sadd.s32 s13, s23;
	s14 =	sadd.s32 s14, s24;
	s20 =	spop (v2sf)  }
0x340: {  	s12 =	sadd.s32 s12, s30;
	s13 =	sadd.s32 s13, s25;
	s21 =	spop (v2sf)  }
0x341: {  	s14 =	sadd.s32 s14, s31;
	s12 =	sadd.s32 s12, s15;
	s30 =	spop (v2sf)  }
0x342: {  	s13 =	sadd.s32 s13, s16;
	s14 =	sadd.s32 s14, s26;
	s31 =	spop (v2sf)  }
0x343: {  	s12 =	sadd.s32 s12, s28;
	s13 =	sadd.s32 s13, s29;
	s22 =	spop (v2sf)  }
0x344: {  	s14 =	sadd.s32 s14, s17;
	s12 =	sadd.s32 s12, s20;
	s23 =	spop (v2sf)  }
0x345: {  	s13 =	sadd.s32 s13, s21;
	s14 =	sadd.s32 s14, s30;
	s24 =	spop (v2sf)  }
0x346: {  	s12 =	sadd.s32 s12, s31;
	s28 =	sadd.s32 s13, s22;
	s25 =	spop (v2sf)  }
0x347: {  	s14 =	sadd.s32 s14, s23;
	s12 =	sadd.s32 s12, s24;
	s26 =	spop (v2sf)  }
0x348: {  	s10 =	sor.u32 s10, s12;
	s29 =	sadd.s32 s28, s25;
	s14 =	sadd.s32 s14, s26  }
0x349: {  	v63 =	vmov s10;
	[smem:$0x5] =	sst s29;
	s11 =	ssub.s32 s14, s11  }
0x34a: {  	s30 =	simm.s32 $0xB080;
	[tilespmem:$0xB080] =	vst v63;
	[smem:$0x0] =	sst s11  }
0x34b: {  	[spmem:s3] =	stream.linear.scatter [tilespmem:s30], [sflag:$0x2], $0x80, $0x38;
	[tilespmem:$0xB388] =	vst v63  }
0x34c: {  	s31 =	simm.s32 $0x2;
	[smem:$0x1] =	sst s10  }
0x34d: {  	_ =	swait.ge [sflag:s31], $0x80  }
0x34e: {  	[sflag:s31] =	ssyncset.done $0x0  }
0x34f: {  	[sflag:s31] =	ssyncadd.s32 $0xFFFFFF80  }
.LBB2_24:
0x350: {  	[bflag:$0x0] =	sbarrier.arrive $0xFFFF;
	s10 =	simm.s32 $0xA800  }
0x351: {  	[tilespmem:s10], [sflag:$0x2] =	stream.linear.gather [spmem:s3], $0x80, $0x38;
	[tilespmem:$0xB388] =	vst v63  }
0x352: {  	_ =	swait.ge [sflag:s9], $0x80  }
0x353: {  	[sflag:s9] =	ssyncset.done $0x0  }
0x354: {  	[sflag:s9] =	ssyncadd.s32 $0xFFFFFF80  }
0x355: {  	v0 =	vld [tilespmem:$0xA800];
	_ =	sdelay $0x3  }
0x356: {  	v1 =	vimm.s32 $0x0;
	s11 =	simm.s32 $0x0;
	s9 =	simm.s32 $0x40  }
.LBB2_25:
0x357: {  	p1 =	sne.s32 s9, $0xFC0;
	[tilespmem:s11+$0x9400] =	vst v1;
	s10 =	smov.u32 s9;
	s9 =	sadd.s32 $0x40, s9  }
.Ltmp12:
0x358: {  	(pc) =	sbr.rel @p1 .LBB2_25-.Ltmp12, $2  }
0x359: {  	_ =	sdelay $0x2  }
0x35a: {  	s11 =	sshra.s32 s10, $0x2  }
0x35b: {  	s9 =	sadd.s32 $0xF, s8  }
0x35c: {  	s10 =	sand.u32 $0xF, s9  }
0x35d: {  	s31 =	sshra.s32 s9, $0x1F;
	p2 =	slt.s32 s9, $0x1;
	p1 =	sne.s32 s10, $0x0  }
0x35e: {  	s10 =	sshrl.u32 s31, $0x1C;
	p1 =	por !p2, !p1  }
0x35f: {  	s9 =	sadd.s32 s10, s9;
	s10 =	simm.s32 $0x1;
	p1 =	por !p1, !p1  }
0x360: {  	s9 =	sshra.s32 s9, $0x4;
	s10 =	simm.s32 @!p1 $0x0  }
0x361: {  	s9 =	ssub.s32 s9, s10  }
0x362: {  	s10 =	sshrl.u32 s9, $0x1E  }
0x363: {  	s10 =	sadd.s32 s10, s9  }
0x364: {  	s10 =	sand.u32 $0xFFFFFFFC, s10  }
0x365: {  	p1 =	slt.s32 s10, $0x1  }
.Ltmp13:
0x366: {  	_ = 	snop;
	(pc) =	sbr.rel @p1 .LBB2_27-.Ltmp13, $2  }
0x367: {  	_ =	sdelay $0x2  }
0x368: {  	[tilespmem:s11+$0x9400] =	vst v1;
	v1 =	vmov s8;
	s11 =	ssub.s32 s9, s10  }
0x369: {  	s14 =	simm.s32 $0x6220  }
0x36a: {  	v4 =	vld [tilespmem:s14+$0xFFFFFFE0]  }
0x36b: {  	v2 =	vld [tilespmem:s14+$0x0]  }
0x36c: {  	v3 =	vld [tilespmem:s14+$0x10]  }
0x36d: {  	s13 =	simm.s32 $0x30;
	v8 =	vlaneseq.u32;
	s30 =	simm.s32 $0x0;
	v5 =	vld [tilespmem:s14+$0xFFFFFFF0]  }
0x36e: {  	v7 =	vimm.s32 $0x0;
	s31 =	simm.s32 $0x20;
	v6 =	vor.u32 s13, v8;
	v11 =	vor.u32 s30, v8  }
0x36f: {  	v29 =	vor.u32 s31, v8;
	vm0 =	vlt.s32 v6, v1;
	vm4 =	vlt.s32 v11, v1  }
0x370: {  	v9 =	vshra.s32 v4, $0xF;
	v10 =	vshrl.u32 v4, $0x7;
	v22 =	vshra.s32 v2, $0xF  }
0x371: {  	s29 =	simm.s32 $0x10;
	v13 =	vshra.s32 v3, $0xF;
	v15 =	vshrl.u32 v3, $0x7;
	vm1 =	veq.s32 v9, v0  }
0x372: {  	v9 =	vshra.s32 v5, $0xF;
	v6 =	vand.u32 $0xFF, v10;
	v10 =	vor.u32 s29, v8  }
0x373: {  	p2 =	sgt.s32 s10, $0x4;
	vm5 =	veq.s32 v13, v0;
	vm2 =	veq.s32 v9, v0;
	vm3 =	vlt.s32 v10, v1  }
.Ltmp14:
0x374: {  	v9 =	vshrl.u32 v2, $0x7;
	v10 =	vshrl.u32 v5, $0x7;
	vm6 =	vmand vm0, vm5;
	(pc) =	sbr.rel @!p2 .LBB2_45-.Ltmp14, $4  }
0x375: {  	vm4 =	vmand vm4, vm1;
	v14 =	vand.u32 $0x7F, v9;
	v12 =	vand.u32 $0xFF, v10  }
0x376: {  	v9 =	vand.u32 $0xFF, v9;
	v13 =	vsel vm6, $0x1, v7;
	vm5 =	vmand vm3, vm2  }
0x377: {  	s12 =	simm.s32 $0x0;
	v28 =	vsel vm4, $0x1, v7;
	(xrf1) =	vunique.msk.u32 vm4, v6;
	v19 =	vor.u32 $0x200, v9;
	v9 =	vand.u32 $0xFF, v15  }
0x378: {  	s8 =	simm.s32 $0x9400;
	p1 =	por $0x0, $0x0;
	s14 =	simm.s32 $0x6260;
	v21 =	vor.u32 $0x100, v12;
	(xrf0) =	vadd.scan.msk.s32 $0xffff, v13;
	v27 =	vsel vm5, $0x1, v7;
	v11 =	vor.u32 $0x300, v9  }
0x379: {  	(xrf0) =	vadd.scan.msk.s32 $0xffff, v28  }
0x37a: {  	vm0 =	vlt.s32 v29, v1;
	vm1 =	veq.s32 v22, v0  }
0x37b: {  	v9 =	vand.u32 $0x280, v19;
	v20 =	vld [tilespmem:s14+$0xFFFFFFE0];
	vm0 =	vmand vm0, vm1;
	(xrf0) =	vadd.scan.msk.s32 $0xffff, v27  }
0x37c: {  	v16 =	vld [tilespmem:s14+$0xFFFFFFF0];
	v9 =	vor.u32 v14, v9;
	v14 =	vand.u32 $0x380, v11;
	(xrf1) =	vunique.msk.u32 vm0, v19  }
0x37d: {  	v13 =	vand.u32 $0x180, v21;
	vm2 =	vmmov vm4;
	v12 =	vsel vm0, $0x1, v7;
	(xrf1) =	vunique.msk.u32 vm5, v21  }
0x37e: {  	vm3 =	vmmov vm5;
	v17 =	vld [tilespmem:s14+$0x0];
	vm1 =	vmmov vm6;
	(xrf0) =	vadd.scan.msk.s32 $0xffff, v12;
	v12 =	vand.u32 $0x7F, v15;
	v18, _, _ =	vpop (xrf0)  }
0x37f: {  	v10 =	vand.u32 $0x7F, v10;
	v12 =	vor.u32 v12, v14;
	(xrf1) =	vunique.msk.u32 vm1, v11;
	v14, _, _ =	vpop (xrf0);
	(v2sf) =	vpush v18, $0xF;
	v18 =	vld [tilespmem:s14+$0x10]  }
0x380: {  	s13 =	simm.s32 $0x70;
	v13 =	vor.u32 v10, v13;
	(v2sf) =	vpush v14, $0xF;
	v14 =	vshra.s32 v20, $0xF  }
0x381: {  	s31 =	simm.s32 $0x60;
	v15 =	vor.u32 s13, v8;
	vm5 =	veq.s32 v14, v0;
	v14 =	vshra.s32 v16, $0xF  }
0x382: {  	v29 =	vor.u32 s31, v8;
	vm4 =	vlt.s32 v15, v1;
	v19 =	vshrl.u32 v20, $0x7;
	v10, _, _ =	vpop (xrf0)  }
0x383: {  	v15 =	vshrl.u32 v17, $0x7;
	v22 =	vshra.s32 v17, $0xF;
	(v2sf) =	vpush v10, $0xF  }
0x384: {  	s30 =	simm.s32 $0x40;
	v25 =	vand.u32 $0xFF, v19;
	vm9 =	veq.s32 v14, v0;
	v14, _, _ =	vpop (xrf0);
	v23 =	vshra.s32 v18, $0xF  }
0x385: {  	s29 =	simm.s32 $0x50;
	v19 =	vor.u32 s30, v8;
	(v2sf) =	vpush v14, $0xF;
	vm6 =	veq.s32 v23, v0  }
0x386: {  	p2 =	sgt.s32 s10, $0x8;
	vm7 =	vlt.s32 v19, v1;
	v10 =	vor.u32 s29, v8;
	vm6 =	vmand vm4, vm6  }
.Ltmp15:
0x387: {  	vm10 =	vlt.s32 v10, v1;
	v10 =	vshrl.u32 v16, $0x7;
	v26 =	vsel vm6, $0x1, v7;
	(pc) =	sbr.rel @!p2 .LBB2_47-.Ltmp15, $4  }
0x388: {  	v21 =	vand.u32 $0xFF, v10;
	v14 =	vand.u32 $0x7F, v15;
	v15 =	vand.u32 $0xFF, v15;
	_, v24, vm8 =	vpop (xrf1)  }
0x389: {  	v19 =	vor.u32 $0x200, v15;
	v15 =	vshrl.u32 v18, $0x7;
	vm4 =	vmand vm7, vm5  }
0x38a: {  	s15 =	simm.s32 $0x8;
	v21 =	vor.u32 $0x100, v21;
	vm5 =	vmand vm10, vm9;
	v11 =	vand.u32 $0xFF, v15;
	(xrf1) =	vunique.msk.u32 vm4, v25;
	_, v23, vm7 =	vpop (xrf1)  }
0x38b: {  	s16 =	simm.s32 $0x62A0;
	p1 =	por $0x1, $0x1;
	s14 =	simm.s32 $0x0;
	v28 =	vsel vm4, $0x1, v7;
	v27 =	vsel vm5, $0x1, v7;
	v11 =	vor.u32 $0x300, v11;
	(xrf0) =	vadd.scan.msk.s32 $0xffff, v26;
	_, v26, vm9 =	vpop (xrf1)  }
.LBB2_48:
0x38c: {  	v31 =	vand.u32 $0x180, v21;
	vm13 =	vlt.s32 v29, v1;
	vm14 =	veq.s32 v22, v0  }
0x38d: {  	v30 =	vld [tilespmem:s16+$0xFFFFFFF0];
	s15 =	sadd.s32 $0x4, s15;
	(xrf0) =	vadd.scan.msk.s32 $0xffff, v28;
	_, v22, vm12 =	vpop (xrf1);
	vm11 =	vmmov vm0;
	vm10 =	vmmov vm1;
	vm1 =	vmmov vm6  }
0x38e: {  	v28 =	vand.u32 $0x280, v19;
	p2 =	slt.s32 s15, s10;
	vm0 =	vmand vm13, vm14;
	(xrf0) =	vadd.scan.msk.s32 $0xffff, v27;
	[tilespmem:v6+s8+$0x0] =	vst.idx.add.s32.msk vm8, v24;
	v6 =	vmovc v25  }
0x38f: {  	v14 =	vor.u32 v14, v28;
	v27 =	vand.u32 $0x380, v11;
	v24 =	vld [tilespmem:s16+$0xFFFFFFE0];
	v25 =	vsel vm0, $0x1, v7;
	(xrf1) =	vunique.msk.u32 vm0, v19;
	s17 =	spop (v2sf)  }
0x390: {  	v19 =	vld [tilespmem:s16+$0x0];
	(xrf1) =	vunique.msk.u32 vm5, v21;
	[tilespmem:s14+$0x7B00] =	vst.msk vm2, v4;
	s18 =	spop (v2sf);
	v4 =	vmovc v20;
	vm2 =	vmmov vm4;
	vm4 =	vmmov vm3  }
0x391: {  	vm3 =	vmmov vm5;
	(xrf0) =	vadd.scan.msk.s32 $0xffff, v25;
	v20, _, _ =	vpop (xrf0);
	[tilespmem:v13+s8+$0x0] =	vst.idx.add.s32.msk vm9, v26  }
0x392: {  	v13 =	vand.u32 $0x7F, v15;
	s14 =	sadd.s32 s14, s18;
	(xrf1) =	vunique.msk.u32 vm1, v11;
	[tilespmem:v9+s8+$0x0] =	vst.idx.add.s32.msk vm7, v23;
	s18 =	spop (v2sf);
	v9 =	vmov v14  }
0x393: {  	s13 =	sadd.s32 $0x40, s13;
	v21 =	vand.u32 $0x7F, v10;
	v15 =	vor.u32 v13, v27;
	v11 =	vld [tilespmem:s16+$0x10];
	v14, _, _ =	vpop (xrf0);
	(v2sf) =	vpush v20, $0xF;
	[tilespmem:s14+$0x7B00] =	vst.msk vm4, v5  }
0x394: {  	s19 =	sadd.s32 $0xFFFFFFD0, s13;
	v23 =	vor.u32 s13, v8;
	v13 =	vor.u32 v21, v31;
	s14 =	sadd.s32 s14, s18;
	(v2sf) =	vpush v14, $0xF;
	v10, _, _ =	vpop (xrf0);
	[tilespmem:v12+s8+$0x0] =	vst.idx.add.s32.msk vm12, v22;
	s18 =	spop (v2sf)  }
0x395: {  	s20 =	sadd.s32 $0xFFFFFFE0, s13;
	vm4 =	vlt.s32 v23, v1;
	v5 =	vmovc v16;
	v16 =	vmovc v30;
	v12 =	vshra.s32 v24, $0xF;
	v14 =	vshrl.u32 v24, $0x7;
	[tilespmem:s14+$0x7B00] =	vst.msk vm11, v2;
	s14 =	sadd.s32 s14, s18  }
0x396: {  	v20 =	vmovc v24;
	vm5 =	veq.s32 v12, v0;
	v12 =	vshra.s32 v16, $0xF;
	v2 =	vmovc v17;
	(v2sf) =	vpush v10, $0xF;
	[tilespmem:s14+$0x7B00] =	vst.msk vm10, v3;
	s14 =	sadd.s32 s14, s17  }
0x397: {  	v25 =	vand.u32 $0xFF, v14;
	v14 =	vor.u32 s20, v8;
	vm9 =	veq.s32 v12, v0;
	v10, _, _ =	vpop (xrf0)  }
0x398: {  	v21 =	vshrl.u32 v19, $0x7;
	v17 =	vmovc v19;
	vm10 =	vlt.s32 v14, v1;
	v3 =	vmovc v18;
	(v2sf) =	vpush v10, $0xF  }
0x399: {  	v22 =	vshra.s32 v17, $0xF;
	v14 =	vand.u32 $0x7F, v21;
	v10 =	vshrl.u32 v16, $0x7;
	v18 =	vmovc v11;
	v12 =	vmovc v15  }
0x39a: {  	v11 =	vor.u32 s19, v8;
	v26 =	vand.u32 $0xFF, v10;
	v15 =	vshra.s32 v18, $0xF;
	_, v24, vm8 =	vpop (xrf1)  }
.Ltmp16:
0x39b: {  	vm7 =	vlt.s32 v11, v1;
	v11 =	vand.u32 $0xFF, v21;
	vm6 =	veq.s32 v15, v0;
	(pc) =	sbr.rel @p2 .LBB2_48-.Ltmp16, $4  }
0x39c: {  	v19 =	vor.u32 $0x200, v11;
	v15 =	vshrl.u32 v18, $0x7;
	vm6 =	vmand vm4, vm6  }
0x39d: {  	vm4 =	vmand vm7, vm5;
	v11 =	vand.u32 $0xFF, v15;
	v27 =	vsel vm6, $0x1, v7;
	_, v23, vm7 =	vpop (xrf1)  }
0x39e: {  	s17 =	sadd.s32 $0xFFFFFFF0, s13;
	v21 =	vor.u32 $0x100, v26;
	vm5 =	vmand vm10, vm9;
	v11 =	vor.u32 $0x300, v11;
	(xrf0) =	vadd.scan.msk.s32 $0xffff, v27;
	_, v26, vm9 =	vpop (xrf1)  }
0x39f: {  	s16 =	sadd.s32 $0x40, s16;
	v29 =	vor.u32 s17, v8;
	v28 =	vsel vm4, $0x1, v7;
	v27 =	vsel vm5, $0x1, v7;
	(xrf1) =	vunique.msk.u32 vm4, v25  }
0x3a0: {  	v30 =	vmovc v6;
	v32 =	vmovc v4;
	v33 =	vmov v5;
	v31 =	vmov v2;
	v8 =	vmov v3  }
0x3a1: {  	v6 =	vmovc v25;
	v4 =	vmovc v20;
	v5 =	vmov v16;
	v2 =	vmov v17;
	v3 =	vmov v18  }
.LBB2_50:
0x3a2: {  	vm10 =	vlt.s32 v29, v1;
	vm11 =	veq.s32 v22, v0;
	(xrf0) =	vadd.scan.msk.s32 $0xffff, v28  }
0x3a3: {  	vm10 =	vmand vm10, vm11;
	(xrf0) =	vadd.scan.msk.s32 $0xffff, v27  }
0x3a4: {  	(xrf1) =	vunique.msk.u32 vm10, v19  }
0x3a5: {  	v7 =	vsel vm10, $0x1, v7;
	(xrf1) =	vunique.msk.u32 vm5, v21  }
0x3a6: {  	(xrf0) =	vadd.scan.msk.s32 $0xffff, v7  }
0x3a7: {  	vm6 =	vmmov vm6  }
0x3a8: {  	v55, _, _ =	vpop (xrf0);
	(xrf1) =	vunique.msk.u32 vm6, v11  }
0x3a9: {  	(v2sf) =	vpush v55, $0xF;
	v16, _, _ =	vpop (xrf0)  }
0x3aa: {  	(v2sf) =	vpush v16, $0xF  }
0x3ab: {  	v56, _, _ =	vpop (xrf0)  }
0x3ac: {  	(v2sf) =	vpush v56, $0xF;
	v57, _, _ =	vpop (xrf0)  }
0x3ad: {  	(v2sf) =	vpush v57, $0xF;
	_ =	sdelay $0x1  }
0x3ae: {  	[tilespmem:v30+s8+$0x0] =	vst.idx.add.s32.msk @p1 vm8, v24;
	_, v7, vm11 =	vpop @p1 (xrf1)  }
0x3af: {  	s13 =	spop @p1 (v2sf);
	[tilespmem:v13+s8+$0x0] =	vst.idx.add.s32.msk @p1 vm9, v26  }
0x3b0: {  	[tilespmem:v9+s8+$0x0] =	vst.idx.add.s32.msk @p1 vm7, v23;
	s15 =	spop @p1 (v2sf);
	_, v58, vm15 =	vpop (xrf1)  }
0x3b1: {  	vm3 =	vmmov @p1 vm3;
	[tilespmem:s14+$0x7B00] =	vst.msk @p1 vm2, v32;
	s14 =	sadd.s32 @p1 s14, s15;
	s15 =	spop @p1 (v2sf)  }
0x3b2: {  	vm0 =	vmmov @p1 vm0;
	v18 =	vand.u32 $0x280, v19;
	[tilespmem:s14+$0x7B00] =	vst.msk @p1 vm3, v33;
	s14 =	sadd.s32 @p1 s14, s15;
	_, v9, vm7 =	vpop (xrf1)  }
0x3b3: {  	v59 =	vand.u32 $0x180, v21;
	v10 =	vand.u32 $0x7F, v10;
	v60 =	vor.u32 v14, v18;
	s15 =	spop @p1 (v2sf);
	[tilespmem:s14+$0x7B00] =	vst.msk @p1 vm0, v31;
	_, v17, vm9 =	vpop (xrf1)  }
0x3b4: {  	vm1 =	vmmov @p1 vm1;
	v10 =	vor.u32 v10, v59;
	s14 =	sadd.s32 @p1 s14, s15;
	[tilespmem:v12+s8+$0x0] =	vst.idx.add.s32.msk @p1 vm11, v7  }
0x3b5: {  	v61 =	vand.u32 $0x380, v11;
	v62 =	vand.u32 $0x7F, v15;
	s13 =	sadd.s32 @p1 s14, s13;
	[tilespmem:s14+$0x7B00] =	vst.msk @p1 vm1, v8;
	_, v63, vm11 =	vpop (xrf1)  }
0x3b6: {  	vm12 =	vmmov vm4;
	v11 =	vor.u32 v62, v61;
	s12 =	smov.u32 @p1 s13;
	[tilespmem:v6+s8+$0x0] =	vst.idx.add.s32.msk vm15, v58  }
0x3b7: {  	s28 =	spop (v2sf);
	[tilespmem:s12+$0x7B00] =	vst.msk vm12, v4  }
0x3b8: {  	vm13 =	vmmov vm5;
	s29 =	spop (v2sf);
	[tilespmem:v60+s8+$0x0] =	vst.idx.add.s32.msk vm7, v9  }
.Ltmp17:
0x3b9: {  	vm1 =	vmmov vm13;
	[tilespmem:v10+s8+$0x0] =	vst.idx.add.s32.msk vm9, v17;
	s12 =	sadd.s32 s12, s29;
	(pc) =	sbr.rel .LBB2_28-.Ltmp17, $4  }
0x3ba: {  	s30 =	spop (v2sf);
	[tilespmem:s12+$0x7B00] =	vst.msk vm1, v5  }
0x3bb: {  	vm14 =	vmmov vm10;
	s12 =	sadd.s32 s12, s30;
	[tilespmem:v11+s8+$0x0] =	vst.idx.add.s32.msk vm11, v63;
	s31 =	spop (v2sf)  }
0x3bc: {  	vm15 =	vmmov vm6;
	[tilespmem:s12+$0x7B00] =	vst.msk vm14, v2;
	s8 =	sadd.s32 s12, s31  }
0x3bd: {  	[tilespmem:s8+$0x7B00] =	vst.msk vm15, v3;
	s8 =	sadd.s32 s8, s28  }
.LBB2_27:
0x3be: {  	s8 =	simm.s32 $0x0  }
.LBB2_28:
0x3bf: {  	p1 =	slt.s32 s11, $0x1  }
.Ltmp18:
0x3c0: {  	_ = 	snop;
	(pc) =	sbr.rel @p1 .LBB2_31-.Ltmp18, $1  }
0x3c1: {  	_ =	sdelay $0x3  }
0x3c2: {  	s12 =	sshll.u32 s10, $0x6  }
0x3c3: {  	s11 =	sshll.u32 s10, $0x8;
	s12 =	sshra.s32 s12, $0x2  }
0x3c4: {  	s13 =	sshll.u32 s10, $0x4;
	v2 =	vlaneseq.u32;
	s14 =	simm.s32 $0x9400;
	v3 =	vimm.s32 $0x0;
	s12 =	sadd.s32 $0x6200, s12  }
.LBB2_30:
0x3c5: {  	v4 =	vld [tilespmem:s12+$0x0];
	_ =	sdelay $0x4  }
0x3c6: {  	v5 =	vor.u32 s13, v2;
	v6 =	vshra.s32 v4, $0xF  }
0x3c7: {  	vm0 =	vlt.s32 v5, v1;
	vm1 =	veq.s32 v6, v0  }
0x3c8: {  	vm0 =	vmand vm0, vm1  }
0x3c9: {  	v5 =	vshrl.u32 v4, $0x7;
	v7 =	vsel vm0, $0x1, v3  }
0x3ca: {  	s15 =	sand.u32 $0x300, s11;
	v62 =	vand.u32 $0xFF, v5;
	(xrf0) =	vadd.scan.msk.s32 $0xffff, v7  }
0x3cb: {  	v6 =	vor.u32 s15, v62  }
0x3cc: {  	(xrf1) =	vunique.msk.u32 vm0, v6;
	_ =	sdelay $0x3  }
0x3cd: {  	v7, _, _ =	vpop (xrf0)  }
0x3ce: {  	(v2sf) =	vpush v7, $0xF;
	_ =	sdelay $0x8  }
0x3cf: {  	v5 =	vand.u32 $0x7F, v5;
	v6 =	vand.u32 $0x380, v6;
	_, v63, vm15 =	vpop (xrf1)  }
0x3d0: {  	s10 =	sadd.s32 $0x1, s10;
	v5 =	vor.u32 v5, v6  }
0x3d1: {  	p1 =	slt.s32 s10, s9  }
.Ltmp19:
0x3d2: {  	_ = 	snop;
	(pc) =	sbr.rel @p1 .LBB2_30-.Ltmp19, $3  }
0x3d3: {  	_ =	sdelay $0x1  }
0x3d4: {  	s11 =	sadd.s32 $0x100, s11;
	[tilespmem:v5+s14+$0x0] =	vst.idx.add.s32.msk vm15, v63;
	s31 =	spop (v2sf)  }
0x3d5: {  	s12 =	sadd.s32 $0x10, s12;
	s13 =	sadd.s32 $0x10, s13;
	[tilespmem:s8+$0x7B00] =	vst.msk vm0, v4;
	s8 =	sadd.s32 s8, s31  }
.LBB2_31:
0x3d6: {  	s10 =	simm.s32 $0x0  }
0x3d7: {  	s11 =	sand.u32 $0xF0, s10  }
0x3d8: {  	s9 =	simm.s32 $0x9400;
	s10 =	simm.s32 $0x10;
	v0 =	vld [tilespmem:s11+$0x9500]  }
.LBB2_32:
0x3d9: {  	p1 =	sne.s32 s10, $0xF0;
	v1 =	vld [tilespmem:s9+$0x0]  }
0x3da: {  	v2 =	vld [tilespmem:s11+$0x9600]  }
0x3db: {  	v3 =	vld [tilespmem:s11+$0x9700];
	_ =	sdelay $0x2  }
.Ltmp20:
0x3dc: {  	v0 =	vadd.s32 v1, v0;
	(pc) =	sbr.rel @p1 .LBB2_32-.Ltmp20, $4  }
0x3dd: {  	v0 =	vadd.s32 v2, v0  }
0x3de: {  	v0 =	vadd.s32 v3, v0  }
0x3df: {  	s11 =	sand.u32 $0xF0, s10;
	[tilespmem:s9+$0x0] =	vst v0  }
0x3e0: {  	s10 =	sadd.s32 $0x10, s10;
	s9 =	sadd.s32 $0x10, s9;
	v0 =	vld [tilespmem:s11+$0x9500]  }
0x3e1: {  	v1 =	vld [tilespmem:s9+$0x0]  }
0x3e2: {  	v2 =	vld [tilespmem:s11+$0x9600]  }
0x3e3: {  	v3 =	vld [tilespmem:s11+$0x9700];
	_ =	sdelay $0x2  }
0x3e4: {  	v0 =	vadd.s32 v1, v0  }
0x3e5: {  	v0 =	vadd.s32 v2, v0  }
0x3e6: {  	v0 =	vadd.s32 v3, v0  }
0x3e7: {  	s12 =	simm.s32 $0x9400;
	[tilespmem:s9+$0x0] =	vst v0;
	s9 =	simm.s32 $0x2  }
0x3e8: {  	[spmem:s7] =	stream.linear.scatter [tilespmem:s12], [sflag:$0x2], $0x100, $0x38;
	[tilespmem:$0xB388] =	vst v63  }
.Ltmp21:
0x3e9: {  	_ =	swait.ge [sflag:s9], $0x100;
	(pc) =	sbr.rel @p0 .LBB2_39-.Ltmp21, $3  }
0x3ea: {  	[sflag:s9] =	ssyncset.done $0x0  }
0x3eb: {  	[sflag:s9] =	ssyncadd.s32 $0xFFFFFF00  }
0x3ec: {  	[bflag:$0x0] =	sbarrier.arrive $0xFFFF;
	_ =	sdelay $0x1  }
0x3ed: {  	s11 =	sld [smem:$0x0];
	s13 =	simm.s32 $0x9800  }
0x3ee: {  	[tilespmem:s13], [sflag:$0x2] =	stream.linear.gather [spmem:s5], $0x1000, $0x38;
	[tilespmem:$0xB388] =	vst v63  }
0x3ef: {  	s10 =	sld [smem:$0x1];
	_ =	swait.ge [sflag:s9], $0x1000  }
0x3f0: {  	s14 =	simm.s32 $0x0;
	[sflag:s9] =	ssyncset.done $0x0  }
0x3f1: {  	s14 =	sand.u32 $0xF0, s14;
	[sflag:s9] =	ssyncadd.s32 $0xFFFFF000  }
0x3f2: {  	v0 =	vld [tilespmem:s14+$0x9900]  }
0x3f3: {  	v1 =	vld [tilespmem:s13+$0x0]  }
0x3f4: {  	v2 =	vld [tilespmem:s14+$0x9A00]  }
0x3f5: {  	v3 =	vld [tilespmem:s14+$0x9B00]  }
0x3f6: {  	v4 =	vld [tilespmem:s14+$0x9C00]  }
0x3f7: {  	v5 =	vld [tilespmem:s14+$0x9D00]  }
0x3f8: {  	v0 =	vadd.s32 v1, v0;
	v1 =	vld [tilespmem:s14+$0x9E00]  }
0x3f9: {  	v0 =	vadd.s32 v2, v0;
	v2 =	vld [tilespmem:s14+$0x9F00]  }
0x3fa: {  	v0 =	vadd.s32 v3, v0;
	v3 =	vld [tilespmem:s14+$0xA000]  }
0x3fb: {  	v60 =	vld [tilespmem:s14+$0xA100];
	v0 =	vadd.s32 v4, v0  }
0x3fc: {  	v61 =	vld [tilespmem:s14+$0xA200];
	v0 =	vadd.s32 v5, v0  }
0x3fd: {  	v0 =	vadd.s32 v1, v0;
	v1 =	vld [tilespmem:s14+$0xA300]  }
0x3fe: {  	v0 =	vadd.s32 v2, v0;
	v2 =	vld [tilespmem:s14+$0xA400]  }
0x3ff: {  	v0 =	vadd.s32 v3, v0;
	v3 =	vld [tilespmem:s14+$0xA500]  }
0x400: {  	v62 =	vld [tilespmem:s14+$0xA600];
	v0 =	vadd.s32 v60, v0  }
0x401: {  	v63 =	vld [tilespmem:s14+$0xA700];
	v0 =	vadd.s32 v61, v0  }
0x402: {  	v0 =	vadd.s32 v1, v0  }
0x403: {  	v0 =	vadd.s32 v2, v0  }
0x404: {  	v0 =	vadd.s32 v3, v0  }
0x405: {  	v0 =	vadd.s32 v62, v0  }
0x406: {  	s31 =	simm.s32 $0x10;
	v0 =	vadd.s32 v63, v0  }
0x407: {  	s13 =	sand.u32 $0xF0, s31;
	[tilespmem:s12+$0x0] =	vst v0  }
0x408: {  	s15 =	simm.s32 $0x20;
	s14 =	simm.s32 $0x9810;
	v0 =	vld [tilespmem:s13+$0x9900]  }
.LBB2_35:
0x409: {  	p1 =	sne.s32 s15, $0xF0;
	v1 =	vld [tilespmem:s14+$0x0]  }
0x40a: {  	v2 =	vld [tilespmem:s13+$0x9A00]  }
0x40b: {  	v3 =	vld [tilespmem:s13+$0x9B00]  }
0x40c: {  	v4 =	vld [tilespmem:s13+$0x9C00]  }
0x40d: {  	v5 =	vld [tilespmem:s13+$0x9D00]  }
0x40e: {  	v0 =	vadd.s32 v1, v0;
	v1 =	vld [tilespmem:s13+$0x9E00]  }
0x40f: {  	v0 =	vadd.s32 v2, v0;
	v2 =	vld [tilespmem:s13+$0x9F00]  }
0x410: {  	v0 =	vadd.s32 v3, v0;
	v3 =	vld [tilespmem:s13+$0xA000]  }
0x411: {  	v0 =	vadd.s32 v4, v0;
	v4 =	vld [tilespmem:s13+$0xA100]  }
0x412: {  	v0 =	vadd.s32 v5, v0;
	v5 =	vld [tilespmem:s13+$0xA200]  }
0x413: {  	v0 =	vadd.s32 v1, v0;
	v1 =	vld [tilespmem:s13+$0xA300]  }
0x414: {  	v0 =	vadd.s32 v2, v0;
	v2 =	vld [tilespmem:s13+$0xA400]  }
0x415: {  	v0 =	vadd.s32 v3, v0;
	v3 =	vld [tilespmem:s13+$0xA500]  }
0x416: {  	v0 =	vadd.s32 v4, v0;
	v4 =	vld [tilespmem:s13+$0xA600]  }
0x417: {  	v0 =	vadd.s32 v5, v0;
	v5 =	vld [tilespmem:s13+$0xA700]  }
0x418: {  	v0 =	vadd.s32 v1, v0  }
0x419: {  	v0 =	vadd.s32 v2, v0  }
.Ltmp22:
0x41a: {  	v0 =	vadd.s32 v3, v0;
	(pc) =	sbr.rel @p1 .LBB2_35-.Ltmp22, $4  }
0x41b: {  	v0 =	vadd.s32 v4, v0  }
0x41c: {  	s12 =	sadd.s32 $0x10, s12;
	v0 =	vadd.s32 v5, v0  }
0x41d: {  	s13 =	sand.u32 $0xF0, s15;
	[tilespmem:s12+$0x0] =	vst v0  }
0x41e: {  	s14 =	sadd.s32 $0x10, s14;
	s15 =	sadd.s32 $0x10, s15;
	v0 =	vld [tilespmem:s13+$0x9900]  }
0x41f: {  	v1 =	vld [tilespmem:s14+$0x0]  }
0x420: {  	v2 =	vld [tilespmem:s13+$0x9A00]  }
0x421: {  	v3 =	vld [tilespmem:s13+$0x9B00]  }
0x422: {  	v4 =	vld [tilespmem:s13+$0x9C00]  }
0x423: {  	v5 =	vld [tilespmem:s13+$0x9D00]  }
0x424: {  	v0 =	vadd.s32 v1, v0;
	v1 =	vld [tilespmem:s13+$0x9E00]  }
0x425: {  	v0 =	vadd.s32 v2, v0;
	v2 =	vld [tilespmem:s13+$0x9F00]  }
0x426: {  	v0 =	vadd.s32 v3, v0;
	v3 =	vld [tilespmem:s13+$0xA000]  }
0x427: {  	v0 =	vadd.s32 v4, v0;
	v4 =	vld [tilespmem:s13+$0xA100]  }
0x428: {  	v0 =	vadd.s32 v5, v0;
	v5 =	vld [tilespmem:s13+$0xA200]  }
0x429: {  	v0 =	vadd.s32 v1, v0;
	v1 =	vld [tilespmem:s13+$0xA300]  }
0x42a: {  	v0 =	vadd.s32 v2, v0;
	v2 =	vld [tilespmem:s13+$0xA400]  }
0x42b: {  	v0 =	vadd.s32 v3, v0;
	v3 =	vld [tilespmem:s13+$0xA500]  }
0x42c: {  	v0 =	vadd.s32 v4, v0;
	v4 =	vld [tilespmem:s13+$0xA600]  }
0x42d: {  	v0 =	vadd.s32 v5, v0;
	v5 =	vld [tilespmem:s13+$0xA700]  }
0x42e: {  	v0 =	vadd.s32 v1, v0  }
0x42f: {  	v0 =	vadd.s32 v2, v0  }
0x430: {  	v0 =	vadd.s32 v3, v0  }
0x431: {  	v0 =	vadd.s32 v4, v0  }
0x432: {  	s12 =	sadd.s32 $0x10, s12;
	v0 =	vadd.s32 v5, v0  }
0x433: {  	s18 =	simm.s32 $0x9400;
	[tilespmem:s12+$0x0] =	vst v0  }
0x434: {  	v3 =	vld [tilespmem:s18+$0x0];
	_ =	sdelay $0x4  }
0x435: {  	s19 =	simm.s32 $0x9410;
	(xrf0) =	vadd.scan.msk.s32 $0xffff, v3  }
0x436: {  	v4 =	vld [tilespmem:s19+$0x0];
	_ =	sdelay $0x4  }
0x437: {  	(xrf0) =	vadd.scan.msk.s32 $0xffff, v4;
	v0, _, _ =	vpop (xrf0)  }
0x438: {  	(v2sf) =	vpush v0, $0xF;
	_ =	sdelay $0x1  }
0x439: {  	s20 =	simm.s32 $0x9420  }
0x43a: {  	v5 =	vld [tilespmem:s20+$0x0];
	_ =	sdelay $0x1  }
0x43b: {  	v6, _, _ =	vpop (xrf0)  }
0x43c: {  	(v2sf) =	vpush v6, $0xF  }
0x43d: {  	s21 =	sld [smem:$0x5]  }
0x43e: {  	s22 =	simm.s32 $0x9430;
	(xrf0) =	vadd.scan.msk.s32 $0xffff, v5  }
0x43f: {  	s12 =	simm.s32 $0x0;
	v8 =	vld [tilespmem:s22+$0x0]  }
0x440: {  	s11 =	ssub.s32 s21, s11;
	v7 =	vadd.s32 s12, v0  }
0x441: {  	v1 =	vmov s11;
	v2 =	vsub.s32 v7, v3  }
0x442: {  	v0 =	vlaneseq.u32;
	vm1 =	vlt.s32 v1, v7;
	vm0 =	vle.s32 v2, v1  }
0x443: {  	v2 =	vor.u32 s12, v0;
	vm0 =	vmand vm1, vm0  }
0x444: {  	(xrf0) =	vadd.scan.msk.s32 $0xffff, v8;
	v9, _, _ =	vpop (xrf0);
	v2 =	vnsel vm0, $0x0, v2  }
0x445: {  	(v2sf) =	vpush v9, $0xF;
	(xrf0) =	vadd.scan.msk.s32 $0xffff, v2;
	s23 =	spop (v2sf)  }
0x446: {  	s13 =	sadd.s32 $0x0, s23  }
0x447: {  	s24 =	simm.s32 $0x9440;
	v6 =	vadd.s32 s13, v6  }
0x448: {  	v2 =	vld [tilespmem:s24+$0x0];
	v11 =	vsub.s32 v6, v4  }
0x449: {  	v3 =	vnsel vm0, $0x0, v3  }
0x44a: {  	v10, _, _ =	vpop (xrf0);
	(xrf0) =	vadd.scan.msk.s32 $0xffff, v3;
	v3 =	vnsel vm0, $0x0, v7  }
0x44b: {  	s25 =	simm.s32 $0x10;
	s15 =	simm.s32 $0x9450;
	(v2sf) =	vpush v10, $0xF;
	s16 =	spop (v2sf);
	vm11 =	vlt.s32 v1, v6;
	vm10 =	vle.s32 v11, v1;
	v11, _, _ =	vpop (xrf0);
	(xrf0) =	vadd.scan.msk.s32 $0xffff, v3  }
0x44c: {  	v7 =	vor.u32 s25, v0;
	s13 =	sadd.s32 s13, s16;
	vm0 =	vmand vm11, vm10;
	v3 =	vld [tilespmem:s15+$0x0]  }
0x44d: {  	v9 =	vadd.s32 s13, v9;
	v7 =	vnsel vm0, $0x0, v7;
	v6 =	vnsel vm0, $0x0, v6;
	(xrf0) =	vadd.scan.msk.s32 $0xffff, v2  }
0x44e: {  	v4 =	vnsel vm0, $0x0, v4;
	(xrf0) =	vadd.scan.msk.s32 $0xffff, v7;
	v7 =	vsub.s32 v9, v5  }
0x44f: {  	s26 =	simm.s32 $0x20;
	vm13 =	vlt.s32 v1, v9;
	(xrf0) =	vadd.scan.msk.s32 $0xffff, v4;
	vm12 =	vle.s32 v7, v1  }
0x450: {  	(v2sf) =	vpush v11, $0xF;
	v4 =	vor.u32 s26, v0;
	(xrf0) =	vadd.scan.msk.s32 $0xffff, v6;
	vm0 =	vmand vm13, vm12;
	v6, _, _ =	vpop (xrf0)  }
0x451: {  	(xrf0) =	vadd.scan.msk.s32 $0xffff, v3;
	v4 =	vnsel vm0, $0x0, v4;
	(v2sf) =	vpush v6, $0xF;
	v5 =	vnsel vm0, $0x0, v5;
	v7, _, _ =	vpop (xrf0)  }
0x452: {  	(xrf0) =	vadd.scan.msk.s32 $0xffff, v4;
	(v2sf) =	vpush v7, $0xF;
	v7 =	vnsel vm0, $0x0, v9  }
0x453: {  	v6, _, _ =	vpop (xrf0);
	(xrf0) =	vadd.scan.msk.s32 $0xffff, v5  }
0x454: {  	s29 =	spop (v2sf);
	(v2sf) =	vpush v6, $0xF;
	v5, _, _ =	vpop (xrf0)  }
0x455: {  	s13 =	sadd.s32 s13, s29;
	(xrf0) =	vadd.scan.msk.s32 $0xffff, v7;
	(v2sf) =	vpush v5, $0xF;
	v7, _, _ =	vpop (xrf0)  }
0x456: {  	v9 =	vadd.s32 s13, v10;
	v10, _, _ =	vpop (xrf0);
	(v2sf) =	vpush v7, $0xF  }
0x457: {  	(v2sf) =	vpush v10, $0xF;
	v7, _, _ =	vpop (xrf0)  }
0x458: {  	(v2sf) =	vpush v7, $0xF;
	v10, _, _ =	vpop (xrf0)  }
0x459: {  	s28 =	simm.s32 $0x9460;
	(v2sf) =	vpush v10, $0xF;
	v10, _, _ =	vpop (xrf0)  }
0x45a: {  	s31 =	spop (v2sf);
	v4 =	vld [tilespmem:s28+$0x0];
	(v2sf) =	vpush v10, $0xF;
	_ =	sdelay $0x1  }
0x45b: {  	v5 =	vsub.s32 v9, v8  }
0x45c: {  	s30 =	simm.s32 $0x30;
	vm15 =	vlt.s32 v1, v9;
	vm14 =	vle.s32 v5, v1  }
0x45d: {  	s14 =	simm.s32 $0x0;
	v5 =	vor.u32 s30, v0;
	vm0 =	vmand vm15, vm14  }
0x45e: {  	s21 =	simm.s32 $0x80;
	s19 =	simm.s32 $0x40;
	s18 =	simm.s32 $0x50;
	(xrf0) =	vadd.scan.msk.s32 $0xffff, v4;
	v5 =	vnsel vm0, $0x0, v5  }
0x45f: {  	s20 =	simm.s32 $0x9470;
	s16 =	simm.s32 $0x60;
	s23 =	sadd.s32 s13, s31;
	v11 =	vnsel vm0, $0x0, v8;
	(xrf0) =	vadd.scan.msk.s32 $0xffff, v5  }
0x460: {  	s15 =	simm.s32 $0x70;
	s13 =	simm.s32 $0x0;
	v8 =	vnsel vm0, $0x0, v9;
	v5 =	vld [tilespmem:s20+$0x0];
	(xrf0) =	vadd.scan.msk.s32 $0xffff, v11;
	v9, _, _ =	vpop (xrf0);
	s17 =	spop (v2sf)  }
.LBB2_37:
0x461: {  	s12 =	sadd.s32 s12, s17  }
0x462: {  	v10 =	vadd.s32 s23, v6;
	(xrf0) =	vadd.scan.msk.s32 $0xffff, v8;
	(v2sf) =	vpush v9, $0xF;
	s17 =	spop (v2sf);
	v6 =	vmov v7;
	s22 =	smov.u32 s21;
	s24 =	sadd.s32 $0x10, s21  }
0x463: {  	p1 =	sne.s32 s21, $0xF0;
	v8 =	vsub.s32 v10, v2;
	s13 =	sadd.s32 s13, s17;
	s17 =	spop (v2sf)  }
.Ltmp23:
0x464: {  	vm1 =	vlt.s32 v1, v10;
	vm0 =	vle.s32 v8, v1;
	s14 =	sadd.s32 s14, s17;
	(pc) =	sbr.rel @p1 .LBB2_37-.Ltmp23, $4  }
0x465: {  	v8 =	vor.u32 s19, v0;
	s19 =	smov.u32 s18;
	s18 =	smov.u32 s16;
	s16 =	smov.u32 s15;
	v7, _, _ =	vpop (xrf0);
	vm0 =	vmand vm1, vm0  }
0x466: {  	s15 =	smov.u32 s22;
	(xrf0) =	vadd.scan.msk.s32 $0xffff, v5;
	(v2sf) =	vpush v7, $0xF;
	v12 =	vnsel vm0, $0x0, v8;
	v8 =	vnsel vm0, $0x0, v10;
	v10, _, _ =	vpop (xrf0)  }
0x467: {  	s20 =	sadd.s32 $0x10, s20;
	v11 =	vnsel vm0, $0x0, v2;
	v2 =	vmov v3;
	(xrf0) =	vadd.scan.msk.s32 $0xffff, v12;
	s17 =	spop (v2sf);
	(v2sf) =	vpush v10, $0xF;
	v10, _, _ =	vpop (xrf0)  }
0x468: {  	s21 =	smov.u32 s24;
	v3 =	vmov v4;
	v4 =	vmov v5;
	s23 =	sadd.s32 s23, s17;
	(xrf0) =	vadd.scan.msk.s32 $0xffff, v11;
	v9, _, _ =	vpop (xrf0);
	(v2sf) =	vpush v10, $0xF;
	s17 =	spop (v2sf);
	v5 =	vld [tilespmem:s20+$0x0]  }
0x469: {  	_ =	sdelay $0x2  }
0x46a: {  	(v2sf) =	vpush v9, $0xF;
	v31, _, _ =	vpop (xrf0)  }
0x46b: {  	(v2sf) =	vpush v31, $0xF;
	_ =	sdelay $0x4  }
0x46c: {  	s20 =	spop (v2sf)  }
0x46d: {  	s21 =	spop (v2sf)  }
0x46e: {  	v6 =	vadd.s32 s23, v6;
	s24 =	spop (v2sf)  }
0x46f: {  	(xrf0) =	vadd.scan.msk.s32 $0xffff, v8;
	v32 =	vsub.s32 v6, v2;
	s22 =	spop (v2sf)  }
0x470: {  	v10 =	vor.u32 s19, v0;
	vm1 =	vlt.s32 v1, v6;
	vm0 =	vle.s32 v32, v1;
	s25 =	sadd.s32 s23, s24;
	s23 =	spop (v2sf)  }
0x471: {  	v39 =	vor.u32 s18, v0;
	v43 =	vor.u32 s16, v0;
	vm0 =	vmand vm1, vm0;
	(xrf0) =	vadd.scan.msk.s32 $0xffff, v5;
	s24 =	spop (v2sf)  }
0x472: {  	v50 =	vor.u32 s15, v0;
	v7 =	vadd.s32 s25, v7;
	v10 =	vnsel vm0, $0x0, v10;
	s26 =	spop (v2sf)  }
0x473: {  	v33, _, _ =	vpop (xrf0);
	v6 =	vnsel vm0, $0x0, v6;
	v37 =	vnsel vm0, $0x0, v2;
	v35 =	vsub.s32 v7, v3;
	s30 =	spop (v2sf)  }
0x474: {  	(v2sf) =	vpush v33, $0xF;
	v34, _, _ =	vpop (xrf0);
	vm2 =	vlt.s32 v1, v7;
	(xrf0) =	vadd.scan.msk.s32 $0xffff, v10;
	vm10 =	vle.s32 v35, v1;
	s26 =	sadd.s32 s25, s26;
	s25 =	spop (v2sf)  }
0x475: {  	(v2sf) =	vpush v34, $0xF;
	v36, _, _ =	vpop (xrf0);
	(xrf0) =	vadd.scan.msk.s32 $0xffff, v37;
	vm11 =	vmand vm2, vm10;
	v9 =	vadd.s32 s26, v31;
	s31 =	spop (v2sf)  }
0x476: {  	(v2sf) =	vpush v36, $0xF;
	(xrf0) =	vadd.scan.msk.s32 $0xffff, v6;
	v2 =	vnsel vm11, $0x0, v39;
	v41 =	vsub.s32 v9, v4;
	s28 =	spop (v2sf)  }
0x477: {  	v42 =	vnsel vm11, $0x0, v3;
	v38, _, _ =	vpop (xrf0);
	(xrf0) =	vadd.scan.msk.s32 $0xffff, v2;
	vm13 =	vlt.s32 v1, v9;
	vm12 =	vle.s32 v41, v1;
	s26 =	sadd.s32 s26, s28  }
0x478: {  	v40 =	vnsel vm11, $0x0, v7;
	(xrf0) =	vadd.scan.msk.s32 $0xffff, v42;
	vm0 =	vmand vm13, vm12;
	v44 =	vadd.s32 s26, v38  }
0x479: {  	(v2sf) =	vpush v38, $0xF;
	(xrf0) =	vadd.scan.msk.s32 $0xffff, v40;
	v2 =	vnsel vm0, $0x0, v43;
	v46 =	vsub.s32 v44, v5  }
0x47a: {  	v47, _, _ =	vpop (xrf0);
	v48 =	vnsel vm0, $0x0, v4;
	(xrf0) =	vadd.scan.msk.s32 $0xffff, v2;
	vm15 =	vlt.s32 v1, v44;
	vm14 =	vle.s32 v46, v1  }
0x47b: {  	(v2sf) =	vpush v47, $0xF;
	v49, _, _ =	vpop (xrf0);
	v45 =	vnsel vm0, $0x0, v9;
	(xrf0) =	vadd.scan.msk.s32 $0xffff, v48;
	vm0 =	vmand vm15, vm14  }
0x47c: {  	v51, _, _ =	vpop (xrf0);
	(v2sf) =	vpush v49, $0xF;
	(xrf0) =	vadd.scan.msk.s32 $0xffff, v45;
	v0 =	vnsel vm0, $0x0, v50  }
0x47d: {  	(v2sf) =	vpush v51, $0xF;
	v52, _, _ =	vpop (xrf0);
	v53 =	vnsel vm0, $0x0, v5;
	(xrf0) =	vadd.scan.msk.s32 $0xffff, v0  }
0x47e: {  	(v2sf) =	vpush v52, $0xF;
	v54, _, _ =	vpop (xrf0);
	v55 =	vnsel vm0, $0x0, v44;
	(xrf0) =	vadd.scan.msk.s32 $0xffff, v53  }
0x47f: {  	v56, _, _ =	vpop (xrf0);
	(v2sf) =	vpush v54, $0xF;
	(xrf0) =	vadd.scan.msk.s32 $0xffff, v55  }
0x480: {  	(v2sf) =	vpush v56, $0xF;
	v57, _, _ =	vpop (xrf0)  }
0x481: {  	v58, _, _ =	vpop (xrf0);
	(v2sf) =	vpush v57, $0xF  }
0x482: {  	v59, _, _ =	vpop (xrf0);
	(v2sf) =	vpush v58, $0xF  }
0x483: {  	(v2sf) =	vpush v59, $0xF;
	v60, _, _ =	vpop (xrf0)  }
0x484: {  	(v2sf) =	vpush v60, $0xF;
	v61, _, _ =	vpop (xrf0)  }
0x485: {  	v62, _, _ =	vpop (xrf0);
	(v2sf) =	vpush v61, $0xF  }
0x486: {  	s15 =	spop (v2sf);
	(v2sf) =	vpush v62, $0xF  }
0x487: {  	s16 =	spop (v2sf)  }
0x488: {  	s26 =	spop (v2sf)  }
0x489: {  	s29 =	spop (v2sf)  }
0x48a: {  	s12 =	sadd.s32 s12, s17;
	s28 =	spop (v2sf)  }
0x48b: {  	s10 =	sshll.u32 s10, $0x8;
	s13 =	sadd.s32 s13, s20;
	s29 =	spop (v2sf)  }
0x48c: {  	s14 =	sadd.s32 s14, s21;
	s12 =	sadd.s32 s12, s22;
	s17 =	spop (v2sf)  }
0x48d: {  	s13 =	sadd.s32 s13, s23;
	s14 =	sadd.s32 s14, s24;
	s20 =	spop (v2sf)  }
0x48e: {  	s12 =	sadd.s32 s12, s30;
	s13 =	sadd.s32 s13, s25;
	s21 =	spop (v2sf)  }
0x48f: {  	s14 =	sadd.s32 s14, s31;
	s12 =	sadd.s32 s12, s15;
	s30 =	spop (v2sf)  }
0x490: {  	s13 =	sadd.s32 s13, s16;
	s14 =	sadd.s32 s14, s26;
	s31 =	spop (v2sf)  }
0x491: {  	s12 =	sadd.s32 s12, s28;
	s13 =	sadd.s32 s13, s29;
	s22 =	spop (v2sf)  }
0x492: {  	s14 =	sadd.s32 s14, s17;
	s12 =	sadd.s32 s12, s20;
	s23 =	spop (v2sf)  }
0x493: {  	s13 =	sadd.s32 s13, s21;
	s14 =	sadd.s32 s14, s30;
	s24 =	spop (v2sf)  }
0x494: {  	s12 =	sadd.s32 s12, s31;
	s28 =	sadd.s32 s13, s22;
	s25 =	spop (v2sf)  }
0x495: {  	s14 =	sadd.s32 s14, s23;
	s12 =	sadd.s32 s12, s24;
	s26 =	spop (v2sf)  }
0x496: {  	s10 =	sor.u32 s10, s12;
	s29 =	sadd.s32 s28, s25;
	s14 =	sadd.s32 s14, s26  }
0x497: {  	v63 =	vmov s10;
	[smem:$0x5] =	sst s29;
	s11 =	ssub.s32 s14, s11  }
0x498: {  	s30 =	simm.s32 $0xB080;
	[tilespmem:$0xB080] =	vst v63;
	[smem:$0x0] =	sst s11  }
0x499: {  	[spmem:s3] =	stream.linear.scatter [tilespmem:s30], [sflag:$0x2], $0x80, $0x38;
	[tilespmem:$0xB388] =	vst v63  }
0x49a: {  	s31 =	simm.s32 $0x2;
	[smem:$0x1] =	sst s10  }
0x49b: {  	_ =	swait.ge [sflag:s31], $0x80  }
0x49c: {  	[sflag:s31] =	ssyncset.done $0x0  }
0x49d: {  	[sflag:s31] =	ssyncadd.s32 $0xFFFFFF80  }
.LBB2_39:
0x49e: {  	[bflag:$0x0] =	sbarrier.arrive $0xFFFF;
	s10 =	simm.s32 $0xA800  }
0x49f: {  	[tilespmem:s10], [sflag:$0x2] =	stream.linear.gather [spmem:s3], $0x80, $0x38;
	[tilespmem:$0xB388] =	vst v63  }
0x4a0: {  	_ =	swait.ge [sflag:s9], $0x80  }
0x4a1: {  	[sflag:s9] =	ssyncset.done $0x0  }
0x4a2: {  	[sflag:s9] =	ssyncadd.s32 $0xFFFFFF80  }
0x4a3: {  	v0 =	vld [tilespmem:$0xA800];
	_ =	sdelay $0x3  }
0x4a4: {  	v1 =	vimm.s32 $0x0;
	s11 =	simm.s32 $0x0;
	s9 =	simm.s32 $0x40  }
.LBB2_40:
0x4a5: {  	p1 =	sne.s32 s9, $0xFC0;
	[tilespmem:s11+$0x9400] =	vst v1;
	s10 =	smov.u32 s9;
	s9 =	sadd.s32 $0x40, s9  }
.Ltmp24:
0x4a6: {  	(pc) =	sbr.rel @p1 .LBB2_40-.Ltmp24, $2  }
0x4a7: {  	_ =	sdelay $0x2  }
0x4a8: {  	s11 =	sshra.s32 s10, $0x2  }
0x4a9: {  	s9 =	sadd.s32 $0xF, s8  }
0x4aa: {  	s10 =	sand.u32 $0xF, s9  }
0x4ab: {  	s31 =	sshra.s32 s9, $0x1F;
	p2 =	slt.s32 s9, $0x1;
	p1 =	sne.s32 s10, $0x0  }
0x4ac: {  	s10 =	sshrl.u32 s31, $0x1C;
	p1 =	por !p2, !p1  }
0x4ad: {  	s9 =	sadd.s32 s10, s9;
	s10 =	simm.s32 $0x1;
	p1 =	por !p1, !p1  }
0x4ae: {  	s9 =	sshra.s32 s9, $0x4;
	s10 =	simm.s32 @!p1 $0x0  }
0x4af: {  	s9 =	ssub.s32 s9, s10  }
0x4b0: {  	s10 =	sshrl.u32 s9, $0x1E  }
0x4b1: {  	s10 =	sadd.s32 s10, s9  }
0x4b2: {  	s10 =	sand.u32 $0xFFFFFFFC, s10  }
0x4b3: {  	p1 =	slt.s32 s10, $0x1  }
.Ltmp25:
0x4b4: {  	_ = 	snop;
	(pc) =	sbr.rel @p1 .LBB2_51-.Ltmp25, $2  }
0x4b5: {  	_ =	sdelay $0x2  }
0x4b6: {  	[tilespmem:s11+$0x9400] =	vst v1;
	v1 =	vmov s8;
	s8 =	ssub.s32 s9, s10  }
0x4b7: {  	s14 =	simm.s32 $0x7B20  }
0x4b8: {  	v3 =	vld [tilespmem:s14+$0xFFFFFFE0]  }
0x4b9: {  	v5 =	vld [tilespmem:s14+$0x10]  }
0x4ba: {  	v13 =	vlaneseq.u32;
	s13 =	simm.s32 $0x0;
	p4 =	sgt.s32 s10, $0x4;
	v2 =	vld [tilespmem:s14+$0xFFFFFFF0]  }
.Ltmp26:
0x4bb: {  	s31 =	simm.s32 $0x20;
	s15 =	simm.s32 $0x10;
	v4 =	vor.u32 s13, v13;
	(pc) =	sbr.rel @!p4 .LBB2_43-.Ltmp26, $4  }
0x4bc: {  	s12 =	simm.s32 $0x30;
	v6 =	vor.u32 s15, v13;
	vm1 =	vlt.s32 v4, v1;
	v4 =	vor.u32 s31, v13  }
0x4bd: {  	vm8 =	vlt.s32 v6, v1;
	v6 =	vor.u32 s12, v13;
	vm0 =	vlt.s32 v4, v1  }
0x4be: {  	s11 =	simm.s32 $0x9400;
	p1 =	por $0x0, $0x0;
	p2 =	por $0x0, $0x0;
	vm6 =	vlt.s32 v6, v1;
	v4 =	vshra.s32 v3, $0x7;
	v20 =	vshra.s32 v5, $0x7  }
0x4bf: {  	p3 =	por $0x0, $0x0;
	s13 =	simm.s32 $0x70;
	v10 =	vld [tilespmem:s14+$0x0];
	s12 =	simm.s32 $0x7B60;
	v9 =	vshra.s32 v2, $0x7;
	vm5 =	veq.s32 v4, v0;
	v4 =	vand.u32 $0x7F, v3  }
0x4c0: {  	s14 =	simm.s32 $0x40;
	vm2 =	vmand vm1, vm5;
	vm1 =	veq.s32 v20, v0;
	v3 =	vand.u32 $0x7F, v5;
	v11 =	vld [tilespmem:s12+$0xFFFFFFE0]  }
0x4c1: {  	s15 =	simm.s32 $0x50;
	vm5 =	veq.s32 v9, v0;
	v5 =	vor.u32 s14, v13;
	vm3 =	vmand vm6, vm1  }
0x4c2: {  	s31 =	simm.s32 $0x60;
	v6 =	vor.u32 $0x300, v3;
	v3 =	vand.u32 $0x7F, v2;
	v2 =	vld [tilespmem:s12+$0xFFFFFFF0];
	v12 =	vor.u32 s15, v13  }
0x4c3: {  	p4 =	sgt.s32 s10, $0x8;
	v8 =	vor.u32 s31, v13;
	(xrf1) =	vunique.msk.u32 vm2, v4;
	vm1 =	vlt.s32 v5, v1;
	v5 =	vld [tilespmem:s12+$0x10];
	vm2 =	vlt.s32 v12, v1  }
.Ltmp27:
0x4c4: {  	v12 =	vor.u32 s13, v13;
	v7 =	vshra.s32 v10, $0x7;
	v10 =	vand.u32 $0x7F, v10;
	(pc) =	sbr.rel @!p4 .LBB2_65-.Ltmp27, $4  }
0x4c5: {  	vm4 =	veq.s32 v7, v0;
	v7 =	vor.u32 $0x100, v3;
	v3 =	vshra.s32 v11, $0x7  }
0x4c6: {  	(xrf1) =	vunique.msk.u32 vm3, v6;
	vm4 =	vmand vm0, vm4;
	vm0 =	vlt.s32 v8, v1;
	v8 =	vor.u32 $0x200, v10  }
0x4c7: {  	vm3 =	vmand vm8, vm5;
	vm6 =	vlt.s32 v12, v1;
	vm5 =	veq.s32 v3, v0;
	(xrf1) =	vunique.msk.u32 vm4, v8  }
0x4c8: {  	p1 =	por $0x1, $0x1;
	s13 =	simm.s32 $0xB0;
	v10 =	vld [tilespmem:s12+$0x0];
	v3 =	vand.u32 $0x7F, v11;
	v9 =	vshra.s32 v2, $0x7;
	s12 =	simm.s32 $0x7BA0;
	v20 =	vshra.s32 v5, $0x7;
	(xrf1) =	vunique.msk.u32 vm3, v7  }
0x4c9: {  	_ =	sdelay $0x1  }
0x4ca: {  	s14 =	simm.s32 $0x80;
	vm3 =	vmand vm1, vm5;
	vm1 =	veq.s32 v20, v0  }
0x4cb: {  	v5 =	vand.u32 $0x7F, v5;
	v11 =	vor.u32 s14, v13;
	vm4 =	vmand vm6, vm1  }
0x4cc: {  	v12 =	vor.u32 $0x300, v5;
	(xrf1) =	vunique.msk.u32 vm3, v3;
	vm3 =	veq.s32 v9, v0;
	v14 =	vshra.s32 v10, $0x7  }
0x4cd: {  	vm1 =	vlt.s32 v11, v1;
	v10 =	vand.u32 $0x7F, v10;
	vm5 =	veq.s32 v14, v0  }
0x4ce: {  	v11 =	vand.u32 $0x7F, v2;
	(xrf1) =	vunique.msk.u32 vm4, v12;
	v16 =	vor.u32 $0x200, v10;
	vm5 =	vmand vm0, vm5  }
0x4cf: {  	vm3 =	vmand vm2, vm3;
	v11 =	vor.u32 $0x100, v11;
	(xrf1) =	vunique.msk.u32 vm5, v16  }
0x4d0: {  	(xrf1) =	vunique.msk.u32 vm3, v11;
	_ =	sdelay $0x1  }
0x4d1: {  	v17 =	vld [tilespmem:s12+$0xFFFFFFE0]  }
0x4d2: {  	s15 =	simm.s32 $0x90;
	v5 =	vld [tilespmem:s12+$0x10]  }
0x4d3: {  	s31 =	simm.s32 $0xA0;
	p4 =	sgt.s32 s10, $0xC;
	v2 =	vld [tilespmem:s12+$0xFFFFFFF0];
	v14 =	vor.u32 s15, v13  }
.Ltmp28:
0x4d4: {  	v15 =	vor.u32 s31, v13;
	(pc) =	sbr.rel @!p4 .LBB2_67-.Ltmp28, $4  }
0x4d5: {  	v18 =	vor.u32 s13, v13  }
0x4d6: {  	vm6 =	vlt.s32 v18, v1;
	v9 =	vshra.s32 v17, $0x7  }
0x4d7: {  	v23 =	vand.u32 $0x7F, v17;
	vm0 =	vlt.s32 v15, v1;
	vm8 =	vlt.s32 v14, v1;
	_, v14, vm2 =	vpop (xrf1)  }
0x4d8: {  	s13 =	simm.s32 $0xF0;
	p2 =	por $0x1, $0x1;
	s14 =	simm.s32 $0x7BE0;
	v10 =	vld [tilespmem:s12+$0x0];
	v20 =	vshra.s32 v5, $0x7;
	vm5 =	veq.s32 v9, v0;
	v9 =	vshra.s32 v2, $0x7;
	_, v15, vm3 =	vpop (xrf1)  }
0x4d9: {  	_ = 	snop  }
0x4da: {  	s12 =	simm.s32 $0xC0  }
0x4db: {  	vm1 =	vmand vm1, vm5;
	vm4 =	veq.s32 v20, v0;
	v17 =	vor.u32 s12, v13  }
0x4dc: {  	v5 =	vand.u32 $0x7F, v5;
	(xrf1) =	vunique.msk.u32 vm1, v23;
	vm1 =	vlt.s32 v17, v1;
	v17 =	vand.u32 $0x7F, v2  }
0x4dd: {  	vm4 =	vmand vm6, vm4;
	v24 =	vor.u32 $0x300, v5;
	v19 =	vshra.s32 v10, $0x7  }
0x4de: {  	v18 =	vld [tilespmem:s14+$0xFFFFFFE0];
	(xrf1) =	vunique.msk.u32 vm4, v24;
	v10 =	vand.u32 $0x7F, v10;
	vm4 =	veq.s32 v19, v0  }
0x4df: {  	_, v25, vm11 =	vpop (xrf1);
	s15 =	simm.s32 $0xD0;
	v5 =	vld [tilespmem:s14+$0x10];
	vm6 =	veq.s32 v9, v0;
	v19 =	vor.u32 $0x200, v10;
	vm5 =	vmand vm0, vm4  }
0x4e0: {  	p4 =	sgt.s32 s10, $0x10;
	v21 =	vor.u32 s15, v13;
	v2 =	vld [tilespmem:s14+$0xFFFFFFF0];
	vm6 =	vmand vm8, vm6;
	v28 =	vor.u32 $0x100, v17;
	_, v17, vm4 =	vpop (xrf1);
	(xrf1) =	vunique.msk.u32 vm5, v19  }
.Ltmp29:
0x4e1: {  	(xrf1) =	vunique.msk.u32 vm6, v28;
	(pc) =	sbr.rel @!p4 .LBB2_73-.Ltmp29, $4  }
0x4e2: {  	s31 =	simm.s32 $0xE0;
	[tilespmem:v6+s11+$0x0] =	vst.idx.add.s32.msk vm3, v15;
	v26 =	vor.u32 s13, v13  }
0x4e3: {  	[tilespmem:v4+s11+$0x0] =	vst.idx.add.s32.msk vm2, v14;
	v20 =	vor.u32 s31, v13;
	vm10 =	vlt.s32 v21, v1;
	v9 =	vshra.s32 v18, $0x7  }
0x4e4: {  	s13 =	simm.s32 $0x130;
	v10 =	vld [tilespmem:s14+$0x0];
	v29 =	vand.u32 $0x7F, v18;
	vm0 =	vlt.s32 v20, v1;
	v20 =	vshra.s32 v5, $0x7;
	_, v21, vm7 =	vpop (xrf1)  }
0x4e5: {  	p3 =	por $0x1, $0x1;
	s12 =	simm.s32 $0x10;
	s14 =	simm.s32 $0x7C20;
	[tilespmem:v8+s11+$0x0] =	vst.idx.add.s32.msk vm11, v25;
	vm5 =	veq.s32 v9, v0;
	v9 =	vshra.s32 v2, $0x7;
	_, v22, vm9 =	vpop (xrf1);
	vm6 =	vlt.s32 v26, v1  }
0x4e6: {  	v18 =	vmov v7  }
.LBB2_70:
0x4e7: {  	vm1 =	vmand vm1, vm5;
	vm5 =	veq.s32 v20, v0;
	v5 =	vand.u32 $0x7F, v5;
	[tilespmem:v18+s11+$0x0] =	vst.idx.add.s32.msk vm4, v17;
	v18 =	vmovc v11  }
0x4e8: {  	s15 =	sadd.s32 $0xFFFFFFD0, s13;
	s12 =	sadd.s32 $0x4, s12;
	v11 =	vmovc v28;
	v25 =	vmovc v19;
	v20 =	vmov v3;
	v3 =	vmov v23;
	v23 =	vmov v29  }
0x4e9: {  	v26 =	vld [tilespmem:s14+$0xFFFFFFE0];
	v31 =	vor.u32 s15, v13;
	p4 =	slt.s32 s12, s10;
	vm4 =	vmand vm6, vm5;
	v19 =	vor.u32 $0x300, v5;
	(xrf1) =	vunique.msk.u32 vm1, v23  }
0x4ea: {  	v27 =	vand.u32 $0x7F, v2;
	s15 =	sadd.s32 $0xFFFFFFF0, s13;
	vm1 =	vlt.s32 v31, v1;
	v5 =	vld [tilespmem:s14+$0x10];
	v28 =	vshra.s32 v10, $0x7;
	(xrf1) =	vunique.msk.u32 vm4, v19;
	_, v30, vm8 =	vpop (xrf1)  }
0x4eb: {  	s16 =	sadd.s32 $0xFFFFFFE0, s13;
	v29 =	vor.u32 s15, v13;
	v10 =	vand.u32 $0x7F, v10;
	v2 =	vld [tilespmem:s14+$0xFFFFFFF0];
	vm5 =	veq.s32 v28, v0;
	_, v17, vm4 =	vpop (xrf1)  }
.Ltmp30:
0x4ec: {  	v31 =	vor.u32 s16, v13;
	v28 =	vor.u32 $0x100, v27;
	vm5 =	vmand vm0, vm5;
	[tilespmem:v12+s11+$0x0] =	vst.idx.add.s32.msk vm9, v22;
	v12 =	vmovc v24;
	v24 =	vmovc v19;
	(pc) =	sbr.rel @p4 .LBB2_70-.Ltmp30, $4  }
0x4ed: {  	vm6 =	veq.s32 v9, v0;
	vm0 =	vlt.s32 v29, v1;
	v19 =	vor.u32 $0x200, v10;
	[tilespmem:v20+s11+$0x0] =	vst.idx.add.s32.msk vm7, v21  }
0x4ee: {  	vm6 =	vmand vm10, vm6;
	vm10 =	vlt.s32 v31, v1;
	v9 =	vshra.s32 v26, $0x7;
	v10 =	vld [tilespmem:s14+$0x0];
	(xrf1) =	vunique.msk.u32 vm5, v19;
	_, v21, vm7 =	vpop (xrf1)  }
0x4ef: {  	v27 =	vor.u32 s13, v13;
	vm5 =	veq.s32 v9, v0;
	v20 =	vshra.s32 v5, $0x7;
	(xrf1) =	vunique.msk.u32 vm6, v28;
	_, v22, vm9 =	vpop (xrf1)  }
0x4f0: {  	s13 =	sadd.s32 $0x40, s13;
	v29 =	vand.u32 $0x7F, v26;
	s14 =	sadd.s32 $0x40, s14;
	vm6 =	vlt.s32 v27, v1;
	v9 =	vshra.s32 v2, $0x7;
	[tilespmem:v16+s11+$0x0] =	vst.idx.add.s32.msk vm8, v30;
	v16 =	vmovc v25  }
0x4f1: {  	v25 =	vmov v11;
	v26 =	vmov v3;
	v27 =	vmov v12  }
0x4f2: {  	v11 =	vmovc v28;
	v13 =	vmovc v23;
	v3 =	vmov v29;
	v12 =	vmov v24;
	vm8 =	vmmov vm10  }
.LBB2_72:
0x4f3: {  	vm1 =	vmand vm1, vm5;
	vm11 =	veq.s32 v20, v0;
	v5 =	vand.u32 $0x7F, v5  }
0x4f4: {  	v59 =	vshra.s32 v10, $0x7;
	v2 =	vand.u32 $0x7F, v2;
	v60 =	vand.u32 $0x7F, v10  }
0x4f5: {  	vm5 =	vmand vm6, vm11;
	v5 =	vor.u32 $0x300, v5;
	(xrf1) =	vunique.msk.u32 vm1, v3;
	vm12 =	veq.s32 v59, v0  }
0x4f6: {  	vm13 =	veq.s32 v9, v0;
	v61 =	vor.u32 $0x200, v60;
	(xrf1) =	vunique.msk.u32 vm5, v5;
	vm0 =	vmand vm0, vm12  }
0x4f7: {  	v2 =	vor.u32 $0x100, v2;
	vm1 =	vmand vm8, vm13;
	(xrf1) =	vunique.msk.u32 vm0, v61  }
0x4f8: {  	(xrf1) =	vunique.msk.u32 vm1, v2;
	_ =	sdelay $0x3  }
0x4f9: {  	_, v10, vm0 =	vpop @p2 (xrf1)  }
0x4fa: {  	v24 =	vmov @p2 v26;
	_, v20, vm1 =	vpop @p2 (xrf1)  }
0x4fb: {  	_, v23, vm5 =	vpop @p1 (xrf1);
	vm1 =	vmmov @p2 vm1  }
0x4fc: {  	v25 =	vpsel p2, v25, v0;
	_, v26, vm6 =	vpop @p1 (xrf1);
	vm2 =	vmmov @p1 vm5  }
0x4fd: {  	[tilespmem:v18+s11+$0x0] =	vst.idx.add.s32.msk @p3 vm4, v17;
	v4 =	vpsel p1, v13, v4;
	v6 =	vpsel p1, v12, v6;
	vm3 =	vmmov @p1 vm6;
	_, v12, vm4 =	vpop @p1 (xrf1)  }
0x4fe: {  	[tilespmem:v27+s11+$0x0] =	vst.idx.add.s32.msk @p2 vm9, v22;
	v13 =	vmov @p1 v19;
	v7 =	vpsel p1, v11, v7;
	_, v11, vm5 =	vpop @p1 (xrf1)  }
0x4ff: {  	v8 =	vpsel p1, v13, v8;
	[tilespmem:v24+s11+$0x0] =	vst.idx.add.s32.msk @p2 vm7, v21;
	vm5 =	vmmov @p1 vm5  }
0x500: {  	v7 =	vpsel p1, v7, v0;
	[tilespmem:v16+s11+$0x0] =	vst.idx.add.s32.msk @p2 vm0, v10;
	v10 =	vpsel p2, v20, v0;
	_, v62, vm14 =	vpop (xrf1)  }
0x501: {  	[tilespmem:v25+s11+$0x0] =	vst.idx.add.s32.msk @p2 vm1, v10;
	v10 =	vpsel p1, v23, v14;
	_, v16, vm0 =	vpop (xrf1)  }
0x502: {  	v15 =	vpsel p1, v26, v15;
	[tilespmem:v4+s11+$0x0] =	vst.idx.add.s32.msk @p1 vm2, v10;
	_, v63, vm15 =	vpop (xrf1)  }
0x503: {  	[tilespmem:v6+s11+$0x0] =	vst.idx.add.s32.msk @p1 vm3, v15;
	_, v4, vm2 =	vpop (xrf1)  }
0x504: {  	[tilespmem:v8+s11+$0x0] =	vst.idx.add.s32.msk @p1 vm4, v12;
	v8 =	vpsel p1, v11, v0  }
0x505: {  	[tilespmem:v7+s11+$0x0] =	vst.idx.add.s32.msk @p1 vm5, v8  }
0x506: {  	[tilespmem:v3+s11+$0x0] =	vst.idx.add.s32.msk vm14, v62  }
0x507: {  	[tilespmem:v5+s11+$0x0] =	vst.idx.add.s32.msk vm0, v16  }
0x508: {  	[tilespmem:v61+s11+$0x0] =	vst.idx.add.s32.msk vm15, v63  }
0x509: {  	[tilespmem:v2+s11+$0x0] =	vst.idx.add.s32.msk vm2, v4  }
.LBB2_51:
0x50a: {  	p1 =	slt.s32 s8, $0x1  }
.Ltmp31:
0x50b: {  	_ = 	snop;
	(pc) =	sbr.rel @p1 .LBB2_54-.Ltmp31, $1  }
0x50c: {  	_ =	sdelay $0x3  }
0x50d: {  	s11 =	sshll.u32 s10, $0x6  }
0x50e: {  	s8 =	sshll.u32 s10, $0x8;
	s11 =	sshra.s32 s11, $0x2  }
0x50f: {  	s12 =	sshll.u32 s10, $0x4;
	v2 =	vlaneseq.u32;
	s13 =	simm.s32 $0x9400;
	s11 =	sadd.s32 $0x7B00, s11  }
.LBB2_53:
0x510: {  	v3 =	vld [tilespmem:s11+$0x0];
	_ =	sdelay $0x4  }
0x511: {  	v4 =	vor.u32 s12, v2;
	v5 =	vshra.s32 v3, $0x7  }
0x512: {  	s14 =	sand.u32 $0x300, s8;
	vm0 =	vlt.s32 v4, v1;
	v3 =	vand.u32 $0x7F, v3;
	vm1 =	veq.s32 v5, v0  }
0x513: {  	v3 =	vor.u32 s14, v3;
	vm0 =	vmand vm0, vm1  }
0x514: {  	(xrf1) =	vunique.msk.u32 vm0, v3;
	_ =	sdelay $0xd  }
0x515: {  	s10 =	sadd.s32 $0x1, s10;
	_, v63, vm0 =	vpop (xrf1)  }
0x516: {  	p1 =	slt.s32 s10, s9  }
.Ltmp32:
0x517: {  	_ = 	snop;
	(pc) =	sbr.rel @p1 .LBB2_53-.Ltmp32, $2  }
0x518: {  	_ =	sdelay $0x2  }
0x519: {  	s8 =	sadd.s32 $0x100, s8;
	s11 =	sadd.s32 $0x10, s11;
	s12 =	sadd.s32 $0x10, s12;
	[tilespmem:v3+s13+$0x0] =	vst.idx.add.s32.msk vm0, v63  }
.LBB2_54:
0x51a: {  	v0 =	vld [tilespmem:$0x9400]  }
0x51b: {  	v1 =	vld [tilespmem:$0x9500]  }
0x51c: {  	v2 =	vld [tilespmem:$0x9600]  }
0x51d: {  	v3 =	vld [tilespmem:$0x9700]  }
0x51e: {  	v4 =	vld [tilespmem:$0x9410]  }
0x51f: {  	v5 =	vld [tilespmem:$0x9510]  }
0x520: {  	v6 =	vld [tilespmem:$0x9610]  }
0x521: {  	v7 =	vld [tilespmem:$0x9710]  }
0x522: {  	v8 =	vld [tilespmem:$0x9420]  }
0x523: {  	v9 =	vld [tilespmem:$0x9520]  }
0x524: {  	v10 =	vld [tilespmem:$0x9620]  }
0x525: {  	v11 =	vld [tilespmem:$0x9720]  }
0x526: {  	v12 =	vld [tilespmem:$0x9430]  }
0x527: {  	v13 =	vld [tilespmem:$0x9530]  }
0x528: {  	v14 =	vld [tilespmem:$0x9630]  }
0x529: {  	v15 =	vld [tilespmem:$0x9730]  }
0x52a: {  	v16 =	vld [tilespmem:$0x9440]  }
0x52b: {  	v17 =	vld [tilespmem:$0x9540]  }
0x52c: {  	v18 =	vld [tilespmem:$0x9640]  }
0x52d: {  	v19 =	vld [tilespmem:$0x9740]  }
0x52e: {  	v20 =	vld [tilespmem:$0x9450]  }
0x52f: {  	v21 =	vld [tilespmem:$0x9550]  }
0x530: {  	v22 =	vld [tilespmem:$0x9650]  }
0x531: {  	v23 =	vld [tilespmem:$0x9750]  }
0x532: {  	v24 =	vld [tilespmem:$0x9460]  }
0x533: {  	v25 =	vld [tilespmem:$0x9560]  }
0x534: {  	v26 =	vld [tilespmem:$0x9660]  }
0x535: {  	v39 =	vld [tilespmem:$0x9760];
	v0 =	vadd.s32 v0, v1  }
0x536: {  	v41 =	vld [tilespmem:$0x9470];
	v40 =	vadd.s32 v4, v5;
	v0 =	vadd.s32 v2, v0  }
0x537: {  	v43 =	vld [tilespmem:$0x9570];
	v42 =	vadd.s32 v8, v9;
	v2 =	vadd.s32 v6, v40;
	v0 =	vadd.s32 v3, v0  }
0x538: {  	v47 =	vld [tilespmem:$0x9670];
	v46 =	vadd.s32 v12, v13;
	v45 =	vadd.s32 v10, v42;
	v44 =	vadd.s32 v7, v2;
	[tilespmem:$0x9400] =	vst v0  }
0x539: {  	v51 =	vld [tilespmem:$0x9770];
	v50 =	vadd.s32 v16, v17;
	v49 =	vadd.s32 v14, v46;
	v48 =	vadd.s32 v11, v45;
	[tilespmem:$0x9410] =	vst v44  }
0x53a: {  	v54 =	vadd.s32 v20, v21;
	v53 =	vadd.s32 v18, v50;
	v52 =	vadd.s32 v15, v49;
	[tilespmem:$0x9420] =	vst v48  }
0x53b: {  	v57 =	vadd.s32 v24, v25;
	v56 =	vadd.s32 v22, v54;
	v55 =	vadd.s32 v19, v53;
	[tilespmem:$0x9430] =	vst v52  }
0x53c: {  	v60 =	vadd.s32 v41, v43;
	v59 =	vadd.s32 v26, v57;
	v58 =	vadd.s32 v23, v56;
	[tilespmem:$0x9440] =	vst v55  }
0x53d: {  	v62 =	vadd.s32 v47, v60;
	v61 =	vadd.s32 v39, v59;
	[tilespmem:$0x9450] =	vst v58  }
0x53e: {  	v63 =	vadd.s32 v51, v62;
	[tilespmem:$0x9460] =	vst v61  }
0x53f: {  	s8 =	simm.s32 $0x9400;
	[tilespmem:$0x9470] =	vst v63  }
0x540: {  	[spmem:s7] =	stream.linear.scatter [tilespmem:s8], [sflag:$0x2], $0x80, $0x38;
	[tilespmem:$0xB388] =	vst v63  }
0x541: {  	p1 =	seq.s32 s6, $0x0;
	s7 =	simm.s32 $0x2  }
.Ltmp33:
0x542: {  	_ =	swait.ge [sflag:s7], $0x80;
	(pc) =	sbr.rel @!p1 .LBB2_60-.Ltmp33, $3  }
0x543: {  	[sflag:s7] =	ssyncset.done $0x0  }
0x544: {  	[sflag:s7] =	ssyncadd.s32 $0xFFFFFF80  }
0x545: {  	[bflag:$0x0] =	sbarrier.arrive $0xFFFF;
	_ =	sdelay $0x1  }
0x546: {  	s9 =	sld [smem:$0x0];
	s8 =	simm.s32 $0x9800  }
0x547: {  	[tilespmem:s8], [sflag:$0x2] =	stream.linear.gather [spmem:s5], $0x1000, $0x38;
	[tilespmem:$0xB388] =	vst v63  }
0x548: {  	s6 =	sld [smem:$0x1];
	_ =	swait.ge [sflag:s7], $0x1000  }
0x549: {  	[sflag:s7] =	ssyncset.done $0x0  }
0x54a: {  	s5 =	simm.s32 $0x0;
	[sflag:s7] =	ssyncadd.s32 $0xFFFFF000  }
0x54b: {  	v0 =	vld [tilespmem:s5+$0x9800]  }
0x54c: {  	v1 =	vld [tilespmem:s5+$0x9900]  }
0x54d: {  	v2 =	vld [tilespmem:s5+$0x9A00]  }
0x54e: {  	v3 =	vld [tilespmem:s5+$0x9B00]  }
0x54f: {  	v4 =	vld [tilespmem:s5+$0x9C00]  }
0x550: {  	v5 =	vld [tilespmem:s5+$0x9D00]  }
0x551: {  	v0 =	vadd.s32 v0, v1;
	v1 =	vld [tilespmem:s5+$0x9E00]  }
0x552: {  	v0 =	vadd.s32 v2, v0;
	v2 =	vld [tilespmem:s5+$0x9F00]  }
0x553: {  	v0 =	vadd.s32 v3, v0;
	v3 =	vld [tilespmem:s5+$0xA000]  }
0x554: {  	v0 =	vadd.s32 v4, v0;
	v4 =	vld [tilespmem:s5+$0xA100]  }
0x555: {  	v0 =	vadd.s32 v5, v0;
	v5 =	vld [tilespmem:s5+$0xA200]  }
0x556: {  	v6 =	vld [tilespmem:s5+$0xA300];
	v0 =	vadd.s32 v1, v0  }
0x557: {  	v1 =	vld [tilespmem:s5+$0xA400];
	v0 =	vadd.s32 v2, v0  }
0x558: {  	v2 =	vld [tilespmem:s5+$0xA500];
	v0 =	vadd.s32 v3, v0  }
0x559: {  	v3 =	vld [tilespmem:s5+$0xA600];
	v0 =	vadd.s32 v4, v0  }
0x55a: {  	s8 =	simm.s32 $0x10;
	v4 =	vld [tilespmem:s5+$0xA700];
	v5 =	vadd.s32 v5, v0  }
0x55b: {  	s10 =	simm.s32 $0x80;
	v0 =	vld [tilespmem:s8+$0x9800];
	v5 =	vadd.s32 v6, v5  }
.LBB2_56:
0x55c: {  	p1 =	sne.s32 s10, $0x1C0;
	v6 =	vld [tilespmem:s8+$0x9900];
	v1 =	vadd.s32 v1, v5  }
0x55d: {  	v5 =	vld [tilespmem:s8+$0x9A00];
	v1 =	vadd.s32 v2, v1  }
0x55e: {  	v2 =	vld [tilespmem:s8+$0x9B00];
	v1 =	vadd.s32 v3, v1  }
0x55f: {  	v3 =	vld [tilespmem:s8+$0x9C00];
	v1 =	vadd.s32 v4, v1  }
0x560: {  	v4 =	vld [tilespmem:s8+$0x9D00];
	[tilespmem:s5+$0x9400] =	vst v1;
	s5 =	smov.u32 s8  }
0x561: {  	v0 =	vadd.s32 v0, v6;
	v1 =	vld [tilespmem:s5+$0x9E00]  }
0x562: {  	v0 =	vadd.s32 v5, v0;
	v5 =	vld [tilespmem:s5+$0x9F00]  }
0x563: {  	v0 =	vadd.s32 v2, v0;
	v2 =	vld [tilespmem:s5+$0xA000]  }
0x564: {  	v0 =	vadd.s32 v3, v0;
	v3 =	vld [tilespmem:s5+$0xA100]  }
0x565: {  	v0 =	vadd.s32 v4, v0;
	v4 =	vld [tilespmem:s5+$0xA200]  }
0x566: {  	v0 =	vadd.s32 v1, v0;
	v6 =	vld [tilespmem:s5+$0xA300]  }
.Ltmp34:
0x567: {  	v0 =	vadd.s32 v5, v0;
	v1 =	vld [tilespmem:s5+$0xA400];
	(pc) =	sbr.rel @p1 .LBB2_56-.Ltmp34, $4  }
0x568: {  	v0 =	vadd.s32 v2, v0;
	v2 =	vld [tilespmem:s5+$0xA500]  }
0x569: {  	v0 =	vadd.s32 v3, v0;
	v3 =	vld [tilespmem:s5+$0xA600]  }
0x56a: {  	s8 =	sshra.s32 s10, $0x2;
	v5 =	vadd.s32 v4, v0;
	v4 =	vld [tilespmem:s5+$0xA700]  }
0x56b: {  	s10 =	sadd.s32 $0x40, s10;
	v0 =	vld [tilespmem:s8+$0x9800];
	v5 =	vadd.s32 v6, v5  }
0x56c: {  	v6 =	vld [tilespmem:s8+$0x9900];
	v1 =	vadd.s32 v1, v5  }
0x56d: {  	v5 =	vld [tilespmem:s8+$0x9A00];
	v1 =	vadd.s32 v2, v1  }
0x56e: {  	v2 =	vld [tilespmem:s8+$0x9B00];
	v1 =	vadd.s32 v3, v1  }
0x56f: {  	v3 =	vld [tilespmem:s8+$0x9C00];
	v1 =	vadd.s32 v4, v1  }
0x570: {  	v4 =	vld [tilespmem:s8+$0x9D00];
	[tilespmem:s5+$0x9400] =	vst v1  }
0x571: {  	v0 =	vadd.s32 v0, v6;
	v1 =	vld [tilespmem:s8+$0x9E00]  }
0x572: {  	v0 =	vadd.s32 v5, v0;
	v5 =	vld [tilespmem:s8+$0x9F00]  }
0x573: {  	v0 =	vadd.s32 v2, v0;
	v2 =	vld [tilespmem:s8+$0xA000]  }
0x574: {  	v0 =	vadd.s32 v3, v0;
	v3 =	vld [tilespmem:s8+$0xA100]  }
0x575: {  	v0 =	vadd.s32 v4, v0;
	v4 =	vld [tilespmem:s8+$0xA200]  }
0x576: {  	v0 =	vadd.s32 v1, v0;
	v1 =	vld [tilespmem:s8+$0xA300]  }
0x577: {  	v0 =	vadd.s32 v5, v0;
	v5 =	vld [tilespmem:s8+$0xA400]  }
0x578: {  	v0 =	vadd.s32 v2, v0;
	v2 =	vld [tilespmem:s8+$0xA500]  }
0x579: {  	v0 =	vadd.s32 v3, v0;
	v3 =	vld [tilespmem:s8+$0xA600]  }
0x57a: {  	v0 =	vadd.s32 v4, v0;
	v4 =	vld [tilespmem:s8+$0xA700]  }
0x57b: {  	v0 =	vadd.s32 v1, v0  }
0x57c: {  	v0 =	vadd.s32 v5, v0  }
0x57d: {  	v0 =	vadd.s32 v2, v0  }
0x57e: {  	v0 =	vadd.s32 v3, v0  }
0x57f: {  	v0 =	vadd.s32 v4, v0  }
0x580: {  	s22 =	simm.s32 $0x9400;
	[tilespmem:s8+$0x9400] =	vst v0  }
0x581: {  	v1 =	vld [tilespmem:s22+$0x0];
	_ =	sdelay $0x4  }
0x582: {  	(xrf0) =	vadd.scan.msk.s32 $0xffff, v1;
	_ =	sdelay $0x2  }
0x583: {  	s23 =	simm.s32 $0x9410  }
0x584: {  	v3 =	vld [tilespmem:s23+$0x0];
	_ =	sdelay $0x1  }
0x585: {  	v0, _, _ =	vpop (xrf0)  }
0x586: {  	(v2sf) =	vpush v0, $0xF;
	_ =	sdelay $0x1  }
0x587: {  	(xrf0) =	vadd.scan.msk.s32 $0xffff, v3;
	_ =	sdelay $0x5  }
0x588: {  	v4, _, _ =	vpop (xrf0)  }
0x589: {  	(v2sf) =	vpush v4, $0xF;
	_ =	sdelay $0x1  }
0x58a: {  	s24 =	sld [smem:$0x5]  }
0x58b: {  	s25 =	simm.s32 $0x9420  }
0x58c: {  	v5 =	vld [tilespmem:s25+$0x0]  }
0x58d: {  	s5 =	ssub.s32 s24, s9;
	s8 =	simm.s32 $0x0  }
0x58e: {  	v6 =	vadd.s32 s8, v0;
	v0 =	vmov s5;
	s10 =	spop (v2sf)  }
0x58f: {  	v1 =	vsub.s32 v6, v1;
	vm1 =	vlt.s32 v0, v6;
	s28 =	sadd.s32 $0x0, s10  }
0x590: {  	s26 =	simm.s32 $0x9430;
	vm0 =	vle.s32 v1, v0;
	v1 =	vlaneseq.u32;
	v4 =	vadd.s32 s28, v4  }
0x591: {  	v2 =	vld [tilespmem:s26+$0x0];
	(xrf0) =	vadd.scan.msk.s32 $0xffff, v5;
	vm0 =	vmand vm1, vm0;
	v7 =	vor.u32 s8, v1;
	v3 =	vsub.s32 v4, v3  }
0x592: {  	v6 =	vnsel vm0, $0x0, v6;
	vm13 =	vlt.s32 v0, v4;
	vm12 =	vle.s32 v3, v0  }
0x593: {  	v7 =	vnsel vm0, $0x0, v7;
	(xrf0) =	vadd.scan.msk.s32 $0xffff, v6;
	vm0 =	vmand vm13, vm12  }
0x594: {  	(xrf0) =	vadd.scan.msk.s32 $0xffff, v7;
	v4 =	vnsel vm0, $0x0, v4;
	_ =	sdelay $0x1  }
0x595: {  	s29 =	simm.s32 $0x10;
	(xrf0) =	vadd.scan.msk.s32 $0xffff, v2  }
0x596: {  	s11 =	spop (v2sf);
	v3 =	vor.u32 s29, v1;
	(xrf0) =	vadd.scan.msk.s32 $0xffff, v4;
	v4, _, _ =	vpop (xrf0)  }
0x597: {  	s11 =	sadd.s32 s28, s11;
	v3 =	vnsel vm0, $0x0, v3;
	(v2sf) =	vpush v4, $0xF  }
0x598: {  	(xrf0) =	vadd.scan.msk.s32 $0xffff, v3;
	v6 =	vadd.s32 s11, v4;
	v7, _, _ =	vpop (xrf0)  }
0x599: {  	v4 =	vsub.s32 v6, v5;
	v5, _, _ =	vpop (xrf0);
	(v2sf) =	vpush v7, $0xF  }
0x59a: {  	(v2sf) =	vpush v5, $0xF;
	_ =	sdelay $0x1  }
0x59b: {  	s30 =	simm.s32 $0x9440;
	vm14 =	vle.s32 v4, v0;
	v4, _, _ =	vpop (xrf0)  }
0x59c: {  	v3 =	vld [tilespmem:s30+$0x0];
	(v2sf) =	vpush v4, $0xF;
	v5, _, _ =	vpop (xrf0)  }
0x59d: {  	v8, _, _ =	vpop (xrf0);
	(v2sf) =	vpush v5, $0xF  }
0x59e: {  	(v2sf) =	vpush v8, $0xF;
	_ =	sdelay $0x1  }
0x59f: {  	vm15 =	vlt.s32 v0, v6  }
0x5a0: {  	s31 =	simm.s32 $0x20;
	vm0 =	vmand vm15, vm14;
	(xrf0) =	vadd.scan.msk.s32 $0xffff, v3  }
0x5a1: {  	v7 =	vor.u32 s31, v1;
	v6 =	vnsel vm0, $0x0, v6  }
0x5a2: {  	s12 =	simm.s32 $0x30;
	s13 =	simm.s32 $0x9450;
	v5 =	vnsel vm0, $0x0, v7;
	(xrf0) =	vadd.scan.msk.s32 $0xffff, v6  }
0x5a3: {  	s14 =	simm.s32 $0x50;
	s9 =	simm.s32 $0x0;
	s10 =	simm.s32 $0x40;
	(xrf0) =	vadd.scan.msk.s32 $0xffff, v5  }
.LBB2_58:
0x5a4: {  	v5 =	vld [tilespmem:s13+$0x0];
	p1 =	sne.s32 s14, $0x70;
	s15 =	spop (v2sf)  }
0x5a5: {  	s11 =	sadd.s32 s11, s15  }
0x5a6: {  	v6 =	vadd.s32 s11, v4;
	v4, _, _ =	vpop (xrf0);
	s15 =	spop (v2sf)  }
0x5a7: {  	(v2sf) =	vpush v4, $0xF;
	v7 =	vsub.s32 v6, v2;
	s8 =	sadd.s32 s8, s15;
	s15 =	spop (v2sf);
	v2 =	vmov v3  }
.Ltmp35:
0x5a8: {  	vm1 =	vlt.s32 v0, v6;
	vm0 =	vle.s32 v7, v0;
	v3, _, _ =	vpop (xrf0);
	s9 =	sadd.s32 s9, s15;
	(pc) =	sbr.rel @p1 .LBB2_58-.Ltmp35, $4  }
0x5a9: {  	v7 =	vor.u32 s12, v1;
	s12 =	smov.u32 s10;
	s10 =	smov.u32 s14;
	(xrf0) =	vadd.scan.msk.s32 $0xffff, v5;
	vm0 =	vmand vm1, vm0;
	v8, _, _ =	vpop (xrf0);
	(v2sf) =	vpush v3, $0xF  }
0x5aa: {  	v3 =	vmovc v5;
	v7 =	vnsel vm0, $0x0, v7;
	v6 =	vnsel vm0, $0x0, v6;
	(v2sf) =	vpush v8, $0xF  }
0x5ab: {  	(xrf0) =	vadd.scan.msk.s32 $0xffff, v6  }
0x5ac: {  	s13 =	sadd.s32 $0x10, s13;
	s14 =	sadd.s32 $0x10, s14;
	(xrf0) =	vadd.scan.msk.s32 $0xffff, v7  }
0x5ad: {  	_ =	sdelay $0x5  }
0x5ae: {  	s13 =	spop (v2sf)  }
0x5af: {  	s14 =	spop (v2sf)  }
0x5b0: {  	s11 =	sadd.s32 s11, s13;
	s20 =	spop (v2sf)  }
0x5b1: {  	v4 =	vadd.s32 s11, v4;
	s15 =	spop (v2sf)  }
0x5b2: {  	v5, _, _ =	vpop (xrf0);
	v2 =	vsub.s32 v4, v2;
	s11 =	sadd.s32 s11, s15  }
0x5b3: {  	vm1 =	vlt.s32 v0, v4;
	vm0 =	vle.s32 v2, v0;
	v53 =	vadd.s32 s11, v5  }
0x5b4: {  	v6 =	vor.u32 s12, v1;
	vm0 =	vmand vm1, vm0;
	v3 =	vsub.s32 v53, v3  }
0x5b5: {  	v4 =	vnsel vm0, $0x0, v4;
	vm2 =	vlt.s32 v0, v53;
	vm14 =	vle.s32 v3, v0  }
0x5b6: {  	v54 =	vnsel vm0, $0x0, v6;
	(xrf0) =	vadd.scan.msk.s32 $0xffff, v4;
	vm15 =	vmand vm2, vm14  }
0x5b7: {  	v55 =	vor.u32 s10, v1;
	(xrf0) =	vadd.scan.msk.s32 $0xffff, v54;
	v56 =	vnsel vm15, $0x0, v53  }
0x5b8: {  	v0 =	vnsel vm15, $0x0, v55;
	(xrf0) =	vadd.scan.msk.s32 $0xffff, v56  }
0x5b9: {  	(xrf0) =	vadd.scan.msk.s32 $0xffff, v0  }
0x5ba: {  	(v2sf) =	vpush v5, $0xF;
	v57, _, _ =	vpop (xrf0)  }
0x5bb: {  	v58, _, _ =	vpop (xrf0);
	(v2sf) =	vpush v57, $0xF  }
0x5bc: {  	(v2sf) =	vpush v58, $0xF;
	v59, _, _ =	vpop (xrf0)  }
0x5bd: {  	v60, _, _ =	vpop (xrf0);
	(v2sf) =	vpush v59, $0xF  }
0x5be: {  	(v2sf) =	vpush v60, $0xF;
	v61, _, _ =	vpop (xrf0)  }
0x5bf: {  	v62, _, _ =	vpop (xrf0);
	(v2sf) =	vpush v61, $0xF  }
0x5c0: {  	(v2sf) =	vpush v62, $0xF;
	_ =	sdelay $0x6  }
0x5c1: {  	s21 =	spop (v2sf)  }
0x5c2: {  	s22 =	spop (v2sf)  }
0x5c3: {  	s23 =	spop (v2sf)  }
0x5c4: {  	s12 =	spop (v2sf)  }
0x5c5: {  	s24 =	spop (v2sf)  }
0x5c6: {  	s9 =	sadd.s32 s9, s20;
	s25 =	spop (v2sf)  }
0x5c7: {  	s8 =	sadd.s32 s8, s14;
	s9 =	sadd.s32 s9, s22;
	s26 =	spop (v2sf)  }
0x5c8: {  	s8 =	sadd.s32 s8, s21;
	s9 =	sadd.s32 s9, s24;
	s28 =	spop (v2sf)  }
0x5c9: {  	s8 =	sadd.s32 s8, s12;
	s9 =	sadd.s32 s9, s26;
	s29 =	spop (v2sf)  }
0x5ca: {  	s6 =	sshll.u32 s6, $0x7;
	s8 =	sadd.s32 s8, s25;
	s9 =	sadd.s32 s9, s29  }
0x5cb: {  	s8 =	sadd.s32 s8, s28;
	s6 =	sor.u32 s6, s9  }
0x5cc: {  	s5 =	ssub.s32 s8, s5;
	v63 =	vmov s6;
	[smem:$0x3] =	sst s6  }
0x5cd: {  	s30 =	simm.s32 $0xB080;
	s31 =	simm.s32 $0x2;
	[tilespmem:$0xB080] =	vst v63;
	[smem:$0x4] =	sst s5  }
0x5ce: {  	[spmem:s3] =	stream.linear.scatter [tilespmem:s30], [sflag:$0x2], $0x80, $0x38;
	[tilespmem:$0xB388] =	vst v63  }
0x5cf: {  	_ =	swait.ge [sflag:s31], $0x80  }
0x5d0: {  	[sflag:s31] =	ssyncset.done $0x0  }
0x5d1: {  	[sflag:s31] =	ssyncadd.s32 $0xFFFFFF80  }
.LBB2_60:
0x5d2: {  	[bflag:$0x0] =	sbarrier.arrive $0xFFFF;
	s5 =	simm.s32 $0xA800  }
0x5d3: {  	[tilespmem:s5], [sflag:$0x2] =	stream.linear.gather [spmem:s3], $0x80, $0x38;
	[tilespmem:$0xB388] =	vst v63  }
0x5d4: {  	_ =	swait.ge [sflag:s7], $0x80  }
0x5d5: {  	[sflag:s7] =	ssyncset.done $0x0  }
0x5d6: {  	[sflag:s7] =	ssyncadd.s32 $0xFFFFFF80  }
0x5d7: {  	s31 =	simm.s32 $0x49A0;
	v0 =	vld [tilespmem:$0xA800]  }
0x5d8: {  	v3 =	vld [tilespmem:s31+$0xFFFFFFE0];
	_ =	sdelay $0x1  }
0x5d9: {  	v2 =	vld [tilespmem:s31+$0xFFFFFFF0];
	_ =	sdelay $0x1  }
0x5da: {  	v1 =	vld [tilespmem:s31+$0x0]  }
0x5db: {  	vm0 =	vgt.s32 v3, v0  }
0x5dc: {  	v4 =	vimm.f32 $0.0e+00;
	v5 =	vnsel vm0, $0x0, v3;
	v3 =	vld [tilespmem:s31+$0x10]  }
0x5dd: {  	s3 =	simm.s32 $0x0;
	s5 =	simm.s32 $0x49E0;
	vm0 =	vgt.s32 v2, v0;
	v4 =	vadd.f32 v5, v4  }
.LBB2_61:
0x5de: {  	v5 =	vld [tilespmem:s5+$0xFFFFFFE0];
	s3 =	sadd.s32 $0x4, s3;
	v2 =	vnsel vm0, $0x0, v2  }
0x5df: {  	p1 =	slt.u32 s3, $0x184;
	v4 =	vadd.f32 v2, v4;
	vm0 =	vgt.s32 v1, v0  }
0x5e0: {  	v2 =	vld [tilespmem:s5+$0xFFFFFFF0];
	v1 =	vnsel vm0, $0x0, v1  }
.Ltmp36:
0x5e1: {  	v4 =	vadd.f32 v1, v4;
	vm0 =	vgt.s32 v3, v0;
	(pc) =	sbr.rel @p1 .LBB2_61-.Ltmp36, $4  }
0x5e2: {  	v1 =	vld [tilespmem:s5+$0x0];
	v3 =	vnsel vm0, $0x0, v3  }
0x5e3: {  	vm0 =	vgt.s32 v5, v0;
	v4 =	vadd.f32 v3, v4  }
0x5e4: {  	v5 =	vnsel vm0, $0x0, v5;
	v3 =	vld [tilespmem:s5+$0x10]  }
0x5e5: {  	s5 =	sadd.s32 $0x40, s5;
	v4 =	vadd.f32 v5, v4;
	vm0 =	vgt.s32 v2, v0  }
0x5e6: {  	v2 =	vnsel vm0, $0x0, v2  }
0x5e7: {  	v2 =	vadd.f32 v2, v4;
	vm14 =	vgt.s32 v1, v0  }
0x5e8: {  	v1 =	vnsel vm14, $0x0, v1  }
0x5e9: {  	v1 =	vadd.f32 v1, v2;
	vm15 =	vgt.s32 v3, v0  }
0x5ea: {  	v0 =	vnsel vm15, $0x0, v3  }
0x5eb: {  	v0 =	vadd.f32 v0, v1;
	_ =	sdelay $0x1  }
0x5ec: {  	s3 =	simm.s32 $0xA800;
	[tilespmem:$0xA800] =	vst v0  }
0x5ed: {  	[spmem:s4] =	stream.linear.scatter [tilespmem:s3], [sflag:$0x2], $0x80, $0x38;
	[tilespmem:$0xB388] =	vst v63  }
0x5ee: {  	s3 =	simm.s32 $0x2  }
0x5ef: {  	_ =	swait.ge [sflag:s3], $0x80  }
0x5f0: {  	[sflag:s3] =	ssyncset.done $0x0  }
0x5f1: {  	[sflag:s3] =	ssyncadd.s32 $0xFFFFFF80  }
0x5f2: {  	[bflag:$0x0] =	sbarrier.arrive $0xFFFF  }
0x5f3: {  	_ =	sfence.sel @p0 $0x180000  }
0x5f4: {  	[bflag:$0x0] =	sbarrier.arrive @p0 $0xFFFF  }
0x5f5: {  	_ =	strace @p0 $0x90000047  }
0x5f6: {  	[bflag:$0x2] =	sbarrier.arrive @p0 $0xFFFF  }
0x5f7: {  	_ =	shalt @p0  }
.LBB2_63:
0x5f8: {  	s4 =	simm.s32 $0xA880  }
0x5f9: {  	[tilespmem:s4], [sflag:$0x2] =	stream.linear.gather [spmem:s2], $0x800, $0x38;
	[tilespmem:$0xB388] =	vst v63  }
0x5fa: {  	_ =	swait.ge [sflag:s3], $0x800  }
0x5fb: {  	[sflag:s3] =	ssyncset.done $0x0  }
0x5fc: {  	[sflag:s3] =	ssyncadd.s32 $0xFFFFF800  }
0x5fd: {  	v0 =	vld [tilespmem:$0xA880];
	_ =	sdelay $0x1  }
0x5fe: {  	v1 =	vld [tilespmem:$0xA900];
	_ =	sdelay $0x1  }
0x5ff: {  	v2 =	vld [tilespmem:$0xA980]  }
0x600: {  	v0 =	vadd.f32 $0.0e+00, v0  }
0x601: {  	v3 =	vld [tilespmem:$0xAA00]  }
0x602: {  	v0 =	vadd.f32 v1, v0  }
0x603: {  	v49 =	vld [tilespmem:$0xAA80]  }
0x604: {  	v0 =	vadd.f32 v2, v0  }
0x605: {  	v50 =	vld [tilespmem:$0xAB00]  }
0x606: {  	v0 =	vadd.f32 v3, v0  }
0x607: {  	v51 =	vld [tilespmem:$0xAB80]  }
0x608: {  	v0 =	vadd.f32 v49, v0  }
0x609: {  	v52 =	vld [tilespmem:$0xAC00]  }
0x60a: {  	v0 =	vadd.f32 v50, v0  }
0x60b: {  	v53 =	vld [tilespmem:$0xAC80]  }
0x60c: {  	v0 =	vadd.f32 v51, v0  }
0x60d: {  	v54 =	vld [tilespmem:$0xAD00]  }
0x60e: {  	v0 =	vadd.f32 v52, v0  }
0x60f: {  	v55 =	vld [tilespmem:$0xAD80]  }
0x610: {  	v0 =	vadd.f32 v53, v0  }
0x611: {  	v56 =	vld [tilespmem:$0xAE00]  }
0x612: {  	v0 =	vadd.f32 v54, v0  }
0x613: {  	v57 =	vld [tilespmem:$0xAE80]  }
0x614: {  	v0 =	vadd.f32 v55, v0  }
0x615: {  	v58 =	vld [tilespmem:$0xAF00]  }
0x616: {  	v0 =	vadd.f32 v56, v0  }
0x617: {  	v59 =	vld [tilespmem:$0xAF80]  }
0x618: {  	v0 =	vadd.f32 v57, v0  }
0x619: {  	v60 =	vld [tilespmem:$0xB000]  }
0x61a: {  	v0 =	vadd.f32 v58, v0;
	_ =	sdelay $0x1  }
0x61b: {  	v0 =	vadd.f32 v59, v0;
	_ =	sdelay $0x1  }
0x61c: {  	v0 =	vadd.f32 v60, v0;
	_ =	sdelay $0x1  }
0x61d: {  	(xrf2) =	vadd.scan.msk.f32 $0xffff, v0;
	_ =	sdelay $0x2  }
0x61e: {  	s25 =	sld [smem:$0x4];
	_ =	sdelay $0x1  }
0x61f: {  	s26 =	sld [smem:$0x3]  }
0x620: {  	v61 =	vmov s25  }
0x621: {  	v0 =	vcvt.s32.f32 v61  }
0x622: {  	v62 =	vmov s26  }
0x623: {  	v0 =	vmul.f32 v0, v62  }
0x624: {  	v63, _, _ =	vpop (xrf2)  }
0x625: {  	s28 =	sld [smem:$0x2];
	v0 =	vbroadcast v0, $0x0;
	v1 =	vbroadcast v63, $0xF;
	_ =	sdelay $0x1  }
0x626: {  	s29 =	sld [smem:$0x80];
	v0 =	vadd.f32 v0, v1  }
0x627: {  	p0 =	sgt.s32 s28, $0x0  }
0x628: {  	v0 =	vpsel !p0, $0x0, v0  }
0x629: {  	v0 =	vadd.f32 s29, v0;
	_ =	sdelay $0x1  }
0x62a: {  	v0 =	vmul.f32 $1.666666690e-05, v0;
	_ =	sdelay $0x1  }
0x62b: {  	s30 =	simm.s32 $0x0;
	s31 =	simm.s32 $0xB100;
	[tilespmem:$0xB100] =	vst v0  }
0x62c: {  	[hbm4b:s1+s30] =	stream.linear.scatter [tilespmem:s31], [sflag:$0x2], $0x80, $0x38;
	[tilespmem:$0xB388] =	vst v63  }
0x62d: {  	_ =	swait.ge [sflag:s3], $0x80  }
0x62e: {  	[sflag:s3] =	ssyncset.done $0x0  }
0x62f: {  	[sflag:s3] =	ssyncadd.s32 $0xFFFFFF80  }
0x630: {  	_ =	sfence.sel $0x180000  }
0x631: {  	[bflag:$0x0] =	sbarrier.arrive $0xFFFF  }
0x632: {  	_ =	strace $0x90000047  }
0x633: {  	s0 =	sadd.s32 $0x100000, s0;
	[bflag:$0x2] =	sbarrier.arrive $0xFFFF  }
0x634: {  	[sflag:s0] =	ssyncadd.tile.s32 $0x1;
	_ =	shalt  }
.LBB2_45:
.Ltmp37:
0x635: {  	(pc) =	sbr.rel .LBB2_50-.Ltmp37, $2  }
0x636: {  	_ =	sdelay $0x2  }
0x637: {  	s14 =	simm.s32 $0x0  }
.LBB2_43:
.Ltmp38:
0x638: {  	(pc) =	sbr.rel .LBB2_72-.Ltmp38, $2  }
0x639: {  	_ =	sdelay $0x2  }
0x63a: {  	v3 =	vmov v4  }
.LBB2_47:
.Ltmp39:
0x63b: {  	(pc) =	sbr.rel .LBB2_50-.Ltmp39, $3  }
0x63c: {  	_ =	sdelay $0x1  }
0x63d: {  	v30 =	vmovc v6;
	v32 =	vmovc v4;
	v33 =	vmov v5;
	v31 =	vmov v2;
	v8 =	vmov v3  }
0x63e: {  	v6 =	vmovc v25;
	s14 =	simm.s32 $0x0;
	v4 =	vmovc v20;
	v5 =	vmov v16;
	v2 =	vmov v17;
	v3 =	vmov v18  }
.LBB2_65:
.Ltmp40:
0x63f: {  	(pc) =	sbr.rel .LBB2_72-.Ltmp40, $2  }
0x640: {  	_ =	sdelay $0x2  }
0x641: {  	v11 =	vmovc v7;
	v19 =	vmovc v8;
	v13 =	vmov v4;
	v12 =	vmov v6;
	vm8 =	vmmov vm2  }
.LBB2_67:
.Ltmp41:
0x642: {  	(pc) =	sbr.rel .LBB2_72-.Ltmp41, $4  }
0x643: {  	_ = 	snop  }
0x644: {  	v19 =	vmov v16  }
0x645: {  	v13 =	vmovc v3;
	v25 =	vmovc v7;
	v26 =	vmov v4;
	v3 =	vmov v23;
	v22 =	vmov v15  }
0x646: {  	vm9 =	vmmov vm3;
	v27 =	vmovc v6;
	v21 =	vmovc v14;
	vm7 =	vmmov vm2;
	v16 =	vmov v8  }
.LBB2_73:
.Ltmp42:
0x647: {  	(pc) =	sbr.rel .LBB2_72-.Ltmp42, $3  }
0x648: {  	_ =	sdelay $0x1  }
0x649: {  	v25 =	vmovc v11;
	v26 =	vmov v3;
	v27 =	vmov v12;
	v18 =	vmov v7  }
0x64a: {  	v11 =	vmovc v28;
	v13 =	vmovc v23;
	v3 =	vmov v29;
	v12 =	vmov v24;
	vm8 =	vmmov vm10  }
.Lfunc_end2:
_tile_overlayer_lowered:
.L_overlay_start_2:
0x64b: {  	(tag) =	ssettag $0x2  }
0x64c: {  	s0 =	rddreg [dreg:$0x0];
	s2 =	stileid.u32  }
0x64d: {  	s1 =	rddreg [dreg:$0x1];
	p0 =	sne.s32 s2, $0x0  }
0x64e: {  	s3 =	rddreg [dreg:$0x2];
	[bflag:$0x3] =	sbarrier.arrive $0xFFFF;
	s2 =	simm.s32 @!p0 $0x1C02  }
0x64f: {  	[timem:s3], [sflag:s2] =	dma.local @!p0 [hbm:s0], s1  }
0x650: {  	s0 =	simm.s32 @!p0 $0x2  }
0x651: {  	_ =	swait.ge @!p0 [sflag:s0], s1  }
0x652: {  	s1 =	ssub.s32 @!p0 $0x0, s1;
	[sflag:s0] =	ssyncset.done @!p0 $0x0  }
0x653: {  	[sflag:s0] =	ssyncadd.s32 @!p0 s1  }
0x654: {  	[bflag:$0x3] =	sbarrier.arrive $0xFFFF  }
0x655: {  	_ =	shalt  }

</sc_bundles>
